<compile_context>
chip_gen: v7x
topology: tpu7x:2x2x1
jax: 0.10.2.dev20260603
libtpu: 0.0.44.dev20260713+nightly
codegen_flags: <defaults>
</compile_context>

<pallas_src>
import functools

import jax
import jax.numpy as jnp
from jax import lax
from jax.experimental import pallas as pl
from jax.experimental.pallas import tpu as pltpu
from jax.experimental.pallas import tpu_sc as plsc

N = 16384
D = 128
V = 64
L = 16
NC, NS = 2, 16
NW = NC * NS
RPW = N // NW
CH = 128
NCH = RPW // CH
CU = 8
DP = D + 1


@functools.partial(
    pl.kernel,
    out_type=(
        jax.ShapeDtypeStruct((N, D), jnp.float32),
        jax.ShapeDtypeStruct((N, D), jnp.float32),
    ),
    mesh=plsc.VectorSubcoreMesh(core_axis_name="c", subcore_axis_name="s"),
    compiler_params=pltpu.CompilerParams(needs_layout_passes=False),
    scratch_types=[
        pltpu.VMEM((D * V,), jnp.float32),
        pltpu.VMEM((RPW,), jnp.int32),
        pltpu.VMEM((D, CH), jnp.float32),
        pltpu.VMEM((D, CH), jnp.float32),
        pltpu.VMEM((CH, DP), jnp.float32),
        pltpu.VMEM((CH, DP), jnp.float32),
        pltpu.SemaphoreType.DMA,
        pltpu.SemaphoreType.DMA,
        pltpu.SemaphoreType.DMA,
        pltpu.SemaphoreType.DMA,
    ],
)
def _sc_mul_gather(a1, idxr, out1, out2,
                   tbl_v, idx_v, slab0, slab1, o0, o1,
                   sin0, sin1, sout0, sout1):
    wid = lax.axis_index("s") * NC + lax.axis_index("c")
    base = wid * RPW
    slabs = (slab0, slab1)
    obufs = (o0, o1)
    sins = (sin0, sin1)
    souts = (sout0, sout1)

    pltpu.sync_copy(idxr.at[pl.ds(base, RPW)], idx_v)
    pltpu.sync_copy(a1.at[:, pl.ds(0, CH)], slab0)
    in_h = [None] * NCH
    in_h[0] = pltpu.async_copy(a1.at[:, pl.ds(base, CH)], slab1, sin1)

    @plsc.parallel_loop(0, D, step=1, unroll=8)
    def tbody(c):
        for k in range(V // L):
            v = slab0[c, pl.ds(k * L, L)]
            tbl_v[pl.ds(c * V + k * L, L)] = v * v

    iota = lax.iota(jnp.int32, L)
    out_h = [None] * NCH
    for ch in range(NCH):
        b = (ch + 1) % 2
        slab = slabs[b]
        o_v = obufs[b]
        col0 = base + ch * CH
        in_h[ch].wait()
        if ch + 1 < NCH:
            nb = (ch + 2) % 2
            in_h[ch + 1] = pltpu.async_copy(
                a1.at[:, pl.ds(col0 + CH, CH)], slabs[nb], sins[nb])
        if ch >= 2:
            out_h[ch - 2][0].wait()
            out_h[ch - 2][1].wait()
        for g in range(CH // L):
            r0 = g * L
            idxv = jnp.clip(idx_v[pl.ds(ch * CH + r0, L)], 0, V - 1)
            rows = r0 + iota
            cv0 = jnp.zeros((L,), jnp.int32)

            @plsc.parallel_loop(0, D, step=1, unroll=CU, carry=(idxv, cv0))
            def cbody(c, carry, slab=slab, o_v=o_v, r0=r0, rows=rows):
                t_idx, cvec = carry
                va = slab[c, pl.ds(r0, L)]
                vs = plsc.load_gather(tbl_v, [t_idx])
                plsc.store_scatter(o_v, [rows, cvec], va * vs)
                return (t_idx + V, cvec + 1)

        out_h[ch] = (
            pltpu.async_copy(o_v.at[:, pl.ds(0, D)],
                             out1.at[pl.ds(col0, CH), :], souts[b]),
            pltpu.async_copy(o_v.at[:, pl.ds(0, D)],
                             out2.at[pl.ds(col0, CH), :], souts[b]),
        )
    for ch in (NCH - 2, NCH - 1):
        out_h[ch][0].wait()
        out_h[ch][1].wait()


def kernel(inp1, inp2):
    idx = inp2.reshape(N).astype(jnp.int32)
    out1, out2 = _sc_mul_gather(inp1, idx)
    all_close = jnp.array(True)
    abs_diff = jnp.zeros((N, D), jnp.float32)
    return (all_close, abs_diff, out1, out2)

# --- scband reference (transcript-rebuilt; emitter-appended) ---
"""Pipeline reference for scband-my-model-87522843560300 (READ-ONLY COPY).

The authoritative reference and input builder live on the scoring server;
editing this copy changes nothing except your own understanding.
"""

import jax, jax.numpy as jnp
import numpy as np

def setup_inputs(seed: int = 0) -> dict:
    key = jax.random.key(seed)
    k1, k2 = jax.random.split(key)
    inp1 = jax.random.normal(k1, (128, 16384), dtype=jnp.float32)
    inp2 = jax.random.randint(k2, (16384, 1), 0, 64, dtype=jnp.int64)
    return {"inp1": inp1, "inp2": inp2}

def _model(inp1, inp2, swap):
    trans = jnp.transpose(inp1, (1, 0))            # [16384, 128]
    idx = jnp.clip(inp2, 0, 63)                    # [16384, 1]
    gather = jnp.take(trans, idx, axis=0)          # [16384, 1, 128]
    squeeze = jnp.squeeze(gather, axis=1)          # [16384, 128]
    mul1 = squeeze * squeeze
    if swap:
        return mul1 * trans
    return trans * mul1

def reference(inp1, inp2):
    out1 = _model(inp1, inp2, swap=False)  # Model1
    out2 = _model(inp1, inp2, swap=True)   # Model2
    atol = 0.001
    rtol = 0.001
    abs_diff = jnp.abs(out1 - out2)
    rel_diff = abs_diff / jnp.maximum(jnp.abs(out2), 1e-12)
    close = jnp.logical_or(abs_diff <= atol, rel_diff <= rtol)
    all_close = jnp.all(close)
    return (all_close, abs_diff, out1, out2)

if __name__ == "__main__":
    import jax
    _d = setup_inputs()
    print(jax.jit(kernel)(*tuple(_d.values())))

</pallas_src>

<mosaic_0001>
#map = affine_map<(d0, d1) -> (0, 0)>
#map1 = affine_map<(d0, d1) -> (0)>
module attributes {stable_mosaic.version = 14 : i64} {
  func.func @_sc_mul_gather(%arg0: i32, %arg1: i32, %arg2: memref<128x16384xf32, #tpu.memory_space<hbm>>, %arg3: memref<16384xi32, #tpu.memory_space<hbm>>, %arg4: memref<16384x128xf32, #tpu.memory_space<hbm>>, %arg5: memref<16384x128xf32, #tpu.memory_space<hbm>>, %arg6: memref<8192xf32, #tpu.memory_space<vmem>>, %arg7: memref<512xi32, #tpu.memory_space<vmem>>, %arg8: memref<128x128xf32, #tpu.memory_space<vmem>>, %arg9: memref<128x128xf32, #tpu.memory_space<vmem>>, %arg10: memref<128x129xf32, #tpu.memory_space<vmem>>, %arg11: memref<128x129xf32, #tpu.memory_space<vmem>>, %arg12: memref<!tpu.dma_semaphore, #tpu.memory_space<semaphore_mem>>, %arg13: memref<!tpu.dma_semaphore, #tpu.memory_space<semaphore_mem>>, %arg14: memref<!tpu.dma_semaphore, #tpu.memory_space<semaphore_mem>>, %arg15: memref<!tpu.dma_semaphore, #tpu.memory_space<semaphore_mem>>) attributes {dimension_semantics = [#tpu.dimension_semantics<core_parallel>, #tpu.dimension_semantics<subcore_parallel>], iteration_bounds = array<i64: 2, 16>, scalar_prefetch = 0 : i64, scratch_operands = 10 : i64, tpu.core_type = #tpu.core_type<sc_vector_subcore>, window_params = [{transform_indices = #map}, {transform_indices = #map1}, {transform_indices = #map}, {transform_indices = #map}]} {
    %mul3A = arith.constant 2 : i32
    %mul3A_0 = arith.muli %arg1, %mul3A : i32
    %add3A = arith.addi %mul3A_0, %arg0 : i32
    %mul3A_1 = arith.constant 512 : i32
    %mul3A_2 = arith.muli %add3A, %mul3A_1 : i32
    "tpu.region"() ({
      %run_scoped3A = tpu.sem_alloc : memref<!tpu.dma_semaphore, #tpu.memory_space<semaphore_mem>>
      %dma_start3A_748 = tpu.memref_slice %arg3[%mul3A_2] : memref<16384xi32, #tpu.memory_space<hbm>> -> memref<512xi32, #tpu.memory_space<hbm>>
      %dma_start3A_749 = tpu.memref_slice %arg3[%mul3A_2] : memref<16384xi32, #tpu.memory_space<hbm>> -> memref<512xi32, #tpu.memory_space<hbm>>
      tpu.enqueue_dma source(%dma_start3A_749 : memref<512xi32, #tpu.memory_space<hbm>>) target(%arg7 : memref<512xi32, #tpu.memory_space<vmem>>) target_semaphore(%run_scoped3A : memref<!tpu.dma_semaphore, #tpu.memory_space<semaphore_mem>>)
      %dma_wait3A_750 = tpu.memref_slice %arg3[%mul3A_2] : memref<16384xi32, #tpu.memory_space<hbm>> -> memref<512xi32, #tpu.memory_space<hbm>>
      %dma_wait3A_751 = tpu.memref_slice %arg3[%mul3A_2] : memref<16384xi32, #tpu.memory_space<hbm>> -> memref<512xi32, #tpu.memory_space<hbm>>
      tpu.wait_dma2 semaphore(%run_scoped3A : memref<!tpu.dma_semaphore, #tpu.memory_space<semaphore_mem>>) src(%dma_wait3A_751 : memref<512xi32, #tpu.memory_space<hbm>>) dst(%arg7 : memref<512xi32, #tpu.memory_space<vmem>>)
      tpu.yield
    }) : () -> ()
    "tpu.region"() ({
      %run_scoped3A = tpu.sem_alloc : memref<!tpu.dma_semaphore, #tpu.memory_space<semaphore_mem>>
      %dma_start3A_748 = arith.constant 0 : i32
      %dma_start3A_749 = arith.constant 0 : i32
      %dma_start3A_750 = tpu.memref_slice %arg2[%dma_start3A_748, %dma_start3A_749] : memref<128x16384xf32, #tpu.memory_space<hbm>> -> memref<128x128xf32, #tpu.memory_space<hbm>>
      %dma_start3A_751 = arith.constant 0 : i32
      %dma_start3A_752 = arith.constant 0 : i32
      %dma_start3A_753 = tpu.memref_slice %arg2[%dma_start3A_751, %dma_start3A_752] : memref<128x16384xf32, #tpu.memory_space<hbm>> -> memref<128x128xf32, #tpu.memory_space<hbm>>
      tpu.enqueue_dma source(%dma_start3A_753 : memref<128x128xf32, #tpu.memory_space<hbm>>) target(%arg8 : memref<128x128xf32, #tpu.memory_space<vmem>>) target_semaphore(%run_scoped3A : memref<!tpu.dma_semaphore, #tpu.memory_space<semaphore_mem>>)
      %dma_wait3A_754 = arith.constant 0 : i32
      %dma_wait3A_755 = arith.constant 0 : i32
      %dma_wait3A_756 = tpu.memref_slice %arg2[%dma_wait3A_754, %dma_wait3A_755] : memref<128x16384xf32, #tpu.memory_space<hbm>> -> memref<128x128xf32, #tpu.memory_space<hbm>>
      %dma_wait3A_757 = arith.constant 0 : i32
      %dma_wait3A_758 = arith.constant 0 : i32
      %dma_wait3A_759 = tpu.memref_slice %arg2[%dma_wait3A_757, %dma_wait3A_758] : memref<128x16384xf32, #tpu.memory_space<hbm>> -> memref<128x128xf32, #tpu.memory_space<hbm>>
      tpu.wait_dma2 semaphore(%run_scoped3A : memref<!tpu.dma_semaphore, #tpu.memory_space<semaphore_mem>>) src(%dma_wait3A_759 : memref<128x128xf32, #tpu.memory_space<hbm>>) dst(%arg8 : memref<128x128xf32, #tpu.memory_space<vmem>>)
      tpu.yield
    }) : () -> ()
    %dma_start3A = arith.constant 0 : i32
    %dma_start3A_3 = tpu.memref_slice %arg2[%dma_start3A, %mul3A_2] : memref<128x16384xf32, #tpu.memory_space<hbm>> -> memref<128x128xf32, #tpu.memory_space<hbm>>
    %dma_start3A_4 = arith.constant 0 : i32
    %dma_start3A_5 = tpu.memref_slice %arg2[%dma_start3A_4, %mul3A_2] : memref<128x16384xf32, #tpu.memory_space<hbm>> -> memref<128x128xf32, #tpu.memory_space<hbm>>
    tpu.enqueue_dma source(%dma_start3A_5 : memref<128x128xf32, #tpu.memory_space<hbm>>) target(%arg9 : memref<128x128xf32, #tpu.memory_space<vmem>>) target_semaphore(%arg13 : memref<!tpu.dma_semaphore, #tpu.memory_space<semaphore_mem>>)
    %parallel_loop3A = arith.constant 0 : i32
    %parallel_loop3A_6 = arith.constant 128 : i32
    %parallel_loop3A_7 = arith.constant 1 : i32
    scf.for %parallel_loop3A_748 = %parallel_loop3A to %parallel_loop3A_6 step %parallel_loop3A_7  : i32 {
      %parallel_loop3A_749 = arith.index_cast %parallel_loop3A_748 : i32 to index
      %parallel_loop3A_750 = arith.constant 0 : index
      %parallel_loop3A_751 = tpu.vector_load %arg8[%parallel_loop3A_749, %parallel_loop3A_750] {strides = array<i32>} : memref<128x128xf32, #tpu.memory_space<vmem>>, vector<16xf32>,
      %parallel_loop3A_752 = arith.mulf %parallel_loop3A_751, %parallel_loop3A_751 : vector<16xf32>
      %parallel_loop3A_753 = arith.constant 64 : i32
      %parallel_loop3A_754 = arith.muli %parallel_loop3A_748, %parallel_loop3A_753 : i32
      %parallel_loop3A_755 = arith.constant 0 : i32
      %parallel_loop3A_756 = arith.addi %parallel_loop3A_754, %parallel_loop3A_755 : i32
      %parallel_loop3A_757 = arith.index_cast %parallel_loop3A_756 : i32 to index
      %parallel_loop3A_758 = tpu.vector_load %arg6[%parallel_loop3A_757] {strides = array<i32>} : memref<8192xf32, #tpu.memory_space<vmem>>, vector<16xf32>,
      tpu.vector_store %arg6[%parallel_loop3A_757], %parallel_loop3A_752 {strides = array<i32>} : memref<8192xf32, #tpu.memory_space<vmem>>, vector<16xf32>,
      %parallel_loop3A_759 = arith.index_cast %parallel_loop3A_748 : i32 to index
      %parallel_loop3A_760 = arith.constant 16 : index
      %parallel_loop3A_761 = tpu.vector_load %arg8[%parallel_loop3A_759, %parallel_loop3A_760] {strides = array<i32>} : memref<128x128xf32, #tpu.memory_space<vmem>>, vector<16xf32>,
      %parallel_loop3A_762 = arith.mulf %parallel_loop3A_761, %parallel_loop3A_761 : vector<16xf32>
      %parallel_loop3A_763 = arith.constant 64 : i32
      %parallel_loop3A_764 = arith.muli %parallel_loop3A_748, %parallel_loop3A_763 : i32
      %parallel_loop3A_765 = arith.constant 16 : i32
      %parallel_loop3A_766 = arith.addi %parallel_loop3A_764, %parallel_loop3A_765 : i32
      %parallel_loop3A_767 = arith.index_cast %parallel_loop3A_766 : i32 to index
      %parallel_loop3A_768 = tpu.vector_load %arg6[%parallel_loop3A_767] {strides = array<i32>} : memref<8192xf32, #tpu.memory_space<vmem>>, vector<16xf32>,
      tpu.vector_store %arg6[%parallel_loop3A_767], %parallel_loop3A_762 {strides = array<i32>} : memref<8192xf32, #tpu.memory_space<vmem>>, vector<16xf32>,
      %parallel_loop3A_769 = arith.index_cast %parallel_loop3A_748 : i32 to index
      %parallel_loop3A_770 = arith.constant 32 : index
      %parallel_loop3A_771 = tpu.vector_load %arg8[%parallel_loop3A_769, %parallel_loop3A_770] {strides = array<i32>} : memref<128x128xf32, #tpu.memory_space<vmem>>, vector<16xf32>,
      %parallel_loop3A_772 = arith.mulf %parallel_loop3A_771, %parallel_loop3A_771 : vector<16xf32>
      %parallel_loop3A_773 = arith.constant 64 : i32
      %parallel_loop3A_774 = arith.muli %parallel_loop3A_748, %parallel_loop3A_773 : i32
      %parallel_loop3A_775 = arith.constant 32 : i32
      %parallel_loop3A_776 = arith.addi %parallel_loop3A_774, %parallel_loop3A_775 : i32
      %parallel_loop3A_777 = arith.index_cast %parallel_loop3A_776 : i32 to index
      %parallel_loop3A_778 = tpu.vector_load %arg6[%parallel_loop3A_777] {strides = array<i32>} : memref<8192xf32, #tpu.memory_space<vmem>>, vector<16xf32>,
      tpu.vector_store %arg6[%parallel_loop3A_777], %parallel_loop3A_772 {strides = array<i32>} : memref<8192xf32, #tpu.memory_space<vmem>>, vector<16xf32>,
      %parallel_loop3A_779 = arith.index_cast %parallel_loop3A_748 : i32 to index
      %parallel_loop3A_780 = arith.constant 48 : index
      %parallel_loop3A_781 = tpu.vector_load %arg8[%parallel_loop3A_779, %parallel_loop3A_780] {strides = array<i32>} : memref<128x128xf32, #tpu.memory_space<vmem>>, vector<16xf32>,
      %parallel_loop3A_782 = arith.mulf %parallel_loop3A_781, %parallel_loop3A_781 : vector<16xf32>
      %parallel_loop3A_783 = arith.constant 64 : i32
      %parallel_loop3A_784 = arith.muli %parallel_loop3A_748, %parallel_loop3A_783 : i32
      %parallel_loop3A_785 = arith.constant 48 : i32
      %parallel_loop3A_786 = arith.addi %parallel_loop3A_784, %parallel_loop3A_785 : i32
      %parallel_loop3A_787 = arith.index_cast %parallel_loop3A_786 : i32 to index
      %parallel_loop3A_788 = tpu.vector_load %arg6[%parallel_loop3A_787] {strides = array<i32>} : memref<8192xf32, #tpu.memory_space<vmem>>, vector<16xf32>,
      tpu.vector_store %arg6[%parallel_loop3A_787], %parallel_loop3A_782 {strides = array<i32>} : memref<8192xf32, #tpu.memory_space<vmem>>, vector<16xf32>,
    } {sc.loop_unroll_factor = 8 : i64, sc.parallel_access}
    %iota3A = tpu.iota {dimensions = array<i32: 0>} : vector<16xi32>
    %add3A_8 = arith.constant 0 : i32
    %add3A_9 = arith.addi %mul3A_2, %add3A_8 : i32
    %dma_wait3A = arith.constant 0 : i32
    %dma_wait3A_10 = tpu.memref_slice %arg2[%dma_wait3A, %mul3A_2] : memref<128x16384xf32, #tpu.memory_space<hbm>> -> memref<128x128xf32, #tpu.memory_space<hbm>>
    %dma_wait3A_11 = arith.constant 0 : i32
    %dma_wait3A_12 = tpu.memref_slice %arg2[%dma_wait3A_11, %mul3A_2] : memref<128x16384xf32, #tpu.memory_space<hbm>> -> memref<128x128xf32, #tpu.memory_space<hbm>>
    tpu.wait_dma2 semaphore(%arg13 : memref<!tpu.dma_semaphore, #tpu.memory_space<semaphore_mem>>) src(%dma_wait3A_12 : memref<128x128xf32, #tpu.memory_space<hbm>>) dst(%arg9 : memref<128x128xf32, #tpu.memory_space<vmem>>)
    %add3A_13 = arith.constant 128 : i32
    %add3A_14 = arith.addi %add3A_9, %add3A_13 : i32
    %dma_start3A_15 = arith.constant 0 : i32
    %dma_start3A_16 = tpu.memref_slice %arg2[%dma_start3A_15, %add3A_14] : memref<128x16384xf32, #tpu.memory_space<hbm>> -> memref<128x128xf32, #tpu.memory_space<hbm>>
    %dma_start3A_17 = arith.constant 0 : i32
    %dma_start3A_18 = tpu.memref_slice %arg2[%dma_start3A_17, %add3A_14] : memref<128x16384xf32, #tpu.memory_space<hbm>> -> memref<128x128xf32, #tpu.memory_space<hbm>>
    tpu.enqueue_dma source(%dma_start3A_18 : memref<128x128xf32, #tpu.memory_space<hbm>>) target(%arg8 : memref<128x128xf32, #tpu.memory_space<vmem>>) target_semaphore(%arg12 : memref<!tpu.dma_semaphore, #tpu.memory_space<semaphore_mem>>)
    %get3A = arith.constant 0 : index
    %get3A_19 = tpu.vector_load %arg7[%get3A] {strides = array<i32>} : memref<512xi32, #tpu.memory_space<vmem>>, vector<16xi32>,
    %jit3A = arith.constant 0 : i32
    %jit3A_20 = arith.constant 63 : i32
    %max3A = vector.broadcast %jit3A : i32 to vector<16xi32>
    %max3A_21 = arith.maxsi %max3A, %get3A_19 : vector<16xi32>
    %min3A = vector.broadcast %jit3A_20 : i32 to vector<16xi32>
    %min3A_22 = arith.minsi %min3A, %max3A_21 : vector<16xi32>
    %add3A_23 = arith.constant 0 : i32
    %add3A_24 = vector.broadcast %add3A_23 : i32 to vector<16xi32>
    %add3A_25 = arith.addi %add3A_24, %iota3A : vector<16xi32>
    %broadcast_in_dim3A = arith.constant 0 : i32
    %broadcast_in_dim3A_26 = vector.broadcast %broadcast_in_dim3A : i32 to vector<16xi32>
    %parallel_loop3A_27 = arith.constant 0 : i32
    %parallel_loop3A_28 = arith.constant 128 : i32
    %parallel_loop3A_29 = arith.constant 1 : i32
    %parallel_loop3A_30:2 = scf.for %parallel_loop3A_748 = %parallel_loop3A_27 to %parallel_loop3A_28 step %parallel_loop3A_29 iter_args(%parallel_loop3A_749 = %min3A_22, %parallel_loop3A_750 = %broadcast_in_dim3A_26) -> (vector<16xi32>, vector<16xi32>)  : i32 {
      %parallel_loop3A_751 = arith.index_cast %parallel_loop3A_748 : i32 to index
      %parallel_loop3A_752 = arith.constant 0 : index
      %parallel_loop3A_753 = tpu.vector_load %arg9[%parallel_loop3A_751, %parallel_loop3A_752] {strides = array<i32>} : memref<128x128xf32, #tpu.memory_space<vmem>>, vector<16xf32>,
      %parallel_loop3A_754 = tpu.vector_load_idx %arg6[%parallel_loop3A_749] : memref<8192xf32, #tpu.memory_space<vmem>>[vector<16xi32>], vector<16xf32>,
      %parallel_loop3A_755 = arith.mulf %parallel_loop3A_753, %parallel_loop3A_754 : vector<16xf32>
      tpu.vector_store_idx %arg11[%add3A_25, %parallel_loop3A_750], %parallel_loop3A_755 : memref<128x129xf32, #tpu.memory_space<vmem>>[vector<16xi32>, vector<16xi32>], vector<16xf32>,
      %parallel_loop3A_756 = arith.constant 64 : i32
      %parallel_loop3A_757 = vector.broadcast %parallel_loop3A_756 : i32 to vector<16xi32>
      %parallel_loop3A_758 = arith.addi %parallel_loop3A_749, %parallel_loop3A_757 : vector<16xi32>
      %parallel_loop3A_759 = arith.constant 1 : i32
      %parallel_loop3A_760 = vector.broadcast %parallel_loop3A_759 : i32 to vector<16xi32>
      %parallel_loop3A_761 = arith.addi %parallel_loop3A_750, %parallel_loop3A_760 : vector<16xi32>
      scf.yield %parallel_loop3A_758, %parallel_loop3A_761 : vector<16xi32>, vector<16xi32>
    } {sc.loop_unroll_factor = 8 : i64, sc.parallel_access}
    %get3A_31 = arith.constant 16 : index
    %get3A_32 = tpu.vector_load %arg7[%get3A_31] {strides = array<i32>} : memref<512xi32, #tpu.memory_space<vmem>>, vector<16xi32>,
    %jit3A_33 = arith.constant 0 : i32
    %jit3A_34 = arith.constant 63 : i32
    %max3A_35 = vector.broadcast %jit3A_33 : i32 to vector<16xi32>
    %max3A_36 = arith.maxsi %max3A_35, %get3A_32 : vector<16xi32>
    %min3A_37 = vector.broadcast %jit3A_34 : i32 to vector<16xi32>
    %min3A_38 = arith.minsi %min3A_37, %max3A_36 : vector<16xi32>
    %add3A_39 = arith.constant 16 : i32
    %add3A_40 = vector.broadcast %add3A_39 : i32 to vector<16xi32>
    %add3A_41 = arith.addi %add3A_40, %iota3A : vector<16xi32>
    %broadcast_in_dim3A_42 = arith.constant 0 : i32
    %broadcast_in_dim3A_43 = vector.broadcast %broadcast_in_dim3A_42 : i32 to vector<16xi32>
    %parallel_loop3A_44 = arith.constant 0 : i32
    %parallel_loop3A_45 = arith.constant 128 : i32
    %parallel_loop3A_46 = arith.constant 1 : i32
    %parallel_loop3A_47:2 = scf.for %parallel_loop3A_748 = %parallel_loop3A_44 to %parallel_loop3A_45 step %parallel_loop3A_46 iter_args(%parallel_loop3A_749 = %min3A_38, %parallel_loop3A_750 = %broadcast_in_dim3A_43) -> (vector<16xi32>, vector<16xi32>)  : i32 {
      %parallel_loop3A_751 = arith.index_cast %parallel_loop3A_748 : i32 to index
      %parallel_loop3A_752 = arith.constant 16 : index
      %parallel_loop3A_753 = tpu.vector_load %arg9[%parallel_loop3A_751, %parallel_loop3A_752] {strides = array<i32>} : memref<128x128xf32, #tpu.memory_space<vmem>>, vector<16xf32>,
      %parallel_loop3A_754 = tpu.vector_load_idx %arg6[%parallel_loop3A_749] : memref<8192xf32, #tpu.memory_space<vmem>>[vector<16xi32>], vector<16xf32>,
      %parallel_loop3A_755 = arith.mulf %parallel_loop3A_753, %parallel_loop3A_754 : vector<16xf32>
      tpu.vector_store_idx %arg11[%add3A_41, %parallel_loop3A_750], %parallel_loop3A_755 : memref<128x129xf32, #tpu.memory_space<vmem>>[vector<16xi32>, vector<16xi32>], vector<16xf32>,
      %parallel_loop3A_756 = arith.constant 64 : i32
      %parallel_loop3A_757 = vector.broadcast %parallel_loop3A_756 : i32 to vector<16xi32>
      %parallel_loop3A_758 = arith.addi %parallel_loop3A_749, %parallel_loop3A_757 : vector<16xi32>
      %parallel_loop3A_759 = arith.constant 1 : i32
      %parallel_loop3A_760 = vector.broadcast %parallel_loop3A_759 : i32 to vector<16xi32>
      %parallel_loop3A_761 = arith.addi %parallel_loop3A_750, %parallel_loop3A_760 : vector<16xi32>
      scf.yield %parallel_loop3A_758, %parallel_loop3A_761 : vector<16xi32>, vector<16xi32>
    } {sc.loop_unroll_factor = 8 : i64, sc.parallel_access}
    %get3A_48 = arith.constant 32 : index
    %get3A_49 = tpu.vector_load %arg7[%get3A_48] {strides = array<i32>} : memref<512xi32, #tpu.memory_space<vmem>>, vector<16xi32>,
    %jit3A_50 = arith.constant 0 : i32
    %jit3A_51 = arith.constant 63 : i32
    %max3A_52 = vector.broadcast %jit3A_50 : i32 to vector<16xi32>
    %max3A_53 = arith.maxsi %max3A_52, %get3A_49 : vector<16xi32>
    %min3A_54 = vector.broadcast %jit3A_51 : i32 to vector<16xi32>
    %min3A_55 = arith.minsi %min3A_54, %max3A_53 : vector<16xi32>
    %add3A_56 = arith.constant 32 : i32
    %add3A_57 = vector.broadcast %add3A_56 : i32 to vector<16xi32>
    %add3A_58 = arith.addi %add3A_57, %iota3A : vector<16xi32>
    %broadcast_in_dim3A_59 = arith.constant 0 : i32
    %broadcast_in_dim3A_60 = vector.broadcast %broadcast_in_dim3A_59 : i32 to vector<16xi32>
    %parallel_loop3A_61 = arith.constant 0 : i32
    %parallel_loop3A_62 = arith.constant 128 : i32
    %parallel_loop3A_63 = arith.constant 1 : i32
    %parallel_loop3A_64:2 = scf.for %parallel_loop3A_748 = %parallel_loop3A_61 to %parallel_loop3A_62 step %parallel_loop3A_63 iter_args(%parallel_loop3A_749 = %min3A_55, %parallel_loop3A_750 = %broadcast_in_dim3A_60) -> (vector<16xi32>, vector<16xi32>)  : i32 {
      %parallel_loop3A_751 = arith.index_cast %parallel_loop3A_748 : i32 to index
      %parallel_loop3A_752 = arith.constant 32 : index
      %parallel_loop3A_753 = tpu.vector_load %arg9[%parallel_loop3A_751, %parallel_loop3A_752] {strides = array<i32>} : memref<128x128xf32, #tpu.memory_space<vmem>>, vector<16xf32>,
      %parallel_loop3A_754 = tpu.vector_load_idx %arg6[%parallel_loop3A_749] : memref<8192xf32, #tpu.memory_space<vmem>>[vector<16xi32>], vector<16xf32>,
      %parallel_loop3A_755 = arith.mulf %parallel_loop3A_753, %parallel_loop3A_754 : vector<16xf32>
      tpu.vector_store_idx %arg11[%add3A_58, %parallel_loop3A_750], %parallel_loop3A_755 : memref<128x129xf32, #tpu.memory_space<vmem>>[vector<16xi32>, vector<16xi32>], vector<16xf32>,
      %parallel_loop3A_756 = arith.constant 64 : i32
      %parallel_loop3A_757 = vector.broadcast %parallel_loop3A_756 : i32 to vector<16xi32>
      %parallel_loop3A_758 = arith.addi %parallel_loop3A_749, %parallel_loop3A_757 : vector<16xi32>
      %parallel_loop3A_759 = arith.constant 1 : i32
      %parallel_loop3A_760 = vector.broadcast %parallel_loop3A_759 : i32 to vector<16xi32>
      %parallel_loop3A_761 = arith.addi %parallel_loop3A_750, %parallel_loop3A_760 : vector<16xi32>
      scf.yield %parallel_loop3A_758, %parallel_loop3A_761 : vector<16xi32>, vector<16xi32>
    } {sc.loop_unroll_factor = 8 : i64, sc.parallel_access}
    %get3A_65 = arith.constant 48 : index
    %get3A_66 = tpu.vector_load %arg7[%get3A_65] {strides = array<i32>} : memref<512xi32, #tpu.memory_space<vmem>>, vector<16xi32>,
    %jit3A_67 = arith.constant 0 : i32
    %jit3A_68 = arith.constant 63 : i32
    %max3A_69 = vector.broadcast %jit3A_67 : i32 to vector<16xi32>
    %max3A_70 = arith.maxsi %max3A_69, %get3A_66 : vector<16xi32>
    %min3A_71 = vector.broadcast %jit3A_68 : i32 to vector<16xi32>
    %min3A_72 = arith.minsi %min3A_71, %max3A_70 : vector<16xi32>
    %add3A_73 = arith.constant 48 : i32
    %add3A_74 = vector.broadcast %add3A_73 : i32 to vector<16xi32>
    %add3A_75 = arith.addi %add3A_74, %iota3A : vector<16xi32>
    %broadcast_in_dim3A_76 = arith.constant 0 : i32
    %broadcast_in_dim3A_77 = vector.broadcast %broadcast_in_dim3A_76 : i32 to vector<16xi32>
    %parallel_loop3A_78 = arith.constant 0 : i32
    %parallel_loop3A_79 = arith.constant 128 : i32
    %parallel_loop3A_80 = arith.constant 1 : i32
    %parallel_loop3A_81:2 = scf.for %parallel_loop3A_748 = %parallel_loop3A_78 to %parallel_loop3A_79 step %parallel_loop3A_80 iter_args(%parallel_loop3A_749 = %min3A_72, %parallel_loop3A_750 = %broadcast_in_dim3A_77) -> (vector<16xi32>, vector<16xi32>)  : i32 {
      %parallel_loop3A_751 = arith.index_cast %parallel_loop3A_748 : i32 to index
      %parallel_loop3A_752 = arith.constant 48 : index
      %parallel_loop3A_753 = tpu.vector_load %arg9[%parallel_loop3A_751, %parallel_loop3A_752] {strides = array<i32>} : memref<128x128xf32, #tpu.memory_space<vmem>>, vector<16xf32>,
      %parallel_loop3A_754 = tpu.vector_load_idx %arg6[%parallel_loop3A_749] : memref<8192xf32, #tpu.memory_space<vmem>>[vector<16xi32>], vector<16xf32>,
      %parallel_loop3A_755 = arith.mulf %parallel_loop3A_753, %parallel_loop3A_754 : vector<16xf32>
      tpu.vector_store_idx %arg11[%add3A_75, %parallel_loop3A_750], %parallel_loop3A_755 : memref<128x129xf32, #tpu.memory_space<vmem>>[vector<16xi32>, vector<16xi32>], vector<16xf32>,
      %parallel_loop3A_756 = arith.constant 64 : i32
      %parallel_loop3A_757 = vector.broadcast %parallel_loop3A_756 : i32 to vector<16xi32>
      %parallel_loop3A_758 = arith.addi %parallel_loop3A_749, %parallel_loop3A_757 : vector<16xi32>
      %parallel_loop3A_759 = arith.constant 1 : i32
      %parallel_loop3A_760 = vector.broadcast %parallel_loop3A_759 : i32 to vector<16xi32>
      %parallel_loop3A_761 = arith.addi %parallel_loop3A_750, %parallel_loop3A_760 : vector<16xi32>
      scf.yield %parallel_loop3A_758, %parallel_loop3A_761 : vector<16xi32>, vector<16xi32>
    } {sc.loop_unroll_factor = 8 : i64, sc.parallel_access}
    %get3A_82 = arith.constant 64 : index
    %get3A_83 = tpu.vector_load %arg7[%get3A_82] {strides = array<i32>} : memref<512xi32, #tpu.memory_space<vmem>>, vector<16xi32>,
    %jit3A_84 = arith.constant 0 : i32
    %jit3A_85 = arith.constant 63 : i32
    %max3A_86 = vector.broadcast %jit3A_84 : i32 to vector<16xi32>
    %max3A_87 = arith.maxsi %max3A_86, %get3A_83 : vector<16xi32>
    %min3A_88 = vector.broadcast %jit3A_85 : i32 to vector<16xi32>
    %min3A_89 = arith.minsi %min3A_88, %max3A_87 : vector<16xi32>
    %add3A_90 = arith.constant 64 : i32
    %add3A_91 = vector.broadcast %add3A_90 : i32 to vector<16xi32>
    %add3A_92 = arith.addi %add3A_91, %iota3A : vector<16xi32>
    %broadcast_in_dim3A_93 = arith.constant 0 : i32
    %broadcast_in_dim3A_94 = vector.broadcast %broadcast_in_dim3A_93 : i32 to vector<16xi32>
    %parallel_loop3A_95 = arith.constant 0 : i32
    %parallel_loop3A_96 = arith.constant 128 : i32
    %parallel_loop3A_97 = arith.constant 1 : i32
    %parallel_loop3A_98:2 = scf.for %parallel_loop3A_748 = %parallel_loop3A_95 to %parallel_loop3A_96 step %parallel_loop3A_97 iter_args(%parallel_loop3A_749 = %min3A_89, %parallel_loop3A_750 = %broadcast_in_dim3A_94) -> (vector<16xi32>, vector<16xi32>)  : i32 {
      %parallel_loop3A_751 = arith.index_cast %parallel_loop3A_748 : i32 to index
      %parallel_loop3A_752 = arith.constant 64 : index
      %parallel_loop3A_753 = tpu.vector_load %arg9[%parallel_loop3A_751, %parallel_loop3A_752] {strides = array<i32>} : memref<128x128xf32, #tpu.memory_space<vmem>>, vector<16xf32>,
      %parallel_loop3A_754 = tpu.vector_load_idx %arg6[%parallel_loop3A_749] : memref<8192xf32, #tpu.memory_space<vmem>>[vector<16xi32>], vector<16xf32>,
      %parallel_loop3A_755 = arith.mulf %parallel_loop3A_753, %parallel_loop3A_754 : vector<16xf32>
      tpu.vector_store_idx %arg11[%add3A_92, %parallel_loop3A_750], %parallel_loop3A_755 : memref<128x129xf32, #tpu.memory_space<vmem>>[vector<16xi32>, vector<16xi32>], vector<16xf32>,
      %parallel_loop3A_756 = arith.constant 64 : i32
      %parallel_loop3A_757 = vector.broadcast %parallel_loop3A_756 : i32 to vector<16xi32>
      %parallel_loop3A_758 = arith.addi %parallel_loop3A_749, %parallel_loop3A_757 : vector<16xi32>
      %parallel_loop3A_759 = arith.constant 1 : i32
      %parallel_loop3A_760 = vector.broadcast %parallel_loop3A_759 : i32 to vector<16xi32>
      %parallel_loop3A_761 = arith.addi %parallel_loop3A_750, %parallel_loop3A_760 : vector<16xi32>
      scf.yield %parallel_loop3A_758, %parallel_loop3A_761 : vector<16xi32>, vector<16xi32>
    } {sc.loop_unroll_factor = 8 : i64, sc.parallel_access}
    %get3A_99 = arith.constant 80 : index
    %get3A_100 = tpu.vector_load %arg7[%get3A_99] {strides = array<i32>} : memref<512xi32, #tpu.memory_space<vmem>>, vector<16xi32>,
    %jit3A_101 = arith.constant 0 : i32
    %jit3A_102 = arith.constant 63 : i32
    %max3A_103 = vector.broadcast %jit3A_101 : i32 to vector<16xi32>
    %max3A_104 = arith.maxsi %max3A_103, %get3A_100 : vector<16xi32>
    %min3A_105 = vector.broadcast %jit3A_102 : i32 to vector<16xi32>
    %min3A_106 = arith.minsi %min3A_105, %max3A_104 : vector<16xi32>
    %add3A_107 = arith.constant 80 : i32
    %add3A_108 = vector.broadcast %add3A_107 : i32 to vector<16xi32>
    %add3A_109 = arith.addi %add3A_108, %iota3A : vector<16xi32>
    %broadcast_in_dim3A_110 = arith.constant 0 : i32
    %broadcast_in_dim3A_111 = vector.broadcast %broadcast_in_dim3A_110 : i32 to vector<16xi32>
    %parallel_loop3A_112 = arith.constant 0 : i32
    %parallel_loop3A_113 = arith.constant 128 : i32
    %parallel_loop3A_114 = arith.constant 1 : i32
    %parallel_loop3A_115:2 = scf.for %parallel_loop3A_748 = %parallel_loop3A_112 to %parallel_loop3A_113 step %parallel_loop3A_114 iter_args(%parallel_loop3A_749 = %min3A_106, %parallel_loop3A_750 = %broadcast_in_dim3A_111) -> (vector<16xi32>, vector<16xi32>)  : i32 {
      %parallel_loop3A_751 = arith.index_cast %parallel_loop3A_748 : i32 to index
      %parallel_loop3A_752 = arith.constant 80 : index
      %parallel_loop3A_753 = tpu.vector_load %arg9[%parallel_loop3A_751, %parallel_loop3A_752] {strides = array<i32>} : memref<128x128xf32, #tpu.memory_space<vmem>>, vector<16xf32>,
      %parallel_loop3A_754 = tpu.vector_load_idx %arg6[%parallel_loop3A_749] : memref<8192xf32, #tpu.memory_space<vmem>>[vector<16xi32>], vector<16xf32>,
      %parallel_loop3A_755 = arith.mulf %parallel_loop3A_753, %parallel_loop3A_754 : vector<16xf32>
      tpu.vector_store_idx %arg11[%add3A_109, %parallel_loop3A_750], %parallel_loop3A_755 : memref<128x129xf32, #tpu.memory_space<vmem>>[vector<16xi32>, vector<16xi32>], vector<16xf32>,
      %parallel_loop3A_756 = arith.constant 64 : i32
      %parallel_loop3A_757 = vector.broadcast %parallel_loop3A_756 : i32 to vector<16xi32>
      %parallel_loop3A_758 = arith.addi %parallel_loop3A_749, %parallel_loop3A_757 : vector<16xi32>
      %parallel_loop3A_759 = arith.constant 1 : i32
      %parallel_loop3A_760 = vector.broadcast %parallel_loop3A_759 : i32 to vector<16xi32>
      %parallel_loop3A_761 = arith.addi %parallel_loop3A_750, %parallel_loop3A_760 : vector<16xi32>
      scf.yield %parallel_loop3A_758, %parallel_loop3A_761 : vector<16xi32>, vector<16xi32>
    } {sc.loop_unroll_factor = 8 : i64, sc.parallel_access}
    %get3A_116 = arith.constant 96 : index
    %get3A_117 = tpu.vector_load %arg7[%get3A_116] {strides = array<i32>} : memref<512xi32, #tpu.memory_space<vmem>>, vector<16xi32>,
    %jit3A_118 = arith.constant 0 : i32
    %jit3A_119 = arith.constant 63 : i32
    %max3A_120 = vector.broadcast %jit3A_118 : i32 to vector<16xi32>
    %max3A_121 = arith.maxsi %max3A_120, %get3A_117 : vector<16xi32>
    %min3A_122 = vector.broadcast %jit3A_119 : i32 to vector<16xi32>
    %min3A_123 = arith.minsi %min3A_122, %max3A_121 : vector<16xi32>
    %add3A_124 = arith.constant 96 : i32
    %add3A_125 = vector.broadcast %add3A_124 : i32 to vector<16xi32>
    %add3A_126 = arith.addi %add3A_125, %iota3A : vector<16xi32>
    %broadcast_in_dim3A_127 = arith.constant 0 : i32
    %broadcast_in_dim3A_128 = vector.broadcast %broadcast_in_dim3A_127 : i32 to vector<16xi32>
    %parallel_loop3A_129 = arith.constant 0 : i32
    %parallel_loop3A_130 = arith.constant 128 : i32
    %parallel_loop3A_131 = arith.constant 1 : i32
    %parallel_loop3A_132:2 = scf.for %parallel_loop3A_748 = %parallel_loop3A_129 to %parallel_loop3A_130 step %parallel_loop3A_131 iter_args(%parallel_loop3A_749 = %min3A_123, %parallel_loop3A_750 = %broadcast_in_dim3A_128) -> (vector<16xi32>, vector<16xi32>)  : i32 {
      %parallel_loop3A_751 = arith.index_cast %parallel_loop3A_748 : i32 to index
      %parallel_loop3A_752 = arith.constant 96 : index
      %parallel_loop3A_753 = tpu.vector_load %arg9[%parallel_loop3A_751, %parallel_loop3A_752] {strides = array<i32>} : memref<128x128xf32, #tpu.memory_space<vmem>>, vector<16xf32>,
      %parallel_loop3A_754 = tpu.vector_load_idx %arg6[%parallel_loop3A_749] : memref<8192xf32, #tpu.memory_space<vmem>>[vector<16xi32>], vector<16xf32>,
      %parallel_loop3A_755 = arith.mulf %parallel_loop3A_753, %parallel_loop3A_754 : vector<16xf32>
      tpu.vector_store_idx %arg11[%add3A_126, %parallel_loop3A_750], %parallel_loop3A_755 : memref<128x129xf32, #tpu.memory_space<vmem>>[vector<16xi32>, vector<16xi32>], vector<16xf32>,
      %parallel_loop3A_756 = arith.constant 64 : i32
      %parallel_loop3A_757 = vector.broadcast %parallel_loop3A_756 : i32 to vector<16xi32>
      %parallel_loop3A_758 = arith.addi %parallel_loop3A_749, %parallel_loop3A_757 : vector<16xi32>
      %parallel_loop3A_759 = arith.constant 1 : i32
      %parallel_loop3A_760 = vector.broadcast %parallel_loop3A_759 : i32 to vector<16xi32>
      %parallel_loop3A_761 = arith.addi %parallel_loop3A_750, %parallel_loop3A_760 : vector<16xi32>
      scf.yield %parallel_loop3A_758, %parallel_loop3A_761 : vector<16xi32>, vector<16xi32>
    } {sc.loop_unroll_factor = 8 : i64, sc.parallel_access}
    %get3A_133 = arith.constant 112 : index
    %get3A_134 = tpu.vector_load %arg7[%get3A_133] {strides = array<i32>} : memref<512xi32, #tpu.memory_space<vmem>>, vector<16xi32>,
    %jit3A_135 = arith.constant 0 : i32
    %jit3A_136 = arith.constant 63 : i32
    %max3A_137 = vector.broadcast %jit3A_135 : i32 to vector<16xi32>
    %max3A_138 = arith.maxsi %max3A_137, %get3A_134 : vector<16xi32>
    %min3A_139 = vector.broadcast %jit3A_136 : i32 to vector<16xi32>
    %min3A_140 = arith.minsi %min3A_139, %max3A_138 : vector<16xi32>
    %add3A_141 = arith.constant 112 : i32
    %add3A_142 = vector.broadcast %add3A_141 : i32 to vector<16xi32>
    %add3A_143 = arith.addi %add3A_142, %iota3A : vector<16xi32>
    %broadcast_in_dim3A_144 = arith.constant 0 : i32
    %broadcast_in_dim3A_145 = vector.broadcast %broadcast_in_dim3A_144 : i32 to vector<16xi32>
    %parallel_loop3A_146 = arith.constant 0 : i32
    %parallel_loop3A_147 = arith.constant 128 : i32
    %parallel_loop3A_148 = arith.constant 1 : i32
    %parallel_loop3A_149:2 = scf.for %parallel_loop3A_748 = %parallel_loop3A_146 to %parallel_loop3A_147 step %parallel_loop3A_148 iter_args(%parallel_loop3A_749 = %min3A_140, %parallel_loop3A_750 = %broadcast_in_dim3A_145) -> (vector<16xi32>, vector<16xi32>)  : i32 {
      %parallel_loop3A_751 = arith.index_cast %parallel_loop3A_748 : i32 to index
      %parallel_loop3A_752 = arith.constant 112 : index
      %parallel_loop3A_753 = tpu.vector_load %arg9[%parallel_loop3A_751, %parallel_loop3A_752] {strides = array<i32>} : memref<128x128xf32, #tpu.memory_space<vmem>>, vector<16xf32>,
      %parallel_loop3A_754 = tpu.vector_load_idx %arg6[%parallel_loop3A_749] : memref<8192xf32, #tpu.memory_space<vmem>>[vector<16xi32>], vector<16xf32>,
      %parallel_loop3A_755 = arith.mulf %parallel_loop3A_753, %parallel_loop3A_754 : vector<16xf32>
      tpu.vector_store_idx %arg11[%add3A_143, %parallel_loop3A_750], %parallel_loop3A_755 : memref<128x129xf32, #tpu.memory_space<vmem>>[vector<16xi32>, vector<16xi32>], vector<16xf32>,
      %parallel_loop3A_756 = arith.constant 64 : i32
      %parallel_loop3A_757 = vector.broadcast %parallel_loop3A_756 : i32 to vector<16xi32>
      %parallel_loop3A_758 = arith.addi %parallel_loop3A_749, %parallel_loop3A_757 : vector<16xi32>
      %parallel_loop3A_759 = arith.constant 1 : i32
      %parallel_loop3A_760 = vector.broadcast %parallel_loop3A_759 : i32 to vector<16xi32>
      %parallel_loop3A_761 = arith.addi %parallel_loop3A_750, %parallel_loop3A_760 : vector<16xi32>
      scf.yield %parallel_loop3A_758, %parallel_loop3A_761 : vector<16xi32>, vector<16xi32>
    } {sc.loop_unroll_factor = 8 : i64, sc.parallel_access}
    %dma_start3A_150 = arith.constant 0 : i32
    %dma_start3A_151 = arith.constant 0 : i32
    %dma_start3A_152 = tpu.memref_slice %arg11[%dma_start3A_150, %dma_start3A_151] : memref<128x129xf32, #tpu.memory_space<vmem>> -> memref<128x128xf32, #tpu.memory_space<vmem>>
    %dma_start3A_153 = arith.constant 0 : i32
    %dma_start3A_154 = tpu.memref_slice %arg4[%add3A_9, %dma_start3A_153] : memref<16384x128xf32, #tpu.memory_space<hbm>> -> memref<128x128xf32, #tpu.memory_space<hbm>>
    %dma_start3A_155 = arith.constant 0 : i32
    %dma_start3A_156 = tpu.memref_slice %arg4[%add3A_9, %dma_start3A_155] : memref<16384x128xf32, #tpu.memory_space<hbm>> -> memref<128x128xf32, #tpu.memory_space<hbm>>
    %dma_start3A_157 = arith.constant 0 : i32
    %dma_start3A_158 = arith.constant 0 : i32
    %dma_start3A_159 = tpu.memref_slice %arg11[%dma_start3A_157, %dma_start3A_158] : memref<128x129xf32, #tpu.memory_space<vmem>> -> memref<128x128xf32, #tpu.memory_space<vmem>>
    tpu.enqueue_dma source(%dma_start3A_159 : memref<128x128xf32, #tpu.memory_space<vmem>>) target(%dma_start3A_156 : memref<128x128xf32, #tpu.memory_space<hbm>>) target_semaphore(%arg15 : memref<!tpu.dma_semaphore, #tpu.memory_space<semaphore_mem>>)
    %dma_start3A_160 = arith.constant 0 : i32
    %dma_start3A_161 = arith.constant 0 : i32
    %dma_start3A_162 = tpu.memref_slice %arg11[%dma_start3A_160, %dma_start3A_161] : memref<128x129xf32, #tpu.memory_space<vmem>> -> memref<128x128xf32, #tpu.memory_space<vmem>>
    %dma_start3A_163 = arith.constant 0 : i32
    %dma_start3A_164 = tpu.memref_slice %arg5[%add3A_9, %dma_start3A_163] : memref<16384x128xf32, #tpu.memory_space<hbm>> -> memref<128x128xf32, #tpu.memory_space<hbm>>
    %dma_start3A_165 = arith.constant 0 : i32
    %dma_start3A_166 = tpu.memref_slice %arg5[%add3A_9, %dma_start3A_165] : memref<16384x128xf32, #tpu.memory_space<hbm>> -> memref<128x128xf32, #tpu.memory_space<hbm>>
    %dma_start3A_167 = arith.constant 0 : i32
    %dma_start3A_168 = arith.constant 0 : i32
    %dma_start3A_169 = tpu.memref_slice %arg11[%dma_start3A_167, %dma_start3A_168] : memref<128x129xf32, #tpu.memory_space<vmem>> -> memref<128x128xf32, #tpu.memory_space<vmem>>
    tpu.enqueue_dma source(%dma_start3A_169 : memref<128x128xf32, #tpu.memory_space<vmem>>) target(%dma_start3A_166 : memref<128x128xf32, #tpu.memory_space<hbm>>) target_semaphore(%arg15 : memref<!tpu.dma_semaphore, #tpu.memory_space<semaphore_mem>>)
    %add3A_170 = arith.constant 128 : i32
    %add3A_171 = arith.addi %mul3A_2, %add3A_170 : i32
    %dma_wait3A_172 = arith.constant 0 : i32
    %dma_wait3A_173 = tpu.memref_slice %arg2[%dma_wait3A_172, %add3A_14] : memref<128x16384xf32, #tpu.memory_space<hbm>> -> memref<128x128xf32, #tpu.memory_space<hbm>>
    %dma_wait3A_174 = arith.constant 0 : i32
    %dma_wait3A_175 = tpu.memref_slice %arg2[%dma_wait3A_174, %add3A_14] : memref<128x16384xf32, #tpu.memory_space<hbm>> -> memref<128x128xf32, #tpu.memory_space<hbm>>
    tpu.wait_dma2 semaphore(%arg12 : memref<!tpu.dma_semaphore, #tpu.memory_space<semaphore_mem>>) src(%dma_wait3A_175 : memref<128x128xf32, #tpu.memory_space<hbm>>) dst(%arg8 : memref<128x128xf32, #tpu.memory_space<vmem>>)
    %add3A_176 = arith.constant 128 : i32
    %add3A_177 = arith.addi %add3A_171, %add3A_176 : i32
    %dma_start3A_178 = arith.constant 0 : i32
    %dma_start3A_179 = tpu.memref_slice %arg2[%dma_start3A_178, %add3A_177] : memref<128x16384xf32, #tpu.memory_space<hbm>> -> memref<128x128xf32, #tpu.memory_space<hbm>>
    %dma_start3A_180 = arith.constant 0 : i32
    %dma_start3A_181 = tpu.memref_slice %arg2[%dma_start3A_180, %add3A_177] : memref<128x16384xf32, #tpu.memory_space<hbm>> -> memref<128x128xf32, #tpu.memory_space<hbm>>
    tpu.enqueue_dma source(%dma_start3A_181 : memref<128x128xf32, #tpu.memory_space<hbm>>) target(%arg9 : memref<128x128xf32, #tpu.memory_space<vmem>>) target_semaphore(%arg13 : memref<!tpu.dma_semaphore, #tpu.memory_space<semaphore_mem>>)
    %get3A_182 = arith.constant 128 : index
    %get3A_183 = tpu.vector_load %arg7[%get3A_182] {strides = array<i32>} : memref<512xi32, #tpu.memory_space<vmem>>, vector<16xi32>,
    %jit3A_184 = arith.constant 0 : i32
    %jit3A_185 = arith.constant 63 : i32
    %max3A_186 = vector.broadcast %jit3A_184 : i32 to vector<16xi32>
    %max3A_187 = arith.maxsi %max3A_186, %get3A_183 : vector<16xi32>
    %min3A_188 = vector.broadcast %jit3A_185 : i32 to vector<16xi32>
    %min3A_189 = arith.minsi %min3A_188, %max3A_187 : vector<16xi32>
    %add3A_190 = arith.constant 0 : i32
    %add3A_191 = vector.broadcast %add3A_190 : i32 to vector<16xi32>
    %add3A_192 = arith.addi %add3A_191, %iota3A : vector<16xi32>
    %broadcast_in_dim3A_193 = arith.constant 0 : i32
    %broadcast_in_dim3A_194 = vector.broadcast %broadcast_in_dim3A_193 : i32 to vector<16xi32>
    %parallel_loop3A_195 = arith.constant 0 : i32
    %parallel_loop3A_196 = arith.constant 128 : i32
    %parallel_loop3A_197 = arith.constant 1 : i32
    %parallel_loop3A_198:2 = scf.for %parallel_loop3A_748 = %parallel_loop3A_195 to %parallel_loop3A_196 step %parallel_loop3A_197 iter_args(%parallel_loop3A_749 = %min3A_189, %parallel_loop3A_750 = %broadcast_in_dim3A_194) -> (vector<16xi32>, vector<16xi32>)  : i32 {
      %parallel_loop3A_751 = arith.index_cast %parallel_loop3A_748 : i32 to index
      %parallel_loop3A_752 = arith.constant 0 : index
      %parallel_loop3A_753 = tpu.vector_load %arg8[%parallel_loop3A_751, %parallel_loop3A_752] {strides = array<i32>} : memref<128x128xf32, #tpu.memory_space<vmem>>, vector<16xf32>,
      %parallel_loop3A_754 = tpu.vector_load_idx %arg6[%parallel_loop3A_749] : memref<8192xf32, #tpu.memory_space<vmem>>[vector<16xi32>], vector<16xf32>,
      %parallel_loop3A_755 = arith.mulf %parallel_loop3A_753, %parallel_loop3A_754 : vector<16xf32>
      tpu.vector_store_idx %arg10[%add3A_192, %parallel_loop3A_750], %parallel_loop3A_755 : memref<128x129xf32, #tpu.memory_space<vmem>>[vector<16xi32>, vector<16xi32>], vector<16xf32>,
      %parallel_loop3A_756 = arith.constant 64 : i32
      %parallel_loop3A_757 = vector.broadcast %parallel_loop3A_756 : i32 to vector<16xi32>
      %parallel_loop3A_758 = arith.addi %parallel_loop3A_749, %parallel_loop3A_757 : vector<16xi32>
      %parallel_loop3A_759 = arith.constant 1 : i32
      %parallel_loop3A_760 = vector.broadcast %parallel_loop3A_759 : i32 to vector<16xi32>
      %parallel_loop3A_761 = arith.addi %parallel_loop3A_750, %parallel_loop3A_760 : vector<16xi32>
      scf.yield %parallel_loop3A_758, %parallel_loop3A_761 : vector<16xi32>, vector<16xi32>
    } {sc.loop_unroll_factor = 8 : i64, sc.parallel_access}
    %get3A_199 = arith.constant 144 : index
    %get3A_200 = tpu.vector_load %arg7[%get3A_199] {strides = array<i32>} : memref<512xi32, #tpu.memory_space<vmem>>, vector<16xi32>,
    %jit3A_201 = arith.constant 0 : i32
    %jit3A_202 = arith.constant 63 : i32
    %max3A_203 = vector.broadcast %jit3A_201 : i32 to vector<16xi32>
    %max3A_204 = arith.maxsi %max3A_203, %get3A_200 : vector<16xi32>
    %min3A_205 = vector.broadcast %jit3A_202 : i32 to vector<16xi32>
    %min3A_206 = arith.minsi %min3A_205, %max3A_204 : vector<16xi32>
    %add3A_207 = arith.constant 16 : i32
    %add3A_208 = vector.broadcast %add3A_207 : i32 to vector<16xi32>
    %add3A_209 = arith.addi %add3A_208, %iota3A : vector<16xi32>
    %broadcast_in_dim3A_210 = arith.constant 0 : i32
    %broadcast_in_dim3A_211 = vector.broadcast %broadcast_in_dim3A_210 : i32 to vector<16xi32>
    %parallel_loop3A_212 = arith.constant 0 : i32
    %parallel_loop3A_213 = arith.constant 128 : i32
    %parallel_loop3A_214 = arith.constant 1 : i32
    %parallel_loop3A_215:2 = scf.for %parallel_loop3A_748 = %parallel_loop3A_212 to %parallel_loop3A_213 step %parallel_loop3A_214 iter_args(%parallel_loop3A_749 = %min3A_206, %parallel_loop3A_750 = %broadcast_in_dim3A_211) -> (vector<16xi32>, vector<16xi32>)  : i32 {
      %parallel_loop3A_751 = arith.index_cast %parallel_loop3A_748 : i32 to index
      %parallel_loop3A_752 = arith.constant 16 : index
      %parallel_loop3A_753 = tpu.vector_load %arg8[%parallel_loop3A_751, %parallel_loop3A_752] {strides = array<i32>} : memref<128x128xf32, #tpu.memory_space<vmem>>, vector<16xf32>,
      %parallel_loop3A_754 = tpu.vector_load_idx %arg6[%parallel_loop3A_749] : memref<8192xf32, #tpu.memory_space<vmem>>[vector<16xi32>], vector<16xf32>,
      %parallel_loop3A_755 = arith.mulf %parallel_loop3A_753, %parallel_loop3A_754 : vector<16xf32>
      tpu.vector_store_idx %arg10[%add3A_209, %parallel_loop3A_750], %parallel_loop3A_755 : memref<128x129xf32, #tpu.memory_space<vmem>>[vector<16xi32>, vector<16xi32>], vector<16xf32>,
      %parallel_loop3A_756 = arith.constant 64 : i32
      %parallel_loop3A_757 = vector.broadcast %parallel_loop3A_756 : i32 to vector<16xi32>
      %parallel_loop3A_758 = arith.addi %parallel_loop3A_749, %parallel_loop3A_757 : vector<16xi32>
      %parallel_loop3A_759 = arith.constant 1 : i32
      %parallel_loop3A_760 = vector.broadcast %parallel_loop3A_759 : i32 to vector<16xi32>
      %parallel_loop3A_761 = arith.addi %parallel_loop3A_750, %parallel_loop3A_760 : vector<16xi32>
      scf.yield %parallel_loop3A_758, %parallel_loop3A_761 : vector<16xi32>, vector<16xi32>
    } {sc.loop_unroll_factor = 8 : i64, sc.parallel_access}
    %get3A_216 = arith.constant 160 : index
    %get3A_217 = tpu.vector_load %arg7[%get3A_216] {strides = array<i32>} : memref<512xi32, #tpu.memory_space<vmem>>, vector<16xi32>,
    %jit3A_218 = arith.constant 0 : i32
    %jit3A_219 = arith.constant 63 : i32
    %max3A_220 = vector.broadcast %jit3A_218 : i32 to vector<16xi32>
    %max3A_221 = arith.maxsi %max3A_220, %get3A_217 : vector<16xi32>
    %min3A_222 = vector.broadcast %jit3A_219 : i32 to vector<16xi32>
    %min3A_223 = arith.minsi %min3A_222, %max3A_221 : vector<16xi32>
    %add3A_224 = arith.constant 32 : i32
    %add3A_225 = vector.broadcast %add3A_224 : i32 to vector<16xi32>
    %add3A_226 = arith.addi %add3A_225, %iota3A : vector<16xi32>
    %broadcast_in_dim3A_227 = arith.constant 0 : i32
    %broadcast_in_dim3A_228 = vector.broadcast %broadcast_in_dim3A_227 : i32 to vector<16xi32>
    %parallel_loop3A_229 = arith.constant 0 : i32
    %parallel_loop3A_230 = arith.constant 128 : i32
    %parallel_loop3A_231 = arith.constant 1 : i32
    %parallel_loop3A_232:2 = scf.for %parallel_loop3A_748 = %parallel_loop3A_229 to %parallel_loop3A_230 step %parallel_loop3A_231 iter_args(%parallel_loop3A_749 = %min3A_223, %parallel_loop3A_750 = %broadcast_in_dim3A_228) -> (vector<16xi32>, vector<16xi32>)  : i32 {
      %parallel_loop3A_751 = arith.index_cast %parallel_loop3A_748 : i32 to index
      %parallel_loop3A_752 = arith.constant 32 : index
      %parallel_loop3A_753 = tpu.vector_load %arg8[%parallel_loop3A_751, %parallel_loop3A_752] {strides = array<i32>} : memref<128x128xf32, #tpu.memory_space<vmem>>, vector<16xf32>,
      %parallel_loop3A_754 = tpu.vector_load_idx %arg6[%parallel_loop3A_749] : memref<8192xf32, #tpu.memory_space<vmem>>[vector<16xi32>], vector<16xf32>,
      %parallel_loop3A_755 = arith.mulf %parallel_loop3A_753, %parallel_loop3A_754 : vector<16xf32>
      tpu.vector_store_idx %arg10[%add3A_226, %parallel_loop3A_750], %parallel_loop3A_755 : memref<128x129xf32, #tpu.memory_space<vmem>>[vector<16xi32>, vector<16xi32>], vector<16xf32>,
      %parallel_loop3A_756 = arith.constant 64 : i32
      %parallel_loop3A_757 = vector.broadcast %parallel_loop3A_756 : i32 to vector<16xi32>
      %parallel_loop3A_758 = arith.addi %parallel_loop3A_749, %parallel_loop3A_757 : vector<16xi32>
      %parallel_loop3A_759 = arith.constant 1 : i32
      %parallel_loop3A_760 = vector.broadcast %parallel_loop3A_759 : i32 to vector<16xi32>
      %parallel_loop3A_761 = arith.addi %parallel_loop3A_750, %parallel_loop3A_760 : vector<16xi32>
      scf.yield %parallel_loop3A_758, %parallel_loop3A_761 : vector<16xi32>, vector<16xi32>
    } {sc.loop_unroll_factor = 8 : i64, sc.parallel_access}
    %get3A_233 = arith.constant 176 : index
    %get3A_234 = tpu.vector_load %arg7[%get3A_233] {strides = array<i32>} : memref<512xi32, #tpu.memory_space<vmem>>, vector<16xi32>,
    %jit3A_235 = arith.constant 0 : i32
    %jit3A_236 = arith.constant 63 : i32
    %max3A_237 = vector.broadcast %jit3A_235 : i32 to vector<16xi32>
    %max3A_238 = arith.maxsi %max3A_237, %get3A_234 : vector<16xi32>
    %min3A_239 = vector.broadcast %jit3A_236 : i32 to vector<16xi32>
    %min3A_240 = arith.minsi %min3A_239, %max3A_238 : vector<16xi32>
    %add3A_241 = arith.constant 48 : i32
    %add3A_242 = vector.broadcast %add3A_241 : i32 to vector<16xi32>
    %add3A_243 = arith.addi %add3A_242, %iota3A : vector<16xi32>
    %broadcast_in_dim3A_244 = arith.constant 0 : i32
    %broadcast_in_dim3A_245 = vector.broadcast %broadcast_in_dim3A_244 : i32 to vector<16xi32>
    %parallel_loop3A_246 = arith.constant 0 : i32
    %parallel_loop3A_247 = arith.constant 128 : i32
    %parallel_loop3A_248 = arith.constant 1 : i32
    %parallel_loop3A_249:2 = scf.for %parallel_loop3A_748 = %parallel_loop3A_246 to %parallel_loop3A_247 step %parallel_loop3A_248 iter_args(%parallel_loop3A_749 = %min3A_240, %parallel_loop3A_750 = %broadcast_in_dim3A_245) -> (vector<16xi32>, vector<16xi32>)  : i32 {
      %parallel_loop3A_751 = arith.index_cast %parallel_loop3A_748 : i32 to index
      %parallel_loop3A_752 = arith.constant 48 : index
      %parallel_loop3A_753 = tpu.vector_load %arg8[%parallel_loop3A_751, %parallel_loop3A_752] {strides = array<i32>} : memref<128x128xf32, #tpu.memory_space<vmem>>, vector<16xf32>,
      %parallel_loop3A_754 = tpu.vector_load_idx %arg6[%parallel_loop3A_749] : memref<8192xf32, #tpu.memory_space<vmem>>[vector<16xi32>], vector<16xf32>,
      %parallel_loop3A_755 = arith.mulf %parallel_loop3A_753, %parallel_loop3A_754 : vector<16xf32>
      tpu.vector_store_idx %arg10[%add3A_243, %parallel_loop3A_750], %parallel_loop3A_755 : memref<128x129xf32, #tpu.memory_space<vmem>>[vector<16xi32>, vector<16xi32>], vector<16xf32>,
      %parallel_loop3A_756 = arith.constant 64 : i32
      %parallel_loop3A_757 = vector.broadcast %parallel_loop3A_756 : i32 to vector<16xi32>
      %parallel_loop3A_758 = arith.addi %parallel_loop3A_749, %parallel_loop3A_757 : vector<16xi32>
      %parallel_loop3A_759 = arith.constant 1 : i32
      %parallel_loop3A_760 = vector.broadcast %parallel_loop3A_759 : i32 to vector<16xi32>
      %parallel_loop3A_761 = arith.addi %parallel_loop3A_750, %parallel_loop3A_760 : vector<16xi32>
      scf.yield %parallel_loop3A_758, %parallel_loop3A_761 : vector<16xi32>, vector<16xi32>
    } {sc.loop_unroll_factor = 8 : i64, sc.parallel_access}
    %get3A_250 = arith.constant 192 : index
    %get3A_251 = tpu.vector_load %arg7[%get3A_250] {strides = array<i32>} : memref<512xi32, #tpu.memory_space<vmem>>, vector<16xi32>,
    %jit3A_252 = arith.constant 0 : i32
    %jit3A_253 = arith.constant 63 : i32
    %max3A_254 = vector.broadcast %jit3A_252 : i32 to vector<16xi32>
    %max3A_255 = arith.maxsi %max3A_254, %get3A_251 : vector<16xi32>
    %min3A_256 = vector.broadcast %jit3A_253 : i32 to vector<16xi32>
    %min3A_257 = arith.minsi %min3A_256, %max3A_255 : vector<16xi32>
    %add3A_258 = arith.constant 64 : i32
    %add3A_259 = vector.broadcast %add3A_258 : i32 to vector<16xi32>
    %add3A_260 = arith.addi %add3A_259, %iota3A : vector<16xi32>
    %broadcast_in_dim3A_261 = arith.constant 0 : i32
    %broadcast_in_dim3A_262 = vector.broadcast %broadcast_in_dim3A_261 : i32 to vector<16xi32>
    %parallel_loop3A_263 = arith.constant 0 : i32
    %parallel_loop3A_264 = arith.constant 128 : i32
    %parallel_loop3A_265 = arith.constant 1 : i32
    %parallel_loop3A_266:2 = scf.for %parallel_loop3A_748 = %parallel_loop3A_263 to %parallel_loop3A_264 step %parallel_loop3A_265 iter_args(%parallel_loop3A_749 = %min3A_257, %parallel_loop3A_750 = %broadcast_in_dim3A_262) -> (vector<16xi32>, vector<16xi32>)  : i32 {
      %parallel_loop3A_751 = arith.index_cast %parallel_loop3A_748 : i32 to index
      %parallel_loop3A_752 = arith.constant 64 : index
      %parallel_loop3A_753 = tpu.vector_load %arg8[%parallel_loop3A_751, %parallel_loop3A_752] {strides = array<i32>} : memref<128x128xf32, #tpu.memory_space<vmem>>, vector<16xf32>,
      %parallel_loop3A_754 = tpu.vector_load_idx %arg6[%parallel_loop3A_749] : memref<8192xf32, #tpu.memory_space<vmem>>[vector<16xi32>], vector<16xf32>,
      %parallel_loop3A_755 = arith.mulf %parallel_loop3A_753, %parallel_loop3A_754 : vector<16xf32>
      tpu.vector_store_idx %arg10[%add3A_260, %parallel_loop3A_750], %parallel_loop3A_755 : memref<128x129xf32, #tpu.memory_space<vmem>>[vector<16xi32>, vector<16xi32>], vector<16xf32>,
      %parallel_loop3A_756 = arith.constant 64 : i32
      %parallel_loop3A_757 = vector.broadcast %parallel_loop3A_756 : i32 to vector<16xi32>
      %parallel_loop3A_758 = arith.addi %parallel_loop3A_749, %parallel_loop3A_757 : vector<16xi32>
      %parallel_loop3A_759 = arith.constant 1 : i32
      %parallel_loop3A_760 = vector.broadcast %parallel_loop3A_759 : i32 to vector<16xi32>
      %parallel_loop3A_761 = arith.addi %parallel_loop3A_750, %parallel_loop3A_760 : vector<16xi32>
      scf.yield %parallel_loop3A_758, %parallel_loop3A_761 : vector<16xi32>, vector<16xi32>
    } {sc.loop_unroll_factor = 8 : i64, sc.parallel_access}
    %get3A_267 = arith.constant 208 : index
    %get3A_268 = tpu.vector_load %arg7[%get3A_267] {strides = array<i32>} : memref<512xi32, #tpu.memory_space<vmem>>, vector<16xi32>,
    %jit3A_269 = arith.constant 0 : i32
    %jit3A_270 = arith.constant 63 : i32
    %max3A_271 = vector.broadcast %jit3A_269 : i32 to vector<16xi32>
    %max3A_272 = arith.maxsi %max3A_271, %get3A_268 : vector<16xi32>
    %min3A_273 = vector.broadcast %jit3A_270 : i32 to vector<16xi32>
    %min3A_274 = arith.minsi %min3A_273, %max3A_272 : vector<16xi32>
    %add3A_275 = arith.constant 80 : i32
    %add3A_276 = vector.broadcast %add3A_275 : i32 to vector<16xi32>
    %add3A_277 = arith.addi %add3A_276, %iota3A : vector<16xi32>
    %broadcast_in_dim3A_278 = arith.constant 0 : i32
    %broadcast_in_dim3A_279 = vector.broadcast %broadcast_in_dim3A_278 : i32 to vector<16xi32>
    %parallel_loop3A_280 = arith.constant 0 : i32
    %parallel_loop3A_281 = arith.constant 128 : i32
    %parallel_loop3A_282 = arith.constant 1 : i32
    %parallel_loop3A_283:2 = scf.for %parallel_loop3A_748 = %parallel_loop3A_280 to %parallel_loop3A_281 step %parallel_loop3A_282 iter_args(%parallel_loop3A_749 = %min3A_274, %parallel_loop3A_750 = %broadcast_in_dim3A_279) -> (vector<16xi32>, vector<16xi32>)  : i32 {
      %parallel_loop3A_751 = arith.index_cast %parallel_loop3A_748 : i32 to index
      %parallel_loop3A_752 = arith.constant 80 : index
      %parallel_loop3A_753 = tpu.vector_load %arg8[%parallel_loop3A_751, %parallel_loop3A_752] {strides = array<i32>} : memref<128x128xf32, #tpu.memory_space<vmem>>, vector<16xf32>,
      %parallel_loop3A_754 = tpu.vector_load_idx %arg6[%parallel_loop3A_749] : memref<8192xf32, #tpu.memory_space<vmem>>[vector<16xi32>], vector<16xf32>,
      %parallel_loop3A_755 = arith.mulf %parallel_loop3A_753, %parallel_loop3A_754 : vector<16xf32>
      tpu.vector_store_idx %arg10[%add3A_277, %parallel_loop3A_750], %parallel_loop3A_755 : memref<128x129xf32, #tpu.memory_space<vmem>>[vector<16xi32>, vector<16xi32>], vector<16xf32>,
      %parallel_loop3A_756 = arith.constant 64 : i32
      %parallel_loop3A_757 = vector.broadcast %parallel_loop3A_756 : i32 to vector<16xi32>
      %parallel_loop3A_758 = arith.addi %parallel_loop3A_749, %parallel_loop3A_757 : vector<16xi32>
      %parallel_loop3A_759 = arith.constant 1 : i32
      %parallel_loop3A_760 = vector.broadcast %parallel_loop3A_759 : i32 to vector<16xi32>
      %parallel_loop3A_761 = arith.addi %parallel_loop3A_750, %parallel_loop3A_760 : vector<16xi32>
      scf.yield %parallel_loop3A_758, %parallel_loop3A_761 : vector<16xi32>, vector<16xi32>
    } {sc.loop_unroll_factor = 8 : i64, sc.parallel_access}
    %get3A_284 = arith.constant 224 : index
    %get3A_285 = tpu.vector_load %arg7[%get3A_284] {strides = array<i32>} : memref<512xi32, #tpu.memory_space<vmem>>, vector<16xi32>,
    %jit3A_286 = arith.constant 0 : i32
    %jit3A_287 = arith.constant 63 : i32
    %max3A_288 = vector.broadcast %jit3A_286 : i32 to vector<16xi32>
    %max3A_289 = arith.maxsi %max3A_288, %get3A_285 : vector<16xi32>
    %min3A_290 = vector.broadcast %jit3A_287 : i32 to vector<16xi32>
    %min3A_291 = arith.minsi %min3A_290, %max3A_289 : vector<16xi32>
    %add3A_292 = arith.constant 96 : i32
    %add3A_293 = vector.broadcast %add3A_292 : i32 to vector<16xi32>
    %add3A_294 = arith.addi %add3A_293, %iota3A : vector<16xi32>
    %broadcast_in_dim3A_295 = arith.constant 0 : i32
    %broadcast_in_dim3A_296 = vector.broadcast %broadcast_in_dim3A_295 : i32 to vector<16xi32>
    %parallel_loop3A_297 = arith.constant 0 : i32
    %parallel_loop3A_298 = arith.constant 128 : i32
    %parallel_loop3A_299 = arith.constant 1 : i32
    %parallel_loop3A_300:2 = scf.for %parallel_loop3A_748 = %parallel_loop3A_297 to %parallel_loop3A_298 step %parallel_loop3A_299 iter_args(%parallel_loop3A_749 = %min3A_291, %parallel_loop3A_750 = %broadcast_in_dim3A_296) -> (vector<16xi32>, vector<16xi32>)  : i32 {
      %parallel_loop3A_751 = arith.index_cast %parallel_loop3A_748 : i32 to index
      %parallel_loop3A_752 = arith.constant 96 : index
      %parallel_loop3A_753 = tpu.vector_load %arg8[%parallel_loop3A_751, %parallel_loop3A_752] {strides = array<i32>} : memref<128x128xf32, #tpu.memory_space<vmem>>, vector<16xf32>,
      %parallel_loop3A_754 = tpu.vector_load_idx %arg6[%parallel_loop3A_749] : memref<8192xf32, #tpu.memory_space<vmem>>[vector<16xi32>], vector<16xf32>,
      %parallel_loop3A_755 = arith.mulf %parallel_loop3A_753, %parallel_loop3A_754 : vector<16xf32>
      tpu.vector_store_idx %arg10[%add3A_294, %parallel_loop3A_750], %parallel_loop3A_755 : memref<128x129xf32, #tpu.memory_space<vmem>>[vector<16xi32>, vector<16xi32>], vector<16xf32>,
      %parallel_loop3A_756 = arith.constant 64 : i32
      %parallel_loop3A_757 = vector.broadcast %parallel_loop3A_756 : i32 to vector<16xi32>
      %parallel_loop3A_758 = arith.addi %parallel_loop3A_749, %parallel_loop3A_757 : vector<16xi32>
      %parallel_loop3A_759 = arith.constant 1 : i32
      %parallel_loop3A_760 = vector.broadcast %parallel_loop3A_759 : i32 to vector<16xi32>
      %parallel_loop3A_761 = arith.addi %parallel_loop3A_750, %parallel_loop3A_760 : vector<16xi32>
      scf.yield %parallel_loop3A_758, %parallel_loop3A_761 : vector<16xi32>, vector<16xi32>
    } {sc.loop_unroll_factor = 8 : i64, sc.parallel_access}
    %get3A_301 = arith.constant 240 : index
    %get3A_302 = tpu.vector_load %arg7[%get3A_301] {strides = array<i32>} : memref<512xi32, #tpu.memory_space<vmem>>, vector<16xi32>,
    %jit3A_303 = arith.constant 0 : i32
    %jit3A_304 = arith.constant 63 : i32
    %max3A_305 = vector.broadcast %jit3A_303 : i32 to vector<16xi32>
    %max3A_306 = arith.maxsi %max3A_305, %get3A_302 : vector<16xi32>
    %min3A_307 = vector.broadcast %jit3A_304 : i32 to vector<16xi32>
    %min3A_308 = arith.minsi %min3A_307, %max3A_306 : vector<16xi32>
    %add3A_309 = arith.constant 112 : i32
    %add3A_310 = vector.broadcast %add3A_309 : i32 to vector<16xi32>
    %add3A_311 = arith.addi %add3A_310, %iota3A : vector<16xi32>
    %broadcast_in_dim3A_312 = arith.constant 0 : i32
    %broadcast_in_dim3A_313 = vector.broadcast %broadcast_in_dim3A_312 : i32 to vector<16xi32>
    %parallel_loop3A_314 = arith.constant 0 : i32
    %parallel_loop3A_315 = arith.constant 128 : i32
    %parallel_loop3A_316 = arith.constant 1 : i32
    %parallel_loop3A_317:2 = scf.for %parallel_loop3A_748 = %parallel_loop3A_314 to %parallel_loop3A_315 step %parallel_loop3A_316 iter_args(%parallel_loop3A_749 = %min3A_308, %parallel_loop3A_750 = %broadcast_in_dim3A_313) -> (vector<16xi32>, vector<16xi32>)  : i32 {
      %parallel_loop3A_751 = arith.index_cast %parallel_loop3A_748 : i32 to index
      %parallel_loop3A_752 = arith.constant 112 : index
      %parallel_loop3A_753 = tpu.vector_load %arg8[%parallel_loop3A_751, %parallel_loop3A_752] {strides = array<i32>} : memref<128x128xf32, #tpu.memory_space<vmem>>, vector<16xf32>,
      %parallel_loop3A_754 = tpu.vector_load_idx %arg6[%parallel_loop3A_749] : memref<8192xf32, #tpu.memory_space<vmem>>[vector<16xi32>], vector<16xf32>,
      %parallel_loop3A_755 = arith.mulf %parallel_loop3A_753, %parallel_loop3A_754 : vector<16xf32>
      tpu.vector_store_idx %arg10[%add3A_311, %parallel_loop3A_750], %parallel_loop3A_755 : memref<128x129xf32, #tpu.memory_space<vmem>>[vector<16xi32>, vector<16xi32>], vector<16xf32>,
      %parallel_loop3A_756 = arith.constant 64 : i32
      %parallel_loop3A_757 = vector.broadcast %parallel_loop3A_756 : i32 to vector<16xi32>
      %parallel_loop3A_758 = arith.addi %parallel_loop3A_749, %parallel_loop3A_757 : vector<16xi32>
      %parallel_loop3A_759 = arith.constant 1 : i32
      %parallel_loop3A_760 = vector.broadcast %parallel_loop3A_759 : i32 to vector<16xi32>
      %parallel_loop3A_761 = arith.addi %parallel_loop3A_750, %parallel_loop3A_760 : vector<16xi32>
      scf.yield %parallel_loop3A_758, %parallel_loop3A_761 : vector<16xi32>, vector<16xi32>
    } {sc.loop_unroll_factor = 8 : i64, sc.parallel_access}
    %dma_start3A_318 = arith.constant 0 : i32
    %dma_start3A_319 = arith.constant 0 : i32
    %dma_start3A_320 = tpu.memref_slice %arg10[%dma_start3A_318, %dma_start3A_319] : memref<128x129xf32, #tpu.memory_space<vmem>> -> memref<128x128xf32, #tpu.memory_space<vmem>>
    %dma_start3A_321 = arith.constant 0 : i32
    %dma_start3A_322 = tpu.memref_slice %arg4[%add3A_171, %dma_start3A_321] : memref<16384x128xf32, #tpu.memory_space<hbm>> -> memref<128x128xf32, #tpu.memory_space<hbm>>
    %dma_start3A_323 = arith.constant 0 : i32
    %dma_start3A_324 = tpu.memref_slice %arg4[%add3A_171, %dma_start3A_323] : memref<16384x128xf32, #tpu.memory_space<hbm>> -> memref<128x128xf32, #tpu.memory_space<hbm>>
    %dma_start3A_325 = arith.constant 0 : i32
    %dma_start3A_326 = arith.constant 0 : i32
    %dma_start3A_327 = tpu.memref_slice %arg10[%dma_start3A_325, %dma_start3A_326] : memref<128x129xf32, #tpu.memory_space<vmem>> -> memref<128x128xf32, #tpu.memory_space<vmem>>
    tpu.enqueue_dma source(%dma_start3A_327 : memref<128x128xf32, #tpu.memory_space<vmem>>) target(%dma_start3A_324 : memref<128x128xf32, #tpu.memory_space<hbm>>) target_semaphore(%arg14 : memref<!tpu.dma_semaphore, #tpu.memory_space<semaphore_mem>>)
    %dma_start3A_328 = arith.constant 0 : i32
    %dma_start3A_329 = arith.constant 0 : i32
    %dma_start3A_330 = tpu.memref_slice %arg10[%dma_start3A_328, %dma_start3A_329] : memref<128x129xf32, #tpu.memory_space<vmem>> -> memref<128x128xf32, #tpu.memory_space<vmem>>
    %dma_start3A_331 = arith.constant 0 : i32
    %dma_start3A_332 = tpu.memref_slice %arg5[%add3A_171, %dma_start3A_331] : memref<16384x128xf32, #tpu.memory_space<hbm>> -> memref<128x128xf32, #tpu.memory_space<hbm>>
    %dma_start3A_333 = arith.constant 0 : i32
    %dma_start3A_334 = tpu.memref_slice %arg5[%add3A_171, %dma_start3A_333] : memref<16384x128xf32, #tpu.memory_space<hbm>> -> memref<128x128xf32, #tpu.memory_space<hbm>>
    %dma_start3A_335 = arith.constant 0 : i32
    %dma_start3A_336 = arith.constant 0 : i32
    %dma_start3A_337 = tpu.memref_slice %arg10[%dma_start3A_335, %dma_start3A_336] : memref<128x129xf32, #tpu.memory_space<vmem>> -> memref<128x128xf32, #tpu.memory_space<vmem>>
    tpu.enqueue_dma source(%dma_start3A_337 : memref<128x128xf32, #tpu.memory_space<vmem>>) target(%dma_start3A_334 : memref<128x128xf32, #tpu.memory_space<hbm>>) target_semaphore(%arg14 : memref<!tpu.dma_semaphore, #tpu.memory_space<semaphore_mem>>)
    %add3A_338 = arith.constant 256 : i32
    %add3A_339 = arith.addi %mul3A_2, %add3A_338 : i32
    %dma_wait3A_340 = arith.constant 0 : i32
    %dma_wait3A_341 = tpu.memref_slice %arg2[%dma_wait3A_340, %add3A_177] : memref<128x16384xf32, #tpu.memory_space<hbm>> -> memref<128x128xf32, #tpu.memory_space<hbm>>
    %dma_wait3A_342 = arith.constant 0 : i32
    %dma_wait3A_343 = tpu.memref_slice %arg2[%dma_wait3A_342, %add3A_177] : memref<128x16384xf32, #tpu.memory_space<hbm>> -> memref<128x128xf32, #tpu.memory_space<hbm>>
    tpu.wait_dma2 semaphore(%arg13 : memref<!tpu.dma_semaphore, #tpu.memory_space<semaphore_mem>>) src(%dma_wait3A_343 : memref<128x128xf32, #tpu.memory_space<hbm>>) dst(%arg9 : memref<128x128xf32, #tpu.memory_space<vmem>>)
    %add3A_344 = arith.constant 128 : i32
    %add3A_345 = arith.addi %add3A_339, %add3A_344 : i32
    %dma_start3A_346 = arith.constant 0 : i32
    %dma_start3A_347 = tpu.memref_slice %arg2[%dma_start3A_346, %add3A_345] : memref<128x16384xf32, #tpu.memory_space<hbm>> -> memref<128x128xf32, #tpu.memory_space<hbm>>
    %dma_start3A_348 = arith.constant 0 : i32
    %dma_start3A_349 = tpu.memref_slice %arg2[%dma_start3A_348, %add3A_345] : memref<128x16384xf32, #tpu.memory_space<hbm>> -> memref<128x128xf32, #tpu.memory_space<hbm>>
    tpu.enqueue_dma source(%dma_start3A_349 : memref<128x128xf32, #tpu.memory_space<hbm>>) target(%arg8 : memref<128x128xf32, #tpu.memory_space<vmem>>) target_semaphore(%arg12 : memref<!tpu.dma_semaphore, #tpu.memory_space<semaphore_mem>>)
    %dma_wait3A_350 = arith.constant 0 : i32
    %dma_wait3A_351 = arith.constant 0 : i32
    %dma_wait3A_352 = tpu.memref_slice %arg11[%dma_wait3A_350, %dma_wait3A_351] : memref<128x129xf32, #tpu.memory_space<vmem>> -> memref<128x128xf32, #tpu.memory_space<vmem>>
    %dma_wait3A_353 = arith.constant 0 : i32
    %dma_wait3A_354 = tpu.memref_slice %arg4[%add3A_9, %dma_wait3A_353] : memref<16384x128xf32, #tpu.memory_space<hbm>> -> memref<128x128xf32, #tpu.memory_space<hbm>>
    %dma_wait3A_355 = arith.constant 0 : i32
    %dma_wait3A_356 = tpu.memref_slice %arg4[%add3A_9, %dma_wait3A_355] : memref<16384x128xf32, #tpu.memory_space<hbm>> -> memref<128x128xf32, #tpu.memory_space<hbm>>
    %dma_wait3A_357 = arith.constant 0 : i32
    %dma_wait3A_358 = arith.constant 0 : i32
    %dma_wait3A_359 = tpu.memref_slice %arg11[%dma_wait3A_357, %dma_wait3A_358] : memref<128x129xf32, #tpu.memory_space<vmem>> -> memref<128x128xf32, #tpu.memory_space<vmem>>
    tpu.wait_dma2 semaphore(%arg15 : memref<!tpu.dma_semaphore, #tpu.memory_space<semaphore_mem>>) src(%dma_wait3A_359 : memref<128x128xf32, #tpu.memory_space<vmem>>) dst(%dma_wait3A_356 : memref<128x128xf32, #tpu.memory_space<hbm>>)
    %dma_wait3A_360 = arith.constant 0 : i32
    %dma_wait3A_361 = arith.constant 0 : i32
    %dma_wait3A_362 = tpu.memref_slice %arg11[%dma_wait3A_360, %dma_wait3A_361] : memref<128x129xf32, #tpu.memory_space<vmem>> -> memref<128x128xf32, #tpu.memory_space<vmem>>
    %dma_wait3A_363 = arith.constant 0 : i32
    %dma_wait3A_364 = tpu.memref_slice %arg5[%add3A_9, %dma_wait3A_363] : memref<16384x128xf32, #tpu.memory_space<hbm>> -> memref<128x128xf32, #tpu.memory_space<hbm>>
    %dma_wait3A_365 = arith.constant 0 : i32
    %dma_wait3A_366 = tpu.memref_slice %arg5[%add3A_9, %dma_wait3A_365] : memref<16384x128xf32, #tpu.memory_space<hbm>> -> memref<128x128xf32, #tpu.memory_space<hbm>>
    %dma_wait3A_367 = arith.constant 0 : i32
    %dma_wait3A_368 = arith.constant 0 : i32
    %dma_wait3A_369 = tpu.memref_slice %arg11[%dma_wait3A_367, %dma_wait3A_368] : memref<128x129xf32, #tpu.memory_space<vmem>> -> memref<128x128xf32, #tpu.memory_space<vmem>>
    tpu.wait_dma2 semaphore(%arg15 : memref<!tpu.dma_semaphore, #tpu.memory_space<semaphore_mem>>) src(%dma_wait3A_369 : memref<128x128xf32, #tpu.memory_space<vmem>>) dst(%dma_wait3A_366 : memref<128x128xf32, #tpu.memory_space<hbm>>)
    %get3A_370 = arith.constant 256 : index
    %get3A_371 = tpu.vector_load %arg7[%get3A_370] {strides = array<i32>} : memref<512xi32, #tpu.memory_space<vmem>>, vector<16xi32>,
    %jit3A_372 = arith.constant 0 : i32
    %jit3A_373 = arith.constant 63 : i32
    %max3A_374 = vector.broadcast %jit3A_372 : i32 to vector<16xi32>
    %max3A_375 = arith.maxsi %max3A_374, %get3A_371 : vector<16xi32>
    %min3A_376 = vector.broadcast %jit3A_373 : i32 to vector<16xi32>
    %min3A_377 = arith.minsi %min3A_376, %max3A_375 : vector<16xi32>
    %add3A_378 = arith.constant 0 : i32
    %add3A_379 = vector.broadcast %add3A_378 : i32 to vector<16xi32>
    %add3A_380 = arith.addi %add3A_379, %iota3A : vector<16xi32>
    %broadcast_in_dim3A_381 = arith.constant 0 : i32
    %broadcast_in_dim3A_382 = vector.broadcast %broadcast_in_dim3A_381 : i32 to vector<16xi32>
    %parallel_loop3A_383 = arith.constant 0 : i32
    %parallel_loop3A_384 = arith.constant 128 : i32
    %parallel_loop3A_385 = arith.constant 1 : i32
    %parallel_loop3A_386:2 = scf.for %parallel_loop3A_748 = %parallel_loop3A_383 to %parallel_loop3A_384 step %parallel_loop3A_385 iter_args(%parallel_loop3A_749 = %min3A_377, %parallel_loop3A_750 = %broadcast_in_dim3A_382) -> (vector<16xi32>, vector<16xi32>)  : i32 {
      %parallel_loop3A_751 = arith.index_cast %parallel_loop3A_748 : i32 to index
      %parallel_loop3A_752 = arith.constant 0 : index
      %parallel_loop3A_753 = tpu.vector_load %arg9[%parallel_loop3A_751, %parallel_loop3A_752] {strides = array<i32>} : memref<128x128xf32, #tpu.memory_space<vmem>>, vector<16xf32>,
      %parallel_loop3A_754 = tpu.vector_load_idx %arg6[%parallel_loop3A_749] : memref<8192xf32, #tpu.memory_space<vmem>>[vector<16xi32>], vector<16xf32>,
      %parallel_loop3A_755 = arith.mulf %parallel_loop3A_753, %parallel_loop3A_754 : vector<16xf32>
      tpu.vector_store_idx %arg11[%add3A_380, %parallel_loop3A_750], %parallel_loop3A_755 : memref<128x129xf32, #tpu.memory_space<vmem>>[vector<16xi32>, vector<16xi32>], vector<16xf32>,
      %parallel_loop3A_756 = arith.constant 64 : i32
      %parallel_loop3A_757 = vector.broadcast %parallel_loop3A_756 : i32 to vector<16xi32>
      %parallel_loop3A_758 = arith.addi %parallel_loop3A_749, %parallel_loop3A_757 : vector<16xi32>
      %parallel_loop3A_759 = arith.constant 1 : i32
      %parallel_loop3A_760 = vector.broadcast %parallel_loop3A_759 : i32 to vector<16xi32>
      %parallel_loop3A_761 = arith.addi %parallel_loop3A_750, %parallel_loop3A_760 : vector<16xi32>
      scf.yield %parallel_loop3A_758, %parallel_loop3A_761 : vector<16xi32>, vector<16xi32>
    } {sc.loop_unroll_factor = 8 : i64, sc.parallel_access}
    %get3A_387 = arith.constant 272 : index
    %get3A_388 = tpu.vector_load %arg7[%get3A_387] {strides = array<i32>} : memref<512xi32, #tpu.memory_space<vmem>>, vector<16xi32>,
    %jit3A_389 = arith.constant 0 : i32
    %jit3A_390 = arith.constant 63 : i32
    %max3A_391 = vector.broadcast %jit3A_389 : i32 to vector<16xi32>
    %max3A_392 = arith.maxsi %max3A_391, %get3A_388 : vector<16xi32>
    %min3A_393 = vector.broadcast %jit3A_390 : i32 to vector<16xi32>
    %min3A_394 = arith.minsi %min3A_393, %max3A_392 : vector<16xi32>
    %add3A_395 = arith.constant 16 : i32
    %add3A_396 = vector.broadcast %add3A_395 : i32 to vector<16xi32>
    %add3A_397 = arith.addi %add3A_396, %iota3A : vector<16xi32>
    %broadcast_in_dim3A_398 = arith.constant 0 : i32
    %broadcast_in_dim3A_399 = vector.broadcast %broadcast_in_dim3A_398 : i32 to vector<16xi32>
    %parallel_loop3A_400 = arith.constant 0 : i32
    %parallel_loop3A_401 = arith.constant 128 : i32
    %parallel_loop3A_402 = arith.constant 1 : i32
    %parallel_loop3A_403:2 = scf.for %parallel_loop3A_748 = %parallel_loop3A_400 to %parallel_loop3A_401 step %parallel_loop3A_402 iter_args(%parallel_loop3A_749 = %min3A_394, %parallel_loop3A_750 = %broadcast_in_dim3A_399) -> (vector<16xi32>, vector<16xi32>)  : i32 {
      %parallel_loop3A_751 = arith.index_cast %parallel_loop3A_748 : i32 to index
      %parallel_loop3A_752 = arith.constant 16 : index
      %parallel_loop3A_753 = tpu.vector_load %arg9[%parallel_loop3A_751, %parallel_loop3A_752] {strides = array<i32>} : memref<128x128xf32, #tpu.memory_space<vmem>>, vector<16xf32>,
      %parallel_loop3A_754 = tpu.vector_load_idx %arg6[%parallel_loop3A_749] : memref<8192xf32, #tpu.memory_space<vmem>>[vector<16xi32>], vector<16xf32>,
      %parallel_loop3A_755 = arith.mulf %parallel_loop3A_753, %parallel_loop3A_754 : vector<16xf32>
      tpu.vector_store_idx %arg11[%add3A_397, %parallel_loop3A_750], %parallel_loop3A_755 : memref<128x129xf32, #tpu.memory_space<vmem>>[vector<16xi32>, vector<16xi32>], vector<16xf32>,
      %parallel_loop3A_756 = arith.constant 64 : i32
      %parallel_loop3A_757 = vector.broadcast %parallel_loop3A_756 : i32 to vector<16xi32>
      %parallel_loop3A_758 = arith.addi %parallel_loop3A_749, %parallel_loop3A_757 : vector<16xi32>
      %parallel_loop3A_759 = arith.constant 1 : i32
      %parallel_loop3A_760 = vector.broadcast %parallel_loop3A_759 : i32 to vector<16xi32>
      %parallel_loop3A_761 = arith.addi %parallel_loop3A_750, %parallel_loop3A_760 : vector<16xi32>
      scf.yield %parallel_loop3A_758, %parallel_loop3A_761 : vector<16xi32>, vector<16xi32>
    } {sc.loop_unroll_factor = 8 : i64, sc.parallel_access}
    %get3A_404 = arith.constant 288 : index
    %get3A_405 = tpu.vector_load %arg7[%get3A_404] {strides = array<i32>} : memref<512xi32, #tpu.memory_space<vmem>>, vector<16xi32>,
    %jit3A_406 = arith.constant 0 : i32
    %jit3A_407 = arith.constant 63 : i32
    %max3A_408 = vector.broadcast %jit3A_406 : i32 to vector<16xi32>
    %max3A_409 = arith.maxsi %max3A_408, %get3A_405 : vector<16xi32>
    %min3A_410 = vector.broadcast %jit3A_407 : i32 to vector<16xi32>
    %min3A_411 = arith.minsi %min3A_410, %max3A_409 : vector<16xi32>
    %add3A_412 = arith.constant 32 : i32
    %add3A_413 = vector.broadcast %add3A_412 : i32 to vector<16xi32>
    %add3A_414 = arith.addi %add3A_413, %iota3A : vector<16xi32>
    %broadcast_in_dim3A_415 = arith.constant 0 : i32
    %broadcast_in_dim3A_416 = vector.broadcast %broadcast_in_dim3A_415 : i32 to vector<16xi32>
    %parallel_loop3A_417 = arith.constant 0 : i32
    %parallel_loop3A_418 = arith.constant 128 : i32
    %parallel_loop3A_419 = arith.constant 1 : i32
    %parallel_loop3A_420:2 = scf.for %parallel_loop3A_748 = %parallel_loop3A_417 to %parallel_loop3A_418 step %parallel_loop3A_419 iter_args(%parallel_loop3A_749 = %min3A_411, %parallel_loop3A_750 = %broadcast_in_dim3A_416) -> (vector<16xi32>, vector<16xi32>)  : i32 {
      %parallel_loop3A_751 = arith.index_cast %parallel_loop3A_748 : i32 to index
      %parallel_loop3A_752 = arith.constant 32 : index
      %parallel_loop3A_753 = tpu.vector_load %arg9[%parallel_loop3A_751, %parallel_loop3A_752] {strides = array<i32>} : memref<128x128xf32, #tpu.memory_space<vmem>>, vector<16xf32>,
      %parallel_loop3A_754 = tpu.vector_load_idx %arg6[%parallel_loop3A_749] : memref<8192xf32, #tpu.memory_space<vmem>>[vector<16xi32>], vector<16xf32>,
      %parallel_loop3A_755 = arith.mulf %parallel_loop3A_753, %parallel_loop3A_754 : vector<16xf32>
      tpu.vector_store_idx %arg11[%add3A_414, %parallel_loop3A_750], %parallel_loop3A_755 : memref<128x129xf32, #tpu.memory_space<vmem>>[vector<16xi32>, vector<16xi32>], vector<16xf32>,
      %parallel_loop3A_756 = arith.constant 64 : i32
      %parallel_loop3A_757 = vector.broadcast %parallel_loop3A_756 : i32 to vector<16xi32>
      %parallel_loop3A_758 = arith.addi %parallel_loop3A_749, %parallel_loop3A_757 : vector<16xi32>
      %parallel_loop3A_759 = arith.constant 1 : i32
      %parallel_loop3A_760 = vector.broadcast %parallel_loop3A_759 : i32 to vector<16xi32>
      %parallel_loop3A_761 = arith.addi %parallel_loop3A_750, %parallel_loop3A_760 : vector<16xi32>
      scf.yield %parallel_loop3A_758, %parallel_loop3A_761 : vector<16xi32>, vector<16xi32>
    } {sc.loop_unroll_factor = 8 : i64, sc.parallel_access}
    %get3A_421 = arith.constant 304 : index
    %get3A_422 = tpu.vector_load %arg7[%get3A_421] {strides = array<i32>} : memref<512xi32, #tpu.memory_space<vmem>>, vector<16xi32>,
    %jit3A_423 = arith.constant 0 : i32
    %jit3A_424 = arith.constant 63 : i32
    %max3A_425 = vector.broadcast %jit3A_423 : i32 to vector<16xi32>
    %max3A_426 = arith.maxsi %max3A_425, %get3A_422 : vector<16xi32>
    %min3A_427 = vector.broadcast %jit3A_424 : i32 to vector<16xi32>
    %min3A_428 = arith.minsi %min3A_427, %max3A_426 : vector<16xi32>
    %add3A_429 = arith.constant 48 : i32
    %add3A_430 = vector.broadcast %add3A_429 : i32 to vector<16xi32>
    %add3A_431 = arith.addi %add3A_430, %iota3A : vector<16xi32>
    %broadcast_in_dim3A_432 = arith.constant 0 : i32
    %broadcast_in_dim3A_433 = vector.broadcast %broadcast_in_dim3A_432 : i32 to vector<16xi32>
    %parallel_loop3A_434 = arith.constant 0 : i32
    %parallel_loop3A_435 = arith.constant 128 : i32
    %parallel_loop3A_436 = arith.constant 1 : i32
    %parallel_loop3A_437:2 = scf.for %parallel_loop3A_748 = %parallel_loop3A_434 to %parallel_loop3A_435 step %parallel_loop3A_436 iter_args(%parallel_loop3A_749 = %min3A_428, %parallel_loop3A_750 = %broadcast_in_dim3A_433) -> (vector<16xi32>, vector<16xi32>)  : i32 {
      %parallel_loop3A_751 = arith.index_cast %parallel_loop3A_748 : i32 to index
      %parallel_loop3A_752 = arith.constant 48 : index
      %parallel_loop3A_753 = tpu.vector_load %arg9[%parallel_loop3A_751, %parallel_loop3A_752] {strides = array<i32>} : memref<128x128xf32, #tpu.memory_space<vmem>>, vector<16xf32>,
      %parallel_loop3A_754 = tpu.vector_load_idx %arg6[%parallel_loop3A_749] : memref<8192xf32, #tpu.memory_space<vmem>>[vector<16xi32>], vector<16xf32>,
      %parallel_loop3A_755 = arith.mulf %parallel_loop3A_753, %parallel_loop3A_754 : vector<16xf32>
      tpu.vector_store_idx %arg11[%add3A_431, %parallel_loop3A_750], %parallel_loop3A_755 : memref<128x129xf32, #tpu.memory_space<vmem>>[vector<16xi32>, vector<16xi32>], vector<16xf32>,
      %parallel_loop3A_756 = arith.constant 64 : i32
      %parallel_loop3A_757 = vector.broadcast %parallel_loop3A_756 : i32 to vector<16xi32>
      %parallel_loop3A_758 = arith.addi %parallel_loop3A_749, %parallel_loop3A_757 : vector<16xi32>
      %parallel_loop3A_759 = arith.constant 1 : i32
      %parallel_loop3A_760 = vector.broadcast %parallel_loop3A_759 : i32 to vector<16xi32>
      %parallel_loop3A_761 = arith.addi %parallel_loop3A_750, %parallel_loop3A_760 : vector<16xi32>
      scf.yield %parallel_loop3A_758, %parallel_loop3A_761 : vector<16xi32>, vector<16xi32>
    } {sc.loop_unroll_factor = 8 : i64, sc.parallel_access}
    %get3A_438 = arith.constant 320 : index
    %get3A_439 = tpu.vector_load %arg7[%get3A_438] {strides = array<i32>} : memref<512xi32, #tpu.memory_space<vmem>>, vector<16xi32>,
    %jit3A_440 = arith.constant 0 : i32
    %jit3A_441 = arith.constant 63 : i32
    %max3A_442 = vector.broadcast %jit3A_440 : i32 to vector<16xi32>
    %max3A_443 = arith.maxsi %max3A_442, %get3A_439 : vector<16xi32>
    %min3A_444 = vector.broadcast %jit3A_441 : i32 to vector<16xi32>
    %min3A_445 = arith.minsi %min3A_444, %max3A_443 : vector<16xi32>
    %add3A_446 = arith.constant 64 : i32
    %add3A_447 = vector.broadcast %add3A_446 : i32 to vector<16xi32>
    %add3A_448 = arith.addi %add3A_447, %iota3A : vector<16xi32>
    %broadcast_in_dim3A_449 = arith.constant 0 : i32
    %broadcast_in_dim3A_450 = vector.broadcast %broadcast_in_dim3A_449 : i32 to vector<16xi32>
    %parallel_loop3A_451 = arith.constant 0 : i32
    %parallel_loop3A_452 = arith.constant 128 : i32
    %parallel_loop3A_453 = arith.constant 1 : i32
    %parallel_loop3A_454:2 = scf.for %parallel_loop3A_748 = %parallel_loop3A_451 to %parallel_loop3A_452 step %parallel_loop3A_453 iter_args(%parallel_loop3A_749 = %min3A_445, %parallel_loop3A_750 = %broadcast_in_dim3A_450) -> (vector<16xi32>, vector<16xi32>)  : i32 {
      %parallel_loop3A_751 = arith.index_cast %parallel_loop3A_748 : i32 to index
      %parallel_loop3A_752 = arith.constant 64 : index
      %parallel_loop3A_753 = tpu.vector_load %arg9[%parallel_loop3A_751, %parallel_loop3A_752] {strides = array<i32>} : memref<128x128xf32, #tpu.memory_space<vmem>>, vector<16xf32>,
      %parallel_loop3A_754 = tpu.vector_load_idx %arg6[%parallel_loop3A_749] : memref<8192xf32, #tpu.memory_space<vmem>>[vector<16xi32>], vector<16xf32>,
      %parallel_loop3A_755 = arith.mulf %parallel_loop3A_753, %parallel_loop3A_754 : vector<16xf32>
      tpu.vector_store_idx %arg11[%add3A_448, %parallel_loop3A_750], %parallel_loop3A_755 : memref<128x129xf32, #tpu.memory_space<vmem>>[vector<16xi32>, vector<16xi32>], vector<16xf32>,
      %parallel_loop3A_756 = arith.constant 64 : i32
      %parallel_loop3A_757 = vector.broadcast %parallel_loop3A_756 : i32 to vector<16xi32>
      %parallel_loop3A_758 = arith.addi %parallel_loop3A_749, %parallel_loop3A_757 : vector<16xi32>
      %parallel_loop3A_759 = arith.constant 1 : i32
      %parallel_loop3A_760 = vector.broadcast %parallel_loop3A_759 : i32 to vector<16xi32>
      %parallel_loop3A_761 = arith.addi %parallel_loop3A_750, %parallel_loop3A_760 : vector<16xi32>
      scf.yield %parallel_loop3A_758, %parallel_loop3A_761 : vector<16xi32>, vector<16xi32>
    } {sc.loop_unroll_factor = 8 : i64, sc.parallel_access}
    %get3A_455 = arith.constant 336 : index
    %get3A_456 = tpu.vector_load %arg7[%get3A_455] {strides = array<i32>} : memref<512xi32, #tpu.memory_space<vmem>>, vector<16xi32>,
    %jit3A_457 = arith.constant 0 : i32
    %jit3A_458 = arith.constant 63 : i32
    %max3A_459 = vector.broadcast %jit3A_457 : i32 to vector<16xi32>
    %max3A_460 = arith.maxsi %max3A_459, %get3A_456 : vector<16xi32>
    %min3A_461 = vector.broadcast %jit3A_458 : i32 to vector<16xi32>
    %min3A_462 = arith.minsi %min3A_461, %max3A_460 : vector<16xi32>
    %add3A_463 = arith.constant 80 : i32
    %add3A_464 = vector.broadcast %add3A_463 : i32 to vector<16xi32>
    %add3A_465 = arith.addi %add3A_464, %iota3A : vector<16xi32>
    %broadcast_in_dim3A_466 = arith.constant 0 : i32
    %broadcast_in_dim3A_467 = vector.broadcast %broadcast_in_dim3A_466 : i32 to vector<16xi32>
    %parallel_loop3A_468 = arith.constant 0 : i32
    %parallel_loop3A_469 = arith.constant 128 : i32
    %parallel_loop3A_470 = arith.constant 1 : i32
    %parallel_loop3A_471:2 = scf.for %parallel_loop3A_748 = %parallel_loop3A_468 to %parallel_loop3A_469 step %parallel_loop3A_470 iter_args(%parallel_loop3A_749 = %min3A_462, %parallel_loop3A_750 = %broadcast_in_dim3A_467) -> (vector<16xi32>, vector<16xi32>)  : i32 {
      %parallel_loop3A_751 = arith.index_cast %parallel_loop3A_748 : i32 to index
      %parallel_loop3A_752 = arith.constant 80 : index
      %parallel_loop3A_753 = tpu.vector_load %arg9[%parallel_loop3A_751, %parallel_loop3A_752] {strides = array<i32>} : memref<128x128xf32, #tpu.memory_space<vmem>>, vector<16xf32>,
      %parallel_loop3A_754 = tpu.vector_load_idx %arg6[%parallel_loop3A_749] : memref<8192xf32, #tpu.memory_space<vmem>>[vector<16xi32>], vector<16xf32>,
      %parallel_loop3A_755 = arith.mulf %parallel_loop3A_753, %parallel_loop3A_754 : vector<16xf32>
      tpu.vector_store_idx %arg11[%add3A_465, %parallel_loop3A_750], %parallel_loop3A_755 : memref<128x129xf32, #tpu.memory_space<vmem>>[vector<16xi32>, vector<16xi32>], vector<16xf32>,
      %parallel_loop3A_756 = arith.constant 64 : i32
      %parallel_loop3A_757 = vector.broadcast %parallel_loop3A_756 : i32 to vector<16xi32>
      %parallel_loop3A_758 = arith.addi %parallel_loop3A_749, %parallel_loop3A_757 : vector<16xi32>
      %parallel_loop3A_759 = arith.constant 1 : i32
      %parallel_loop3A_760 = vector.broadcast %parallel_loop3A_759 : i32 to vector<16xi32>
      %parallel_loop3A_761 = arith.addi %parallel_loop3A_750, %parallel_loop3A_760 : vector<16xi32>
      scf.yield %parallel_loop3A_758, %parallel_loop3A_761 : vector<16xi32>, vector<16xi32>
    } {sc.loop_unroll_factor = 8 : i64, sc.parallel_access}
    %get3A_472 = arith.constant 352 : index
    %get3A_473 = tpu.vector_load %arg7[%get3A_472] {strides = array<i32>} : memref<512xi32, #tpu.memory_space<vmem>>, vector<16xi32>,
    %jit3A_474 = arith.constant 0 : i32
    %jit3A_475 = arith.constant 63 : i32
    %max3A_476 = vector.broadcast %jit3A_474 : i32 to vector<16xi32>
    %max3A_477 = arith.maxsi %max3A_476, %get3A_473 : vector<16xi32>
    %min3A_478 = vector.broadcast %jit3A_475 : i32 to vector<16xi32>
    %min3A_479 = arith.minsi %min3A_478, %max3A_477 : vector<16xi32>
    %add3A_480 = arith.constant 96 : i32
    %add3A_481 = vector.broadcast %add3A_480 : i32 to vector<16xi32>
    %add3A_482 = arith.addi %add3A_481, %iota3A : vector<16xi32>
    %broadcast_in_dim3A_483 = arith.constant 0 : i32
    %broadcast_in_dim3A_484 = vector.broadcast %broadcast_in_dim3A_483 : i32 to vector<16xi32>
    %parallel_loop3A_485 = arith.constant 0 : i32
    %parallel_loop3A_486 = arith.constant 128 : i32
    %parallel_loop3A_487 = arith.constant 1 : i32
    %parallel_loop3A_488:2 = scf.for %parallel_loop3A_748 = %parallel_loop3A_485 to %parallel_loop3A_486 step %parallel_loop3A_487 iter_args(%parallel_loop3A_749 = %min3A_479, %parallel_loop3A_750 = %broadcast_in_dim3A_484) -> (vector<16xi32>, vector<16xi32>)  : i32 {
      %parallel_loop3A_751 = arith.index_cast %parallel_loop3A_748 : i32 to index
      %parallel_loop3A_752 = arith.constant 96 : index
      %parallel_loop3A_753 = tpu.vector_load %arg9[%parallel_loop3A_751, %parallel_loop3A_752] {strides = array<i32>} : memref<128x128xf32, #tpu.memory_space<vmem>>, vector<16xf32>,
      %parallel_loop3A_754 = tpu.vector_load_idx %arg6[%parallel_loop3A_749] : memref<8192xf32, #tpu.memory_space<vmem>>[vector<16xi32>], vector<16xf32>,
      %parallel_loop3A_755 = arith.mulf %parallel_loop3A_753, %parallel_loop3A_754 : vector<16xf32>
      tpu.vector_store_idx %arg11[%add3A_482, %parallel_loop3A_750], %parallel_loop3A_755 : memref<128x129xf32, #tpu.memory_space<vmem>>[vector<16xi32>, vector<16xi32>], vector<16xf32>,
      %parallel_loop3A_756 = arith.constant 64 : i32
      %parallel_loop3A_757 = vector.broadcast %parallel_loop3A_756 : i32 to vector<16xi32>
      %parallel_loop3A_758 = arith.addi %parallel_loop3A_749, %parallel_loop3A_757 : vector<16xi32>
      %parallel_loop3A_759 = arith.constant 1 : i32
      %parallel_loop3A_760 = vector.broadcast %parallel_loop3A_759 : i32 to vector<16xi32>
      %parallel_loop3A_761 = arith.addi %parallel_loop3A_750, %parallel_loop3A_760 : vector<16xi32>
      scf.yield %parallel_loop3A_758, %parallel_loop3A_761 : vector<16xi32>, vector<16xi32>
    } {sc.loop_unroll_factor = 8 : i64, sc.parallel_access}
    %get3A_489 = arith.constant 368 : index
    %get3A_490 = tpu.vector_load %arg7[%get3A_489] {strides = array<i32>} : memref<512xi32, #tpu.memory_space<vmem>>, vector<16xi32>,
    %jit3A_491 = arith.constant 0 : i32
    %jit3A_492 = arith.constant 63 : i32
    %max3A_493 = vector.broadcast %jit3A_491 : i32 to vector<16xi32>
    %max3A_494 = arith.maxsi %max3A_493, %get3A_490 : vector<16xi32>
    %min3A_495 = vector.broadcast %jit3A_492 : i32 to vector<16xi32>
    %min3A_496 = arith.minsi %min3A_495, %max3A_494 : vector<16xi32>
    %add3A_497 = arith.constant 112 : i32
    %add3A_498 = vector.broadcast %add3A_497 : i32 to vector<16xi32>
    %add3A_499 = arith.addi %add3A_498, %iota3A : vector<16xi32>
    %broadcast_in_dim3A_500 = arith.constant 0 : i32
    %broadcast_in_dim3A_501 = vector.broadcast %broadcast_in_dim3A_500 : i32 to vector<16xi32>
    %parallel_loop3A_502 = arith.constant 0 : i32
    %parallel_loop3A_503 = arith.constant 128 : i32
    %parallel_loop3A_504 = arith.constant 1 : i32
    %parallel_loop3A_505:2 = scf.for %parallel_loop3A_748 = %parallel_loop3A_502 to %parallel_loop3A_503 step %parallel_loop3A_504 iter_args(%parallel_loop3A_749 = %min3A_496, %parallel_loop3A_750 = %broadcast_in_dim3A_501) -> (vector<16xi32>, vector<16xi32>)  : i32 {
      %parallel_loop3A_751 = arith.index_cast %parallel_loop3A_748 : i32 to index
      %parallel_loop3A_752 = arith.constant 112 : index
      %parallel_loop3A_753 = tpu.vector_load %arg9[%parallel_loop3A_751, %parallel_loop3A_752] {strides = array<i32>} : memref<128x128xf32, #tpu.memory_space<vmem>>, vector<16xf32>,
      %parallel_loop3A_754 = tpu.vector_load_idx %arg6[%parallel_loop3A_749] : memref<8192xf32, #tpu.memory_space<vmem>>[vector<16xi32>], vector<16xf32>,
      %parallel_loop3A_755 = arith.mulf %parallel_loop3A_753, %parallel_loop3A_754 : vector<16xf32>
      tpu.vector_store_idx %arg11[%add3A_499, %parallel_loop3A_750], %parallel_loop3A_755 : memref<128x129xf32, #tpu.memory_space<vmem>>[vector<16xi32>, vector<16xi32>], vector<16xf32>,
      %parallel_loop3A_756 = arith.constant 64 : i32
      %parallel_loop3A_757 = vector.broadcast %parallel_loop3A_756 : i32 to vector<16xi32>
      %parallel_loop3A_758 = arith.addi %parallel_loop3A_749, %parallel_loop3A_757 : vector<16xi32>
      %parallel_loop3A_759 = arith.constant 1 : i32
      %parallel_loop3A_760 = vector.broadcast %parallel_loop3A_759 : i32 to vector<16xi32>
      %parallel_loop3A_761 = arith.addi %parallel_loop3A_750, %parallel_loop3A_760 : vector<16xi32>
      scf.yield %parallel_loop3A_758, %parallel_loop3A_761 : vector<16xi32>, vector<16xi32>
    } {sc.loop_unroll_factor = 8 : i64, sc.parallel_access}
    %dma_start3A_506 = arith.constant 0 : i32
    %dma_start3A_507 = arith.constant 0 : i32
    %dma_start3A_508 = tpu.memref_slice %arg11[%dma_start3A_506, %dma_start3A_507] : memref<128x129xf32, #tpu.memory_space<vmem>> -> memref<128x128xf32, #tpu.memory_space<vmem>>
    %dma_start3A_509 = arith.constant 0 : i32
    %dma_start3A_510 = tpu.memref_slice %arg4[%add3A_339, %dma_start3A_509] : memref<16384x128xf32, #tpu.memory_space<hbm>> -> memref<128x128xf32, #tpu.memory_space<hbm>>
    %dma_start3A_511 = arith.constant 0 : i32
    %dma_start3A_512 = tpu.memref_slice %arg4[%add3A_339, %dma_start3A_511] : memref<16384x128xf32, #tpu.memory_space<hbm>> -> memref<128x128xf32, #tpu.memory_space<hbm>>
    %dma_start3A_513 = arith.constant 0 : i32
    %dma_start3A_514 = arith.constant 0 : i32
    %dma_start3A_515 = tpu.memref_slice %arg11[%dma_start3A_513, %dma_start3A_514] : memref<128x129xf32, #tpu.memory_space<vmem>> -> memref<128x128xf32, #tpu.memory_space<vmem>>
    tpu.enqueue_dma source(%dma_start3A_515 : memref<128x128xf32, #tpu.memory_space<vmem>>) target(%dma_start3A_512 : memref<128x128xf32, #tpu.memory_space<hbm>>) target_semaphore(%arg15 : memref<!tpu.dma_semaphore, #tpu.memory_space<semaphore_mem>>)
    %dma_start3A_516 = arith.constant 0 : i32
    %dma_start3A_517 = arith.constant 0 : i32
    %dma_start3A_518 = tpu.memref_slice %arg11[%dma_start3A_516, %dma_start3A_517] : memref<128x129xf32, #tpu.memory_space<vmem>> -> memref<128x128xf32, #tpu.memory_space<vmem>>
    %dma_start3A_519 = arith.constant 0 : i32
    %dma_start3A_520 = tpu.memref_slice %arg5[%add3A_339, %dma_start3A_519] : memref<16384x128xf32, #tpu.memory_space<hbm>> -> memref<128x128xf32, #tpu.memory_space<hbm>>
    %dma_start3A_521 = arith.constant 0 : i32
    %dma_start3A_522 = tpu.memref_slice %arg5[%add3A_339, %dma_start3A_521] : memref<16384x128xf32, #tpu.memory_space<hbm>> -> memref<128x128xf32, #tpu.memory_space<hbm>>
    %dma_start3A_523 = arith.constant 0 : i32
    %dma_start3A_524 = arith.constant 0 : i32
    %dma_start3A_525 = tpu.memref_slice %arg11[%dma_start3A_523, %dma_start3A_524] : memref<128x129xf32, #tpu.memory_space<vmem>> -> memref<128x128xf32, #tpu.memory_space<vmem>>
    tpu.enqueue_dma source(%dma_start3A_525 : memref<128x128xf32, #tpu.memory_space<vmem>>) target(%dma_start3A_522 : memref<128x128xf32, #tpu.memory_space<hbm>>) target_semaphore(%arg15 : memref<!tpu.dma_semaphore, #tpu.memory_space<semaphore_mem>>)
    %add3A_526 = arith.constant 384 : i32
    %add3A_527 = arith.addi %mul3A_2, %add3A_526 : i32
    %dma_wait3A_528 = arith.constant 0 : i32
    %dma_wait3A_529 = tpu.memref_slice %arg2[%dma_wait3A_528, %add3A_345] : memref<128x16384xf32, #tpu.memory_space<hbm>> -> memref<128x128xf32, #tpu.memory_space<hbm>>
    %dma_wait3A_530 = arith.constant 0 : i32
    %dma_wait3A_531 = tpu.memref_slice %arg2[%dma_wait3A_530, %add3A_345] : memref<128x16384xf32, #tpu.memory_space<hbm>> -> memref<128x128xf32, #tpu.memory_space<hbm>>
    tpu.wait_dma2 semaphore(%arg12 : memref<!tpu.dma_semaphore, #tpu.memory_space<semaphore_mem>>) src(%dma_wait3A_531 : memref<128x128xf32, #tpu.memory_space<hbm>>) dst(%arg8 : memref<128x128xf32, #tpu.memory_space<vmem>>)
    %dma_wait3A_532 = arith.constant 0 : i32
    %dma_wait3A_533 = arith.constant 0 : i32
    %dma_wait3A_534 = tpu.memref_slice %arg10[%dma_wait3A_532, %dma_wait3A_533] : memref<128x129xf32, #tpu.memory_space<vmem>> -> memref<128x128xf32, #tpu.memory_space<vmem>>
    %dma_wait3A_535 = arith.constant 0 : i32
    %dma_wait3A_536 = tpu.memref_slice %arg4[%add3A_171, %dma_wait3A_535] : memref<16384x128xf32, #tpu.memory_space<hbm>> -> memref<128x128xf32, #tpu.memory_space<hbm>>
    %dma_wait3A_537 = arith.constant 0 : i32
    %dma_wait3A_538 = tpu.memref_slice %arg4[%add3A_171, %dma_wait3A_537] : memref<16384x128xf32, #tpu.memory_space<hbm>> -> memref<128x128xf32, #tpu.memory_space<hbm>>
    %dma_wait3A_539 = arith.constant 0 : i32
    %dma_wait3A_540 = arith.constant 0 : i32
    %dma_wait3A_541 = tpu.memref_slice %arg10[%dma_wait3A_539, %dma_wait3A_540] : memref<128x129xf32, #tpu.memory_space<vmem>> -> memref<128x128xf32, #tpu.memory_space<vmem>>
    tpu.wait_dma2 semaphore(%arg14 : memref<!tpu.dma_semaphore, #tpu.memory_space<semaphore_mem>>) src(%dma_wait3A_541 : memref<128x128xf32, #tpu.memory_space<vmem>>) dst(%dma_wait3A_538 : memref<128x128xf32, #tpu.memory_space<hbm>>)
    %dma_wait3A_542 = arith.constant 0 : i32
    %dma_wait3A_543 = arith.constant 0 : i32
    %dma_wait3A_544 = tpu.memref_slice %arg10[%dma_wait3A_542, %dma_wait3A_543] : memref<128x129xf32, #tpu.memory_space<vmem>> -> memref<128x128xf32, #tpu.memory_space<vmem>>
    %dma_wait3A_545 = arith.constant 0 : i32
    %dma_wait3A_546 = tpu.memref_slice %arg5[%add3A_171, %dma_wait3A_545] : memref<16384x128xf32, #tpu.memory_space<hbm>> -> memref<128x128xf32, #tpu.memory_space<hbm>>
    %dma_wait3A_547 = arith.constant 0 : i32
    %dma_wait3A_548 = tpu.memref_slice %arg5[%add3A_171, %dma_wait3A_547] : memref<16384x128xf32, #tpu.memory_space<hbm>> -> memref<128x128xf32, #tpu.memory_space<hbm>>
    %dma_wait3A_549 = arith.constant 0 : i32
    %dma_wait3A_550 = arith.constant 0 : i32
    %dma_wait3A_551 = tpu.memref_slice %arg10[%dma_wait3A_549, %dma_wait3A_550] : memref<128x129xf32, #tpu.memory_space<vmem>> -> memref<128x128xf32, #tpu.memory_space<vmem>>
    tpu.wait_dma2 semaphore(%arg14 : memref<!tpu.dma_semaphore, #tpu.memory_space<semaphore_mem>>) src(%dma_wait3A_551 : memref<128x128xf32, #tpu.memory_space<vmem>>) dst(%dma_wait3A_548 : memref<128x128xf32, #tpu.memory_space<hbm>>)
    %get3A_552 = arith.constant 384 : index
    %get3A_553 = tpu.vector_load %arg7[%get3A_552] {strides = array<i32>} : memref<512xi32, #tpu.memory_space<vmem>>, vector<16xi32>,
    %jit3A_554 = arith.constant 0 : i32
    %jit3A_555 = arith.constant 63 : i32
    %max3A_556 = vector.broadcast %jit3A_554 : i32 to vector<16xi32>
    %max3A_557 = arith.maxsi %max3A_556, %get3A_553 : vector<16xi32>
    %min3A_558 = vector.broadcast %jit3A_555 : i32 to vector<16xi32>
    %min3A_559 = arith.minsi %min3A_558, %max3A_557 : vector<16xi32>
    %add3A_560 = arith.constant 0 : i32
    %add3A_561 = vector.broadcast %add3A_560 : i32 to vector<16xi32>
    %add3A_562 = arith.addi %add3A_561, %iota3A : vector<16xi32>
    %broadcast_in_dim3A_563 = arith.constant 0 : i32
    %broadcast_in_dim3A_564 = vector.broadcast %broadcast_in_dim3A_563 : i32 to vector<16xi32>
    %parallel_loop3A_565 = arith.constant 0 : i32
    %parallel_loop3A_566 = arith.constant 128 : i32
    %parallel_loop3A_567 = arith.constant 1 : i32
    %parallel_loop3A_568:2 = scf.for %parallel_loop3A_748 = %parallel_loop3A_565 to %parallel_loop3A_566 step %parallel_loop3A_567 iter_args(%parallel_loop3A_749 = %min3A_559, %parallel_loop3A_750 = %broadcast_in_dim3A_564) -> (vector<16xi32>, vector<16xi32>)  : i32 {
      %parallel_loop3A_751 = arith.index_cast %parallel_loop3A_748 : i32 to index
      %parallel_loop3A_752 = arith.constant 0 : index
      %parallel_loop3A_753 = tpu.vector_load %arg8[%parallel_loop3A_751, %parallel_loop3A_752] {strides = array<i32>} : memref<128x128xf32, #tpu.memory_space<vmem>>, vector<16xf32>,
      %parallel_loop3A_754 = tpu.vector_load_idx %arg6[%parallel_loop3A_749] : memref<8192xf32, #tpu.memory_space<vmem>>[vector<16xi32>], vector<16xf32>,
      %parallel_loop3A_755 = arith.mulf %parallel_loop3A_753, %parallel_loop3A_754 : vector<16xf32>
      tpu.vector_store_idx %arg10[%add3A_562, %parallel_loop3A_750], %parallel_loop3A_755 : memref<128x129xf32, #tpu.memory_space<vmem>>[vector<16xi32>, vector<16xi32>], vector<16xf32>,
      %parallel_loop3A_756 = arith.constant 64 : i32
      %parallel_loop3A_757 = vector.broadcast %parallel_loop3A_756 : i32 to vector<16xi32>
      %parallel_loop3A_758 = arith.addi %parallel_loop3A_749, %parallel_loop3A_757 : vector<16xi32>
      %parallel_loop3A_759 = arith.constant 1 : i32
      %parallel_loop3A_760 = vector.broadcast %parallel_loop3A_759 : i32 to vector<16xi32>
      %parallel_loop3A_761 = arith.addi %parallel_loop3A_750, %parallel_loop3A_760 : vector<16xi32>
      scf.yield %parallel_loop3A_758, %parallel_loop3A_761 : vector<16xi32>, vector<16xi32>
    } {sc.loop_unroll_factor = 8 : i64, sc.parallel_access}
    %get3A_569 = arith.constant 400 : index
    %get3A_570 = tpu.vector_load %arg7[%get3A_569] {strides = array<i32>} : memref<512xi32, #tpu.memory_space<vmem>>, vector<16xi32>,
    %jit3A_571 = arith.constant 0 : i32
    %jit3A_572 = arith.constant 63 : i32
    %max3A_573 = vector.broadcast %jit3A_571 : i32 to vector<16xi32>
    %max3A_574 = arith.maxsi %max3A_573, %get3A_570 : vector<16xi32>
    %min3A_575 = vector.broadcast %jit3A_572 : i32 to vector<16xi32>
    %min3A_576 = arith.minsi %min3A_575, %max3A_574 : vector<16xi32>
    %add3A_577 = arith.constant 16 : i32
    %add3A_578 = vector.broadcast %add3A_577 : i32 to vector<16xi32>
    %add3A_579 = arith.addi %add3A_578, %iota3A : vector<16xi32>
    %broadcast_in_dim3A_580 = arith.constant 0 : i32
    %broadcast_in_dim3A_581 = vector.broadcast %broadcast_in_dim3A_580 : i32 to vector<16xi32>
    %parallel_loop3A_582 = arith.constant 0 : i32
    %parallel_loop3A_583 = arith.constant 128 : i32
    %parallel_loop3A_584 = arith.constant 1 : i32
    %parallel_loop3A_585:2 = scf.for %parallel_loop3A_748 = %parallel_loop3A_582 to %parallel_loop3A_583 step %parallel_loop3A_584 iter_args(%parallel_loop3A_749 = %min3A_576, %parallel_loop3A_750 = %broadcast_in_dim3A_581) -> (vector<16xi32>, vector<16xi32>)  : i32 {
      %parallel_loop3A_751 = arith.index_cast %parallel_loop3A_748 : i32 to index
      %parallel_loop3A_752 = arith.constant 16 : index
      %parallel_loop3A_753 = tpu.vector_load %arg8[%parallel_loop3A_751, %parallel_loop3A_752] {strides = array<i32>} : memref<128x128xf32, #tpu.memory_space<vmem>>, vector<16xf32>,
      %parallel_loop3A_754 = tpu.vector_load_idx %arg6[%parallel_loop3A_749] : memref<8192xf32, #tpu.memory_space<vmem>>[vector<16xi32>], vector<16xf32>,
      %parallel_loop3A_755 = arith.mulf %parallel_loop3A_753, %parallel_loop3A_754 : vector<16xf32>
      tpu.vector_store_idx %arg10[%add3A_579, %parallel_loop3A_750], %parallel_loop3A_755 : memref<128x129xf32, #tpu.memory_space<vmem>>[vector<16xi32>, vector<16xi32>], vector<16xf32>,
      %parallel_loop3A_756 = arith.constant 64 : i32
      %parallel_loop3A_757 = vector.broadcast %parallel_loop3A_756 : i32 to vector<16xi32>
      %parallel_loop3A_758 = arith.addi %parallel_loop3A_749, %parallel_loop3A_757 : vector<16xi32>
      %parallel_loop3A_759 = arith.constant 1 : i32
      %parallel_loop3A_760 = vector.broadcast %parallel_loop3A_759 : i32 to vector<16xi32>
      %parallel_loop3A_761 = arith.addi %parallel_loop3A_750, %parallel_loop3A_760 : vector<16xi32>
      scf.yield %parallel_loop3A_758, %parallel_loop3A_761 : vector<16xi32>, vector<16xi32>
    } {sc.loop_unroll_factor = 8 : i64, sc.parallel_access}
    %get3A_586 = arith.constant 416 : index
    %get3A_587 = tpu.vector_load %arg7[%get3A_586] {strides = array<i32>} : memref<512xi32, #tpu.memory_space<vmem>>, vector<16xi32>,
    %jit3A_588 = arith.constant 0 : i32
    %jit3A_589 = arith.constant 63 : i32
    %max3A_590 = vector.broadcast %jit3A_588 : i32 to vector<16xi32>
    %max3A_591 = arith.maxsi %max3A_590, %get3A_587 : vector<16xi32>
    %min3A_592 = vector.broadcast %jit3A_589 : i32 to vector<16xi32>
    %min3A_593 = arith.minsi %min3A_592, %max3A_591 : vector<16xi32>
    %add3A_594 = arith.constant 32 : i32
    %add3A_595 = vector.broadcast %add3A_594 : i32 to vector<16xi32>
    %add3A_596 = arith.addi %add3A_595, %iota3A : vector<16xi32>
    %broadcast_in_dim3A_597 = arith.constant 0 : i32
    %broadcast_in_dim3A_598 = vector.broadcast %broadcast_in_dim3A_597 : i32 to vector<16xi32>
    %parallel_loop3A_599 = arith.constant 0 : i32
    %parallel_loop3A_600 = arith.constant 128 : i32
    %parallel_loop3A_601 = arith.constant 1 : i32
    %parallel_loop3A_602:2 = scf.for %parallel_loop3A_748 = %parallel_loop3A_599 to %parallel_loop3A_600 step %parallel_loop3A_601 iter_args(%parallel_loop3A_749 = %min3A_593, %parallel_loop3A_750 = %broadcast_in_dim3A_598) -> (vector<16xi32>, vector<16xi32>)  : i32 {
      %parallel_loop3A_751 = arith.index_cast %parallel_loop3A_748 : i32 to index
      %parallel_loop3A_752 = arith.constant 32 : index
      %parallel_loop3A_753 = tpu.vector_load %arg8[%parallel_loop3A_751, %parallel_loop3A_752] {strides = array<i32>} : memref<128x128xf32, #tpu.memory_space<vmem>>, vector<16xf32>,
      %parallel_loop3A_754 = tpu.vector_load_idx %arg6[%parallel_loop3A_749] : memref<8192xf32, #tpu.memory_space<vmem>>[vector<16xi32>], vector<16xf32>,
      %parallel_loop3A_755 = arith.mulf %parallel_loop3A_753, %parallel_loop3A_754 : vector<16xf32>
      tpu.vector_store_idx %arg10[%add3A_596, %parallel_loop3A_750], %parallel_loop3A_755 : memref<128x129xf32, #tpu.memory_space<vmem>>[vector<16xi32>, vector<16xi32>], vector<16xf32>,
      %parallel_loop3A_756 = arith.constant 64 : i32
      %parallel_loop3A_757 = vector.broadcast %parallel_loop3A_756 : i32 to vector<16xi32>
      %parallel_loop3A_758 = arith.addi %parallel_loop3A_749, %parallel_loop3A_757 : vector<16xi32>
      %parallel_loop3A_759 = arith.constant 1 : i32
      %parallel_loop3A_760 = vector.broadcast %parallel_loop3A_759 : i32 to vector<16xi32>
      %parallel_loop3A_761 = arith.addi %parallel_loop3A_750, %parallel_loop3A_760 : vector<16xi32>
      scf.yield %parallel_loop3A_758, %parallel_loop3A_761 : vector<16xi32>, vector<16xi32>
    } {sc.loop_unroll_factor = 8 : i64, sc.parallel_access}
    %get3A_603 = arith.constant 432 : index
    %get3A_604 = tpu.vector_load %arg7[%get3A_603] {strides = array<i32>} : memref<512xi32, #tpu.memory_space<vmem>>, vector<16xi32>,
    %jit3A_605 = arith.constant 0 : i32
    %jit3A_606 = arith.constant 63 : i32
    %max3A_607 = vector.broadcast %jit3A_605 : i32 to vector<16xi32>
    %max3A_608 = arith.maxsi %max3A_607, %get3A_604 : vector<16xi32>
    %min3A_609 = vector.broadcast %jit3A_606 : i32 to vector<16xi32>
    %min3A_610 = arith.minsi %min3A_609, %max3A_608 : vector<16xi32>
    %add3A_611 = arith.constant 48 : i32
    %add3A_612 = vector.broadcast %add3A_611 : i32 to vector<16xi32>
    %add3A_613 = arith.addi %add3A_612, %iota3A : vector<16xi32>
    %broadcast_in_dim3A_614 = arith.constant 0 : i32
    %broadcast_in_dim3A_615 = vector.broadcast %broadcast_in_dim3A_614 : i32 to vector<16xi32>
    %parallel_loop3A_616 = arith.constant 0 : i32
    %parallel_loop3A_617 = arith.constant 128 : i32
    %parallel_loop3A_618 = arith.constant 1 : i32
    %parallel_loop3A_619:2 = scf.for %parallel_loop3A_748 = %parallel_loop3A_616 to %parallel_loop3A_617 step %parallel_loop3A_618 iter_args(%parallel_loop3A_749 = %min3A_610, %parallel_loop3A_750 = %broadcast_in_dim3A_615) -> (vector<16xi32>, vector<16xi32>)  : i32 {
      %parallel_loop3A_751 = arith.index_cast %parallel_loop3A_748 : i32 to index
      %parallel_loop3A_752 = arith.constant 48 : index
      %parallel_loop3A_753 = tpu.vector_load %arg8[%parallel_loop3A_751, %parallel_loop3A_752] {strides = array<i32>} : memref<128x128xf32, #tpu.memory_space<vmem>>, vector<16xf32>,
      %parallel_loop3A_754 = tpu.vector_load_idx %arg6[%parallel_loop3A_749] : memref<8192xf32, #tpu.memory_space<vmem>>[vector<16xi32>], vector<16xf32>,
      %parallel_loop3A_755 = arith.mulf %parallel_loop3A_753, %parallel_loop3A_754 : vector<16xf32>
      tpu.vector_store_idx %arg10[%add3A_613, %parallel_loop3A_750], %parallel_loop3A_755 : memref<128x129xf32, #tpu.memory_space<vmem>>[vector<16xi32>, vector<16xi32>], vector<16xf32>,
      %parallel_loop3A_756 = arith.constant 64 : i32
      %parallel_loop3A_757 = vector.broadcast %parallel_loop3A_756 : i32 to vector<16xi32>
      %parallel_loop3A_758 = arith.addi %parallel_loop3A_749, %parallel_loop3A_757 : vector<16xi32>
      %parallel_loop3A_759 = arith.constant 1 : i32
      %parallel_loop3A_760 = vector.broadcast %parallel_loop3A_759 : i32 to vector<16xi32>
      %parallel_loop3A_761 = arith.addi %parallel_loop3A_750, %parallel_loop3A_760 : vector<16xi32>
      scf.yield %parallel_loop3A_758, %parallel_loop3A_761 : vector<16xi32>, vector<16xi32>
    } {sc.loop_unroll_factor = 8 : i64, sc.parallel_access}
    %get3A_620 = arith.constant 448 : index
    %get3A_621 = tpu.vector_load %arg7[%get3A_620] {strides = array<i32>} : memref<512xi32, #tpu.memory_space<vmem>>, vector<16xi32>,
    %jit3A_622 = arith.constant 0 : i32
    %jit3A_623 = arith.constant 63 : i32
    %max3A_624 = vector.broadcast %jit3A_622 : i32 to vector<16xi32>
    %max3A_625 = arith.maxsi %max3A_624, %get3A_621 : vector<16xi32>
    %min3A_626 = vector.broadcast %jit3A_623 : i32 to vector<16xi32>
    %min3A_627 = arith.minsi %min3A_626, %max3A_625 : vector<16xi32>
    %add3A_628 = arith.constant 64 : i32
    %add3A_629 = vector.broadcast %add3A_628 : i32 to vector<16xi32>
    %add3A_630 = arith.addi %add3A_629, %iota3A : vector<16xi32>
    %broadcast_in_dim3A_631 = arith.constant 0 : i32
    %broadcast_in_dim3A_632 = vector.broadcast %broadcast_in_dim3A_631 : i32 to vector<16xi32>
    %parallel_loop3A_633 = arith.constant 0 : i32
    %parallel_loop3A_634 = arith.constant 128 : i32
    %parallel_loop3A_635 = arith.constant 1 : i32
    %parallel_loop3A_636:2 = scf.for %parallel_loop3A_748 = %parallel_loop3A_633 to %parallel_loop3A_634 step %parallel_loop3A_635 iter_args(%parallel_loop3A_749 = %min3A_627, %parallel_loop3A_750 = %broadcast_in_dim3A_632) -> (vector<16xi32>, vector<16xi32>)  : i32 {
      %parallel_loop3A_751 = arith.index_cast %parallel_loop3A_748 : i32 to index
      %parallel_loop3A_752 = arith.constant 64 : index
      %parallel_loop3A_753 = tpu.vector_load %arg8[%parallel_loop3A_751, %parallel_loop3A_752] {strides = array<i32>} : memref<128x128xf32, #tpu.memory_space<vmem>>, vector<16xf32>,
      %parallel_loop3A_754 = tpu.vector_load_idx %arg6[%parallel_loop3A_749] : memref<8192xf32, #tpu.memory_space<vmem>>[vector<16xi32>], vector<16xf32>,
      %parallel_loop3A_755 = arith.mulf %parallel_loop3A_753, %parallel_loop3A_754 : vector<16xf32>
      tpu.vector_store_idx %arg10[%add3A_630, %parallel_loop3A_750], %parallel_loop3A_755 : memref<128x129xf32, #tpu.memory_space<vmem>>[vector<16xi32>, vector<16xi32>], vector<16xf32>,
      %parallel_loop3A_756 = arith.constant 64 : i32
      %parallel_loop3A_757 = vector.broadcast %parallel_loop3A_756 : i32 to vector<16xi32>
      %parallel_loop3A_758 = arith.addi %parallel_loop3A_749, %parallel_loop3A_757 : vector<16xi32>
      %parallel_loop3A_759 = arith.constant 1 : i32
      %parallel_loop3A_760 = vector.broadcast %parallel_loop3A_759 : i32 to vector<16xi32>
      %parallel_loop3A_761 = arith.addi %parallel_loop3A_750, %parallel_loop3A_760 : vector<16xi32>
      scf.yield %parallel_loop3A_758, %parallel_loop3A_761 : vector<16xi32>, vector<16xi32>
    } {sc.loop_unroll_factor = 8 : i64, sc.parallel_access}
    %get3A_637 = arith.constant 464 : index
    %get3A_638 = tpu.vector_load %arg7[%get3A_637] {strides = array<i32>} : memref<512xi32, #tpu.memory_space<vmem>>, vector<16xi32>,
    %jit3A_639 = arith.constant 0 : i32
    %jit3A_640 = arith.constant 63 : i32
    %max3A_641 = vector.broadcast %jit3A_639 : i32 to vector<16xi32>
    %max3A_642 = arith.maxsi %max3A_641, %get3A_638 : vector<16xi32>
    %min3A_643 = vector.broadcast %jit3A_640 : i32 to vector<16xi32>
    %min3A_644 = arith.minsi %min3A_643, %max3A_642 : vector<16xi32>
    %add3A_645 = arith.constant 80 : i32
    %add3A_646 = vector.broadcast %add3A_645 : i32 to vector<16xi32>
    %add3A_647 = arith.addi %add3A_646, %iota3A : vector<16xi32>
    %broadcast_in_dim3A_648 = arith.constant 0 : i32
    %broadcast_in_dim3A_649 = vector.broadcast %broadcast_in_dim3A_648 : i32 to vector<16xi32>
    %parallel_loop3A_650 = arith.constant 0 : i32
    %parallel_loop3A_651 = arith.constant 128 : i32
    %parallel_loop3A_652 = arith.constant 1 : i32
    %parallel_loop3A_653:2 = scf.for %parallel_loop3A_748 = %parallel_loop3A_650 to %parallel_loop3A_651 step %parallel_loop3A_652 iter_args(%parallel_loop3A_749 = %min3A_644, %parallel_loop3A_750 = %broadcast_in_dim3A_649) -> (vector<16xi32>, vector<16xi32>)  : i32 {
      %parallel_loop3A_751 = arith.index_cast %parallel_loop3A_748 : i32 to index
      %parallel_loop3A_752 = arith.constant 80 : index
      %parallel_loop3A_753 = tpu.vector_load %arg8[%parallel_loop3A_751, %parallel_loop3A_752] {strides = array<i32>} : memref<128x128xf32, #tpu.memory_space<vmem>>, vector<16xf32>,
      %parallel_loop3A_754 = tpu.vector_load_idx %arg6[%parallel_loop3A_749] : memref<8192xf32, #tpu.memory_space<vmem>>[vector<16xi32>], vector<16xf32>,
      %parallel_loop3A_755 = arith.mulf %parallel_loop3A_753, %parallel_loop3A_754 : vector<16xf32>
      tpu.vector_store_idx %arg10[%add3A_647, %parallel_loop3A_750], %parallel_loop3A_755 : memref<128x129xf32, #tpu.memory_space<vmem>>[vector<16xi32>, vector<16xi32>], vector<16xf32>,
      %parallel_loop3A_756 = arith.constant 64 : i32
      %parallel_loop3A_757 = vector.broadcast %parallel_loop3A_756 : i32 to vector<16xi32>
      %parallel_loop3A_758 = arith.addi %parallel_loop3A_749, %parallel_loop3A_757 : vector<16xi32>
      %parallel_loop3A_759 = arith.constant 1 : i32
      %parallel_loop3A_760 = vector.broadcast %parallel_loop3A_759 : i32 to vector<16xi32>
      %parallel_loop3A_761 = arith.addi %parallel_loop3A_750, %parallel_loop3A_760 : vector<16xi32>
      scf.yield %parallel_loop3A_758, %parallel_loop3A_761 : vector<16xi32>, vector<16xi32>
    } {sc.loop_unroll_factor = 8 : i64, sc.parallel_access}
    %get3A_654 = arith.constant 480 : index
    %get3A_655 = tpu.vector_load %arg7[%get3A_654] {strides = array<i32>} : memref<512xi32, #tpu.memory_space<vmem>>, vector<16xi32>,
    %jit3A_656 = arith.constant 0 : i32
    %jit3A_657 = arith.constant 63 : i32
    %max3A_658 = vector.broadcast %jit3A_656 : i32 to vector<16xi32>
    %max3A_659 = arith.maxsi %max3A_658, %get3A_655 : vector<16xi32>
    %min3A_660 = vector.broadcast %jit3A_657 : i32 to vector<16xi32>
    %min3A_661 = arith.minsi %min3A_660, %max3A_659 : vector<16xi32>
    %add3A_662 = arith.constant 96 : i32
    %add3A_663 = vector.broadcast %add3A_662 : i32 to vector<16xi32>
    %add3A_664 = arith.addi %add3A_663, %iota3A : vector<16xi32>
    %broadcast_in_dim3A_665 = arith.constant 0 : i32
    %broadcast_in_dim3A_666 = vector.broadcast %broadcast_in_dim3A_665 : i32 to vector<16xi32>
    %parallel_loop3A_667 = arith.constant 0 : i32
    %parallel_loop3A_668 = arith.constant 128 : i32
    %parallel_loop3A_669 = arith.constant 1 : i32
    %parallel_loop3A_670:2 = scf.for %parallel_loop3A_748 = %parallel_loop3A_667 to %parallel_loop3A_668 step %parallel_loop3A_669 iter_args(%parallel_loop3A_749 = %min3A_661, %parallel_loop3A_750 = %broadcast_in_dim3A_666) -> (vector<16xi32>, vector<16xi32>)  : i32 {
      %parallel_loop3A_751 = arith.index_cast %parallel_loop3A_748 : i32 to index
      %parallel_loop3A_752 = arith.constant 96 : index
      %parallel_loop3A_753 = tpu.vector_load %arg8[%parallel_loop3A_751, %parallel_loop3A_752] {strides = array<i32>} : memref<128x128xf32, #tpu.memory_space<vmem>>, vector<16xf32>,
      %parallel_loop3A_754 = tpu.vector_load_idx %arg6[%parallel_loop3A_749] : memref<8192xf32, #tpu.memory_space<vmem>>[vector<16xi32>], vector<16xf32>,
      %parallel_loop3A_755 = arith.mulf %parallel_loop3A_753, %parallel_loop3A_754 : vector<16xf32>
      tpu.vector_store_idx %arg10[%add3A_664, %parallel_loop3A_750], %parallel_loop3A_755 : memref<128x129xf32, #tpu.memory_space<vmem>>[vector<16xi32>, vector<16xi32>], vector<16xf32>,
      %parallel_loop3A_756 = arith.constant 64 : i32
      %parallel_loop3A_757 = vector.broadcast %parallel_loop3A_756 : i32 to vector<16xi32>
      %parallel_loop3A_758 = arith.addi %parallel_loop3A_749, %parallel_loop3A_757 : vector<16xi32>
      %parallel_loop3A_759 = arith.constant 1 : i32
      %parallel_loop3A_760 = vector.broadcast %parallel_loop3A_759 : i32 to vector<16xi32>
      %parallel_loop3A_761 = arith.addi %parallel_loop3A_750, %parallel_loop3A_760 : vector<16xi32>
      scf.yield %parallel_loop3A_758, %parallel_loop3A_761 : vector<16xi32>, vector<16xi32>
    } {sc.loop_unroll_factor = 8 : i64, sc.parallel_access}
    %get3A_671 = arith.constant 496 : index
    %get3A_672 = tpu.vector_load %arg7[%get3A_671] {strides = array<i32>} : memref<512xi32, #tpu.memory_space<vmem>>, vector<16xi32>,
    %jit3A_673 = arith.constant 0 : i32
    %jit3A_674 = arith.constant 63 : i32
    %max3A_675 = vector.broadcast %jit3A_673 : i32 to vector<16xi32>
    %max3A_676 = arith.maxsi %max3A_675, %get3A_672 : vector<16xi32>
    %min3A_677 = vector.broadcast %jit3A_674 : i32 to vector<16xi32>
    %min3A_678 = arith.minsi %min3A_677, %max3A_676 : vector<16xi32>
    %add3A_679 = arith.constant 112 : i32
    %add3A_680 = vector.broadcast %add3A_679 : i32 to vector<16xi32>
    %add3A_681 = arith.addi %add3A_680, %iota3A : vector<16xi32>
    %broadcast_in_dim3A_682 = arith.constant 0 : i32
    %broadcast_in_dim3A_683 = vector.broadcast %broadcast_in_dim3A_682 : i32 to vector<16xi32>
    %parallel_loop3A_684 = arith.constant 0 : i32
    %parallel_loop3A_685 = arith.constant 128 : i32
    %parallel_loop3A_686 = arith.constant 1 : i32
    %parallel_loop3A_687:2 = scf.for %parallel_loop3A_748 = %parallel_loop3A_684 to %parallel_loop3A_685 step %parallel_loop3A_686 iter_args(%parallel_loop3A_749 = %min3A_678, %parallel_loop3A_750 = %broadcast_in_dim3A_683) -> (vector<16xi32>, vector<16xi32>)  : i32 {
      %parallel_loop3A_751 = arith.index_cast %parallel_loop3A_748 : i32 to index
      %parallel_loop3A_752 = arith.constant 112 : index
      %parallel_loop3A_753 = tpu.vector_load %arg8[%parallel_loop3A_751, %parallel_loop3A_752] {strides = array<i32>} : memref<128x128xf32, #tpu.memory_space<vmem>>, vector<16xf32>,
      %parallel_loop3A_754 = tpu.vector_load_idx %arg6[%parallel_loop3A_749] : memref<8192xf32, #tpu.memory_space<vmem>>[vector<16xi32>], vector<16xf32>,
      %parallel_loop3A_755 = arith.mulf %parallel_loop3A_753, %parallel_loop3A_754 : vector<16xf32>
      tpu.vector_store_idx %arg10[%add3A_681, %parallel_loop3A_750], %parallel_loop3A_755 : memref<128x129xf32, #tpu.memory_space<vmem>>[vector<16xi32>, vector<16xi32>], vector<16xf32>,
      %parallel_loop3A_756 = arith.constant 64 : i32
      %parallel_loop3A_757 = vector.broadcast %parallel_loop3A_756 : i32 to vector<16xi32>
      %parallel_loop3A_758 = arith.addi %parallel_loop3A_749, %parallel_loop3A_757 : vector<16xi32>
      %parallel_loop3A_759 = arith.constant 1 : i32
      %parallel_loop3A_760 = vector.broadcast %parallel_loop3A_759 : i32 to vector<16xi32>
      %parallel_loop3A_761 = arith.addi %parallel_loop3A_750, %parallel_loop3A_760 : vector<16xi32>
      scf.yield %parallel_loop3A_758, %parallel_loop3A_761 : vector<16xi32>, vector<16xi32>
    } {sc.loop_unroll_factor = 8 : i64, sc.parallel_access}
    %dma_start3A_688 = arith.constant 0 : i32
    %dma_start3A_689 = arith.constant 0 : i32
    %dma_start3A_690 = tpu.memref_slice %arg10[%dma_start3A_688, %dma_start3A_689] : memref<128x129xf32, #tpu.memory_space<vmem>> -> memref<128x128xf32, #tpu.memory_space<vmem>>
    %dma_start3A_691 = arith.constant 0 : i32
    %dma_start3A_692 = tpu.memref_slice %arg4[%add3A_527, %dma_start3A_691] : memref<16384x128xf32, #tpu.memory_space<hbm>> -> memref<128x128xf32, #tpu.memory_space<hbm>>
    %dma_start3A_693 = arith.constant 0 : i32
    %dma_start3A_694 = tpu.memref_slice %arg4[%add3A_527, %dma_start3A_693] : memref<16384x128xf32, #tpu.memory_space<hbm>> -> memref<128x128xf32, #tpu.memory_space<hbm>>
    %dma_start3A_695 = arith.constant 0 : i32
    %dma_start3A_696 = arith.constant 0 : i32
    %dma_start3A_697 = tpu.memref_slice %arg10[%dma_start3A_695, %dma_start3A_696] : memref<128x129xf32, #tpu.memory_space<vmem>> -> memref<128x128xf32, #tpu.memory_space<vmem>>
    tpu.enqueue_dma source(%dma_start3A_697 : memref<128x128xf32, #tpu.memory_space<vmem>>) target(%dma_start3A_694 : memref<128x128xf32, #tpu.memory_space<hbm>>) target_semaphore(%arg14 : memref<!tpu.dma_semaphore, #tpu.memory_space<semaphore_mem>>)
    %dma_start3A_698 = arith.constant 0 : i32
    %dma_start3A_699 = arith.constant 0 : i32
    %dma_start3A_700 = tpu.memref_slice %arg10[%dma_start3A_698, %dma_start3A_699] : memref<128x129xf32, #tpu.memory_space<vmem>> -> memref<128x128xf32, #tpu.memory_space<vmem>>
    %dma_start3A_701 = arith.constant 0 : i32
    %dma_start3A_702 = tpu.memref_slice %arg5[%add3A_527, %dma_start3A_701] : memref<16384x128xf32, #tpu.memory_space<hbm>> -> memref<128x128xf32, #tpu.memory_space<hbm>>
    %dma_start3A_703 = arith.constant 0 : i32
    %dma_start3A_704 = tpu.memref_slice %arg5[%add3A_527, %dma_start3A_703] : memref<16384x128xf32, #tpu.memory_space<hbm>> -> memref<128x128xf32, #tpu.memory_space<hbm>>
    %dma_start3A_705 = arith.constant 0 : i32
    %dma_start3A_706 = arith.constant 0 : i32
    %dma_start3A_707 = tpu.memref_slice %arg10[%dma_start3A_705, %dma_start3A_706] : memref<128x129xf32, #tpu.memory_space<vmem>> -> memref<128x128xf32, #tpu.memory_space<vmem>>
    tpu.enqueue_dma source(%dma_start3A_707 : memref<128x128xf32, #tpu.memory_space<vmem>>) target(%dma_start3A_704 : memref<128x128xf32, #tpu.memory_space<hbm>>) target_semaphore(%arg14 : memref<!tpu.dma_semaphore, #tpu.memory_space<semaphore_mem>>)
    %dma_wait3A_708 = arith.constant 0 : i32
    %dma_wait3A_709 = arith.constant 0 : i32
    %dma_wait3A_710 = tpu.memref_slice %arg11[%dma_wait3A_708, %dma_wait3A_709] : memref<128x129xf32, #tpu.memory_space<vmem>> -> memref<128x128xf32, #tpu.memory_space<vmem>>
    %dma_wait3A_711 = arith.constant 0 : i32
    %dma_wait3A_712 = tpu.memref_slice %arg4[%add3A_339, %dma_wait3A_711] : memref<16384x128xf32, #tpu.memory_space<hbm>> -> memref<128x128xf32, #tpu.memory_space<hbm>>
    %dma_wait3A_713 = arith.constant 0 : i32
    %dma_wait3A_714 = tpu.memref_slice %arg4[%add3A_339, %dma_wait3A_713] : memref<16384x128xf32, #tpu.memory_space<hbm>> -> memref<128x128xf32, #tpu.memory_space<hbm>>
    %dma_wait3A_715 = arith.constant 0 : i32
    %dma_wait3A_716 = arith.constant 0 : i32
    %dma_wait3A_717 = tpu.memref_slice %arg11[%dma_wait3A_715, %dma_wait3A_716] : memref<128x129xf32, #tpu.memory_space<vmem>> -> memref<128x128xf32, #tpu.memory_space<vmem>>
    tpu.wait_dma2 semaphore(%arg15 : memref<!tpu.dma_semaphore, #tpu.memory_space<semaphore_mem>>) src(%dma_wait3A_717 : memref<128x128xf32, #tpu.memory_space<vmem>>) dst(%dma_wait3A_714 : memref<128x128xf32, #tpu.memory_space<hbm>>)
    %dma_wait3A_718 = arith.constant 0 : i32
    %dma_wait3A_719 = arith.constant 0 : i32
    %dma_wait3A_720 = tpu.memref_slice %arg11[%dma_wait3A_718, %dma_wait3A_719] : memref<128x129xf32, #tpu.memory_space<vmem>> -> memref<128x128xf32, #tpu.memory_space<vmem>>
    %dma_wait3A_721 = arith.constant 0 : i32
    %dma_wait3A_722 = tpu.memref_slice %arg5[%add3A_339, %dma_wait3A_721] : memref<16384x128xf32, #tpu.memory_space<hbm>> -> memref<128x128xf32, #tpu.memory_space<hbm>>
    %dma_wait3A_723 = arith.constant 0 : i32
    %dma_wait3A_724 = tpu.memref_slice %arg5[%add3A_339, %dma_wait3A_723] : memref<16384x128xf32, #tpu.memory_space<hbm>> -> memref<128x128xf32, #tpu.memory_space<hbm>>
    %dma_wait3A_725 = arith.constant 0 : i32
    %dma_wait3A_726 = arith.constant 0 : i32
    %dma_wait3A_727 = tpu.memref_slice %arg11[%dma_wait3A_725, %dma_wait3A_726] : memref<128x129xf32, #tpu.memory_space<vmem>> -> memref<128x128xf32, #tpu.memory_space<vmem>>
    tpu.wait_dma2 semaphore(%arg15 : memref<!tpu.dma_semaphore, #tpu.memory_space<semaphore_mem>>) src(%dma_wait3A_727 : memref<128x128xf32, #tpu.memory_space<vmem>>) dst(%dma_wait3A_724 : memref<128x128xf32, #tpu.memory_space<hbm>>)
    %dma_wait3A_728 = arith.constant 0 : i32
    %dma_wait3A_729 = arith.constant 0 : i32
    %dma_wait3A_730 = tpu.memref_slice %arg10[%dma_wait3A_728, %dma_wait3A_729] : memref<128x129xf32, #tpu.memory_space<vmem>> -> memref<128x128xf32, #tpu.memory_space<vmem>>
    %dma_wait3A_731 = arith.constant 0 : i32
    %dma_wait3A_732 = tpu.memref_slice %arg4[%add3A_527, %dma_wait3A_731] : memref<16384x128xf32, #tpu.memory_space<hbm>> -> memref<128x128xf32, #tpu.memory_space<hbm>>
    %dma_wait3A_733 = arith.constant 0 : i32
    %dma_wait3A_734 = tpu.memref_slice %arg4[%add3A_527, %dma_wait3A_733] : memref<16384x128xf32, #tpu.memory_space<hbm>> -> memref<128x128xf32, #tpu.memory_space<hbm>>
    %dma_wait3A_735 = arith.constant 0 : i32
    %dma_wait3A_736 = arith.constant 0 : i32
    %dma_wait3A_737 = tpu.memref_slice %arg10[%dma_wait3A_735, %dma_wait3A_736] : memref<128x129xf32, #tpu.memory_space<vmem>> -> memref<128x128xf32, #tpu.memory_space<vmem>>
    tpu.wait_dma2 semaphore(%arg14 : memref<!tpu.dma_semaphore, #tpu.memory_space<semaphore_mem>>) src(%dma_wait3A_737 : memref<128x128xf32, #tpu.memory_space<vmem>>) dst(%dma_wait3A_734 : memref<128x128xf32, #tpu.memory_space<hbm>>)
    %dma_wait3A_738 = arith.constant 0 : i32
    %dma_wait3A_739 = arith.constant 0 : i32
    %dma_wait3A_740 = tpu.memref_slice %arg10[%dma_wait3A_738, %dma_wait3A_739] : memref<128x129xf32, #tpu.memory_space<vmem>> -> memref<128x128xf32, #tpu.memory_space<vmem>>
    %dma_wait3A_741 = arith.constant 0 : i32
    %dma_wait3A_742 = tpu.memref_slice %arg5[%add3A_527, %dma_wait3A_741] : memref<16384x128xf32, #tpu.memory_space<hbm>> -> memref<128x128xf32, #tpu.memory_space<hbm>>
    %dma_wait3A_743 = arith.constant 0 : i32
    %dma_wait3A_744 = tpu.memref_slice %arg5[%add3A_527, %dma_wait3A_743] : memref<16384x128xf32, #tpu.memory_space<hbm>> -> memref<128x128xf32, #tpu.memory_space<hbm>>
    %dma_wait3A_745 = arith.constant 0 : i32
    %dma_wait3A_746 = arith.constant 0 : i32
    %dma_wait3A_747 = tpu.memref_slice %arg10[%dma_wait3A_745, %dma_wait3A_746] : memref<128x129xf32, #tpu.memory_space<vmem>> -> memref<128x128xf32, #tpu.memory_space<vmem>>
    tpu.wait_dma2 semaphore(%arg14 : memref<!tpu.dma_semaphore, #tpu.memory_space<semaphore_mem>>) src(%dma_wait3A_747 : memref<128x128xf32, #tpu.memory_space<vmem>>) dst(%dma_wait3A_744 : memref<128x128xf32, #tpu.memory_space<hbm>>)
    return
  }
}

</mosaic_0001>

<sc_bundles>
// kernel: kernel.3.cloned.1.call-start
scs
__scs_entry_jumppad:
0x0: {  	(pc) =	sbr.rel $0x88, $3  }
0x1: {  	(tag) =	ssettag $0x0;
	lr =	simm.s32 $0x1  }
0x2: {  	[smem:$0x3F9F] =	sst lr;
	_ =	strace $0xD0000000  }
0x3: {  	_ = 	snop  }
0x4: {  	_ = 	snop  }
0x5: {  	_ = 	snop  }
0x6: {  	_ = 	snop  }
0x7: {  	_ = 	snop  }
__scs_overlays_trampoline_lowered:
0x8: {  	[smem:$0x3FAE] =	sst s0  }
0x9: {  	[smem:$0x3FAF] =	sst s1  }
0xa: {  	[smem:$0x3FB0] =	sst s2  }
0xb: {  	[smem:$0x3FB1] =	sst s3  }
0xc: {  	[smem:$0x3FB2] =	sst s4  }
0xd: {  	[smem:$0x3FB3] =	sst s5  }
0xe: {  	[smem:$0x3FB4] =	sst s6  }
0xf: {  	[smem:$0x3FB5] =	sst s7  }
0x10: {  	[smem:$0x3FB6] =	sst s8  }
0x11: {  	[smem:$0x3FB7] =	sst s9;
	s0 =	simm.s32 @!p0 $0x0  }
0x12: {  	s1 =	sld [smem:$0x3F9D];
	s0 =	simm.s32 @p0 $0x1  }
0x13: {  	[smem:$0x3FB8] =	sst s0;
	s0 =	simm.s32 @!p1 $0x0  }
0x14: {  	s2 =	sld [smem:$0x3F9C];
	s0 =	simm.s32 @p1 $0x1  }
0x15: {  	[smem:$0x3FB9] =	sst s0;
	s0 =	simm.s32 @!p2 $0x0  }
0x16: {  	s3 =	sld [smem:$0x3FDB];
	s0 =	simm.s32 @p2 $0x1  }
0x17: {  	s4 =	simm.s32 $0x1BF5;
	[smem:$0x3FBB] =	sst s0  }
0x18: {  	s0 =	sld [smem:$0x3F9E];
	_ =	swait.ge [sflag:s4], $0x0  }
0x19: {  	s7 =	sld [smem:$0x3F9F]  }
0x1a: {  	s8 =	sadd.s32 $0xFFFFE003, lr  }
0x1b: {  	s9 =	sadd.s32 $0xFFFFFEF7, lr;
	s5 =	simm.s32 $0xFFFFFFFF;
	p2 =	slt.u32 s8, $0xFFFFF086  }
0x1c: {  	p1 =	slt.u32 s9, $0xF7A;
	s5 =	simm.s32 @!p2 $0x0  }
0x1d: {  	s5 =	simm.s32 @p1 $0x1;
	p0 =	seq.s32 s7, s2  }
0x1e: {  	s7 =	smul.u32 @!p0 $0xF7A, s2;
	p2 =	seq.s32 @!p0 s5, $0x0  }
0x1f: {  	s9 =	smul.u32 $0xF7A, s1;
	s8 =	simm.s32 @!p0 $0x1BF5;
	p2 =	por !p2, p0  }
0x20: {  	[sflag:s8] =	ssyncset.s32 @!p0 $0xFFFFF086;
	s6 =	sadd.s32 @!p0 s3, s7;
	s7 =	simm.s32 @!p0 $0x108  }
0x21: {  	s3 =	sadd.s32 s3, s9;
	s6 =	sadd.s32 @!p0 $0x88, s6;
	s7 =	simm.s32 @p2 $0x1082  }
0x22: {  	[simem:s7], [sflag:s8] =	dma.local @!p0 [hbm:s6], $0xF7A  }
0x23: {  	s9 =	sor.u32 $0xD0000000, s2;
	s6 =	simm.s32 $0x108;
	_ =	swait.ge @!p0 [sflag:s8], $0x0  }
0x24: {  	s3 =	sadd.s32 $0x88, s3;
	s6 =	simm.s32 @!p1 $0x1082;
	[sflag:s4] =	ssyncset.s32 $0xFFFFF086  }
0x25: {  	[simem:s6], [sflag:s4] =	dma.local [hbm:s3], $0xF7A  }
0x26: {  	[smem:$0x3F9F] =	sst s1;
	(tag) =	ssettag s2;
	_ =	strace s9  }
0x27: {  	s1 =	sld [smem:$0x3FAF]  }
0x28: {  	s2 =	sld [smem:$0x3FB0]  }
0x29: {  	s4 =	sld [smem:$0x3FB2]  }
0x2a: {  	p0 =	seq.s32 s5, $0x0;
	s5 =	sld [smem:$0x3FB3]  }
0x2b: {  	s6 =	sld [smem:$0x3FB4]  }
0x2c: {  	s7 =	sld [smem:$0x3FB5]  }
0x2d: {  	s3 =	simm.s32 $0x108;
	s8 =	sld [smem:$0x3FB6]  }
0x2e: {  	s3 =	simm.s32 @!p0 $0x1082;
	s9 =	sld [smem:$0x3FB7]  }
0x2f: {  	lr =	sadd.s32 s0, s3;
	s0 =	sld [smem:$0x3FAE]  }
0x30: {  	s3 =	sld [smem:$0x3FB1]  }
0x31: {  	[smem:$0x3FBA] =	sst s10  }
0x32: {  	s10 =	sld [smem:$0x3FB8];
	_ =	sdelay $0x3  }
0x33: {  	p0 =	seq.s32 s10, $0x1;
	s10 =	sld [smem:$0x3FBA];
	_ =	sdelay $0x3  }
0x34: {  	[smem:$0x3FBA] =	sst s10  }
0x35: {  	s10 =	sld [smem:$0x3FB9];
	_ =	sdelay $0x3  }
0x36: {  	p1 =	seq.s32 s10, $0x1;
	s10 =	sld [smem:$0x3FBA];
	_ =	sdelay $0x3  }
0x37: {  	[smem:$0x3FBA] =	sst s10  }
0x38: {  	s10 =	sld [smem:$0x3FBB]  }
0x39: {  	_ = 	snop;
	(pc) =	sbr.ind lr, $3  }
0x3a: {  	_ = 	snop  }
0x3b: {  	_ = 	snop  }
0x3c: {  	p2 =	seq.s32 s10, $0x1;
	s10 =	sld [smem:$0x3FBA]  }
0x3d: {  	_ =	shalt  }
0x3e: {  	_ =	shalt  }
0x3f: {  	_ =	shalt  }
0x40: {  	_ =	shalt  }
0x41: {  	_ =	shalt  }
0x42: {  	_ =	shalt  }
0x43: {  	_ =	shalt  }
0x44: {  	_ =	shalt  }
0x45: {  	_ =	shalt  }
0x46: {  	_ =	shalt  }
0x47: {  	_ =	shalt  }
0x48: {  	_ =	shalt  }
0x49: {  	_ =	shalt  }
0x4a: {  	_ =	shalt  }
0x4b: {  	_ =	shalt  }
0x4c: {  	_ =	shalt  }
0x4d: {  	_ =	shalt  }
0x4e: {  	_ =	shalt  }
0x4f: {  	_ =	shalt  }
0x50: {  	_ =	shalt  }
0x51: {  	_ =	shalt  }
0x52: {  	_ =	shalt  }
0x53: {  	_ =	shalt  }
0x54: {  	_ =	shalt  }
0x55: {  	_ =	shalt  }
0x56: {  	_ =	shalt  }
0x57: {  	_ =	shalt  }
0x58: {  	_ =	shalt  }
0x59: {  	_ =	shalt  }
0x5a: {  	_ =	shalt  }
0x5b: {  	_ =	shalt  }
0x5c: {  	_ =	shalt  }
0x5d: {  	_ =	shalt  }
0x5e: {  	_ =	shalt  }
0x5f: {  	_ =	shalt  }
0x60: {  	_ =	shalt  }
0x61: {  	_ =	shalt  }
0x62: {  	_ =	shalt  }
0x63: {  	_ =	shalt  }
0x64: {  	_ =	shalt  }
0x65: {  	_ =	shalt  }
0x66: {  	_ =	shalt  }
0x67: {  	_ =	shalt  }
0x68: {  	_ =	shalt  }
0x69: {  	_ =	shalt  }
0x6a: {  	_ =	shalt  }
0x6b: {  	_ =	shalt  }
0x6c: {  	_ =	shalt  }
0x6d: {  	_ =	shalt  }
0x6e: {  	_ =	shalt  }
0x6f: {  	_ =	shalt  }
0x70: {  	_ =	shalt  }
0x71: {  	_ =	shalt  }
0x72: {  	_ =	shalt  }
0x73: {  	_ =	shalt  }
0x74: {  	_ =	shalt  }
0x75: {  	_ =	shalt  }
0x76: {  	_ =	shalt  }
0x77: {  	_ =	shalt  }
0x78: {  	_ =	shalt  }
0x79: {  	_ =	shalt  }
0x7a: {  	_ =	shalt  }
0x7b: {  	_ =	shalt  }
0x7c: {  	_ =	shalt  }
0x7d: {  	_ =	shalt  }
0x7e: {  	_ =	shalt  }
0x7f: {  	_ =	shalt  }
0x80: {  	_ =	shalt  }
0x81: {  	_ =	shalt  }
0x82: {  	_ =	shalt  }
0x83: {  	_ =	shalt  }
0x84: {  	_ =	shalt  }
0x85: {  	_ =	shalt  }
0x86: {  	_ =	shalt  }
0x87: {  	_ =	shalt  }
.Lfunc_end0:
.L_simem_size_0:
called_computation_lowered:
.L_overlay_start_0:
0x88: {  	s2 =	sld [smem:$0x3FD9]  }
0x89: {  	s3 =	sld [smem:$0x3FFE];
	_ =	sdelay $0x1  }
0x8a: {  	s1 =	srdreg.scid  }
0x8b: {  	s0 =	sand.u32 $0x1, s1  }
0x8c: {  	s15 =	sshll.u32 s0, $0xA;
	s2 =	sadd.s32 s3, s2  }
0x8d: {  	s2 =	sadd.s32 s2, s15  }
0x8e: {  	[smem:$0x3FC6] =	sst s2  }
0x8f: {  	_ = 	snop  }
0x90: {  	s2 =	sld [smem:$0x3FD0];
	_ =	sdelay $0x1  }
0x91: {  	s16 =	sld [smem:$0x3FC9]  }
0x92: {  	s5 =	simm.s32 $0xA;
	s6 =	simm.s32 $0x10;
	s4 =	sld [smem:$0x3FC8]  }
0x93: {  	[smem:s6], [sflag:s5] =	dma.local [hbm:s2], $0x1  }
0x94: {  	_ =	swait.eq [sflag:s5], $0x1  }
0x95: {  	[sflag:s5] =	ssyncset.done $0x0  }
0x96: {  	s17 =	sld [smem:$0x12];
	[sflag:s5] =	ssyncadd.s32 $0xFFFFFFFF  }
0x97: {  	s18 =	sld [smem:$0x13];
	(tm) =	ssettm $0x1  }
0x98: {  	s19 =	sld [smem:$0x3FFB];
	_ =	sdelay $0x3  }
0x99: {  	_ =	strace s19  }
0x9a: {  	s6 =	sld [smem:$0x3FFC];
	_ =	sdelay $0x3  }
0x9b: {  	_ =	strace s6  }
0x9c: {  	s6 =	sld [smem:$0x3FFD];
	_ =	sdelay $0x3  }
0x9d: {  	_ =	strace s6  }
0x9e: {  	_ =	strace $0x8FFFFFFF  }
0x9f: {  	s20 =	sld [smem:$0x3FDB];
	_ =	sdelay $0x1  }
0xa0: {  	s7 =	simm.s32 $_scs_section_size  }
0xa1: {  	s8 =	simm.s32 $_size__tile_overlayer_lowered;
	s9 =	simm.s32 $_tile_overlayer_lowered  }
0xa2: {  	s23 =	simm.s32 $0x1BFF;
	s22 =	sshll.u32 s9, $0x1;
	s6 =	sadd.s32 s7, s20  }
0xa3: {  	s10 =	simm.s32 $0x0;
	s21 =	sshll.u32 s8, $0x1;
	s8 =	sadd.s32 s22, s6  }
0xa4: {  	[timem:s10], [sflag:s23] =	dma.local [hbm:s8], s21  }
0xa5: {  	_ =	swait.ge [sflag:s23], s21  }
0xa6: {  	s7 =	ssub.s32 $0x0, s21;
	[sflag:s23] =	ssyncset.done $0x0  }
0xa7: {  	[sflag:s23] =	ssyncadd.s32 s7;
	_ =	sdelay $0x1  }
0xa8: {  	s24 =	simm.s32 $0x1B8B  }
0xa9: {  	_ =	swait.ge [sflag:s24], $0x1  }
0xaa: {  	[sflag:s24] =	ssyncset.done $0x0  }
0xab: {  	s25 =	simm.s32 $0x1B8E;
	[sflag:s24] =	ssyncadd.s32 $0xFFFFFFFF  }
0xac: {  	s26 =	simm.s32 $execute0_lowered;
	[smem:$0x3FD2] =	sst s25  }
0xad: {  	s7 =	sshll.u32 s26, $0x1;
	_ =	strace $0x80000046;
	[dreg:$0x1] =	wrdreg $0xFFFFFFFF  }
0xae: {  	s28 =	simm.s32 $_size_execute0_lowered;
	s6 =	sadd.s32 s6, s7;
	[dreg:$0x0] =	wrdreg $0x0  }
0xaf: {  	s7 =	sshll.u32 s28, $0x1;
	[dreg:$0x2] =	wrdreg s6  }
0xb0: {  	[dreg:$0x3] =	wrdreg s7  }
0xb1: {  	[dreg:$0x4] =	wrdreg $0xC0  }
0xb2: {  	_ =	task [dreg:s10], $0x5FFFF  }
0xb3: {  	[dreg:$0x1] =	wrdreg $0xFFFFFFFF  }
0xb4: {  	[dreg:$0x0] =	wrdreg $0x60  }
0xb5: {  	[dreg:$0x2] =	wrdreg s16  }
0xb6: {  	[dreg:$0x3] =	wrdreg s4  }
0xb7: {  	[dreg:$0x4] =	wrdreg s17  }
0xb8: {  	[dreg:$0x5] =	wrdreg s18  }
0xb9: {  	[dreg:$0x6] =	wrdreg $0x9  }
0xba: {  	_ =	task.clear_ibuf [dreg:s10], $0x7FFFF;
	_ =	strace $0x90000046  }
0xbb: {  	s29 =	simm.s32 $0x9;
	_ =	strace $0x80000048  }
0xbc: {  	_ =	swait.ge [sflag:s29], $0x1  }
0xbd: {  	[sflag:s29] =	ssyncadd.s32 $0xFFFFFFFF  }
0xbe: {  	_ =	strace $0x90000048  }
0xbf: {  	_ =	sfence  }
0xc0: {  	s30 =	sld [smem:$0x0];
	_ =	sdelay $0x2  }
0xc1: {  	s31 =	sshll.u32 s1, $0xD;
	s1 =	sshrl.u32 s1, $0x2  }
0xc2: {  	s3 =	sand.u32 $0x4000, s31;
	s1 =	sadd.s32 s1, s30  }
0xc3: {  	s0 =	sor.u32 s3, s0;
	s1 =	sshll.u32 s1, $0x11  }
0xc4: {  	s0 =	sor.u32 s1, s0  }
0xc5: {  	s0 =	sadd.s32 $0x8F2B, s0  }
0xc6: {  	[sflag:s0] =	ssyncadd.remote.s32 $0x1  }
0xc7: {  	_ =	sfence.sel $0xFFFF  }
0xc8: {  	[dreg:$0x0] =	wrdreg $0xFFFFFFFF;
	(pc) =	sbr.abs _section_cstart, $3  }
0xc9: {  	[dreg:$0x1] =	wrdreg $0xFFFFFFFF  }
0xca: {  	_ =	task.clear_ibuf [dreg:s10], $0x2FFFF;
	_ =	strace $0x9FFFFFFF  }
0xcb: {  	(tm) =	ssettm $0x7FFFFFFF  }
tec
execute0_lowered:
.L_overlay_start_1:
0x0: {  	(tag) =	ssettag $0x1  }
0x1: {  	v0 =	vimm.s32 $0xB80  }
0x2: {  	vm14 =	vcmask $0x300;
	vm13 =	vcmask $0x704;
	vm12 =	vcmask $0xB08  }
0x3: {  	vm11 =	vcmask $0xF0C;
	vm10 =	vcmask $0x1310;
	vm9 =	vcmask $0x1714  }
0x4: {  	vm8 =	vcmask $0x1B18;
	vm7 =	vcmask $0x1F1C;
	vm6 =	vcmask $0x2320  }
0x5: {  	vm5 =	vcmask $0x2724;
	vm4 =	vcmask $0x2B28;
	vm3 =	vcmask $0x2F2C  }
0x6: {  	vm2 =	vcmask $0x3330;
	vm1 =	vcmask $0x3734;
	vm0 =	vcmask $0x3B38  }
0x7: {  	v1 =	vimm.s32 $0xB83;
	v2 =	vimm.s32 $0x1B80;
	v3 =	vimm.s32 $0x1B83  }
0x8: {  	v4 =	vimm.s32 $0x2B80;
	v5 =	vimm.s32 $0x2B83;
	v6 =	vimm.s32 $0x3B80  }
0x9: {  	v7 =	vimm.s32 $0x3B83;
	v8 =	vimm.s32 $0x4B80;
	v9 =	vimm.s32 $0x4B83  }
0xa: {  	v10 =	vimm.s32 $0x5B80;
	v11 =	vimm.s32 $0x5B83;
	v12 =	vimm.s32 $0x6B80  }
0xb: {  	v13 =	vimm.s32 $0x6B83;
	v14 =	vimm.s32 $0x7B80;
	v15 =	vimm.s32 $0x7B83  }
0xc: {  	v0 =	vsel vm14, $0x0, v0;
	v1 =	vsel vm14, $0x3, v1;
	v2 =	vsel vm14, $0x1000, v2  }
0xd: {  	v3 =	vsel vm14, $0x1003, v3;
	v4 =	vsel vm14, $0x2000, v4;
	v5 =	vsel vm14, $0x2003, v5  }
0xe: {  	v6 =	vsel vm14, $0x3000, v6;
	v7 =	vsel vm14, $0x3003, v7;
	v8 =	vsel vm14, $0x4000, v8  }
0xf: {  	v9 =	vsel vm14, $0x4003, v9;
	v10 =	vsel vm14, $0x5000, v10;
	v11 =	vsel vm14, $0x5003, v11  }
0x10: {  	v12 =	vsel vm14, $0x6000, v12;
	v13 =	vsel vm14, $0x6003, v13;
	v14 =	vsel vm14, $0x7000, v14  }
0x11: {  	v15 =	vsel vm14, $0x7003, v15;
	v0 =	vsel vm13, $0x80, v0;
	v1 =	vsel vm13, $0x83, v1  }
0x12: {  	v2 =	vsel vm13, $0x1080, v2;
	v3 =	vsel vm13, $0x1083, v3;
	v4 =	vsel vm13, $0x2080, v4  }
0x13: {  	v5 =	vsel vm13, $0x2083, v5;
	v6 =	vsel vm13, $0x3080, v6;
	v7 =	vsel vm13, $0x3083, v7  }
0x14: {  	v8 =	vsel vm13, $0x4080, v8;
	v9 =	vsel vm13, $0x4083, v9;
	v10 =	vsel vm13, $0x5080, v10  }
0x15: {  	v11 =	vsel vm13, $0x5083, v11;
	v12 =	vsel vm13, $0x6080, v12;
	v13 =	vsel vm13, $0x6083, v13  }
0x16: {  	v14 =	vsel vm13, $0x7080, v14;
	v15 =	vsel vm13, $0x7083, v15;
	v0 =	vsel vm12, $0x100, v0  }
0x17: {  	v1 =	vsel vm12, $0x103, v1;
	v2 =	vsel vm12, $0x1100, v2;
	v3 =	vsel vm12, $0x1103, v3  }
0x18: {  	v4 =	vsel vm12, $0x2100, v4;
	v5 =	vsel vm12, $0x2103, v5;
	v6 =	vsel vm12, $0x3100, v6  }
0x19: {  	v7 =	vsel vm12, $0x3103, v7;
	v8 =	vsel vm12, $0x4100, v8;
	v9 =	vsel vm12, $0x4103, v9  }
0x1a: {  	v10 =	vsel vm12, $0x5100, v10;
	v11 =	vsel vm12, $0x5103, v11;
	v12 =	vsel vm12, $0x6100, v12  }
0x1b: {  	v13 =	vsel vm12, $0x6103, v13;
	v14 =	vsel vm12, $0x7100, v14;
	v15 =	vsel vm12, $0x7103, v15  }
0x1c: {  	v0 =	vsel vm11, $0x180, v0;
	v1 =	vsel vm11, $0x183, v1;
	v2 =	vsel vm11, $0x1180, v2  }
0x1d: {  	v3 =	vsel vm11, $0x1183, v3;
	v4 =	vsel vm11, $0x2180, v4;
	v5 =	vsel vm11, $0x2183, v5  }
0x1e: {  	v6 =	vsel vm11, $0x3180, v6;
	v7 =	vsel vm11, $0x3183, v7;
	v8 =	vsel vm11, $0x4180, v8  }
0x1f: {  	v9 =	vsel vm11, $0x4183, v9;
	v10 =	vsel vm11, $0x5180, v10;
	v11 =	vsel vm11, $0x5183, v11  }
0x20: {  	v12 =	vsel vm11, $0x6180, v12;
	v13 =	vsel vm11, $0x6183, v13;
	v14 =	vsel vm11, $0x7180, v14  }
0x21: {  	v15 =	vsel vm11, $0x7183, v15;
	v0 =	vsel vm10, $0x200, v0;
	v1 =	vsel vm10, $0x203, v1  }
0x22: {  	v2 =	vsel vm10, $0x1200, v2;
	v3 =	vsel vm10, $0x1203, v3;
	v4 =	vsel vm10, $0x2200, v4  }
0x23: {  	v5 =	vsel vm10, $0x2203, v5;
	v6 =	vsel vm10, $0x3200, v6;
	v7 =	vsel vm10, $0x3203, v7  }
0x24: {  	v8 =	vsel vm10, $0x4200, v8;
	v9 =	vsel vm10, $0x4203, v9;
	v10 =	vsel vm10, $0x5200, v10  }
0x25: {  	v11 =	vsel vm10, $0x5203, v11;
	v12 =	vsel vm10, $0x6200, v12;
	v13 =	vsel vm10, $0x6203, v13  }
0x26: {  	v14 =	vsel vm10, $0x7200, v14;
	v15 =	vsel vm10, $0x7203, v15;
	v0 =	vsel vm9, $0x280, v0  }
0x27: {  	v1 =	vsel vm9, $0x283, v1;
	v2 =	vsel vm9, $0x1280, v2;
	v3 =	vsel vm9, $0x1283, v3  }
0x28: {  	v4 =	vsel vm9, $0x2280, v4;
	v5 =	vsel vm9, $0x2283, v5;
	v6 =	vsel vm9, $0x3280, v6  }
0x29: {  	v7 =	vsel vm9, $0x3283, v7;
	v8 =	vsel vm9, $0x4280, v8;
	v9 =	vsel vm9, $0x4283, v9  }
0x2a: {  	v10 =	vsel vm9, $0x5280, v10;
	v11 =	vsel vm9, $0x5283, v11;
	v12 =	vsel vm9, $0x6280, v12  }
0x2b: {  	v13 =	vsel vm9, $0x6283, v13;
	v14 =	vsel vm9, $0x7280, v14;
	v15 =	vsel vm9, $0x7283, v15  }
0x2c: {  	v0 =	vsel vm8, $0x300, v0;
	v1 =	vsel vm8, $0x303, v1;
	v2 =	vsel vm8, $0x1300, v2  }
0x2d: {  	v3 =	vsel vm8, $0x1303, v3;
	v4 =	vsel vm8, $0x2300, v4;
	v5 =	vsel vm8, $0x2303, v5  }
0x2e: {  	v6 =	vsel vm8, $0x3300, v6;
	v7 =	vsel vm8, $0x3303, v7;
	v8 =	vsel vm8, $0x4300, v8  }
0x2f: {  	v9 =	vsel vm8, $0x4303, v9;
	v10 =	vsel vm8, $0x5300, v10;
	v11 =	vsel vm8, $0x5303, v11  }
0x30: {  	v12 =	vsel vm8, $0x6300, v12;
	v13 =	vsel vm8, $0x6303, v13;
	v14 =	vsel vm8, $0x7300, v14  }
0x31: {  	v15 =	vsel vm8, $0x7303, v15;
	v0 =	vsel vm7, $0x380, v0;
	v1 =	vsel vm7, $0x383, v1  }
0x32: {  	v2 =	vsel vm7, $0x1380, v2;
	v3 =	vsel vm7, $0x1383, v3;
	v4 =	vsel vm7, $0x2380, v4  }
0x33: {  	v5 =	vsel vm7, $0x2383, v5;
	v6 =	vsel vm7, $0x3380, v6;
	v7 =	vsel vm7, $0x3383, v7  }
0x34: {  	v8 =	vsel vm7, $0x4380, v8;
	v9 =	vsel vm7, $0x4383, v9;
	v10 =	vsel vm7, $0x5380, v10  }
0x35: {  	v11 =	vsel vm7, $0x5383, v11;
	v12 =	vsel vm7, $0x6380, v12;
	v13 =	vsel vm7, $0x6383, v13  }
0x36: {  	v14 =	vsel vm7, $0x7380, v14;
	v15 =	vsel vm7, $0x7383, v15;
	v0 =	vsel vm6, $0x800, v0  }
0x37: {  	v1 =	vsel vm6, $0x803, v1;
	v2 =	vsel vm6, $0x1800, v2;
	v3 =	vsel vm6, $0x1803, v3  }
0x38: {  	v4 =	vsel vm6, $0x2800, v4;
	v5 =	vsel vm6, $0x2803, v5;
	v6 =	vsel vm6, $0x3800, v6  }
0x39: {  	v7 =	vsel vm6, $0x3803, v7;
	v8 =	vsel vm6, $0x4800, v8;
	v9 =	vsel vm6, $0x4803, v9  }
0x3a: {  	v10 =	vsel vm6, $0x5800, v10;
	v11 =	vsel vm6, $0x5803, v11;
	v12 =	vsel vm6, $0x6800, v12  }
0x3b: {  	v13 =	vsel vm6, $0x6803, v13;
	v14 =	vsel vm6, $0x7800, v14;
	v15 =	vsel vm6, $0x7803, v15  }
0x3c: {  	v0 =	vsel vm5, $0x880, v0;
	v1 =	vsel vm5, $0x883, v1;
	v2 =	vsel vm5, $0x1880, v2  }
0x3d: {  	v3 =	vsel vm5, $0x1883, v3;
	v4 =	vsel vm5, $0x2880, v4;
	v5 =	vsel vm5, $0x2883, v5  }
0x3e: {  	v6 =	vsel vm5, $0x3880, v6;
	v7 =	vsel vm5, $0x3883, v7;
	v8 =	vsel vm5, $0x4880, v8  }
0x3f: {  	v9 =	vsel vm5, $0x4883, v9;
	v10 =	vsel vm5, $0x5880, v10;
	v11 =	vsel vm5, $0x5883, v11  }
0x40: {  	v12 =	vsel vm5, $0x6880, v12;
	v13 =	vsel vm5, $0x6883, v13;
	v14 =	vsel vm5, $0x7880, v14  }
0x41: {  	v15 =	vsel vm5, $0x7883, v15;
	v0 =	vsel vm4, $0x900, v0;
	v1 =	vsel vm4, $0x903, v1  }
0x42: {  	v2 =	vsel vm4, $0x1900, v2;
	v3 =	vsel vm4, $0x1903, v3;
	v4 =	vsel vm4, $0x2900, v4  }
0x43: {  	v5 =	vsel vm4, $0x2903, v5;
	v6 =	vsel vm4, $0x3900, v6;
	v7 =	vsel vm4, $0x3903, v7  }
0x44: {  	v8 =	vsel vm4, $0x4900, v8;
	v9 =	vsel vm4, $0x4903, v9;
	v10 =	vsel vm4, $0x5900, v10  }
0x45: {  	v11 =	vsel vm4, $0x5903, v11;
	v12 =	vsel vm4, $0x6900, v12;
	v13 =	vsel vm4, $0x6903, v13  }
0x46: {  	v14 =	vsel vm4, $0x7900, v14;
	v15 =	vsel vm4, $0x7903, v15;
	v0 =	vsel vm3, $0x980, v0  }
0x47: {  	v1 =	vsel vm3, $0x983, v1;
	v2 =	vsel vm3, $0x1980, v2;
	v3 =	vsel vm3, $0x1983, v3  }
0x48: {  	v4 =	vsel vm3, $0x2980, v4;
	v5 =	vsel vm3, $0x2983, v5;
	v6 =	vsel vm3, $0x3980, v6  }
0x49: {  	s12 =	rddreg [dreg:$0x0];
	v7 =	vsel vm3, $0x3983, v7;
	v8 =	vsel vm3, $0x4980, v8;
	v9 =	vsel vm3, $0x4983, v9  }
0x4a: {  	s2 =	rddreg [dreg:$0x1];
	v10 =	vsel vm3, $0x5980, v10;
	v11 =	vsel vm3, $0x5983, v11;
	v12 =	vsel vm3, $0x6980, v12  }
0x4b: {  	s0 =	rddreg [dreg:$0x2];
	s3 =	srdreg.scid;
	v13 =	vsel vm3, $0x6983, v13;
	v14 =	vsel vm3, $0x7980, v14;
	v15 =	vsel vm3, $0x7983, v15  }
0x4c: {  	s1 =	rddreg [dreg:$0x3];
	s5 =	stileid.u32;
	v0 =	vsel vm2, $0xA00, v0;
	v1 =	vsel vm2, $0xA03, v1;
	v2 =	vsel vm2, $0x1A00, v2  }
0x4d: {  	s28 =	simm.s32 $0x3;
	s29 =	simm.s32 $0x0;
	s4 =	sand.u32 $0x1, s3;
	v3 =	vsel vm2, $0x1A03, v3;
	v4 =	vsel vm2, $0x2A00, v4;
	v5 =	vsel vm2, $0x2A03, v5  }
0x4e: {  	s5 =	sshll.u32 s5, $0xA;
	s3 =	simm.s32 $0x0;
	s6 =	sshll.u32 s4, $0x9;
	v6 =	vsel vm2, $0x3A00, v6;
	v7 =	vsel vm2, $0x3A03, v7;
	v8 =	vsel vm2, $0x4A00, v8  }
0x4f: {  	s4 =	ssub.s32 $0x2, s4;
	[smem:$0x7FF] =	sst s3;
	s5 =	sor.u32 s6, s5;
	v9 =	vsel vm2, $0x4A03, v9;
	v10 =	vsel vm2, $0x5A00, v10;
	v11 =	vsel vm2, $0x5A03, v11  }
0x50: {  	s20 =	sshrl.u32 s4, $0x1;
	_ =	strace $0x80000047;
	s7 =	sshrl.u32 s5, $0x3;
	v12 =	vsel vm2, $0x6A00, v12;
	v13 =	vsel vm2, $0x6A03, v13;
	v14 =	vsel vm2, $0x7A00, v14  }
0x51: {  	s4 =	ssub.s32 s4, s20;
	s21 =	sadd.s32 s12, s5;
	s22 =	sor.u32 $0x80, s5;
	v15 =	vsel vm2, $0x7A03, v15;
	v0 =	vsel vm1, $0xA80, v0;
	v1 =	vsel vm1, $0xA83, v1  }
0x52: {  	s23 =	sshll.u32 s5, $0x4;
	s9 =	sor.u32 $0x100, s5;
	s26 =	sor.u32 $0x180, s5;
	v2 =	vsel vm1, $0x1A80, v2;
	v3 =	vsel vm1, $0x1A83, v3;
	v4 =	vsel vm1, $0x2A80, v4  }
0x53: {  	s2 =	sadd.s32 s2, s7;
	[dreg:$0x6] =	wrdreg s21;
	s24 =	sadd.s32 s12, s22;
	v5 =	vsel vm1, $0x2A83, v5;
	v6 =	vsel vm1, $0x3A80, v6;
	v7 =	vsel vm1, $0x3A83, v7  }
0x54: {  	s7 =	sadd.s32 s0, s23;
	s8 =	sadd.s32 s1, s23;
	[dreg:$0x5] =	wrdreg s2;
	v8 =	vsel vm1, $0x4A80, v8;
	v9 =	vsel vm1, $0x4A83, v9;
	v10 =	vsel vm1, $0x5A80, v10  }
0x55: {  	s25 =	sadd.s32 s12, s9;
	s5 =	sadd.s32 s12, s26;
	[dreg:$0x7] =	wrdreg s24;
	v11 =	vsel vm1, $0x5A83, v11;
	v12 =	vsel vm1, $0x6A80, v12;
	v13 =	vsel vm1, $0x6A83, v13  }
0x56: {  	s30 =	sshll.u32 s9, $0x4;
	s31 =	smax.u32 s4, $0x1;
	[dreg:$0x8] =	wrdreg s25;
	v14 =	vsel vm1, $0x7A80, v14;
	v15 =	vsel vm1, $0x7A83, v15;
	v0 =	vsel vm0, $0xB00, v0  }
0x57: {  	s21 =	simm.s32 $0x20000;
	s2 =	sshll.u32 s22, $0x4;
	[dreg:$0x9] =	wrdreg s5;
	v1 =	vsel vm0, $0xB03, v1;
	v2 =	vsel vm0, $0x1B00, v2;
	v3 =	vsel vm0, $0x1B03, v3  }
0x58: {  	s13 =	sadd.s32 s0, s30;
	s14 =	sadd.s32 s1, s30;
	[dreg:$0xa] =	wrdreg s31;
	v4 =	vsel vm0, $0x2B00, v4;
	v5 =	vsel vm0, $0x2B03, v5;
	v6 =	vsel vm0, $0x3B00, v6  }
0x59: {  	s5 =	simm.s32 $0x6200;
	s25 =	simm.s32 $0x12200;
	s22 =	simm.s32 $0xA200;
	v7 =	vsel vm0, $0x3B03, v7;
	v8 =	vsel vm0, $0x4B00, v8;
	v9 =	vsel vm0, $0x4B03, v9  }
0x5a: {  	s10 =	sadd.s32 s0, s2;
	s11 =	sadd.s32 s1, s2;
	s2 =	sshll.u32 s26, $0x4;
	v10 =	vsel vm0, $0x5B00, v10;
	v11 =	vsel vm0, $0x5B03, v11;
	v12 =	vsel vm0, $0x6B00, v12  }
0x5b: {  	s15 =	sadd.s32 s0, s2;
	s16 =	sadd.s32 s1, s2;
	s2 =	simm.s32 $0x400;
	v13 =	vsel vm0, $0x6B03, v13;
	v14 =	vsel vm0, $0x7B00, v14;
	v15 =	vsel vm0, $0x7B03, v15  }
.LBB2_1:
0x5c: {  	s0 =	rddreg [dreg:$0x5];
	s1 =	simm.s32 $0x2000;
	s24 =	simm.s32 $0x5  }
0x5d: {  	[tilespmem:s1], [sflag:$0x5] =	stream.linear.gather [hbm4b:s0+s3], $0x200, $0x38;
	[tilespmem:$0x1A200] =	vst v63  }
0x5e: {  	_ =	swait.ge [sflag:s24], $0x200  }
0x5f: {  	[sflag:s24] =	ssyncset.done $0x0  }
0x60: {  	[sflag:s24] =	ssyncadd.s32 $0xFFFFFE00  }
0x61: {  	s4 =	simm.s32 $0x2200;
	s26 =	rddreg [dreg:$0x0]  }
0x62: {  	[tilespmem:s4], [sflag:$0x5] =	stream.strided.gather [hbm4b:s26+s2], $0x4000, s21, s2, $0x38;
	[tilespmem:$0x1A200] =	vst v63  }
0x63: {  	_ =	swait.ge [sflag:s24], $0x4000  }
0x64: {  	[sflag:s24] =	ssyncset.done $0x0  }
0x65: {  	s1 =	simm.s32 $0x2400;
	s4 =	rddreg [dreg:$0x6];
	[sflag:s24] =	ssyncadd.s32 $0xFFFFC000  }
0x66: {  	[tilespmem:s5], [sflag:$0x2] =	stream.strided.gather [hbm4b:s4+s2], $0x4000, s21, s2, $0x38;
	[tilespmem:$0x1A200] =	vst v63  }
0x67: {  	v16 =	vld [tilespmem:s1+$0x180]  }
0x68: {  	v17 =	vld [tilespmem:s1+$0xFFFFFE80]  }
0x69: {  	v18 =	vld [tilespmem:s1+$0xFFFFFF00]  }
0x6a: {  	v19 =	vld [tilespmem:s1+$0xFFFFFF80]  }
0x6b: {  	v20 =	vld [tilespmem:s1+$0x0]  }
0x6c: {  	v21 =	vld [tilespmem:s1+$0x80];
	v16 =	vmul.f32 v16, v16  }
0x6d: {  	s30 =	simm.s32 $0x100;
	v22 =	vld [tilespmem:s1+$0x100];
	v17 =	vmul.f32 v17, v17  }
0x6e: {  	v23 =	vld [tilespmem:s1+$0xFFFFFE00];
	v18 =	vmul.f32 v18, v18;
	[tilespmem:s30+$0xC0] =	vst v16  }
0x6f: {  	[tilespmem:s30+$0xFFFFFF40] =	vst v17;
	v16 =	vmul.f32 v19, v19;
	v17 =	vld [tilespmem:s1+$0x190]  }
0x70: {  	[tilespmem:s30+$0xFFFFFF80] =	vst v18;
	v18 =	vmul.f32 v20, v20;
	v19 =	vld [tilespmem:s1+$0xFFFFFE90]  }
0x71: {  	v20 =	vld [tilespmem:s1+$0xFFFFFF10];
	[tilespmem:s30+$0xFFFFFFC0] =	vst v16;
	v16 =	vmul.f32 v21, v21  }
0x72: {  	[tilespmem:s30+$0x0] =	vst v18;
	v18 =	vmul.f32 v22, v22;
	v21 =	vld [tilespmem:s1+$0xFFFFFF90]  }
0x73: {  	v22 =	vmul.f32 v23, v23;
	v23 =	vld [tilespmem:s1+$0x10];
	[tilespmem:s30+$0x40] =	vst v16  }
0x74: {  	s31 =	simm.s32 $0x1C0;
	[tilespmem:s30+$0x80] =	vst v18;
	v16 =	vld [tilespmem:s1+$0x90];
	v17 =	vmul.f32 v17, v17  }
0x75: {  	s6 =	sor.u32 $0x50, s31;
	s5 =	simm.s32 $0x40;
	[tilespmem:s30+$0xFFFFFF00] =	vst v22;
	v18 =	vmul.f32 v19, v19;
	v19 =	vld [tilespmem:s1+$0x110]  }
0x76: {  	s18 =	sor.u32 $0x50, s5;
	v22 =	vld [tilespmem:s1+$0xFFFFFE10];
	v20 =	vmul.f32 v20, v20;
	[tilespmem:s6+$0x0] =	vst v17  }
0x77: {  	s9 =	simm.s32 $0xC0;
	[tilespmem:s18+$0x0] =	vst v18;
	v17 =	vmul.f32 v21, v21;
	v18 =	vld [tilespmem:s1+$0x1A0]  }
0x78: {  	s12 =	sor.u32 $0x50, s9;
	[tilespmem:s30+$0xFFFFFF90] =	vst v20;
	v20 =	vmul.f32 v23, v23;
	v21 =	vld [tilespmem:s1+$0xFFFFFEA0]  }
0x79: {  	s17 =	simm.s32 $0x140;
	v23 =	vld [tilespmem:s1+$0xFFFFFF20];
	[tilespmem:s12+$0x0] =	vst v17;
	v16 =	vmul.f32 v16, v16  }
0x7a: {  	s19 =	sor.u32 $0x50, s17;
	[tilespmem:s30+$0x10] =	vst v20;
	v17 =	vld [tilespmem:s1+$0xFFFFFFA0];
	v19 =	vmul.f32 v19, v19  }
0x7b: {  	v20 =	vmul.f32 v22, v22;
	v22 =	vld [tilespmem:s1+$0x20];
	[tilespmem:s19+$0x0] =	vst v16  }
0x7c: {  	v16 =	vld [tilespmem:s1+$0xA0];
	[tilespmem:s30+$0x90] =	vst v19;
	v18 =	vmul.f32 v18, v18  }
0x7d: {  	s20 =	sor.u32 $0x60, s31;
	[tilespmem:s30+$0xFFFFFF10] =	vst v20;
	v19 =	vmul.f32 v21, v21;
	v20 =	vld [tilespmem:s1+$0x120]  }
0x7e: {  	s23 =	sor.u32 $0x60, s5;
	v21 =	vld [tilespmem:s1+$0xFFFFFE20];
	v23 =	vmul.f32 v23, v23;
	[tilespmem:s20+$0x0] =	vst v18  }
0x7f: {  	[tilespmem:s23+$0x0] =	vst v19;
	v17 =	vmul.f32 v17, v17;
	v19 =	vld [tilespmem:s1+$0x1B0]  }
0x80: {  	s23 =	sor.u32 $0x60, s9;
	[tilespmem:s30+$0xFFFFFFA0] =	vst v23;
	v18 =	vmul.f32 v22, v22;
	v24 =	vld [tilespmem:s1+$0xFFFFFEB0]  }
0x81: {  	v22 =	vld [tilespmem:s1+$0xFFFFFF30];
	[tilespmem:s23+$0x0] =	vst v17;
	v17 =	vmul.f32 v16, v16  }
0x82: {  	s24 =	sor.u32 $0x60, s17;
	[tilespmem:s30+$0x20] =	vst v18;
	v16 =	vld [tilespmem:s1+$0xFFFFFFB0];
	v20 =	vmul.f32 v20, v20  }
0x83: {  	v21 =	vmul.f32 v21, v21;
	v18 =	vld [tilespmem:s1+$0x30];
	[tilespmem:s24+$0x0] =	vst v17  }
0x84: {  	v17 =	vld [tilespmem:s1+$0xB0];
	[tilespmem:s30+$0xA0] =	vst v20;
	v23 =	vmul.f32 v19, v19  }
0x85: {  	s0 =	sor.u32 $0x70, s9;
	s26 =	sor.u32 $0x70, s31;
	s2 =	simm.s32 $0x0;
	[tilespmem:s30+$0xFFFFFF20] =	vst v21;
	v19 =	vld [tilespmem:s1+$0x130];
	v21 =	vmul.f32 v24, v24  }
0x86: {  	s18 =	sor.u32 $0x70, s17;
	s23 =	sor.u32 $0x70, s5;
	v20 =	vld [tilespmem:s1+$0xFFFFFE30];
	v22 =	vmul.f32 v22, v22;
	s1 =	simm.s32 $0x2800;
	[tilespmem:s26+$0x0] =	vst v23  }
.LBB2_2:
0x87: {  	v23 =	vld [tilespmem:s1+$0x180];
	s2 =	sadd.s32 $0x8, s2;
	[tilespmem:s23+$0x0] =	vst v21;
	v16 =	vmul.f32 v16, v16  }
0x88: {  	v21 =	vld [tilespmem:s1+$0xFFFFFE80];
	p0 =	slt.u32 s2, $0x78;
	[tilespmem:s30+$0xFFFFFFB0] =	vst v22;
	v18 =	vmul.f32 v18, v18  }
0x89: {  	v22 =	vld [tilespmem:s1+$0xFFFFFF00];
	[tilespmem:s0+$0x0] =	vst v16;
	v16 =	vmul.f32 v17, v17  }
0x8a: {  	v17 =	vld [tilespmem:s1+$0xFFFFFF80];
	[tilespmem:s30+$0x30] =	vst v18;
	v18 =	vmul.f32 v19, v19  }
0x8b: {  	v19 =	vld [tilespmem:s1+$0x0];
	v20 =	vmul.f32 v20, v20;
	[tilespmem:s18+$0x0] =	vst v16  }
0x8c: {  	v16 =	vld [tilespmem:s1+$0x80];
	v23 =	vmul.f32 v23, v23;
	[tilespmem:s30+$0xB0] =	vst v18  }
0x8d: {  	v18 =	vmul.f32 v21, v21;
	v21 =	vld [tilespmem:s1+$0x100];
	[tilespmem:s30+$0xFFFFFF30] =	vst v20;
	s30 =	sadd.s32 $0x200, s30  }
0x8e: {  	v20 =	vld [tilespmem:s1+$0xFFFFFE00];
	v22 =	vmul.f32 v22, v22;
	[tilespmem:s30+$0xC0] =	vst v23  }
0x8f: {  	[tilespmem:s30+$0xFFFFFF40] =	vst v18;
	v17 =	vmul.f32 v17, v17;
	v18 =	vld [tilespmem:s1+$0x190]  }
0x90: {  	v23 =	vld [tilespmem:s1+$0xFFFFFE90];
	[tilespmem:s30+$0xFFFFFF80] =	vst v22;
	v19 =	vmul.f32 v19, v19  }
0x91: {  	v22 =	vld [tilespmem:s1+$0xFFFFFF10];
	[tilespmem:s30+$0xFFFFFFC0] =	vst v17;
	v16 =	vmul.f32 v16, v16  }
0x92: {  	v17 =	vld [tilespmem:s1+$0xFFFFFF90];
	[tilespmem:s30+$0x0] =	vst v19;
	v19 =	vmul.f32 v21, v21  }
0x93: {  	v20 =	vmul.f32 v20, v20;
	v21 =	vld [tilespmem:s1+$0x10];
	[tilespmem:s30+$0x40] =	vst v16  }
0x94: {  	s31 =	sadd.s32 $0x200, s31;
	v16 =	vld [tilespmem:s1+$0x90];
	[tilespmem:s30+$0x80] =	vst v19;
	v18 =	vmul.f32 v18, v18  }
0x95: {  	s4 =	sadd.s32 $0xFFFFFF00, s31;
	s5 =	sor.u32 $0x50, s31;
	s0 =	sadd.s32 $0xFFFFFE80, s31;
	[tilespmem:s30+$0xFFFFFF00] =	vst v20;
	v19 =	vmul.f32 v23, v23;
	v20 =	vld [tilespmem:s1+$0x110]  }
0x96: {  	s9 =	sadd.s32 $0xFFFFFF80, s31;
	s6 =	sor.u32 $0x50, s4;
	s18 =	sor.u32 $0x50, s0;
	v23 =	vld [tilespmem:s1+$0xFFFFFE10];
	v22 =	vmul.f32 v22, v22;
	[tilespmem:s5+$0x0] =	vst v18  }
0x97: {  	s12 =	sor.u32 $0x60, s4;
	s20 =	sor.u32 $0x50, s9;
	s5 =	sor.u32 $0x60, s0;
	[tilespmem:s18+$0x0] =	vst v19;
	v17 =	vmul.f32 v17, v17;
	v18 =	vld [tilespmem:s1+$0x1A0]  }
0x98: {  	s23 =	sor.u32 $0x70, s0;
	s0 =	sor.u32 $0x70, s4;
	s4 =	sor.u32 $0x60, s9;
	v19 =	vld [tilespmem:s1+$0xFFFFFEA0];
	[tilespmem:s30+$0xFFFFFF90] =	vst v22;
	v21 =	vmul.f32 v21, v21  }
0x99: {  	s18 =	sor.u32 $0x70, s9;
	v22 =	vld [tilespmem:s1+$0xFFFFFF20];
	[tilespmem:s6+$0x0] =	vst v17;
	v16 =	vmul.f32 v16, v16  }
0x9a: {  	v17 =	vld [tilespmem:s1+$0xFFFFFFA0];
	[tilespmem:s30+$0x10] =	vst v21;
	v20 =	vmul.f32 v20, v20  }
0x9b: {  	v21 =	vmul.f32 v23, v23;
	v23 =	vld [tilespmem:s1+$0x20];
	[tilespmem:s20+$0x0] =	vst v16  }
0x9c: {  	v16 =	vld [tilespmem:s1+$0xA0];
	[tilespmem:s30+$0x90] =	vst v20;
	v18 =	vmul.f32 v18, v18  }
0x9d: {  	s6 =	sor.u32 $0x60, s31;
	[tilespmem:s30+$0xFFFFFF10] =	vst v21;
	v19 =	vmul.f32 v19, v19;
	v20 =	vld [tilespmem:s1+$0x120]  }
0x9e: {  	v21 =	vld [tilespmem:s1+$0xFFFFFE20];
	v22 =	vmul.f32 v22, v22;
	[tilespmem:s6+$0x0] =	vst v18  }
0x9f: {  	[tilespmem:s5+$0x0] =	vst v19;
	v17 =	vmul.f32 v17, v17;
	v19 =	vld [tilespmem:s1+$0x1B0]  }
0xa0: {  	v24 =	vld [tilespmem:s1+$0xFFFFFEB0];
	[tilespmem:s30+$0xFFFFFFA0] =	vst v22;
	v18 =	vmul.f32 v23, v23  }
0xa1: {  	v22 =	vld [tilespmem:s1+$0xFFFFFF30];
	[tilespmem:s12+$0x0] =	vst v17;
	v17 =	vmul.f32 v16, v16  }
.Ltmp0:
0xa2: {  	v16 =	vld [tilespmem:s1+$0xFFFFFFB0];
	[tilespmem:s30+$0x20] =	vst v18;
	v20 =	vmul.f32 v20, v20;
	(pc) =	sbr.rel @p0 .LBB2_2-.Ltmp0, $4  }
0xa3: {  	v21 =	vmul.f32 v21, v21;
	v18 =	vld [tilespmem:s1+$0x30];
	[tilespmem:s4+$0x0] =	vst v17  }
0xa4: {  	v17 =	vld [tilespmem:s1+$0xB0];
	[tilespmem:s30+$0xA0] =	vst v20;
	v23 =	vmul.f32 v19, v19  }
0xa5: {  	s4 =	sor.u32 $0x70, s31;
	[tilespmem:s30+$0xFFFFFF20] =	vst v21;
	v21 =	vmul.f32 v24, v24;
	v19 =	vld [tilespmem:s1+$0x130]  }
0xa6: {  	v20 =	vld [tilespmem:s1+$0xFFFFFE30];
	v22 =	vmul.f32 v22, v22;
	[tilespmem:s4+$0x0] =	vst v23;
	s1 =	sadd.s32 $0x400, s1  }
0xa7: {  	[tilespmem:s23+$0x0] =	vst v21;
	v16 =	vmul.f32 v16, v16  }
0xa8: {  	[tilespmem:s30+$0xFFFFFFB0] =	vst v22;
	v18 =	vmul.f32 v18, v18  }
0xa9: {  	[tilespmem:s0+$0x0] =	vst v16;
	v16 =	vmul.f32 v17, v17  }
0xaa: {  	[tilespmem:s30+$0x30] =	vst v18;
	v17 =	vmul.f32 v19, v19  }
0xab: {  	v18 =	vmul.f32 v20, v20;
	[tilespmem:s18+$0x0] =	vst v16  }
0xac: {  	[tilespmem:s30+$0xB0] =	vst v17  }
0xad: {  	[tilespmem:s30+$0xFFFFFF30] =	vst v18;
	s30 =	simm.s32 $0x2  }
0xae: {  	_ =	swait.ge [sflag:s30], $0x4000  }
0xaf: {  	s2 =	simm.s32 $0x400;
	[sflag:s30] =	ssyncset.done $0x0  }
0xb0: {  	s1 =	simm.s32 $0x2200;
	s31 =	rddreg [dreg:$0x7];
	[sflag:s30] =	ssyncadd.s32 $0xFFFFC000  }
0xb1: {  	[tilespmem:s1], [sflag:$0x1] =	stream.strided.gather [hbm4b:s31+s2], $0x4000, s21, s2, $0x38;
	[tilespmem:$0x1A200] =	vst v63  }
0xb2: {  	v16 =	vld [tilespmem:$0x2000];
	_ =	sdelay $0x4  }
0xb3: {  	vm0 =	vgt.s32 v16, $0x0  }
0xb4: {  	v16 =	vnsel vm0, $0x0, v16  }
0xb5: {  	v26 =	vmin.u32 v16, $0x3F  }
0xb6: {  	v17 =	vadd.s32 $0x1C0, v26;
	_ =	sdelay $0x1  }
0xb7: {  	s1 =	simm.s32 $0x6400;
	v19 =	vadd.s32 $0x40, v26  }
0xb8: {  	v31 =	vld [tilespmem:s1+$0x180]  }
0xb9: {  	v18 =	vimm.s32 $0x0;
	v33 =	vld [tilespmem:s1+$0xFFFFFE80];
	v21 =	vadd.s32 $0xC0, v26  }
0xba: {  	v20 =	vadd.s32 $0x80, v26;
	v30 =	vld.idx.msk [tilespmem:v17+s3+$0x0], $0xffff;
	v17 =	vshll.u32 v18, $0x3  }
0xbb: {  	v25 =	vand.u32 $0x78, v18;
	v34 =	vld [tilespmem:s1+$0xFFFFFF00];
	v23 =	vadd.s32 $0x140, v26;
	v17 =	vand.u32 $0xFFFFFC00, v17  }
0xbc: {  	v24 =	vadd.s32 $0x180, v26;
	v27 =	vld.idx.msk [tilespmem:v19+s3+$0x0], $0xffff;
	v19 =	vor.u32 v25, v17  }
0xbd: {  	v22 =	vadd.s32 $0x100, v26;
	v16 =	vld.idx.msk [tilespmem:v26+s3+$0x0], $0xffff;
	v17 =	vadd.s32 v0, v19  }
0xbe: {  	v29 =	vld.idx.msk [tilespmem:v21+s3+$0x0], $0xffff;
	v21 =	vor.u32 $0x7, v17  }
0xbf: {  	v28 =	vld.idx.msk [tilespmem:v20+s3+$0x0], $0xffff  }
0xc0: {  	v23 =	vld.idx.msk [tilespmem:v23+s3+$0x0], $0xffff  }
0xc1: {  	v26 =	vadd.s32 $0x200, v26;
	v24 =	vld.idx.msk [tilespmem:v24+s3+$0x0], $0xffff;
	v32 =	vmul.f32 v30, v31  }
0xc2: {  	v25 =	vld.idx.msk [tilespmem:v22+s3+$0x0], $0xffff;
	v20 =	vadd.s32 v1, v19;
	v22 =	vor.u32 $0x4, v17;
	v19 =	vor.u32 $0x5, v17  }
0xc3: {  	s0 =	simm.s32 $0x0;
	v31 =	vor.u32 $0x1, v17;
	v30 =	vor.u32 $0x2, v17;
	[tilespmem:v21+s25+$0x0] =	vst.idx.msk $0xffff, v32;
	v21 =	vor.u32 $0x6, v17;
	v32 =	vld [tilespmem:s1+$0xFFFFFF80]  }
.LBB2_4:
0xc4: {  	v35 =	vadd.s32 $0x40, v26;
	v36 =	vadd.s32 $0x80, v26;
	v37 =	vadd.s32 $0x1C0, v26;
	s0 =	sadd.s32 $0x8, s0;
	v38 =	vld [tilespmem:s1+$0x0]  }
0xc5: {  	v39 =	vadd.s32 $0xC0, v26;
	v40 =	vadd.s32 $0x100, v26;
	v41 =	vadd.s32 $0x140, v26;
	p0 =	slt.u32 s0, $0x78;
	v42 =	vld [tilespmem:s1+$0x80]  }
0xc6: {  	v43 =	vadd.s32 $0x180, v26;
	v27 =	vmul.f32 v27, v33;
	v33 =	vld [tilespmem:s1+$0x100]  }
0xc7: {  	v18 =	vadd.s32 $0x8, v18;
	v44 =	vld [tilespmem:s1+$0xFFFFFE00];
	v28 =	vmul.f32 v28, v34  }
0xc8: {  	v45 =	vshll.u32 v18, $0x3;
	v34 =	vld.idx.msk [tilespmem:v26+s3+$0x0], $0xffff;
	[tilespmem:v31+s25+$0x0] =	vst.idx.msk $0xffff, v27;
	v27 =	vmul.f32 v29, v32  }
0xc9: {  	s1 =	sadd.s32 $0x400, s1;
	v29 =	vand.u32 $0x78, v18;
	v31 =	vand.u32 $0xFFFFFC00, v45;
	v32 =	vld.idx.msk [tilespmem:v37+s3+$0x0], $0xffff;
	[tilespmem:v30+s25+$0x0] =	vst.idx.msk $0xffff, v28;
	v25 =	vmul.f32 v25, v38  }
0xca: {  	v28 =	vor.u32 v29, v31;
	v37 =	vld [tilespmem:s1+$0x180];
	[tilespmem:v20+s25+$0x0] =	vst.idx.msk $0xffff, v27;
	v23 =	vmul.f32 v23, v42  }
0xcb: {  	v38 =	vadd.s32 v0, v28;
	v20 =	vadd.s32 v1, v28;
	v27 =	vld.idx.msk [tilespmem:v35+s3+$0x0], $0xffff;
	v24 =	vmul.f32 v24, v33  }
0xcc: {  	v31 =	vor.u32 $0x1, v38;
	v35 =	vor.u32 $0x7, v38;
	v28 =	vld.idx.msk [tilespmem:v36+s3+$0x0], $0xffff;
	v33 =	vmul.f32 v16, v44;
	[tilespmem:v22+s25+$0x0] =	vst.idx.msk $0xffff, v25  }
0xcd: {  	v30 =	vor.u32 $0x2, v38;
	v22 =	vor.u32 $0x4, v38;
	v29 =	vld.idx.msk [tilespmem:v39+s3+$0x0], $0xffff;
	[tilespmem:v19+s25+$0x0] =	vst.idx.msk $0xffff, v23;
	v19 =	vor.u32 $0x5, v38  }
0xce: {  	v16 =	vmov v34;
	v25 =	vld.idx.msk [tilespmem:v40+s3+$0x0], $0xffff;
	[tilespmem:v21+s25+$0x0] =	vst.idx.msk $0xffff, v24;
	v21 =	vor.u32 $0x6, v38  }
.Ltmp1:
0xcf: {  	v23 =	vld.idx.msk [tilespmem:v41+s3+$0x0], $0xffff;
	v32 =	vmul.f32 v32, v37;
	[tilespmem:v17+s25+$0x0] =	vst.idx.msk $0xffff, v33;
	v17 =	vmov v38;
	(pc) =	sbr.rel @p0 .LBB2_4-.Ltmp1, $4  }
0xd0: {  	v24 =	vld.idx.msk [tilespmem:v43+s3+$0x0], $0xffff  }
0xd1: {  	v33 =	vld [tilespmem:s1+$0xFFFFFE80];
	[tilespmem:v35+s25+$0x0] =	vst.idx.msk $0xffff, v32  }
0xd2: {  	v34 =	vld [tilespmem:s1+$0xFFFFFF00]  }
0xd3: {  	v26 =	vadd.s32 $0x200, v26;
	v32 =	vld [tilespmem:s1+$0xFFFFFF80]  }
0xd4: {  	v18 =	vld [tilespmem:s1+$0x0]  }
0xd5: {  	v35 =	vld [tilespmem:s1+$0xFFFFFE00]  }
0xd6: {  	v26 =	vld [tilespmem:s1+$0x80];
	v27 =	vmul.f32 v27, v33  }
0xd7: {  	v61 =	vld [tilespmem:s1+$0x100];
	v28 =	vmul.f32 v28, v34  }
0xd8: {  	[tilespmem:v31+s25+$0x0] =	vst.idx.msk $0xffff, v27;
	v27 =	vmul.f32 v29, v32  }
0xd9: {  	[tilespmem:v30+s25+$0x0] =	vst.idx.msk $0xffff, v28;
	v18 =	vmul.f32 v25, v18  }
0xda: {  	v16 =	vmul.f32 v16, v35;
	[tilespmem:v20+s25+$0x0] =	vst.idx.msk $0xffff, v27  }
0xdb: {  	v20 =	vmul.f32 v23, v26;
	[tilespmem:v22+s25+$0x0] =	vst.idx.msk $0xffff, v18  }
0xdc: {  	v23 =	vmul.f32 v24, v61;
	[tilespmem:v17+s25+$0x0] =	vst.idx.msk $0xffff, v16  }
0xdd: {  	[tilespmem:v19+s25+$0x0] =	vst.idx.msk $0xffff, v20  }
0xde: {  	[tilespmem:v21+s25+$0x0] =	vst.idx.msk $0xffff, v23  }
0xdf: {  	v16 =	vld [tilespmem:$0x2010];
	_ =	sdelay $0x4  }
0xe0: {  	vm0 =	vgt.s32 v16, $0x0  }
0xe1: {  	v16 =	vnsel vm0, $0x0, v16  }
0xe2: {  	v26 =	vmin.u32 v16, $0x3F  }
0xe3: {  	v17 =	vadd.s32 $0x1C0, v26;
	_ =	sdelay $0x1  }
0xe4: {  	s1 =	simm.s32 $0x6410;
	v19 =	vadd.s32 $0x40, v26  }
0xe5: {  	v31 =	vld [tilespmem:s1+$0x180]  }
0xe6: {  	v18 =	vimm.s32 $0x0;
	v33 =	vld [tilespmem:s1+$0xFFFFFE80]  }
0xe7: {  	v20 =	vadd.s32 $0x80, v26;
	v30 =	vld.idx.msk [tilespmem:v17+s3+$0x0], $0xffff;
	v17 =	vshll.u32 v18, $0x3  }
0xe8: {  	v25 =	vand.u32 $0x78, v18;
	v34 =	vld [tilespmem:s1+$0xFFFFFF00];
	v21 =	vadd.s32 $0xC0, v26;
	v17 =	vand.u32 $0xFFFFFC00, v17  }
0xe9: {  	v23 =	vadd.s32 $0x140, v26;
	v27 =	vld.idx.msk [tilespmem:v19+s3+$0x0], $0xffff;
	v19 =	vor.u32 v25, v17  }
0xea: {  	v32 =	vld [tilespmem:s1+$0xFFFFFF80];
	v22 =	vadd.s32 $0x100, v26;
	v17 =	vadd.s32 v2, v19  }
0xeb: {  	v24 =	vadd.s32 $0x180, v26;
	v16 =	vld.idx.msk [tilespmem:v26+s3+$0x0], $0xffff;
	v62 =	vor.u32 $0x7, v17  }
0xec: {  	v28 =	vld.idx.msk [tilespmem:v20+s3+$0x0], $0xffff  }
0xed: {  	v29 =	vld.idx.msk [tilespmem:v21+s3+$0x0], $0xffff  }
0xee: {  	v26 =	vadd.s32 $0x200, v26;
	v23 =	vld.idx.msk [tilespmem:v23+s3+$0x0], $0xffff;
	v63 =	vmul.f32 v30, v31  }
0xef: {  	s0 =	simm.s32 $0x0;
	s4 =	simm.s32 $0x6200;
	s18 =	simm.s32 $0x14200;
	v25 =	vld.idx.msk [tilespmem:v22+s3+$0x0], $0xffff;
	v21 =	vadd.s32 v3, v19;
	v22 =	vor.u32 $0x4, v17;
	v19 =	vor.u32 $0x5, v17  }
0xf0: {  	s12 =	simm.s32 $0x15200;
	s9 =	simm.s32 $0x15A00;
	s6 =	simm.s32 $0x16200;
	v24 =	vld.idx.msk [tilespmem:v24+s3+$0x0], $0xffff;
	v20 =	vor.u32 $0x6, v17;
	v31 =	vor.u32 $0x1, v17;
	v30 =	vor.u32 $0x2, v17;
	[tilespmem:v62+s25+$0x0] =	vst.idx.msk $0xffff, v63  }
.LBB2_6:
0xf1: {  	v35 =	vadd.s32 $0x40, v26;
	v36 =	vadd.s32 $0x80, v26;
	v37 =	vadd.s32 $0x1C0, v26;
	s0 =	sadd.s32 $0x8, s0;
	v38 =	vld [tilespmem:s1+$0x0]  }
0xf2: {  	v39 =	vadd.s32 $0xC0, v26;
	v40 =	vadd.s32 $0x100, v26;
	v41 =	vadd.s32 $0x140, v26;
	p0 =	slt.u32 s0, $0x78;
	v42 =	vld [tilespmem:s1+$0x80]  }
0xf3: {  	v43 =	vadd.s32 $0x180, v26;
	v27 =	vmul.f32 v27, v33;
	v33 =	vld [tilespmem:s1+$0x100]  }
0xf4: {  	v18 =	vadd.s32 $0x8, v18;
	v44 =	vld [tilespmem:s1+$0xFFFFFE00];
	v28 =	vmul.f32 v28, v34  }
0xf5: {  	v45 =	vshll.u32 v18, $0x3;
	v34 =	vld.idx.msk [tilespmem:v26+s3+$0x0], $0xffff;
	[tilespmem:v31+s25+$0x0] =	vst.idx.msk $0xffff, v27;
	v27 =	vmul.f32 v29, v32  }
0xf6: {  	s1 =	sadd.s32 $0x400, s1;
	v29 =	vand.u32 $0x78, v18;
	v31 =	vand.u32 $0xFFFFFC00, v45;
	v32 =	vld.idx.msk [tilespmem:v37+s3+$0x0], $0xffff;
	[tilespmem:v30+s25+$0x0] =	vst.idx.msk $0xffff, v28;
	v25 =	vmul.f32 v25, v38  }
0xf7: {  	v28 =	vor.u32 v29, v31;
	v37 =	vld [tilespmem:s1+$0x180];
	[tilespmem:v21+s25+$0x0] =	vst.idx.msk $0xffff, v27;
	v23 =	vmul.f32 v23, v42  }
0xf8: {  	v38 =	vadd.s32 v2, v28;
	v21 =	vadd.s32 v3, v28;
	v27 =	vld.idx.msk [tilespmem:v35+s3+$0x0], $0xffff;
	v24 =	vmul.f32 v24, v33  }
0xf9: {  	v31 =	vor.u32 $0x1, v38;
	v35 =	vor.u32 $0x7, v38;
	v28 =	vld.idx.msk [tilespmem:v36+s3+$0x0], $0xffff;
	v33 =	vmul.f32 v16, v44;
	[tilespmem:v22+s25+$0x0] =	vst.idx.msk $0xffff, v25  }
0xfa: {  	v30 =	vor.u32 $0x2, v38;
	v22 =	vor.u32 $0x4, v38;
	v29 =	vld.idx.msk [tilespmem:v39+s3+$0x0], $0xffff;
	[tilespmem:v19+s25+$0x0] =	vst.idx.msk $0xffff, v23;
	v19 =	vor.u32 $0x5, v38  }
0xfb: {  	v16 =	vmov v34;
	v25 =	vld.idx.msk [tilespmem:v40+s3+$0x0], $0xffff;
	[tilespmem:v20+s25+$0x0] =	vst.idx.msk $0xffff, v24;
	v20 =	vor.u32 $0x6, v38  }
.Ltmp2:
0xfc: {  	v23 =	vld.idx.msk [tilespmem:v41+s3+$0x0], $0xffff;
	v32 =	vmul.f32 v32, v37;
	[tilespmem:v17+s25+$0x0] =	vst.idx.msk $0xffff, v33;
	v17 =	vmov v38;
	(pc) =	sbr.rel @p0 .LBB2_6-.Ltmp2, $4  }
0xfd: {  	v24 =	vld.idx.msk [tilespmem:v43+s3+$0x0], $0xffff  }
0xfe: {  	v33 =	vld [tilespmem:s1+$0xFFFFFE80];
	[tilespmem:v35+s25+$0x0] =	vst.idx.msk $0xffff, v32  }
0xff: {  	v34 =	vld [tilespmem:s1+$0xFFFFFF00]  }
0x100: {  	v26 =	vadd.s32 $0x200, v26;
	v32 =	vld [tilespmem:s1+$0xFFFFFF80]  }
0x101: {  	v18 =	vld [tilespmem:s1+$0x0]  }
0x102: {  	v35 =	vld [tilespmem:s1+$0xFFFFFE00]  }
0x103: {  	v26 =	vld [tilespmem:s1+$0x80];
	v27 =	vmul.f32 v27, v33  }
0x104: {  	v61 =	vld [tilespmem:s1+$0x100];
	v28 =	vmul.f32 v28, v34  }
0x105: {  	[tilespmem:v31+s25+$0x0] =	vst.idx.msk $0xffff, v27;
	v27 =	vmul.f32 v29, v32  }
0x106: {  	[tilespmem:v30+s25+$0x0] =	vst.idx.msk $0xffff, v28;
	v18 =	vmul.f32 v25, v18  }
0x107: {  	v16 =	vmul.f32 v16, v35;
	[tilespmem:v21+s25+$0x0] =	vst.idx.msk $0xffff, v27  }
0x108: {  	v21 =	vmul.f32 v23, v26;
	[tilespmem:v22+s25+$0x0] =	vst.idx.msk $0xffff, v18  }
0x109: {  	v23 =	vmul.f32 v24, v61;
	[tilespmem:v17+s25+$0x0] =	vst.idx.msk $0xffff, v16  }
0x10a: {  	[tilespmem:v19+s25+$0x0] =	vst.idx.msk $0xffff, v21  }
0x10b: {  	[tilespmem:v20+s25+$0x0] =	vst.idx.msk $0xffff, v23  }
0x10c: {  	v16 =	vld [tilespmem:$0x2020];
	_ =	sdelay $0x4  }
0x10d: {  	vm0 =	vgt.s32 v16, $0x0  }
0x10e: {  	v16 =	vnsel vm0, $0x0, v16  }
0x10f: {  	v26 =	vmin.u32 v16, $0x3F  }
0x110: {  	v17 =	vadd.s32 $0x1C0, v26;
	_ =	sdelay $0x1  }
0x111: {  	s1 =	simm.s32 $0x6420;
	v19 =	vadd.s32 $0x40, v26  }
0x112: {  	v31 =	vld [tilespmem:s1+$0x180]  }
0x113: {  	v18 =	vimm.s32 $0x0;
	v33 =	vld [tilespmem:s1+$0xFFFFFE80]  }
0x114: {  	v20 =	vadd.s32 $0x80, v26;
	v30 =	vld.idx.msk [tilespmem:v17+s3+$0x0], $0xffff;
	v17 =	vshll.u32 v18, $0x3  }
0x115: {  	v25 =	vand.u32 $0x78, v18;
	v34 =	vld [tilespmem:s1+$0xFFFFFF00];
	v21 =	vadd.s32 $0xC0, v26;
	v17 =	vand.u32 $0xFFFFFC00, v17  }
0x116: {  	v23 =	vadd.s32 $0x140, v26;
	v27 =	vld.idx.msk [tilespmem:v19+s3+$0x0], $0xffff;
	v19 =	vor.u32 v25, v17  }
0x117: {  	v32 =	vld [tilespmem:s1+$0xFFFFFF80];
	v22 =	vadd.s32 $0x100, v26;
	v17 =	vadd.s32 v4, v19  }
0x118: {  	v24 =	vadd.s32 $0x180, v26;
	v16 =	vld.idx.msk [tilespmem:v26+s3+$0x0], $0xffff;
	v62 =	vor.u32 $0x7, v17  }
0x119: {  	v28 =	vld.idx.msk [tilespmem:v20+s3+$0x0], $0xffff  }
0x11a: {  	v29 =	vld.idx.msk [tilespmem:v21+s3+$0x0], $0xffff  }
0x11b: {  	v26 =	vadd.s32 $0x200, v26;
	v23 =	vld.idx.msk [tilespmem:v23+s3+$0x0], $0xffff;
	v63 =	vmul.f32 v30, v31  }
0x11c: {  	v25 =	vld.idx.msk [tilespmem:v22+s3+$0x0], $0xffff;
	v21 =	vadd.s32 v5, v19;
	v22 =	vor.u32 $0x4, v17;
	v19 =	vor.u32 $0x5, v17  }
0x11d: {  	s0 =	simm.s32 $0x0;
	v24 =	vld.idx.msk [tilespmem:v24+s3+$0x0], $0xffff;
	v20 =	vor.u32 $0x6, v17;
	v31 =	vor.u32 $0x1, v17;
	v30 =	vor.u32 $0x2, v17;
	[tilespmem:v62+s25+$0x0] =	vst.idx.msk $0xffff, v63  }
.LBB2_8:
0x11e: {  	v35 =	vadd.s32 $0x40, v26;
	v36 =	vadd.s32 $0x80, v26;
	v37 =	vadd.s32 $0x1C0, v26;
	s0 =	sadd.s32 $0x8, s0;
	v38 =	vld [tilespmem:s1+$0x0]  }
0x11f: {  	v39 =	vadd.s32 $0xC0, v26;
	v40 =	vadd.s32 $0x100, v26;
	v41 =	vadd.s32 $0x140, v26;
	p0 =	slt.u32 s0, $0x78;
	v42 =	vld [tilespmem:s1+$0x80]  }
0x120: {  	v43 =	vadd.s32 $0x180, v26;
	v27 =	vmul.f32 v27, v33;
	v33 =	vld [tilespmem:s1+$0x100]  }
0x121: {  	v18 =	vadd.s32 $0x8, v18;
	v44 =	vld [tilespmem:s1+$0xFFFFFE00];
	v28 =	vmul.f32 v28, v34  }
0x122: {  	v45 =	vshll.u32 v18, $0x3;
	v34 =	vld.idx.msk [tilespmem:v26+s3+$0x0], $0xffff;
	[tilespmem:v31+s25+$0x0] =	vst.idx.msk $0xffff, v27;
	v27 =	vmul.f32 v29, v32  }
0x123: {  	s1 =	sadd.s32 $0x400, s1;
	v29 =	vand.u32 $0x78, v18;
	v31 =	vand.u32 $0xFFFFFC00, v45;
	v32 =	vld.idx.msk [tilespmem:v37+s3+$0x0], $0xffff;
	[tilespmem:v30+s25+$0x0] =	vst.idx.msk $0xffff, v28;
	v25 =	vmul.f32 v25, v38  }
0x124: {  	v28 =	vor.u32 v29, v31;
	v37 =	vld [tilespmem:s1+$0x180];
	[tilespmem:v21+s25+$0x0] =	vst.idx.msk $0xffff, v27;
	v23 =	vmul.f32 v23, v42  }
0x125: {  	v38 =	vadd.s32 v4, v28;
	v21 =	vadd.s32 v5, v28;
	v27 =	vld.idx.msk [tilespmem:v35+s3+$0x0], $0xffff;
	v24 =	vmul.f32 v24, v33  }
0x126: {  	v31 =	vor.u32 $0x1, v38;
	v35 =	vor.u32 $0x7, v38;
	v28 =	vld.idx.msk [tilespmem:v36+s3+$0x0], $0xffff;
	v33 =	vmul.f32 v16, v44;
	[tilespmem:v22+s25+$0x0] =	vst.idx.msk $0xffff, v25  }
0x127: {  	v30 =	vor.u32 $0x2, v38;
	v22 =	vor.u32 $0x4, v38;
	v29 =	vld.idx.msk [tilespmem:v39+s3+$0x0], $0xffff;
	[tilespmem:v19+s25+$0x0] =	vst.idx.msk $0xffff, v23;
	v19 =	vor.u32 $0x5, v38  }
0x128: {  	v16 =	vmov v34;
	v25 =	vld.idx.msk [tilespmem:v40+s3+$0x0], $0xffff;
	[tilespmem:v20+s25+$0x0] =	vst.idx.msk $0xffff, v24;
	v20 =	vor.u32 $0x6, v38  }
.Ltmp3:
0x129: {  	v23 =	vld.idx.msk [tilespmem:v41+s3+$0x0], $0xffff;
	v32 =	vmul.f32 v32, v37;
	[tilespmem:v17+s25+$0x0] =	vst.idx.msk $0xffff, v33;
	v17 =	vmov v38;
	(pc) =	sbr.rel @p0 .LBB2_8-.Ltmp3, $4  }
0x12a: {  	v24 =	vld.idx.msk [tilespmem:v43+s3+$0x0], $0xffff  }
0x12b: {  	v33 =	vld [tilespmem:s1+$0xFFFFFE80];
	[tilespmem:v35+s25+$0x0] =	vst.idx.msk $0xffff, v32  }
0x12c: {  	v34 =	vld [tilespmem:s1+$0xFFFFFF00]  }
0x12d: {  	v26 =	vadd.s32 $0x200, v26;
	v32 =	vld [tilespmem:s1+$0xFFFFFF80]  }
0x12e: {  	v18 =	vld [tilespmem:s1+$0x0]  }
0x12f: {  	v35 =	vld [tilespmem:s1+$0xFFFFFE00]  }
0x130: {  	v26 =	vld [tilespmem:s1+$0x80];
	v27 =	vmul.f32 v27, v33  }
0x131: {  	v61 =	vld [tilespmem:s1+$0x100];
	v28 =	vmul.f32 v28, v34  }
0x132: {  	[tilespmem:v31+s25+$0x0] =	vst.idx.msk $0xffff, v27;
	v27 =	vmul.f32 v29, v32  }
0x133: {  	[tilespmem:v30+s25+$0x0] =	vst.idx.msk $0xffff, v28;
	v18 =	vmul.f32 v25, v18  }
0x134: {  	v16 =	vmul.f32 v16, v35;
	[tilespmem:v21+s25+$0x0] =	vst.idx.msk $0xffff, v27  }
0x135: {  	v21 =	vmul.f32 v23, v26;
	[tilespmem:v22+s25+$0x0] =	vst.idx.msk $0xffff, v18  }
0x136: {  	v23 =	vmul.f32 v24, v61;
	[tilespmem:v17+s25+$0x0] =	vst.idx.msk $0xffff, v16  }
0x137: {  	[tilespmem:v19+s25+$0x0] =	vst.idx.msk $0xffff, v21  }
0x138: {  	[tilespmem:v20+s25+$0x0] =	vst.idx.msk $0xffff, v23  }
0x139: {  	v16 =	vld [tilespmem:$0x2030];
	_ =	sdelay $0x4  }
0x13a: {  	vm0 =	vgt.s32 v16, $0x0  }
0x13b: {  	v16 =	vnsel vm0, $0x0, v16  }
0x13c: {  	v26 =	vmin.u32 v16, $0x3F  }
0x13d: {  	v17 =	vadd.s32 $0x1C0, v26;
	_ =	sdelay $0x1  }
0x13e: {  	s1 =	simm.s32 $0x6430;
	v19 =	vadd.s32 $0x40, v26  }
0x13f: {  	v31 =	vld [tilespmem:s1+$0x180]  }
0x140: {  	v18 =	vimm.s32 $0x0;
	v33 =	vld [tilespmem:s1+$0xFFFFFE80]  }
0x141: {  	v20 =	vadd.s32 $0x80, v26;
	v30 =	vld.idx.msk [tilespmem:v17+s3+$0x0], $0xffff;
	v17 =	vshll.u32 v18, $0x3  }
0x142: {  	v25 =	vand.u32 $0x78, v18;
	v34 =	vld [tilespmem:s1+$0xFFFFFF00];
	v21 =	vadd.s32 $0xC0, v26;
	v17 =	vand.u32 $0xFFFFFC00, v17  }
0x143: {  	v23 =	vadd.s32 $0x140, v26;
	v27 =	vld.idx.msk [tilespmem:v19+s3+$0x0], $0xffff;
	v19 =	vor.u32 v25, v17  }
0x144: {  	v32 =	vld [tilespmem:s1+$0xFFFFFF80];
	v22 =	vadd.s32 $0x100, v26;
	v17 =	vadd.s32 v6, v19  }
0x145: {  	v24 =	vadd.s32 $0x180, v26;
	v16 =	vld.idx.msk [tilespmem:v26+s3+$0x0], $0xffff;
	v62 =	vor.u32 $0x7, v17  }
0x146: {  	v28 =	vld.idx.msk [tilespmem:v20+s3+$0x0], $0xffff  }
0x147: {  	v29 =	vld.idx.msk [tilespmem:v21+s3+$0x0], $0xffff  }
0x148: {  	v26 =	vadd.s32 $0x200, v26;
	v23 =	vld.idx.msk [tilespmem:v23+s3+$0x0], $0xffff;
	v63 =	vmul.f32 v30, v31  }
0x149: {  	s0 =	simm.s32 $0x0;
	s30 =	simm.s32 $0x12A00;
	v25 =	vld.idx.msk [tilespmem:v22+s3+$0x0], $0xffff;
	v21 =	vadd.s32 v7, v19;
	v22 =	vor.u32 $0x4, v17;
	v19 =	vor.u32 $0x5, v17  }
0x14a: {  	s26 =	simm.s32 $0x13200;
	s23 =	simm.s32 $0x13A00;
	s20 =	simm.s32 $0x14A00;
	v24 =	vld.idx.msk [tilespmem:v24+s3+$0x0], $0xffff;
	v20 =	vor.u32 $0x6, v17;
	v31 =	vor.u32 $0x1, v17;
	v30 =	vor.u32 $0x2, v17;
	[tilespmem:v62+s25+$0x0] =	vst.idx.msk $0xffff, v63  }
.LBB2_10:
0x14b: {  	v35 =	vadd.s32 $0x40, v26;
	v36 =	vadd.s32 $0x80, v26;
	v37 =	vadd.s32 $0x1C0, v26;
	s0 =	sadd.s32 $0x8, s0;
	v38 =	vld [tilespmem:s1+$0x0]  }
0x14c: {  	v39 =	vadd.s32 $0xC0, v26;
	v40 =	vadd.s32 $0x100, v26;
	v41 =	vadd.s32 $0x140, v26;
	p0 =	slt.u32 s0, $0x78;
	v42 =	vld [tilespmem:s1+$0x80]  }
0x14d: {  	v43 =	vadd.s32 $0x180, v26;
	v27 =	vmul.f32 v27, v33;
	v33 =	vld [tilespmem:s1+$0x100]  }
0x14e: {  	v18 =	vadd.s32 $0x8, v18;
	v44 =	vld [tilespmem:s1+$0xFFFFFE00];
	v28 =	vmul.f32 v28, v34  }
0x14f: {  	v45 =	vshll.u32 v18, $0x3;
	v34 =	vld.idx.msk [tilespmem:v26+s3+$0x0], $0xffff;
	[tilespmem:v31+s25+$0x0] =	vst.idx.msk $0xffff, v27;
	v27 =	vmul.f32 v29, v32  }
0x150: {  	s1 =	sadd.s32 $0x400, s1;
	v29 =	vand.u32 $0x78, v18;
	v31 =	vand.u32 $0xFFFFFC00, v45;
	v32 =	vld.idx.msk [tilespmem:v37+s3+$0x0], $0xffff;
	[tilespmem:v30+s25+$0x0] =	vst.idx.msk $0xffff, v28;
	v25 =	vmul.f32 v25, v38  }
0x151: {  	v28 =	vor.u32 v29, v31;
	v37 =	vld [tilespmem:s1+$0x180];
	[tilespmem:v21+s25+$0x0] =	vst.idx.msk $0xffff, v27;
	v23 =	vmul.f32 v23, v42  }
0x152: {  	v38 =	vadd.s32 v6, v28;
	v21 =	vadd.s32 v7, v28;
	v27 =	vld.idx.msk [tilespmem:v35+s3+$0x0], $0xffff;
	v24 =	vmul.f32 v24, v33  }
0x153: {  	v31 =	vor.u32 $0x1, v38;
	v35 =	vor.u32 $0x7, v38;
	v28 =	vld.idx.msk [tilespmem:v36+s3+$0x0], $0xffff;
	v33 =	vmul.f32 v16, v44;
	[tilespmem:v22+s25+$0x0] =	vst.idx.msk $0xffff, v25  }
0x154: {  	v30 =	vor.u32 $0x2, v38;
	v22 =	vor.u32 $0x4, v38;
	v29 =	vld.idx.msk [tilespmem:v39+s3+$0x0], $0xffff;
	[tilespmem:v19+s25+$0x0] =	vst.idx.msk $0xffff, v23;
	v19 =	vor.u32 $0x5, v38  }
0x155: {  	v16 =	vmov v34;
	v25 =	vld.idx.msk [tilespmem:v40+s3+$0x0], $0xffff;
	[tilespmem:v20+s25+$0x0] =	vst.idx.msk $0xffff, v24;
	v20 =	vor.u32 $0x6, v38  }
.Ltmp4:
0x156: {  	v23 =	vld.idx.msk [tilespmem:v41+s3+$0x0], $0xffff;
	v32 =	vmul.f32 v32, v37;
	[tilespmem:v17+s25+$0x0] =	vst.idx.msk $0xffff, v33;
	v17 =	vmov v38;
	(pc) =	sbr.rel @p0 .LBB2_10-.Ltmp4, $4  }
0x157: {  	v24 =	vld.idx.msk [tilespmem:v43+s3+$0x0], $0xffff  }
0x158: {  	v33 =	vld [tilespmem:s1+$0xFFFFFE80];
	[tilespmem:v35+s25+$0x0] =	vst.idx.msk $0xffff, v32  }
0x159: {  	v34 =	vld [tilespmem:s1+$0xFFFFFF00]  }
0x15a: {  	v26 =	vadd.s32 $0x200, v26;
	v32 =	vld [tilespmem:s1+$0xFFFFFF80]  }
0x15b: {  	v18 =	vld [tilespmem:s1+$0x0]  }
0x15c: {  	v35 =	vld [tilespmem:s1+$0xFFFFFE00]  }
0x15d: {  	v26 =	vld [tilespmem:s1+$0x80];
	v27 =	vmul.f32 v27, v33  }
0x15e: {  	v61 =	vld [tilespmem:s1+$0x100];
	v28 =	vmul.f32 v28, v34  }
0x15f: {  	[tilespmem:v31+s25+$0x0] =	vst.idx.msk $0xffff, v27;
	v27 =	vmul.f32 v29, v32  }
0x160: {  	[tilespmem:v30+s25+$0x0] =	vst.idx.msk $0xffff, v28;
	v18 =	vmul.f32 v25, v18  }
0x161: {  	v16 =	vmul.f32 v16, v35;
	[tilespmem:v21+s25+$0x0] =	vst.idx.msk $0xffff, v27  }
0x162: {  	v21 =	vmul.f32 v23, v26;
	[tilespmem:v22+s25+$0x0] =	vst.idx.msk $0xffff, v18  }
0x163: {  	v23 =	vmul.f32 v24, v61;
	[tilespmem:v17+s25+$0x0] =	vst.idx.msk $0xffff, v16  }
0x164: {  	[tilespmem:v19+s25+$0x0] =	vst.idx.msk $0xffff, v21  }
0x165: {  	[tilespmem:v20+s25+$0x0] =	vst.idx.msk $0xffff, v23  }
0x166: {  	v16 =	vld [tilespmem:$0x2040];
	_ =	sdelay $0x4  }
0x167: {  	vm0 =	vgt.s32 v16, $0x0  }
0x168: {  	v16 =	vnsel vm0, $0x0, v16  }
0x169: {  	v26 =	vmin.u32 v16, $0x3F  }
0x16a: {  	v17 =	vadd.s32 $0x1C0, v26;
	_ =	sdelay $0x1  }
0x16b: {  	s1 =	simm.s32 $0x6440;
	v19 =	vadd.s32 $0x40, v26  }
0x16c: {  	v31 =	vld [tilespmem:s1+$0x180]  }
0x16d: {  	v18 =	vimm.s32 $0x0;
	v33 =	vld [tilespmem:s1+$0xFFFFFE80]  }
0x16e: {  	v20 =	vadd.s32 $0x80, v26;
	v30 =	vld.idx.msk [tilespmem:v17+s3+$0x0], $0xffff;
	v17 =	vshll.u32 v18, $0x3  }
0x16f: {  	v25 =	vand.u32 $0x78, v18;
	v34 =	vld [tilespmem:s1+$0xFFFFFF00];
	v21 =	vadd.s32 $0xC0, v26;
	v17 =	vand.u32 $0xFFFFFC00, v17  }
0x170: {  	v23 =	vadd.s32 $0x140, v26;
	v27 =	vld.idx.msk [tilespmem:v19+s3+$0x0], $0xffff;
	v19 =	vor.u32 v25, v17  }
0x171: {  	v32 =	vld [tilespmem:s1+$0xFFFFFF80];
	v22 =	vadd.s32 $0x100, v26;
	v17 =	vadd.s32 v8, v19  }
0x172: {  	v24 =	vadd.s32 $0x180, v26;
	v16 =	vld.idx.msk [tilespmem:v26+s3+$0x0], $0xffff;
	v62 =	vor.u32 $0x7, v17  }
0x173: {  	v28 =	vld.idx.msk [tilespmem:v20+s3+$0x0], $0xffff  }
0x174: {  	v29 =	vld.idx.msk [tilespmem:v21+s3+$0x0], $0xffff  }
0x175: {  	v26 =	vadd.s32 $0x200, v26;
	v23 =	vld.idx.msk [tilespmem:v23+s3+$0x0], $0xffff;
	v63 =	vmul.f32 v30, v31  }
0x176: {  	v25 =	vld.idx.msk [tilespmem:v22+s3+$0x0], $0xffff;
	v21 =	vadd.s32 v9, v19;
	v22 =	vor.u32 $0x4, v17;
	v19 =	vor.u32 $0x5, v17  }
0x177: {  	s0 =	simm.s32 $0x0;
	v24 =	vld.idx.msk [tilespmem:v24+s3+$0x0], $0xffff;
	v20 =	vor.u32 $0x6, v17;
	v31 =	vor.u32 $0x1, v17;
	v30 =	vor.u32 $0x2, v17;
	[tilespmem:v62+s25+$0x0] =	vst.idx.msk $0xffff, v63  }
.LBB2_12:
0x178: {  	v35 =	vadd.s32 $0x40, v26;
	v36 =	vadd.s32 $0x80, v26;
	v37 =	vadd.s32 $0x1C0, v26;
	s0 =	sadd.s32 $0x8, s0;
	v38 =	vld [tilespmem:s1+$0x0]  }
0x179: {  	v39 =	vadd.s32 $0xC0, v26;
	v40 =	vadd.s32 $0x100, v26;
	v41 =	vadd.s32 $0x140, v26;
	p0 =	slt.u32 s0, $0x78;
	v42 =	vld [tilespmem:s1+$0x80]  }
0x17a: {  	v43 =	vadd.s32 $0x180, v26;
	v27 =	vmul.f32 v27, v33;
	v33 =	vld [tilespmem:s1+$0x100]  }
0x17b: {  	v18 =	vadd.s32 $0x8, v18;
	v44 =	vld [tilespmem:s1+$0xFFFFFE00];
	v28 =	vmul.f32 v28, v34  }
0x17c: {  	v45 =	vshll.u32 v18, $0x3;
	v34 =	vld.idx.msk [tilespmem:v26+s3+$0x0], $0xffff;
	[tilespmem:v31+s25+$0x0] =	vst.idx.msk $0xffff, v27;
	v27 =	vmul.f32 v29, v32  }
0x17d: {  	s1 =	sadd.s32 $0x400, s1;
	v29 =	vand.u32 $0x78, v18;
	v31 =	vand.u32 $0xFFFFFC00, v45;
	v32 =	vld.idx.msk [tilespmem:v37+s3+$0x0], $0xffff;
	[tilespmem:v30+s25+$0x0] =	vst.idx.msk $0xffff, v28;
	v25 =	vmul.f32 v25, v38  }
0x17e: {  	v28 =	vor.u32 v29, v31;
	v37 =	vld [tilespmem:s1+$0x180];
	[tilespmem:v21+s25+$0x0] =	vst.idx.msk $0xffff, v27;
	v23 =	vmul.f32 v23, v42  }
0x17f: {  	v38 =	vadd.s32 v8, v28;
	v21 =	vadd.s32 v9, v28;
	v27 =	vld.idx.msk [tilespmem:v35+s3+$0x0], $0xffff;
	v24 =	vmul.f32 v24, v33  }
0x180: {  	v31 =	vor.u32 $0x1, v38;
	v35 =	vor.u32 $0x7, v38;
	v28 =	vld.idx.msk [tilespmem:v36+s3+$0x0], $0xffff;
	v33 =	vmul.f32 v16, v44;
	[tilespmem:v22+s25+$0x0] =	vst.idx.msk $0xffff, v25  }
0x181: {  	v30 =	vor.u32 $0x2, v38;
	v22 =	vor.u32 $0x4, v38;
	v29 =	vld.idx.msk [tilespmem:v39+s3+$0x0], $0xffff;
	[tilespmem:v19+s25+$0x0] =	vst.idx.msk $0xffff, v23;
	v19 =	vor.u32 $0x5, v38  }
0x182: {  	v16 =	vmov v34;
	v25 =	vld.idx.msk [tilespmem:v40+s3+$0x0], $0xffff;
	[tilespmem:v20+s25+$0x0] =	vst.idx.msk $0xffff, v24;
	v20 =	vor.u32 $0x6, v38  }
.Ltmp5:
0x183: {  	v23 =	vld.idx.msk [tilespmem:v41+s3+$0x0], $0xffff;
	v32 =	vmul.f32 v32, v37;
	[tilespmem:v17+s25+$0x0] =	vst.idx.msk $0xffff, v33;
	v17 =	vmov v38;
	(pc) =	sbr.rel @p0 .LBB2_12-.Ltmp5, $4  }
0x184: {  	v24 =	vld.idx.msk [tilespmem:v43+s3+$0x0], $0xffff  }
0x185: {  	v33 =	vld [tilespmem:s1+$0xFFFFFE80];
	[tilespmem:v35+s25+$0x0] =	vst.idx.msk $0xffff, v32  }
0x186: {  	v34 =	vld [tilespmem:s1+$0xFFFFFF00]  }
0x187: {  	v26 =	vadd.s32 $0x200, v26;
	v32 =	vld [tilespmem:s1+$0xFFFFFF80]  }
0x188: {  	v18 =	vld [tilespmem:s1+$0x0]  }
0x189: {  	v35 =	vld [tilespmem:s1+$0xFFFFFE00]  }
0x18a: {  	v26 =	vld [tilespmem:s1+$0x80];
	v27 =	vmul.f32 v27, v33  }
0x18b: {  	v61 =	vld [tilespmem:s1+$0x100];
	v28 =	vmul.f32 v28, v34  }
0x18c: {  	[tilespmem:v31+s25+$0x0] =	vst.idx.msk $0xffff, v27;
	v27 =	vmul.f32 v29, v32  }
0x18d: {  	[tilespmem:v30+s25+$0x0] =	vst.idx.msk $0xffff, v28;
	v18 =	vmul.f32 v25, v18  }
0x18e: {  	v16 =	vmul.f32 v16, v35;
	[tilespmem:v21+s25+$0x0] =	vst.idx.msk $0xffff, v27  }
0x18f: {  	v21 =	vmul.f32 v23, v26;
	[tilespmem:v22+s25+$0x0] =	vst.idx.msk $0xffff, v18  }
0x190: {  	v23 =	vmul.f32 v24, v61;
	[tilespmem:v17+s25+$0x0] =	vst.idx.msk $0xffff, v16  }
0x191: {  	[tilespmem:v19+s25+$0x0] =	vst.idx.msk $0xffff, v21  }
0x192: {  	[tilespmem:v20+s25+$0x0] =	vst.idx.msk $0xffff, v23  }
0x193: {  	v16 =	vld [tilespmem:$0x2050];
	_ =	sdelay $0x4  }
0x194: {  	vm0 =	vgt.s32 v16, $0x0  }
0x195: {  	v16 =	vnsel vm0, $0x0, v16  }
0x196: {  	v26 =	vmin.u32 v16, $0x3F  }
0x197: {  	v17 =	vadd.s32 $0x1C0, v26;
	_ =	sdelay $0x1  }
0x198: {  	s1 =	simm.s32 $0x6450;
	v19 =	vadd.s32 $0x40, v26  }
0x199: {  	v31 =	vld [tilespmem:s1+$0x180]  }
0x19a: {  	v18 =	vimm.s32 $0x0;
	v33 =	vld [tilespmem:s1+$0xFFFFFE80]  }
0x19b: {  	v20 =	vadd.s32 $0x80, v26;
	v30 =	vld.idx.msk [tilespmem:v17+s3+$0x0], $0xffff;
	v17 =	vshll.u32 v18, $0x3  }
0x19c: {  	v25 =	vand.u32 $0x78, v18;
	v34 =	vld [tilespmem:s1+$0xFFFFFF00];
	v21 =	vadd.s32 $0xC0, v26;
	v17 =	vand.u32 $0xFFFFFC00, v17  }
0x19d: {  	v23 =	vadd.s32 $0x140, v26;
	v27 =	vld.idx.msk [tilespmem:v19+s3+$0x0], $0xffff;
	v19 =	vor.u32 v25, v17  }
0x19e: {  	v32 =	vld [tilespmem:s1+$0xFFFFFF80];
	v22 =	vadd.s32 $0x100, v26;
	v17 =	vadd.s32 v10, v19  }
0x19f: {  	v24 =	vadd.s32 $0x180, v26;
	v16 =	vld.idx.msk [tilespmem:v26+s3+$0x0], $0xffff;
	v62 =	vor.u32 $0x7, v17  }
0x1a0: {  	v28 =	vld.idx.msk [tilespmem:v20+s3+$0x0], $0xffff  }
0x1a1: {  	v29 =	vld.idx.msk [tilespmem:v21+s3+$0x0], $0xffff  }
0x1a2: {  	v26 =	vadd.s32 $0x200, v26;
	v23 =	vld.idx.msk [tilespmem:v23+s3+$0x0], $0xffff;
	v63 =	vmul.f32 v30, v31  }
0x1a3: {  	v25 =	vld.idx.msk [tilespmem:v22+s3+$0x0], $0xffff;
	v21 =	vadd.s32 v11, v19;
	v22 =	vor.u32 $0x4, v17;
	v19 =	vor.u32 $0x5, v17  }
0x1a4: {  	s0 =	simm.s32 $0x0;
	v24 =	vld.idx.msk [tilespmem:v24+s3+$0x0], $0xffff;
	v20 =	vor.u32 $0x6, v17;
	v31 =	vor.u32 $0x1, v17;
	v30 =	vor.u32 $0x2, v17;
	[tilespmem:v62+s25+$0x0] =	vst.idx.msk $0xffff, v63  }
.LBB2_14:
0x1a5: {  	v35 =	vadd.s32 $0x40, v26;
	v36 =	vadd.s32 $0x80, v26;
	v37 =	vadd.s32 $0x1C0, v26;
	s0 =	sadd.s32 $0x8, s0;
	v38 =	vld [tilespmem:s1+$0x0]  }
0x1a6: {  	v39 =	vadd.s32 $0xC0, v26;
	v40 =	vadd.s32 $0x100, v26;
	v41 =	vadd.s32 $0x140, v26;
	p0 =	slt.u32 s0, $0x78;
	v42 =	vld [tilespmem:s1+$0x80]  }
0x1a7: {  	v43 =	vadd.s32 $0x180, v26;
	v27 =	vmul.f32 v27, v33;
	v33 =	vld [tilespmem:s1+$0x100]  }
0x1a8: {  	v18 =	vadd.s32 $0x8, v18;
	v44 =	vld [tilespmem:s1+$0xFFFFFE00];
	v28 =	vmul.f32 v28, v34  }
0x1a9: {  	v45 =	vshll.u32 v18, $0x3;
	v34 =	vld.idx.msk [tilespmem:v26+s3+$0x0], $0xffff;
	[tilespmem:v31+s25+$0x0] =	vst.idx.msk $0xffff, v27;
	v27 =	vmul.f32 v29, v32  }
0x1aa: {  	s1 =	sadd.s32 $0x400, s1;
	v29 =	vand.u32 $0x78, v18;
	v31 =	vand.u32 $0xFFFFFC00, v45;
	v32 =	vld.idx.msk [tilespmem:v37+s3+$0x0], $0xffff;
	[tilespmem:v30+s25+$0x0] =	vst.idx.msk $0xffff, v28;
	v25 =	vmul.f32 v25, v38  }
0x1ab: {  	v28 =	vor.u32 v29, v31;
	v37 =	vld [tilespmem:s1+$0x180];
	[tilespmem:v21+s25+$0x0] =	vst.idx.msk $0xffff, v27;
	v23 =	vmul.f32 v23, v42  }
0x1ac: {  	v38 =	vadd.s32 v10, v28;
	v21 =	vadd.s32 v11, v28;
	v27 =	vld.idx.msk [tilespmem:v35+s3+$0x0], $0xffff;
	v24 =	vmul.f32 v24, v33  }
0x1ad: {  	v31 =	vor.u32 $0x1, v38;
	v35 =	vor.u32 $0x7, v38;
	v28 =	vld.idx.msk [tilespmem:v36+s3+$0x0], $0xffff;
	v33 =	vmul.f32 v16, v44;
	[tilespmem:v22+s25+$0x0] =	vst.idx.msk $0xffff, v25  }
0x1ae: {  	v30 =	vor.u32 $0x2, v38;
	v22 =	vor.u32 $0x4, v38;
	v29 =	vld.idx.msk [tilespmem:v39+s3+$0x0], $0xffff;
	[tilespmem:v19+s25+$0x0] =	vst.idx.msk $0xffff, v23;
	v19 =	vor.u32 $0x5, v38  }
0x1af: {  	v16 =	vmov v34;
	v25 =	vld.idx.msk [tilespmem:v40+s3+$0x0], $0xffff;
	[tilespmem:v20+s25+$0x0] =	vst.idx.msk $0xffff, v24;
	v20 =	vor.u32 $0x6, v38  }
.Ltmp6:
0x1b0: {  	v23 =	vld.idx.msk [tilespmem:v41+s3+$0x0], $0xffff;
	v32 =	vmul.f32 v32, v37;
	[tilespmem:v17+s25+$0x0] =	vst.idx.msk $0xffff, v33;
	v17 =	vmov v38;
	(pc) =	sbr.rel @p0 .LBB2_14-.Ltmp6, $4  }
0x1b1: {  	v24 =	vld.idx.msk [tilespmem:v43+s3+$0x0], $0xffff  }
0x1b2: {  	v33 =	vld [tilespmem:s1+$0xFFFFFE80];
	[tilespmem:v35+s25+$0x0] =	vst.idx.msk $0xffff, v32  }
0x1b3: {  	v34 =	vld [tilespmem:s1+$0xFFFFFF00]  }
0x1b4: {  	v26 =	vadd.s32 $0x200, v26;
	v32 =	vld [tilespmem:s1+$0xFFFFFF80]  }
0x1b5: {  	v18 =	vld [tilespmem:s1+$0x0]  }
0x1b6: {  	v35 =	vld [tilespmem:s1+$0xFFFFFE00]  }
0x1b7: {  	v26 =	vld [tilespmem:s1+$0x80];
	v27 =	vmul.f32 v27, v33  }
0x1b8: {  	v61 =	vld [tilespmem:s1+$0x100];
	v28 =	vmul.f32 v28, v34  }
0x1b9: {  	[tilespmem:v31+s25+$0x0] =	vst.idx.msk $0xffff, v27;
	v27 =	vmul.f32 v29, v32  }
0x1ba: {  	[tilespmem:v30+s25+$0x0] =	vst.idx.msk $0xffff, v28;
	v18 =	vmul.f32 v25, v18  }
0x1bb: {  	v16 =	vmul.f32 v16, v35;
	[tilespmem:v21+s25+$0x0] =	vst.idx.msk $0xffff, v27  }
0x1bc: {  	v21 =	vmul.f32 v23, v26;
	[tilespmem:v22+s25+$0x0] =	vst.idx.msk $0xffff, v18  }
0x1bd: {  	v23 =	vmul.f32 v24, v61;
	[tilespmem:v17+s25+$0x0] =	vst.idx.msk $0xffff, v16  }
0x1be: {  	[tilespmem:v19+s25+$0x0] =	vst.idx.msk $0xffff, v21  }
0x1bf: {  	[tilespmem:v20+s25+$0x0] =	vst.idx.msk $0xffff, v23  }
0x1c0: {  	v16 =	vld [tilespmem:$0x2060];
	_ =	sdelay $0x4  }
0x1c1: {  	vm0 =	vgt.s32 v16, $0x0  }
0x1c2: {  	v16 =	vnsel vm0, $0x0, v16  }
0x1c3: {  	v26 =	vmin.u32 v16, $0x3F  }
0x1c4: {  	v17 =	vadd.s32 $0x1C0, v26;
	_ =	sdelay $0x1  }
0x1c5: {  	s1 =	simm.s32 $0x6460;
	v19 =	vadd.s32 $0x40, v26  }
0x1c6: {  	v31 =	vld [tilespmem:s1+$0x180]  }
0x1c7: {  	v18 =	vimm.s32 $0x0;
	v33 =	vld [tilespmem:s1+$0xFFFFFE80]  }
0x1c8: {  	v20 =	vadd.s32 $0x80, v26;
	v30 =	vld.idx.msk [tilespmem:v17+s3+$0x0], $0xffff;
	v17 =	vshll.u32 v18, $0x3  }
0x1c9: {  	v25 =	vand.u32 $0x78, v18;
	v34 =	vld [tilespmem:s1+$0xFFFFFF00];
	v21 =	vadd.s32 $0xC0, v26;
	v17 =	vand.u32 $0xFFFFFC00, v17  }
0x1ca: {  	v23 =	vadd.s32 $0x140, v26;
	v27 =	vld.idx.msk [tilespmem:v19+s3+$0x0], $0xffff;
	v19 =	vor.u32 v25, v17  }
0x1cb: {  	v32 =	vld [tilespmem:s1+$0xFFFFFF80];
	v22 =	vadd.s32 $0x100, v26;
	v17 =	vadd.s32 v12, v19  }
0x1cc: {  	v24 =	vadd.s32 $0x180, v26;
	v16 =	vld.idx.msk [tilespmem:v26+s3+$0x0], $0xffff;
	v62 =	vor.u32 $0x7, v17  }
0x1cd: {  	v28 =	vld.idx.msk [tilespmem:v20+s3+$0x0], $0xffff  }
0x1ce: {  	v29 =	vld.idx.msk [tilespmem:v21+s3+$0x0], $0xffff  }
0x1cf: {  	v26 =	vadd.s32 $0x200, v26;
	v23 =	vld.idx.msk [tilespmem:v23+s3+$0x0], $0xffff;
	v63 =	vmul.f32 v30, v31  }
0x1d0: {  	v25 =	vld.idx.msk [tilespmem:v22+s3+$0x0], $0xffff;
	v21 =	vadd.s32 v13, v19;
	v22 =	vor.u32 $0x4, v17;
	v19 =	vor.u32 $0x5, v17  }
0x1d1: {  	s0 =	simm.s32 $0x0;
	v24 =	vld.idx.msk [tilespmem:v24+s3+$0x0], $0xffff;
	v20 =	vor.u32 $0x6, v17;
	v31 =	vor.u32 $0x1, v17;
	v30 =	vor.u32 $0x2, v17;
	[tilespmem:v62+s25+$0x0] =	vst.idx.msk $0xffff, v63  }
.LBB2_16:
0x1d2: {  	v35 =	vadd.s32 $0x40, v26;
	v36 =	vadd.s32 $0x80, v26;
	v37 =	vadd.s32 $0x1C0, v26;
	s0 =	sadd.s32 $0x8, s0;
	v38 =	vld [tilespmem:s1+$0x0]  }
0x1d3: {  	v39 =	vadd.s32 $0xC0, v26;
	v40 =	vadd.s32 $0x100, v26;
	v41 =	vadd.s32 $0x140, v26;
	p0 =	slt.u32 s0, $0x78;
	v42 =	vld [tilespmem:s1+$0x80]  }
0x1d4: {  	v43 =	vadd.s32 $0x180, v26;
	v27 =	vmul.f32 v27, v33;
	v33 =	vld [tilespmem:s1+$0x100]  }
0x1d5: {  	v18 =	vadd.s32 $0x8, v18;
	v44 =	vld [tilespmem:s1+$0xFFFFFE00];
	v28 =	vmul.f32 v28, v34  }
0x1d6: {  	v45 =	vshll.u32 v18, $0x3;
	v34 =	vld.idx.msk [tilespmem:v26+s3+$0x0], $0xffff;
	[tilespmem:v31+s25+$0x0] =	vst.idx.msk $0xffff, v27;
	v27 =	vmul.f32 v29, v32  }
0x1d7: {  	s1 =	sadd.s32 $0x400, s1;
	v29 =	vand.u32 $0x78, v18;
	v31 =	vand.u32 $0xFFFFFC00, v45;
	v32 =	vld.idx.msk [tilespmem:v37+s3+$0x0], $0xffff;
	[tilespmem:v30+s25+$0x0] =	vst.idx.msk $0xffff, v28;
	v25 =	vmul.f32 v25, v38  }
0x1d8: {  	v28 =	vor.u32 v29, v31;
	v37 =	vld [tilespmem:s1+$0x180];
	[tilespmem:v21+s25+$0x0] =	vst.idx.msk $0xffff, v27;
	v23 =	vmul.f32 v23, v42  }
0x1d9: {  	v38 =	vadd.s32 v12, v28;
	v21 =	vadd.s32 v13, v28;
	v27 =	vld.idx.msk [tilespmem:v35+s3+$0x0], $0xffff;
	v24 =	vmul.f32 v24, v33  }
0x1da: {  	v31 =	vor.u32 $0x1, v38;
	v35 =	vor.u32 $0x7, v38;
	v28 =	vld.idx.msk [tilespmem:v36+s3+$0x0], $0xffff;
	v33 =	vmul.f32 v16, v44;
	[tilespmem:v22+s25+$0x0] =	vst.idx.msk $0xffff, v25  }
0x1db: {  	v30 =	vor.u32 $0x2, v38;
	v22 =	vor.u32 $0x4, v38;
	v29 =	vld.idx.msk [tilespmem:v39+s3+$0x0], $0xffff;
	[tilespmem:v19+s25+$0x0] =	vst.idx.msk $0xffff, v23;
	v19 =	vor.u32 $0x5, v38  }
0x1dc: {  	v16 =	vmov v34;
	v25 =	vld.idx.msk [tilespmem:v40+s3+$0x0], $0xffff;
	[tilespmem:v20+s25+$0x0] =	vst.idx.msk $0xffff, v24;
	v20 =	vor.u32 $0x6, v38  }
.Ltmp7:
0x1dd: {  	v23 =	vld.idx.msk [tilespmem:v41+s3+$0x0], $0xffff;
	v32 =	vmul.f32 v32, v37;
	[tilespmem:v17+s25+$0x0] =	vst.idx.msk $0xffff, v33;
	v17 =	vmov v38;
	(pc) =	sbr.rel @p0 .LBB2_16-.Ltmp7, $4  }
0x1de: {  	v24 =	vld.idx.msk [tilespmem:v43+s3+$0x0], $0xffff  }
0x1df: {  	v33 =	vld [tilespmem:s1+$0xFFFFFE80];
	[tilespmem:v35+s25+$0x0] =	vst.idx.msk $0xffff, v32  }
0x1e0: {  	v34 =	vld [tilespmem:s1+$0xFFFFFF00]  }
0x1e1: {  	v26 =	vadd.s32 $0x200, v26;
	v32 =	vld [tilespmem:s1+$0xFFFFFF80]  }
0x1e2: {  	v18 =	vld [tilespmem:s1+$0x0]  }
0x1e3: {  	v35 =	vld [tilespmem:s1+$0xFFFFFE00]  }
0x1e4: {  	v26 =	vld [tilespmem:s1+$0x80];
	v27 =	vmul.f32 v27, v33  }
0x1e5: {  	v61 =	vld [tilespmem:s1+$0x100];
	v28 =	vmul.f32 v28, v34  }
0x1e6: {  	[tilespmem:v31+s25+$0x0] =	vst.idx.msk $0xffff, v27;
	v27 =	vmul.f32 v29, v32  }
0x1e7: {  	[tilespmem:v30+s25+$0x0] =	vst.idx.msk $0xffff, v28;
	v18 =	vmul.f32 v25, v18  }
0x1e8: {  	v16 =	vmul.f32 v16, v35;
	[tilespmem:v21+s25+$0x0] =	vst.idx.msk $0xffff, v27  }
0x1e9: {  	v21 =	vmul.f32 v23, v26;
	[tilespmem:v22+s25+$0x0] =	vst.idx.msk $0xffff, v18  }
0x1ea: {  	v23 =	vmul.f32 v24, v61;
	[tilespmem:v17+s25+$0x0] =	vst.idx.msk $0xffff, v16  }
0x1eb: {  	[tilespmem:v19+s25+$0x0] =	vst.idx.msk $0xffff, v21  }
0x1ec: {  	[tilespmem:v20+s25+$0x0] =	vst.idx.msk $0xffff, v23  }
0x1ed: {  	v16 =	vld [tilespmem:$0x2070];
	_ =	sdelay $0x4  }
0x1ee: {  	vm0 =	vgt.s32 v16, $0x0  }
0x1ef: {  	v16 =	vnsel vm0, $0x0, v16  }
0x1f0: {  	v26 =	vmin.u32 v16, $0x3F  }
0x1f1: {  	v17 =	vadd.s32 $0x1C0, v26;
	_ =	sdelay $0x1  }
0x1f2: {  	s1 =	simm.s32 $0x6470;
	v19 =	vadd.s32 $0x40, v26  }
0x1f3: {  	v31 =	vld [tilespmem:s1+$0x180]  }
0x1f4: {  	v18 =	vimm.s32 $0x0;
	v33 =	vld [tilespmem:s1+$0xFFFFFE80]  }
0x1f5: {  	v20 =	vadd.s32 $0x80, v26;
	v30 =	vld.idx.msk [tilespmem:v17+s3+$0x0], $0xffff;
	v17 =	vshll.u32 v18, $0x3  }
0x1f6: {  	v25 =	vand.u32 $0x78, v18;
	v34 =	vld [tilespmem:s1+$0xFFFFFF00];
	v21 =	vadd.s32 $0xC0, v26;
	v17 =	vand.u32 $0xFFFFFC00, v17  }
0x1f7: {  	v23 =	vadd.s32 $0x140, v26;
	v27 =	vld.idx.msk [tilespmem:v19+s3+$0x0], $0xffff;
	v19 =	vor.u32 v25, v17  }
0x1f8: {  	v32 =	vld [tilespmem:s1+$0xFFFFFF80];
	v22 =	vadd.s32 $0x100, v26;
	v17 =	vadd.s32 v14, v19  }
0x1f9: {  	v24 =	vadd.s32 $0x180, v26;
	v16 =	vld.idx.msk [tilespmem:v26+s3+$0x0], $0xffff;
	v62 =	vor.u32 $0x7, v17  }
0x1fa: {  	v28 =	vld.idx.msk [tilespmem:v20+s3+$0x0], $0xffff  }
0x1fb: {  	v29 =	vld.idx.msk [tilespmem:v21+s3+$0x0], $0xffff  }
0x1fc: {  	v26 =	vadd.s32 $0x200, v26;
	v23 =	vld.idx.msk [tilespmem:v23+s3+$0x0], $0xffff;
	v63 =	vmul.f32 v30, v31  }
0x1fd: {  	v25 =	vld.idx.msk [tilespmem:v22+s3+$0x0], $0xffff;
	v21 =	vadd.s32 v15, v19;
	v22 =	vor.u32 $0x4, v17;
	v19 =	vor.u32 $0x5, v17  }
0x1fe: {  	s0 =	simm.s32 $0x0;
	v24 =	vld.idx.msk [tilespmem:v24+s3+$0x0], $0xffff;
	v20 =	vor.u32 $0x6, v17;
	v31 =	vor.u32 $0x1, v17;
	v30 =	vor.u32 $0x2, v17;
	[tilespmem:v62+s25+$0x0] =	vst.idx.msk $0xffff, v63  }
.LBB2_18:
0x1ff: {  	v35 =	vadd.s32 $0x40, v26;
	v36 =	vadd.s32 $0x80, v26;
	v37 =	vadd.s32 $0x1C0, v26;
	s0 =	sadd.s32 $0x8, s0;
	v38 =	vld [tilespmem:s1+$0x0]  }
0x200: {  	v39 =	vadd.s32 $0xC0, v26;
	v40 =	vadd.s32 $0x100, v26;
	v41 =	vadd.s32 $0x140, v26;
	p0 =	slt.u32 s0, $0x78;
	v42 =	vld [tilespmem:s1+$0x80]  }
0x201: {  	v43 =	vadd.s32 $0x180, v26;
	v27 =	vmul.f32 v27, v33;
	v33 =	vld [tilespmem:s1+$0x100]  }
0x202: {  	v18 =	vadd.s32 $0x8, v18;
	v44 =	vld [tilespmem:s1+$0xFFFFFE00];
	v28 =	vmul.f32 v28, v34  }
0x203: {  	v45 =	vshll.u32 v18, $0x3;
	v34 =	vld.idx.msk [tilespmem:v26+s3+$0x0], $0xffff;
	[tilespmem:v31+s25+$0x0] =	vst.idx.msk $0xffff, v27;
	v27 =	vmul.f32 v29, v32  }
0x204: {  	s1 =	sadd.s32 $0x400, s1;
	v29 =	vand.u32 $0x78, v18;
	v31 =	vand.u32 $0xFFFFFC00, v45;
	v32 =	vld.idx.msk [tilespmem:v37+s3+$0x0], $0xffff;
	[tilespmem:v30+s25+$0x0] =	vst.idx.msk $0xffff, v28;
	v25 =	vmul.f32 v25, v38  }
0x205: {  	v28 =	vor.u32 v29, v31;
	v37 =	vld [tilespmem:s1+$0x180];
	[tilespmem:v21+s25+$0x0] =	vst.idx.msk $0xffff, v27;
	v23 =	vmul.f32 v23, v42  }
0x206: {  	v38 =	vadd.s32 v14, v28;
	v21 =	vadd.s32 v15, v28;
	v27 =	vld.idx.msk [tilespmem:v35+s3+$0x0], $0xffff;
	v24 =	vmul.f32 v24, v33  }
0x207: {  	v31 =	vor.u32 $0x1, v38;
	v35 =	vor.u32 $0x7, v38;
	v28 =	vld.idx.msk [tilespmem:v36+s3+$0x0], $0xffff;
	v33 =	vmul.f32 v16, v44;
	[tilespmem:v22+s25+$0x0] =	vst.idx.msk $0xffff, v25  }
0x208: {  	v30 =	vor.u32 $0x2, v38;
	v22 =	vor.u32 $0x4, v38;
	v29 =	vld.idx.msk [tilespmem:v39+s3+$0x0], $0xffff;
	[tilespmem:v19+s25+$0x0] =	vst.idx.msk $0xffff, v23;
	v19 =	vor.u32 $0x5, v38  }
0x209: {  	v16 =	vmov v34;
	v25 =	vld.idx.msk [tilespmem:v40+s3+$0x0], $0xffff;
	[tilespmem:v20+s25+$0x0] =	vst.idx.msk $0xffff, v24;
	v20 =	vor.u32 $0x6, v38  }
.Ltmp8:
0x20a: {  	v23 =	vld.idx.msk [tilespmem:v41+s3+$0x0], $0xffff;
	v32 =	vmul.f32 v32, v37;
	[tilespmem:v17+s25+$0x0] =	vst.idx.msk $0xffff, v33;
	v17 =	vmov v38;
	(pc) =	sbr.rel @p0 .LBB2_18-.Ltmp8, $4  }
0x20b: {  	v24 =	vld.idx.msk [tilespmem:v43+s3+$0x0], $0xffff  }
0x20c: {  	v33 =	vld [tilespmem:s1+$0xFFFFFE80];
	[tilespmem:v35+s25+$0x0] =	vst.idx.msk $0xffff, v32  }
0x20d: {  	v34 =	vld [tilespmem:s1+$0xFFFFFF00]  }
0x20e: {  	v26 =	vadd.s32 $0x200, v26;
	v32 =	vld [tilespmem:s1+$0xFFFFFF80]  }
0x20f: {  	v18 =	vld [tilespmem:s1+$0x0]  }
0x210: {  	v35 =	vld [tilespmem:s1+$0xFFFFFE00]  }
0x211: {  	v26 =	vld [tilespmem:s1+$0x80];
	v27 =	vmul.f32 v27, v33  }
0x212: {  	v61 =	vld [tilespmem:s1+$0x100];
	v28 =	vmul.f32 v28, v34  }
0x213: {  	[tilespmem:v31+s25+$0x0] =	vst.idx.msk $0xffff, v27;
	v27 =	vmul.f32 v29, v32  }
0x214: {  	[tilespmem:v30+s25+$0x0] =	vst.idx.msk $0xffff, v28;
	v18 =	vmul.f32 v25, v18  }
0x215: {  	v16 =	vmul.f32 v16, v35;
	[tilespmem:v21+s25+$0x0] =	vst.idx.msk $0xffff, v27  }
0x216: {  	v21 =	vmul.f32 v23, v26;
	[tilespmem:v22+s25+$0x0] =	vst.idx.msk $0xffff, v18  }
0x217: {  	v23 =	vmul.f32 v24, v61;
	[tilespmem:v17+s25+$0x0] =	vst.idx.msk $0xffff, v16  }
0x218: {  	[tilespmem:v19+s25+$0x0] =	vst.idx.msk $0xffff, v21  }
0x219: {  	[tilespmem:v20+s25+$0x0] =	vst.idx.msk $0xffff, v23  }
0x21a: {  	[hbm4b:s7+s3] =	stream.linear.scatter [tilespmem:s25], [sflag:$0x4], $0x400, $0x38;
	[tilespmem:$0x1A200] =	vst v63  }
0x21b: {  	s0 =	sadd.s32 $0x80, s7  }
0x21c: {  	[hbm4b:s0+s3] =	stream.linear.scatter [tilespmem:s30], [sflag:$0x4], $0x400, $0x38;
	[tilespmem:$0x1A200] =	vst v63  }
0x21d: {  	s17 =	sadd.s32 $0x100, s7  }
0x21e: {  	[hbm4b:s17+s3] =	stream.linear.scatter [tilespmem:s26], [sflag:$0x4], $0x400, $0x38;
	[tilespmem:$0x1A200] =	vst v63  }
0x21f: {  	s19 =	sadd.s32 $0x180, s7  }
0x220: {  	[hbm4b:s19+s3] =	stream.linear.scatter [tilespmem:s23], [sflag:$0x4], $0x400, $0x38;
	[tilespmem:$0x1A200] =	vst v63  }
0x221: {  	s21 =	sadd.s32 $0x200, s7  }
0x222: {  	[hbm4b:s21+s3] =	stream.linear.scatter [tilespmem:s18], [sflag:$0x4], $0x400, $0x38;
	[tilespmem:$0x1A200] =	vst v63  }
0x223: {  	s24 =	sadd.s32 $0x280, s7  }
0x224: {  	[hbm4b:s24+s3] =	stream.linear.scatter [tilespmem:s20], [sflag:$0x4], $0x400, $0x38;
	[tilespmem:$0x1A200] =	vst v63  }
0x225: {  	s31 =	sadd.s32 $0x300, s7  }
0x226: {  	[hbm4b:s31+s3] =	stream.linear.scatter [tilespmem:s12], [sflag:$0x4], $0x400, $0x38;
	[tilespmem:$0x1A200] =	vst v63  }
0x227: {  	s1 =	sadd.s32 $0x380, s7  }
0x228: {  	[hbm4b:s1+s3] =	stream.linear.scatter [tilespmem:s9], [sflag:$0x4], $0x400, $0x38;
	[tilespmem:$0x1A200] =	vst v63  }
0x229: {  	s5 =	sadd.s32 $0x400, s7  }
0x22a: {  	[hbm4b:s5+s3] =	stream.linear.scatter [tilespmem:s6], [sflag:$0x4], $0x400, $0x38;
	[tilespmem:$0x1A200] =	vst v63  }
0x22b: {  	s17 =	sadd.s32 $0x480, s7;
	s1 =	simm.s32 $0x16A00  }
0x22c: {  	[hbm4b:s17+s3] =	stream.linear.scatter [tilespmem:s1], [sflag:$0x4], $0x400, $0x38;
	[tilespmem:$0x1A200] =	vst v63  }
0x22d: {  	s19 =	sadd.s32 $0x500, s7;
	s21 =	simm.s32 $0x17200  }
0x22e: {  	[hbm4b:s19+s3] =	stream.linear.scatter [tilespmem:s21], [sflag:$0x4], $0x400, $0x38;
	[tilespmem:$0x1A200] =	vst v63  }
0x22f: {  	s24 =	sadd.s32 $0x580, s7;
	s19 =	simm.s32 $0x17A00  }
0x230: {  	[hbm4b:s24+s3] =	stream.linear.scatter [tilespmem:s19], [sflag:$0x4], $0x400, $0x38;
	[tilespmem:$0x1A200] =	vst v63  }
0x231: {  	s31 =	sadd.s32 $0x600, s7;
	s24 =	simm.s32 $0x18200  }
0x232: {  	[hbm4b:s31+s3] =	stream.linear.scatter [tilespmem:s24], [sflag:$0x4], $0x400, $0x38;
	[tilespmem:$0x1A200] =	vst v63  }
0x233: {  	s5 =	sadd.s32 $0x680, s7;
	s17 =	simm.s32 $0x18A00  }
0x234: {  	[hbm4b:s5+s3] =	stream.linear.scatter [tilespmem:s17], [sflag:$0x4], $0x400, $0x38;
	[tilespmem:$0x1A200] =	vst v63  }
0x235: {  	s31 =	sadd.s32 $0x700, s7;
	s5 =	simm.s32 $0x19200  }
0x236: {  	[hbm4b:s31+s3] =	stream.linear.scatter [tilespmem:s5], [sflag:$0x4], $0x400, $0x38;
	[tilespmem:$0x1A200] =	vst v63  }
0x237: {  	s0 =	sadd.s32 $0x780, s7;
	s31 =	simm.s32 $0x19A00  }
0x238: {  	[hbm4b:s0+s3] =	stream.linear.scatter [tilespmem:s31], [sflag:$0x4], $0x400, $0x38;
	[tilespmem:$0x1A200] =	vst v63  }
0x239: {  	_ = 	snop  }
0x23a: {  	[hbm4b:s8+s3] =	stream.linear.scatter [tilespmem:s25], [sflag:$0x4], $0x400, $0x38;
	[tilespmem:$0x1A200] =	vst v63  }
0x23b: {  	s0 =	sadd.s32 $0x80, s8  }
0x23c: {  	[hbm4b:s0+s3] =	stream.linear.scatter [tilespmem:s30], [sflag:$0x4], $0x400, $0x38;
	[tilespmem:$0x1A200] =	vst v63  }
0x23d: {  	s30 =	sadd.s32 $0x100, s8  }
0x23e: {  	[hbm4b:s30+s3] =	stream.linear.scatter [tilespmem:s26], [sflag:$0x4], $0x400, $0x38;
	[tilespmem:$0x1A200] =	vst v63  }
0x23f: {  	s26 =	sadd.s32 $0x180, s8  }
0x240: {  	[hbm4b:s26+s3] =	stream.linear.scatter [tilespmem:s23], [sflag:$0x4], $0x400, $0x38;
	[tilespmem:$0x1A200] =	vst v63  }
0x241: {  	s30 =	sadd.s32 $0x200, s8  }
0x242: {  	[hbm4b:s30+s3] =	stream.linear.scatter [tilespmem:s18], [sflag:$0x4], $0x400, $0x38;
	[tilespmem:$0x1A200] =	vst v63  }
0x243: {  	s23 =	sadd.s32 $0x280, s8  }
0x244: {  	[hbm4b:s23+s3] =	stream.linear.scatter [tilespmem:s20], [sflag:$0x4], $0x400, $0x38;
	[tilespmem:$0x1A200] =	vst v63  }
0x245: {  	s26 =	sadd.s32 $0x300, s8  }
0x246: {  	[hbm4b:s26+s3] =	stream.linear.scatter [tilespmem:s12], [sflag:$0x4], $0x400, $0x38;
	[tilespmem:$0x1A200] =	vst v63  }
0x247: {  	s30 =	sadd.s32 $0x380, s8  }
0x248: {  	[hbm4b:s30+s3] =	stream.linear.scatter [tilespmem:s9], [sflag:$0x4], $0x400, $0x38;
	[tilespmem:$0x1A200] =	vst v63  }
0x249: {  	s9 =	sadd.s32 $0x400, s8  }
0x24a: {  	[hbm4b:s9+s3] =	stream.linear.scatter [tilespmem:s6], [sflag:$0x4], $0x400, $0x38;
	[tilespmem:$0x1A200] =	vst v63  }
0x24b: {  	s12 =	sadd.s32 $0x480, s8  }
0x24c: {  	[hbm4b:s12+s3] =	stream.linear.scatter [tilespmem:s1], [sflag:$0x4], $0x400, $0x38;
	[tilespmem:$0x1A200] =	vst v63  }
0x24d: {  	s18 =	sadd.s32 $0x500, s8  }
0x24e: {  	[hbm4b:s18+s3] =	stream.linear.scatter [tilespmem:s21], [sflag:$0x4], $0x400, $0x38;
	[tilespmem:$0x1A200] =	vst v63  }
0x24f: {  	s20 =	sadd.s32 $0x580, s8  }
0x250: {  	[hbm4b:s20+s3] =	stream.linear.scatter [tilespmem:s19], [sflag:$0x4], $0x400, $0x38;
	[tilespmem:$0x1A200] =	vst v63  }
0x251: {  	s21 =	sadd.s32 $0x600, s8  }
0x252: {  	[hbm4b:s21+s3] =	stream.linear.scatter [tilespmem:s24], [sflag:$0x4], $0x400, $0x38;
	[tilespmem:$0x1A200] =	vst v63  }
0x253: {  	s23 =	sadd.s32 $0x680, s8  }
0x254: {  	[hbm4b:s23+s3] =	stream.linear.scatter [tilespmem:s17], [sflag:$0x4], $0x400, $0x38;
	[tilespmem:$0x1A200] =	vst v63  }
0x255: {  	s24 =	sadd.s32 $0x700, s8  }
0x256: {  	[hbm4b:s24+s3] =	stream.linear.scatter [tilespmem:s5], [sflag:$0x4], $0x400, $0x38;
	[tilespmem:$0x1A200] =	vst v63  }
0x257: {  	s26 =	sadd.s32 $0x780, s8;
	s30 =	simm.s32 $0x1  }
0x258: {  	[hbm4b:s26+s3] =	stream.linear.scatter [tilespmem:s31], [sflag:$0x4], $0x400, $0x38;
	[tilespmem:$0x1A200] =	vst v63  }
0x259: {  	_ =	swait.ge [sflag:s30], $0x4000  }
0x25a: {  	[sflag:s30] =	ssyncset.done $0x0  }
0x25b: {  	s21 =	simm.s32 $0x20000;
	s31 =	rddreg [dreg:$0x8];
	[sflag:s30] =	ssyncadd.s32 $0xFFFFC000  }
0x25c: {  	[tilespmem:s4], [sflag:$0x2] =	stream.strided.gather [hbm4b:s31+s2], $0x4000, s21, s2, $0x38;
	[tilespmem:$0x1A200] =	vst v63  }
0x25d: {  	v16 =	vld [tilespmem:$0x2080];
	_ =	sdelay $0x4  }
0x25e: {  	vm0 =	vgt.s32 v16, $0x0  }
0x25f: {  	v16 =	vnsel vm0, $0x0, v16  }
0x260: {  	v26 =	vmin.u32 v16, $0x3F  }
0x261: {  	v17 =	vadd.s32 $0x1C0, v26;
	_ =	sdelay $0x1  }
0x262: {  	s1 =	simm.s32 $0x2400;
	v19 =	vadd.s32 $0x40, v26  }
0x263: {  	v31 =	vld [tilespmem:s1+$0x180]  }
0x264: {  	v18 =	vimm.s32 $0x0;
	v33 =	vld [tilespmem:s1+$0xFFFFFE80]  }
0x265: {  	v20 =	vadd.s32 $0x80, v26;
	v30 =	vld.idx.msk [tilespmem:v17+s3+$0x0], $0xffff;
	v17 =	vshll.u32 v18, $0x3  }
0x266: {  	v25 =	vand.u32 $0x78, v18;
	v34 =	vld [tilespmem:s1+$0xFFFFFF00];
	v21 =	vadd.s32 $0xC0, v26;
	v17 =	vand.u32 $0xFFFFFC00, v17  }
0x267: {  	v23 =	vadd.s32 $0x140, v26;
	v27 =	vld.idx.msk [tilespmem:v19+s3+$0x0], $0xffff;
	v19 =	vor.u32 v25, v17  }
0x268: {  	v32 =	vld [tilespmem:s1+$0xFFFFFF80];
	v22 =	vadd.s32 $0x100, v26;
	v17 =	vadd.s32 v0, v19  }
0x269: {  	v24 =	vadd.s32 $0x180, v26;
	v16 =	vld.idx.msk [tilespmem:v26+s3+$0x0], $0xffff;
	v62 =	vor.u32 $0x7, v17  }
0x26a: {  	v28 =	vld.idx.msk [tilespmem:v20+s3+$0x0], $0xffff  }
0x26b: {  	v29 =	vld.idx.msk [tilespmem:v21+s3+$0x0], $0xffff  }
0x26c: {  	v26 =	vadd.s32 $0x200, v26;
	v23 =	vld.idx.msk [tilespmem:v23+s3+$0x0], $0xffff;
	v63 =	vmul.f32 v30, v31  }
0x26d: {  	v25 =	vld.idx.msk [tilespmem:v22+s3+$0x0], $0xffff;
	v21 =	vadd.s32 v1, v19;
	v22 =	vor.u32 $0x4, v17;
	v19 =	vor.u32 $0x5, v17  }
0x26e: {  	s0 =	simm.s32 $0x0;
	v24 =	vld.idx.msk [tilespmem:v24+s3+$0x0], $0xffff;
	v20 =	vor.u32 $0x6, v17;
	v31 =	vor.u32 $0x1, v17;
	v30 =	vor.u32 $0x2, v17;
	[tilespmem:v62+s22+$0x0] =	vst.idx.msk $0xffff, v63  }
.LBB2_20:
0x26f: {  	v35 =	vadd.s32 $0x40, v26;
	v36 =	vadd.s32 $0x80, v26;
	v37 =	vadd.s32 $0x1C0, v26;
	s0 =	sadd.s32 $0x8, s0;
	v38 =	vld [tilespmem:s1+$0x0]  }
0x270: {  	v39 =	vadd.s32 $0xC0, v26;
	v40 =	vadd.s32 $0x100, v26;
	v41 =	vadd.s32 $0x140, v26;
	p0 =	slt.u32 s0, $0x78;
	v42 =	vld [tilespmem:s1+$0x80]  }
0x271: {  	v43 =	vadd.s32 $0x180, v26;
	v27 =	vmul.f32 v27, v33;
	v33 =	vld [tilespmem:s1+$0x100]  }
0x272: {  	v18 =	vadd.s32 $0x8, v18;
	v44 =	vld [tilespmem:s1+$0xFFFFFE00];
	v28 =	vmul.f32 v28, v34  }
0x273: {  	v45 =	vshll.u32 v18, $0x3;
	v34 =	vld.idx.msk [tilespmem:v26+s3+$0x0], $0xffff;
	[tilespmem:v31+s22+$0x0] =	vst.idx.msk $0xffff, v27;
	v27 =	vmul.f32 v29, v32  }
0x274: {  	s1 =	sadd.s32 $0x400, s1;
	v29 =	vand.u32 $0x78, v18;
	v31 =	vand.u32 $0xFFFFFC00, v45;
	v32 =	vld.idx.msk [tilespmem:v37+s3+$0x0], $0xffff;
	[tilespmem:v30+s22+$0x0] =	vst.idx.msk $0xffff, v28;
	v25 =	vmul.f32 v25, v38  }
0x275: {  	v28 =	vor.u32 v29, v31;
	v37 =	vld [tilespmem:s1+$0x180];
	[tilespmem:v21+s22+$0x0] =	vst.idx.msk $0xffff, v27;
	v23 =	vmul.f32 v23, v42  }
0x276: {  	v38 =	vadd.s32 v0, v28;
	v21 =	vadd.s32 v1, v28;
	v27 =	vld.idx.msk [tilespmem:v35+s3+$0x0], $0xffff;
	v24 =	vmul.f32 v24, v33  }
0x277: {  	v31 =	vor.u32 $0x1, v38;
	v35 =	vor.u32 $0x7, v38;
	v28 =	vld.idx.msk [tilespmem:v36+s3+$0x0], $0xffff;
	v33 =	vmul.f32 v16, v44;
	[tilespmem:v22+s22+$0x0] =	vst.idx.msk $0xffff, v25  }
0x278: {  	v30 =	vor.u32 $0x2, v38;
	v22 =	vor.u32 $0x4, v38;
	v29 =	vld.idx.msk [tilespmem:v39+s3+$0x0], $0xffff;
	[tilespmem:v19+s22+$0x0] =	vst.idx.msk $0xffff, v23;
	v19 =	vor.u32 $0x5, v38  }
0x279: {  	v16 =	vmov v34;
	v25 =	vld.idx.msk [tilespmem:v40+s3+$0x0], $0xffff;
	[tilespmem:v20+s22+$0x0] =	vst.idx.msk $0xffff, v24;
	v20 =	vor.u32 $0x6, v38  }
.Ltmp9:
0x27a: {  	v23 =	vld.idx.msk [tilespmem:v41+s3+$0x0], $0xffff;
	v32 =	vmul.f32 v32, v37;
	[tilespmem:v17+s22+$0x0] =	vst.idx.msk $0xffff, v33;
	v17 =	vmov v38;
	(pc) =	sbr.rel @p0 .LBB2_20-.Ltmp9, $4  }
0x27b: {  	v24 =	vld.idx.msk [tilespmem:v43+s3+$0x0], $0xffff  }
0x27c: {  	v33 =	vld [tilespmem:s1+$0xFFFFFE80];
	[tilespmem:v35+s22+$0x0] =	vst.idx.msk $0xffff, v32  }
0x27d: {  	v34 =	vld [tilespmem:s1+$0xFFFFFF00]  }
0x27e: {  	v26 =	vadd.s32 $0x200, v26;
	v32 =	vld [tilespmem:s1+$0xFFFFFF80]  }
0x27f: {  	v18 =	vld [tilespmem:s1+$0x0]  }
0x280: {  	v35 =	vld [tilespmem:s1+$0xFFFFFE00]  }
0x281: {  	v26 =	vld [tilespmem:s1+$0x80];
	v27 =	vmul.f32 v27, v33  }
0x282: {  	v61 =	vld [tilespmem:s1+$0x100];
	v28 =	vmul.f32 v28, v34  }
0x283: {  	[tilespmem:v31+s22+$0x0] =	vst.idx.msk $0xffff, v27;
	v27 =	vmul.f32 v29, v32  }
0x284: {  	[tilespmem:v30+s22+$0x0] =	vst.idx.msk $0xffff, v28;
	v18 =	vmul.f32 v25, v18  }
0x285: {  	v16 =	vmul.f32 v16, v35;
	[tilespmem:v21+s22+$0x0] =	vst.idx.msk $0xffff, v27  }
0x286: {  	v21 =	vmul.f32 v23, v26;
	[tilespmem:v22+s22+$0x0] =	vst.idx.msk $0xffff, v18  }
0x287: {  	v23 =	vmul.f32 v24, v61;
	[tilespmem:v17+s22+$0x0] =	vst.idx.msk $0xffff, v16  }
0x288: {  	[tilespmem:v19+s22+$0x0] =	vst.idx.msk $0xffff, v21  }
0x289: {  	[tilespmem:v20+s22+$0x0] =	vst.idx.msk $0xffff, v23  }
0x28a: {  	v16 =	vld [tilespmem:$0x2090];
	_ =	sdelay $0x4  }
0x28b: {  	vm0 =	vgt.s32 v16, $0x0  }
0x28c: {  	v16 =	vnsel vm0, $0x0, v16  }
0x28d: {  	v26 =	vmin.u32 v16, $0x3F  }
0x28e: {  	v17 =	vadd.s32 $0x1C0, v26;
	_ =	sdelay $0x1  }
0x28f: {  	s1 =	simm.s32 $0x2410;
	v19 =	vadd.s32 $0x40, v26  }
0x290: {  	v31 =	vld [tilespmem:s1+$0x180]  }
0x291: {  	v18 =	vimm.s32 $0x0;
	v33 =	vld [tilespmem:s1+$0xFFFFFE80]  }
0x292: {  	v20 =	vadd.s32 $0x80, v26;
	v30 =	vld.idx.msk [tilespmem:v17+s3+$0x0], $0xffff;
	v17 =	vshll.u32 v18, $0x3  }
0x293: {  	v25 =	vand.u32 $0x78, v18;
	v34 =	vld [tilespmem:s1+$0xFFFFFF00];
	v21 =	vadd.s32 $0xC0, v26;
	v17 =	vand.u32 $0xFFFFFC00, v17  }
0x294: {  	v23 =	vadd.s32 $0x140, v26;
	v27 =	vld.idx.msk [tilespmem:v19+s3+$0x0], $0xffff;
	v19 =	vor.u32 v25, v17  }
0x295: {  	v32 =	vld [tilespmem:s1+$0xFFFFFF80];
	v22 =	vadd.s32 $0x100, v26;
	v17 =	vadd.s32 v2, v19  }
0x296: {  	v24 =	vadd.s32 $0x180, v26;
	v16 =	vld.idx.msk [tilespmem:v26+s3+$0x0], $0xffff;
	v62 =	vor.u32 $0x7, v17  }
0x297: {  	v28 =	vld.idx.msk [tilespmem:v20+s3+$0x0], $0xffff  }
0x298: {  	v29 =	vld.idx.msk [tilespmem:v21+s3+$0x0], $0xffff  }
0x299: {  	v26 =	vadd.s32 $0x200, v26;
	v23 =	vld.idx.msk [tilespmem:v23+s3+$0x0], $0xffff;
	v63 =	vmul.f32 v30, v31  }
0x29a: {  	v25 =	vld.idx.msk [tilespmem:v22+s3+$0x0], $0xffff;
	v21 =	vadd.s32 v3, v19;
	v22 =	vor.u32 $0x4, v17;
	v19 =	vor.u32 $0x5, v17  }
0x29b: {  	s0 =	simm.s32 $0x0;
	v24 =	vld.idx.msk [tilespmem:v24+s3+$0x0], $0xffff;
	v20 =	vor.u32 $0x6, v17;
	v31 =	vor.u32 $0x1, v17;
	v30 =	vor.u32 $0x2, v17;
	[tilespmem:v62+s22+$0x0] =	vst.idx.msk $0xffff, v63  }
.LBB2_22:
0x29c: {  	v35 =	vadd.s32 $0x40, v26;
	v36 =	vadd.s32 $0x80, v26;
	v37 =	vadd.s32 $0x1C0, v26;
	s0 =	sadd.s32 $0x8, s0;
	v38 =	vld [tilespmem:s1+$0x0]  }
0x29d: {  	v39 =	vadd.s32 $0xC0, v26;
	v40 =	vadd.s32 $0x100, v26;
	v41 =	vadd.s32 $0x140, v26;
	p0 =	slt.u32 s0, $0x78;
	v42 =	vld [tilespmem:s1+$0x80]  }
0x29e: {  	v43 =	vadd.s32 $0x180, v26;
	v27 =	vmul.f32 v27, v33;
	v33 =	vld [tilespmem:s1+$0x100]  }
0x29f: {  	v18 =	vadd.s32 $0x8, v18;
	v44 =	vld [tilespmem:s1+$0xFFFFFE00];
	v28 =	vmul.f32 v28, v34  }
0x2a0: {  	v45 =	vshll.u32 v18, $0x3;
	v34 =	vld.idx.msk [tilespmem:v26+s3+$0x0], $0xffff;
	[tilespmem:v31+s22+$0x0] =	vst.idx.msk $0xffff, v27;
	v27 =	vmul.f32 v29, v32  }
0x2a1: {  	s1 =	sadd.s32 $0x400, s1;
	v29 =	vand.u32 $0x78, v18;
	v31 =	vand.u32 $0xFFFFFC00, v45;
	v32 =	vld.idx.msk [tilespmem:v37+s3+$0x0], $0xffff;
	[tilespmem:v30+s22+$0x0] =	vst.idx.msk $0xffff, v28;
	v25 =	vmul.f32 v25, v38  }
0x2a2: {  	v28 =	vor.u32 v29, v31;
	v37 =	vld [tilespmem:s1+$0x180];
	[tilespmem:v21+s22+$0x0] =	vst.idx.msk $0xffff, v27;
	v23 =	vmul.f32 v23, v42  }
0x2a3: {  	v38 =	vadd.s32 v2, v28;
	v21 =	vadd.s32 v3, v28;
	v27 =	vld.idx.msk [tilespmem:v35+s3+$0x0], $0xffff;
	v24 =	vmul.f32 v24, v33  }
0x2a4: {  	v31 =	vor.u32 $0x1, v38;
	v35 =	vor.u32 $0x7, v38;
	v28 =	vld.idx.msk [tilespmem:v36+s3+$0x0], $0xffff;
	v33 =	vmul.f32 v16, v44;
	[tilespmem:v22+s22+$0x0] =	vst.idx.msk $0xffff, v25  }
0x2a5: {  	v30 =	vor.u32 $0x2, v38;
	v22 =	vor.u32 $0x4, v38;
	v29 =	vld.idx.msk [tilespmem:v39+s3+$0x0], $0xffff;
	[tilespmem:v19+s22+$0x0] =	vst.idx.msk $0xffff, v23;
	v19 =	vor.u32 $0x5, v38  }
0x2a6: {  	v16 =	vmov v34;
	v25 =	vld.idx.msk [tilespmem:v40+s3+$0x0], $0xffff;
	[tilespmem:v20+s22+$0x0] =	vst.idx.msk $0xffff, v24;
	v20 =	vor.u32 $0x6, v38  }
.Ltmp10:
0x2a7: {  	v23 =	vld.idx.msk [tilespmem:v41+s3+$0x0], $0xffff;
	v32 =	vmul.f32 v32, v37;
	[tilespmem:v17+s22+$0x0] =	vst.idx.msk $0xffff, v33;
	v17 =	vmov v38;
	(pc) =	sbr.rel @p0 .LBB2_22-.Ltmp10, $4  }
0x2a8: {  	v24 =	vld.idx.msk [tilespmem:v43+s3+$0x0], $0xffff  }
0x2a9: {  	v33 =	vld [tilespmem:s1+$0xFFFFFE80];
	[tilespmem:v35+s22+$0x0] =	vst.idx.msk $0xffff, v32  }
0x2aa: {  	v34 =	vld [tilespmem:s1+$0xFFFFFF00]  }
0x2ab: {  	v26 =	vadd.s32 $0x200, v26;
	v32 =	vld [tilespmem:s1+$0xFFFFFF80]  }
0x2ac: {  	v18 =	vld [tilespmem:s1+$0x0]  }
0x2ad: {  	v35 =	vld [tilespmem:s1+$0xFFFFFE00]  }
0x2ae: {  	v26 =	vld [tilespmem:s1+$0x80];
	v27 =	vmul.f32 v27, v33  }
0x2af: {  	v61 =	vld [tilespmem:s1+$0x100];
	v28 =	vmul.f32 v28, v34  }
0x2b0: {  	[tilespmem:v31+s22+$0x0] =	vst.idx.msk $0xffff, v27;
	v27 =	vmul.f32 v29, v32  }
0x2b1: {  	[tilespmem:v30+s22+$0x0] =	vst.idx.msk $0xffff, v28;
	v18 =	vmul.f32 v25, v18  }
0x2b2: {  	v16 =	vmul.f32 v16, v35;
	[tilespmem:v21+s22+$0x0] =	vst.idx.msk $0xffff, v27  }
0x2b3: {  	v21 =	vmul.f32 v23, v26;
	[tilespmem:v22+s22+$0x0] =	vst.idx.msk $0xffff, v18  }
0x2b4: {  	v23 =	vmul.f32 v24, v61;
	[tilespmem:v17+s22+$0x0] =	vst.idx.msk $0xffff, v16  }
0x2b5: {  	[tilespmem:v19+s22+$0x0] =	vst.idx.msk $0xffff, v21  }
0x2b6: {  	[tilespmem:v20+s22+$0x0] =	vst.idx.msk $0xffff, v23  }
0x2b7: {  	v16 =	vld [tilespmem:$0x20A0];
	_ =	sdelay $0x4  }
0x2b8: {  	vm0 =	vgt.s32 v16, $0x0  }
0x2b9: {  	v16 =	vnsel vm0, $0x0, v16  }
0x2ba: {  	v26 =	vmin.u32 v16, $0x3F  }
0x2bb: {  	v17 =	vadd.s32 $0x1C0, v26;
	_ =	sdelay $0x1  }
0x2bc: {  	s1 =	simm.s32 $0x2420;
	v19 =	vadd.s32 $0x40, v26  }
0x2bd: {  	v31 =	vld [tilespmem:s1+$0x180]  }
0x2be: {  	v18 =	vimm.s32 $0x0;
	v33 =	vld [tilespmem:s1+$0xFFFFFE80]  }
0x2bf: {  	v20 =	vadd.s32 $0x80, v26;
	v30 =	vld.idx.msk [tilespmem:v17+s3+$0x0], $0xffff;
	v17 =	vshll.u32 v18, $0x3  }
0x2c0: {  	v25 =	vand.u32 $0x78, v18;
	v34 =	vld [tilespmem:s1+$0xFFFFFF00];
	v21 =	vadd.s32 $0xC0, v26;
	v17 =	vand.u32 $0xFFFFFC00, v17  }
0x2c1: {  	v23 =	vadd.s32 $0x140, v26;
	v27 =	vld.idx.msk [tilespmem:v19+s3+$0x0], $0xffff;
	v19 =	vor.u32 v25, v17  }
0x2c2: {  	v32 =	vld [tilespmem:s1+$0xFFFFFF80];
	v22 =	vadd.s32 $0x100, v26;
	v17 =	vadd.s32 v4, v19  }
0x2c3: {  	v24 =	vadd.s32 $0x180, v26;
	v16 =	vld.idx.msk [tilespmem:v26+s3+$0x0], $0xffff;
	v62 =	vor.u32 $0x7, v17  }
0x2c4: {  	v28 =	vld.idx.msk [tilespmem:v20+s3+$0x0], $0xffff  }
0x2c5: {  	v29 =	vld.idx.msk [tilespmem:v21+s3+$0x0], $0xffff  }
0x2c6: {  	v26 =	vadd.s32 $0x200, v26;
	v23 =	vld.idx.msk [tilespmem:v23+s3+$0x0], $0xffff;
	v63 =	vmul.f32 v30, v31  }
0x2c7: {  	v25 =	vld.idx.msk [tilespmem:v22+s3+$0x0], $0xffff;
	v21 =	vadd.s32 v5, v19;
	v22 =	vor.u32 $0x4, v17;
	v19 =	vor.u32 $0x5, v17  }
0x2c8: {  	s0 =	simm.s32 $0x0;
	v24 =	vld.idx.msk [tilespmem:v24+s3+$0x0], $0xffff;
	v20 =	vor.u32 $0x6, v17;
	v31 =	vor.u32 $0x1, v17;
	v30 =	vor.u32 $0x2, v17;
	[tilespmem:v62+s22+$0x0] =	vst.idx.msk $0xffff, v63  }
.LBB2_24:
0x2c9: {  	v35 =	vadd.s32 $0x40, v26;
	v36 =	vadd.s32 $0x80, v26;
	v37 =	vadd.s32 $0x1C0, v26;
	s0 =	sadd.s32 $0x8, s0;
	v38 =	vld [tilespmem:s1+$0x0]  }
0x2ca: {  	v39 =	vadd.s32 $0xC0, v26;
	v40 =	vadd.s32 $0x100, v26;
	v41 =	vadd.s32 $0x140, v26;
	p0 =	slt.u32 s0, $0x78;
	v42 =	vld [tilespmem:s1+$0x80]  }
0x2cb: {  	v43 =	vadd.s32 $0x180, v26;
	v27 =	vmul.f32 v27, v33;
	v33 =	vld [tilespmem:s1+$0x100]  }
0x2cc: {  	v18 =	vadd.s32 $0x8, v18;
	v44 =	vld [tilespmem:s1+$0xFFFFFE00];
	v28 =	vmul.f32 v28, v34  }
0x2cd: {  	v45 =	vshll.u32 v18, $0x3;
	v34 =	vld.idx.msk [tilespmem:v26+s3+$0x0], $0xffff;
	[tilespmem:v31+s22+$0x0] =	vst.idx.msk $0xffff, v27;
	v27 =	vmul.f32 v29, v32  }
0x2ce: {  	s1 =	sadd.s32 $0x400, s1;
	v29 =	vand.u32 $0x78, v18;
	v31 =	vand.u32 $0xFFFFFC00, v45;
	v32 =	vld.idx.msk [tilespmem:v37+s3+$0x0], $0xffff;
	[tilespmem:v30+s22+$0x0] =	vst.idx.msk $0xffff, v28;
	v25 =	vmul.f32 v25, v38  }
0x2cf: {  	v28 =	vor.u32 v29, v31;
	v37 =	vld [tilespmem:s1+$0x180];
	[tilespmem:v21+s22+$0x0] =	vst.idx.msk $0xffff, v27;
	v23 =	vmul.f32 v23, v42  }
0x2d0: {  	v38 =	vadd.s32 v4, v28;
	v21 =	vadd.s32 v5, v28;
	v27 =	vld.idx.msk [tilespmem:v35+s3+$0x0], $0xffff;
	v24 =	vmul.f32 v24, v33  }
0x2d1: {  	v31 =	vor.u32 $0x1, v38;
	v35 =	vor.u32 $0x7, v38;
	v28 =	vld.idx.msk [tilespmem:v36+s3+$0x0], $0xffff;
	v33 =	vmul.f32 v16, v44;
	[tilespmem:v22+s22+$0x0] =	vst.idx.msk $0xffff, v25  }
0x2d2: {  	v30 =	vor.u32 $0x2, v38;
	v22 =	vor.u32 $0x4, v38;
	v29 =	vld.idx.msk [tilespmem:v39+s3+$0x0], $0xffff;
	[tilespmem:v19+s22+$0x0] =	vst.idx.msk $0xffff, v23;
	v19 =	vor.u32 $0x5, v38  }
0x2d3: {  	v16 =	vmov v34;
	v25 =	vld.idx.msk [tilespmem:v40+s3+$0x0], $0xffff;
	[tilespmem:v20+s22+$0x0] =	vst.idx.msk $0xffff, v24;
	v20 =	vor.u32 $0x6, v38  }
.Ltmp11:
0x2d4: {  	v23 =	vld.idx.msk [tilespmem:v41+s3+$0x0], $0xffff;
	v32 =	vmul.f32 v32, v37;
	[tilespmem:v17+s22+$0x0] =	vst.idx.msk $0xffff, v33;
	v17 =	vmov v38;
	(pc) =	sbr.rel @p0 .LBB2_24-.Ltmp11, $4  }
0x2d5: {  	v24 =	vld.idx.msk [tilespmem:v43+s3+$0x0], $0xffff  }
0x2d6: {  	v33 =	vld [tilespmem:s1+$0xFFFFFE80];
	[tilespmem:v35+s22+$0x0] =	vst.idx.msk $0xffff, v32  }
0x2d7: {  	v34 =	vld [tilespmem:s1+$0xFFFFFF00]  }
0x2d8: {  	v26 =	vadd.s32 $0x200, v26;
	v32 =	vld [tilespmem:s1+$0xFFFFFF80]  }
0x2d9: {  	v18 =	vld [tilespmem:s1+$0x0]  }
0x2da: {  	v35 =	vld [tilespmem:s1+$0xFFFFFE00]  }
0x2db: {  	v26 =	vld [tilespmem:s1+$0x80];
	v27 =	vmul.f32 v27, v33  }
0x2dc: {  	v61 =	vld [tilespmem:s1+$0x100];
	v28 =	vmul.f32 v28, v34  }
0x2dd: {  	[tilespmem:v31+s22+$0x0] =	vst.idx.msk $0xffff, v27;
	v27 =	vmul.f32 v29, v32  }
0x2de: {  	[tilespmem:v30+s22+$0x0] =	vst.idx.msk $0xffff, v28;
	v18 =	vmul.f32 v25, v18  }
0x2df: {  	v16 =	vmul.f32 v16, v35;
	[tilespmem:v21+s22+$0x0] =	vst.idx.msk $0xffff, v27  }
0x2e0: {  	v21 =	vmul.f32 v23, v26;
	[tilespmem:v22+s22+$0x0] =	vst.idx.msk $0xffff, v18  }
0x2e1: {  	v23 =	vmul.f32 v24, v61;
	[tilespmem:v17+s22+$0x0] =	vst.idx.msk $0xffff, v16  }
0x2e2: {  	[tilespmem:v19+s22+$0x0] =	vst.idx.msk $0xffff, v21  }
0x2e3: {  	[tilespmem:v20+s22+$0x0] =	vst.idx.msk $0xffff, v23  }
0x2e4: {  	v16 =	vld [tilespmem:$0x20B0];
	_ =	sdelay $0x4  }
0x2e5: {  	vm0 =	vgt.s32 v16, $0x0  }
0x2e6: {  	v16 =	vnsel vm0, $0x0, v16  }
0x2e7: {  	v26 =	vmin.u32 v16, $0x3F  }
0x2e8: {  	v17 =	vadd.s32 $0x1C0, v26;
	_ =	sdelay $0x1  }
0x2e9: {  	s1 =	simm.s32 $0x2430;
	v19 =	vadd.s32 $0x40, v26  }
0x2ea: {  	v31 =	vld [tilespmem:s1+$0x180]  }
0x2eb: {  	v18 =	vimm.s32 $0x0;
	v33 =	vld [tilespmem:s1+$0xFFFFFE80]  }
0x2ec: {  	v20 =	vadd.s32 $0x80, v26;
	v30 =	vld.idx.msk [tilespmem:v17+s3+$0x0], $0xffff;
	v17 =	vshll.u32 v18, $0x3  }
0x2ed: {  	v25 =	vand.u32 $0x78, v18;
	v34 =	vld [tilespmem:s1+$0xFFFFFF00];
	v21 =	vadd.s32 $0xC0, v26;
	v17 =	vand.u32 $0xFFFFFC00, v17  }
0x2ee: {  	v23 =	vadd.s32 $0x140, v26;
	v27 =	vld.idx.msk [tilespmem:v19+s3+$0x0], $0xffff;
	v19 =	vor.u32 v25, v17  }
0x2ef: {  	v32 =	vld [tilespmem:s1+$0xFFFFFF80];
	v22 =	vadd.s32 $0x100, v26;
	v17 =	vadd.s32 v6, v19  }
0x2f0: {  	v24 =	vadd.s32 $0x180, v26;
	v16 =	vld.idx.msk [tilespmem:v26+s3+$0x0], $0xffff;
	v62 =	vor.u32 $0x7, v17  }
0x2f1: {  	v28 =	vld.idx.msk [tilespmem:v20+s3+$0x0], $0xffff  }
0x2f2: {  	v29 =	vld.idx.msk [tilespmem:v21+s3+$0x0], $0xffff  }
0x2f3: {  	v26 =	vadd.s32 $0x200, v26;
	v23 =	vld.idx.msk [tilespmem:v23+s3+$0x0], $0xffff;
	v63 =	vmul.f32 v30, v31  }
0x2f4: {  	v25 =	vld.idx.msk [tilespmem:v22+s3+$0x0], $0xffff;
	v21 =	vadd.s32 v7, v19;
	v22 =	vor.u32 $0x4, v17;
	v19 =	vor.u32 $0x5, v17  }
0x2f5: {  	s0 =	simm.s32 $0x0;
	v24 =	vld.idx.msk [tilespmem:v24+s3+$0x0], $0xffff;
	v20 =	vor.u32 $0x6, v17;
	v31 =	vor.u32 $0x1, v17;
	v30 =	vor.u32 $0x2, v17;
	[tilespmem:v62+s22+$0x0] =	vst.idx.msk $0xffff, v63  }
.LBB2_26:
0x2f6: {  	v35 =	vadd.s32 $0x40, v26;
	v36 =	vadd.s32 $0x80, v26;
	v37 =	vadd.s32 $0x1C0, v26;
	s0 =	sadd.s32 $0x8, s0;
	v38 =	vld [tilespmem:s1+$0x0]  }
0x2f7: {  	v39 =	vadd.s32 $0xC0, v26;
	v40 =	vadd.s32 $0x100, v26;
	v41 =	vadd.s32 $0x140, v26;
	p0 =	slt.u32 s0, $0x78;
	v42 =	vld [tilespmem:s1+$0x80]  }
0x2f8: {  	v43 =	vadd.s32 $0x180, v26;
	v27 =	vmul.f32 v27, v33;
	v33 =	vld [tilespmem:s1+$0x100]  }
0x2f9: {  	v18 =	vadd.s32 $0x8, v18;
	v44 =	vld [tilespmem:s1+$0xFFFFFE00];
	v28 =	vmul.f32 v28, v34  }
0x2fa: {  	v45 =	vshll.u32 v18, $0x3;
	v34 =	vld.idx.msk [tilespmem:v26+s3+$0x0], $0xffff;
	[tilespmem:v31+s22+$0x0] =	vst.idx.msk $0xffff, v27;
	v27 =	vmul.f32 v29, v32  }
0x2fb: {  	s1 =	sadd.s32 $0x400, s1;
	v29 =	vand.u32 $0x78, v18;
	v31 =	vand.u32 $0xFFFFFC00, v45;
	v32 =	vld.idx.msk [tilespmem:v37+s3+$0x0], $0xffff;
	[tilespmem:v30+s22+$0x0] =	vst.idx.msk $0xffff, v28;
	v25 =	vmul.f32 v25, v38  }
0x2fc: {  	v28 =	vor.u32 v29, v31;
	v37 =	vld [tilespmem:s1+$0x180];
	[tilespmem:v21+s22+$0x0] =	vst.idx.msk $0xffff, v27;
	v23 =	vmul.f32 v23, v42  }
0x2fd: {  	v38 =	vadd.s32 v6, v28;
	v21 =	vadd.s32 v7, v28;
	v27 =	vld.idx.msk [tilespmem:v35+s3+$0x0], $0xffff;
	v24 =	vmul.f32 v24, v33  }
0x2fe: {  	v31 =	vor.u32 $0x1, v38;
	v35 =	vor.u32 $0x7, v38;
	v28 =	vld.idx.msk [tilespmem:v36+s3+$0x0], $0xffff;
	v33 =	vmul.f32 v16, v44;
	[tilespmem:v22+s22+$0x0] =	vst.idx.msk $0xffff, v25  }
0x2ff: {  	v30 =	vor.u32 $0x2, v38;
	v22 =	vor.u32 $0x4, v38;
	v29 =	vld.idx.msk [tilespmem:v39+s3+$0x0], $0xffff;
	[tilespmem:v19+s22+$0x0] =	vst.idx.msk $0xffff, v23;
	v19 =	vor.u32 $0x5, v38  }
0x300: {  	v16 =	vmov v34;
	v25 =	vld.idx.msk [tilespmem:v40+s3+$0x0], $0xffff;
	[tilespmem:v20+s22+$0x0] =	vst.idx.msk $0xffff, v24;
	v20 =	vor.u32 $0x6, v38  }
.Ltmp12:
0x301: {  	v23 =	vld.idx.msk [tilespmem:v41+s3+$0x0], $0xffff;
	v32 =	vmul.f32 v32, v37;
	[tilespmem:v17+s22+$0x0] =	vst.idx.msk $0xffff, v33;
	v17 =	vmov v38;
	(pc) =	sbr.rel @p0 .LBB2_26-.Ltmp12, $4  }
0x302: {  	v24 =	vld.idx.msk [tilespmem:v43+s3+$0x0], $0xffff  }
0x303: {  	v33 =	vld [tilespmem:s1+$0xFFFFFE80];
	[tilespmem:v35+s22+$0x0] =	vst.idx.msk $0xffff, v32  }
0x304: {  	v34 =	vld [tilespmem:s1+$0xFFFFFF00]  }
0x305: {  	v26 =	vadd.s32 $0x200, v26;
	v32 =	vld [tilespmem:s1+$0xFFFFFF80]  }
0x306: {  	v18 =	vld [tilespmem:s1+$0x0]  }
0x307: {  	v35 =	vld [tilespmem:s1+$0xFFFFFE00]  }
0x308: {  	v26 =	vld [tilespmem:s1+$0x80];
	v27 =	vmul.f32 v27, v33  }
0x309: {  	v61 =	vld [tilespmem:s1+$0x100];
	v28 =	vmul.f32 v28, v34  }
0x30a: {  	[tilespmem:v31+s22+$0x0] =	vst.idx.msk $0xffff, v27;
	v27 =	vmul.f32 v29, v32  }
0x30b: {  	[tilespmem:v30+s22+$0x0] =	vst.idx.msk $0xffff, v28;
	v18 =	vmul.f32 v25, v18  }
0x30c: {  	v16 =	vmul.f32 v16, v35;
	[tilespmem:v21+s22+$0x0] =	vst.idx.msk $0xffff, v27  }
0x30d: {  	v21 =	vmul.f32 v23, v26;
	[tilespmem:v22+s22+$0x0] =	vst.idx.msk $0xffff, v18  }
0x30e: {  	v23 =	vmul.f32 v24, v61;
	[tilespmem:v17+s22+$0x0] =	vst.idx.msk $0xffff, v16  }
0x30f: {  	[tilespmem:v19+s22+$0x0] =	vst.idx.msk $0xffff, v21  }
0x310: {  	[tilespmem:v20+s22+$0x0] =	vst.idx.msk $0xffff, v23  }
0x311: {  	v16 =	vld [tilespmem:$0x20C0];
	_ =	sdelay $0x4  }
0x312: {  	vm0 =	vgt.s32 v16, $0x0  }
0x313: {  	v16 =	vnsel vm0, $0x0, v16  }
0x314: {  	v26 =	vmin.u32 v16, $0x3F  }
0x315: {  	v17 =	vadd.s32 $0x1C0, v26;
	_ =	sdelay $0x1  }
0x316: {  	s1 =	simm.s32 $0x2440;
	v19 =	vadd.s32 $0x40, v26  }
0x317: {  	v31 =	vld [tilespmem:s1+$0x180]  }
0x318: {  	v18 =	vimm.s32 $0x0;
	v33 =	vld [tilespmem:s1+$0xFFFFFE80]  }
0x319: {  	v20 =	vadd.s32 $0x80, v26;
	v30 =	vld.idx.msk [tilespmem:v17+s3+$0x0], $0xffff;
	v17 =	vshll.u32 v18, $0x3  }
0x31a: {  	v25 =	vand.u32 $0x78, v18;
	v34 =	vld [tilespmem:s1+$0xFFFFFF00];
	v21 =	vadd.s32 $0xC0, v26;
	v17 =	vand.u32 $0xFFFFFC00, v17  }
0x31b: {  	v23 =	vadd.s32 $0x140, v26;
	v27 =	vld.idx.msk [tilespmem:v19+s3+$0x0], $0xffff;
	v19 =	vor.u32 v25, v17  }
0x31c: {  	v32 =	vld [tilespmem:s1+$0xFFFFFF80];
	v22 =	vadd.s32 $0x100, v26;
	v17 =	vadd.s32 v8, v19  }
0x31d: {  	v24 =	vadd.s32 $0x180, v26;
	v16 =	vld.idx.msk [tilespmem:v26+s3+$0x0], $0xffff;
	v62 =	vor.u32 $0x7, v17  }
0x31e: {  	v28 =	vld.idx.msk [tilespmem:v20+s3+$0x0], $0xffff  }
0x31f: {  	v29 =	vld.idx.msk [tilespmem:v21+s3+$0x0], $0xffff  }
0x320: {  	v26 =	vadd.s32 $0x200, v26;
	v23 =	vld.idx.msk [tilespmem:v23+s3+$0x0], $0xffff;
	v63 =	vmul.f32 v30, v31  }
0x321: {  	v25 =	vld.idx.msk [tilespmem:v22+s3+$0x0], $0xffff;
	v21 =	vadd.s32 v9, v19;
	v22 =	vor.u32 $0x4, v17;
	v19 =	vor.u32 $0x5, v17  }
0x322: {  	s0 =	simm.s32 $0x0;
	v24 =	vld.idx.msk [tilespmem:v24+s3+$0x0], $0xffff;
	v20 =	vor.u32 $0x6, v17;
	v31 =	vor.u32 $0x1, v17;
	v30 =	vor.u32 $0x2, v17;
	[tilespmem:v62+s22+$0x0] =	vst.idx.msk $0xffff, v63  }
.LBB2_28:
0x323: {  	v35 =	vadd.s32 $0x40, v26;
	v36 =	vadd.s32 $0x80, v26;
	v37 =	vadd.s32 $0x1C0, v26;
	s0 =	sadd.s32 $0x8, s0;
	v38 =	vld [tilespmem:s1+$0x0]  }
0x324: {  	v39 =	vadd.s32 $0xC0, v26;
	v40 =	vadd.s32 $0x100, v26;
	v41 =	vadd.s32 $0x140, v26;
	p0 =	slt.u32 s0, $0x78;
	v42 =	vld [tilespmem:s1+$0x80]  }
0x325: {  	v43 =	vadd.s32 $0x180, v26;
	v27 =	vmul.f32 v27, v33;
	v33 =	vld [tilespmem:s1+$0x100]  }
0x326: {  	v18 =	vadd.s32 $0x8, v18;
	v44 =	vld [tilespmem:s1+$0xFFFFFE00];
	v28 =	vmul.f32 v28, v34  }
0x327: {  	v45 =	vshll.u32 v18, $0x3;
	v34 =	vld.idx.msk [tilespmem:v26+s3+$0x0], $0xffff;
	[tilespmem:v31+s22+$0x0] =	vst.idx.msk $0xffff, v27;
	v27 =	vmul.f32 v29, v32  }
0x328: {  	s1 =	sadd.s32 $0x400, s1;
	v29 =	vand.u32 $0x78, v18;
	v31 =	vand.u32 $0xFFFFFC00, v45;
	v32 =	vld.idx.msk [tilespmem:v37+s3+$0x0], $0xffff;
	[tilespmem:v30+s22+$0x0] =	vst.idx.msk $0xffff, v28;
	v25 =	vmul.f32 v25, v38  }
0x329: {  	v28 =	vor.u32 v29, v31;
	v37 =	vld [tilespmem:s1+$0x180];
	[tilespmem:v21+s22+$0x0] =	vst.idx.msk $0xffff, v27;
	v23 =	vmul.f32 v23, v42  }
0x32a: {  	v38 =	vadd.s32 v8, v28;
	v21 =	vadd.s32 v9, v28;
	v27 =	vld.idx.msk [tilespmem:v35+s3+$0x0], $0xffff;
	v24 =	vmul.f32 v24, v33  }
0x32b: {  	v31 =	vor.u32 $0x1, v38;
	v35 =	vor.u32 $0x7, v38;
	v28 =	vld.idx.msk [tilespmem:v36+s3+$0x0], $0xffff;
	v33 =	vmul.f32 v16, v44;
	[tilespmem:v22+s22+$0x0] =	vst.idx.msk $0xffff, v25  }
0x32c: {  	v30 =	vor.u32 $0x2, v38;
	v22 =	vor.u32 $0x4, v38;
	v29 =	vld.idx.msk [tilespmem:v39+s3+$0x0], $0xffff;
	[tilespmem:v19+s22+$0x0] =	vst.idx.msk $0xffff, v23;
	v19 =	vor.u32 $0x5, v38  }
0x32d: {  	v16 =	vmov v34;
	v25 =	vld.idx.msk [tilespmem:v40+s3+$0x0], $0xffff;
	[tilespmem:v20+s22+$0x0] =	vst.idx.msk $0xffff, v24;
	v20 =	vor.u32 $0x6, v38  }
.Ltmp13:
0x32e: {  	v23 =	vld.idx.msk [tilespmem:v41+s3+$0x0], $0xffff;
	v32 =	vmul.f32 v32, v37;
	[tilespmem:v17+s22+$0x0] =	vst.idx.msk $0xffff, v33;
	v17 =	vmov v38;
	(pc) =	sbr.rel @p0 .LBB2_28-.Ltmp13, $4  }
0x32f: {  	v24 =	vld.idx.msk [tilespmem:v43+s3+$0x0], $0xffff  }
0x330: {  	v33 =	vld [tilespmem:s1+$0xFFFFFE80];
	[tilespmem:v35+s22+$0x0] =	vst.idx.msk $0xffff, v32  }
0x331: {  	v34 =	vld [tilespmem:s1+$0xFFFFFF00]  }
0x332: {  	v26 =	vadd.s32 $0x200, v26;
	v32 =	vld [tilespmem:s1+$0xFFFFFF80]  }
0x333: {  	v18 =	vld [tilespmem:s1+$0x0]  }
0x334: {  	v35 =	vld [tilespmem:s1+$0xFFFFFE00]  }
0x335: {  	v26 =	vld [tilespmem:s1+$0x80];
	v27 =	vmul.f32 v27, v33  }
0x336: {  	v61 =	vld [tilespmem:s1+$0x100];
	v28 =	vmul.f32 v28, v34  }
0x337: {  	[tilespmem:v31+s22+$0x0] =	vst.idx.msk $0xffff, v27;
	v27 =	vmul.f32 v29, v32  }
0x338: {  	[tilespmem:v30+s22+$0x0] =	vst.idx.msk $0xffff, v28;
	v18 =	vmul.f32 v25, v18  }
0x339: {  	v16 =	vmul.f32 v16, v35;
	[tilespmem:v21+s22+$0x0] =	vst.idx.msk $0xffff, v27  }
0x33a: {  	v21 =	vmul.f32 v23, v26;
	[tilespmem:v22+s22+$0x0] =	vst.idx.msk $0xffff, v18  }
0x33b: {  	v23 =	vmul.f32 v24, v61;
	[tilespmem:v17+s22+$0x0] =	vst.idx.msk $0xffff, v16  }
0x33c: {  	[tilespmem:v19+s22+$0x0] =	vst.idx.msk $0xffff, v21  }
0x33d: {  	[tilespmem:v20+s22+$0x0] =	vst.idx.msk $0xffff, v23  }
0x33e: {  	v16 =	vld [tilespmem:$0x20D0];
	_ =	sdelay $0x4  }
0x33f: {  	vm0 =	vgt.s32 v16, $0x0  }
0x340: {  	v16 =	vnsel vm0, $0x0, v16  }
0x341: {  	v26 =	vmin.u32 v16, $0x3F  }
0x342: {  	v17 =	vadd.s32 $0x1C0, v26;
	_ =	sdelay $0x1  }
0x343: {  	s1 =	simm.s32 $0x2450;
	v19 =	vadd.s32 $0x40, v26  }
0x344: {  	v31 =	vld [tilespmem:s1+$0x180]  }
0x345: {  	v18 =	vimm.s32 $0x0;
	v33 =	vld [tilespmem:s1+$0xFFFFFE80]  }
0x346: {  	v20 =	vadd.s32 $0x80, v26;
	v30 =	vld.idx.msk [tilespmem:v17+s3+$0x0], $0xffff;
	v17 =	vshll.u32 v18, $0x3  }
0x347: {  	v25 =	vand.u32 $0x78, v18;
	v34 =	vld [tilespmem:s1+$0xFFFFFF00];
	v21 =	vadd.s32 $0xC0, v26;
	v17 =	vand.u32 $0xFFFFFC00, v17  }
0x348: {  	v23 =	vadd.s32 $0x140, v26;
	v27 =	vld.idx.msk [tilespmem:v19+s3+$0x0], $0xffff;
	v19 =	vor.u32 v25, v17  }
0x349: {  	v32 =	vld [tilespmem:s1+$0xFFFFFF80];
	v22 =	vadd.s32 $0x100, v26;
	v17 =	vadd.s32 v10, v19  }
0x34a: {  	v24 =	vadd.s32 $0x180, v26;
	v16 =	vld.idx.msk [tilespmem:v26+s3+$0x0], $0xffff;
	v62 =	vor.u32 $0x7, v17  }
0x34b: {  	v28 =	vld.idx.msk [tilespmem:v20+s3+$0x0], $0xffff  }
0x34c: {  	v29 =	vld.idx.msk [tilespmem:v21+s3+$0x0], $0xffff  }
0x34d: {  	v26 =	vadd.s32 $0x200, v26;
	v23 =	vld.idx.msk [tilespmem:v23+s3+$0x0], $0xffff;
	v63 =	vmul.f32 v30, v31  }
0x34e: {  	v25 =	vld.idx.msk [tilespmem:v22+s3+$0x0], $0xffff;
	v21 =	vadd.s32 v11, v19;
	v22 =	vor.u32 $0x4, v17;
	v19 =	vor.u32 $0x5, v17  }
0x34f: {  	s0 =	simm.s32 $0x0;
	v24 =	vld.idx.msk [tilespmem:v24+s3+$0x0], $0xffff;
	v20 =	vor.u32 $0x6, v17;
	v31 =	vor.u32 $0x1, v17;
	v30 =	vor.u32 $0x2, v17;
	[tilespmem:v62+s22+$0x0] =	vst.idx.msk $0xffff, v63  }
.LBB2_30:
0x350: {  	v35 =	vadd.s32 $0x40, v26;
	v36 =	vadd.s32 $0x80, v26;
	v37 =	vadd.s32 $0x1C0, v26;
	s0 =	sadd.s32 $0x8, s0;
	v38 =	vld [tilespmem:s1+$0x0]  }
0x351: {  	v39 =	vadd.s32 $0xC0, v26;
	v40 =	vadd.s32 $0x100, v26;
	v41 =	vadd.s32 $0x140, v26;
	p0 =	slt.u32 s0, $0x78;
	v42 =	vld [tilespmem:s1+$0x80]  }
0x352: {  	v43 =	vadd.s32 $0x180, v26;
	v27 =	vmul.f32 v27, v33;
	v33 =	vld [tilespmem:s1+$0x100]  }
0x353: {  	v18 =	vadd.s32 $0x8, v18;
	v44 =	vld [tilespmem:s1+$0xFFFFFE00];
	v28 =	vmul.f32 v28, v34  }
0x354: {  	v45 =	vshll.u32 v18, $0x3;
	v34 =	vld.idx.msk [tilespmem:v26+s3+$0x0], $0xffff;
	[tilespmem:v31+s22+$0x0] =	vst.idx.msk $0xffff, v27;
	v27 =	vmul.f32 v29, v32  }
0x355: {  	s1 =	sadd.s32 $0x400, s1;
	v29 =	vand.u32 $0x78, v18;
	v31 =	vand.u32 $0xFFFFFC00, v45;
	v32 =	vld.idx.msk [tilespmem:v37+s3+$0x0], $0xffff;
	[tilespmem:v30+s22+$0x0] =	vst.idx.msk $0xffff, v28;
	v25 =	vmul.f32 v25, v38  }
0x356: {  	v28 =	vor.u32 v29, v31;
	v37 =	vld [tilespmem:s1+$0x180];
	[tilespmem:v21+s22+$0x0] =	vst.idx.msk $0xffff, v27;
	v23 =	vmul.f32 v23, v42  }
0x357: {  	v38 =	vadd.s32 v10, v28;
	v21 =	vadd.s32 v11, v28;
	v27 =	vld.idx.msk [tilespmem:v35+s3+$0x0], $0xffff;
	v24 =	vmul.f32 v24, v33  }
0x358: {  	v31 =	vor.u32 $0x1, v38;
	v35 =	vor.u32 $0x7, v38;
	v28 =	vld.idx.msk [tilespmem:v36+s3+$0x0], $0xffff;
	v33 =	vmul.f32 v16, v44;
	[tilespmem:v22+s22+$0x0] =	vst.idx.msk $0xffff, v25  }
0x359: {  	v30 =	vor.u32 $0x2, v38;
	v22 =	vor.u32 $0x4, v38;
	v29 =	vld.idx.msk [tilespmem:v39+s3+$0x0], $0xffff;
	[tilespmem:v19+s22+$0x0] =	vst.idx.msk $0xffff, v23;
	v19 =	vor.u32 $0x5, v38  }
0x35a: {  	v16 =	vmov v34;
	v25 =	vld.idx.msk [tilespmem:v40+s3+$0x0], $0xffff;
	[tilespmem:v20+s22+$0x0] =	vst.idx.msk $0xffff, v24;
	v20 =	vor.u32 $0x6, v38  }
.Ltmp14:
0x35b: {  	v23 =	vld.idx.msk [tilespmem:v41+s3+$0x0], $0xffff;
	v32 =	vmul.f32 v32, v37;
	[tilespmem:v17+s22+$0x0] =	vst.idx.msk $0xffff, v33;
	v17 =	vmov v38;
	(pc) =	sbr.rel @p0 .LBB2_30-.Ltmp14, $4  }
0x35c: {  	v24 =	vld.idx.msk [tilespmem:v43+s3+$0x0], $0xffff  }
0x35d: {  	v33 =	vld [tilespmem:s1+$0xFFFFFE80];
	[tilespmem:v35+s22+$0x0] =	vst.idx.msk $0xffff, v32  }
0x35e: {  	v34 =	vld [tilespmem:s1+$0xFFFFFF00]  }
0x35f: {  	v26 =	vadd.s32 $0x200, v26;
	v32 =	vld [tilespmem:s1+$0xFFFFFF80]  }
0x360: {  	v18 =	vld [tilespmem:s1+$0x0]  }
0x361: {  	v35 =	vld [tilespmem:s1+$0xFFFFFE00]  }
0x362: {  	v26 =	vld [tilespmem:s1+$0x80];
	v27 =	vmul.f32 v27, v33  }
0x363: {  	v61 =	vld [tilespmem:s1+$0x100];
	v28 =	vmul.f32 v28, v34  }
0x364: {  	[tilespmem:v31+s22+$0x0] =	vst.idx.msk $0xffff, v27;
	v27 =	vmul.f32 v29, v32  }
0x365: {  	[tilespmem:v30+s22+$0x0] =	vst.idx.msk $0xffff, v28;
	v18 =	vmul.f32 v25, v18  }
0x366: {  	v16 =	vmul.f32 v16, v35;
	[tilespmem:v21+s22+$0x0] =	vst.idx.msk $0xffff, v27  }
0x367: {  	v21 =	vmul.f32 v23, v26;
	[tilespmem:v22+s22+$0x0] =	vst.idx.msk $0xffff, v18  }
0x368: {  	v23 =	vmul.f32 v24, v61;
	[tilespmem:v17+s22+$0x0] =	vst.idx.msk $0xffff, v16  }
0x369: {  	[tilespmem:v19+s22+$0x0] =	vst.idx.msk $0xffff, v21  }
0x36a: {  	[tilespmem:v20+s22+$0x0] =	vst.idx.msk $0xffff, v23  }
0x36b: {  	v16 =	vld [tilespmem:$0x20E0];
	_ =	sdelay $0x4  }
0x36c: {  	vm0 =	vgt.s32 v16, $0x0  }
0x36d: {  	v16 =	vnsel vm0, $0x0, v16  }
0x36e: {  	v26 =	vmin.u32 v16, $0x3F  }
0x36f: {  	v17 =	vadd.s32 $0x1C0, v26;
	_ =	sdelay $0x1  }
0x370: {  	s1 =	simm.s32 $0x2460;
	v19 =	vadd.s32 $0x40, v26  }
0x371: {  	v31 =	vld [tilespmem:s1+$0x180]  }
0x372: {  	v18 =	vimm.s32 $0x0;
	v33 =	vld [tilespmem:s1+$0xFFFFFE80]  }
0x373: {  	v20 =	vadd.s32 $0x80, v26;
	v30 =	vld.idx.msk [tilespmem:v17+s3+$0x0], $0xffff;
	v17 =	vshll.u32 v18, $0x3  }
0x374: {  	v25 =	vand.u32 $0x78, v18;
	v34 =	vld [tilespmem:s1+$0xFFFFFF00];
	v21 =	vadd.s32 $0xC0, v26;
	v17 =	vand.u32 $0xFFFFFC00, v17  }
0x375: {  	v23 =	vadd.s32 $0x140, v26;
	v27 =	vld.idx.msk [tilespmem:v19+s3+$0x0], $0xffff;
	v19 =	vor.u32 v25, v17  }
0x376: {  	v32 =	vld [tilespmem:s1+$0xFFFFFF80];
	v22 =	vadd.s32 $0x100, v26;
	v17 =	vadd.s32 v12, v19  }
0x377: {  	v24 =	vadd.s32 $0x180, v26;
	v16 =	vld.idx.msk [tilespmem:v26+s3+$0x0], $0xffff;
	v62 =	vor.u32 $0x7, v17  }
0x378: {  	v28 =	vld.idx.msk [tilespmem:v20+s3+$0x0], $0xffff  }
0x379: {  	v29 =	vld.idx.msk [tilespmem:v21+s3+$0x0], $0xffff  }
0x37a: {  	v26 =	vadd.s32 $0x200, v26;
	v23 =	vld.idx.msk [tilespmem:v23+s3+$0x0], $0xffff;
	v63 =	vmul.f32 v30, v31  }
0x37b: {  	v25 =	vld.idx.msk [tilespmem:v22+s3+$0x0], $0xffff;
	v21 =	vadd.s32 v13, v19;
	v22 =	vor.u32 $0x4, v17;
	v19 =	vor.u32 $0x5, v17  }
0x37c: {  	s0 =	simm.s32 $0x0;
	v24 =	vld.idx.msk [tilespmem:v24+s3+$0x0], $0xffff;
	v20 =	vor.u32 $0x6, v17;
	v31 =	vor.u32 $0x1, v17;
	v30 =	vor.u32 $0x2, v17;
	[tilespmem:v62+s22+$0x0] =	vst.idx.msk $0xffff, v63  }
.LBB2_32:
0x37d: {  	v35 =	vadd.s32 $0x40, v26;
	v36 =	vadd.s32 $0x80, v26;
	v37 =	vadd.s32 $0x1C0, v26;
	s0 =	sadd.s32 $0x8, s0;
	v38 =	vld [tilespmem:s1+$0x0]  }
0x37e: {  	v39 =	vadd.s32 $0xC0, v26;
	v40 =	vadd.s32 $0x100, v26;
	v41 =	vadd.s32 $0x140, v26;
	p0 =	slt.u32 s0, $0x78;
	v42 =	vld [tilespmem:s1+$0x80]  }
0x37f: {  	v43 =	vadd.s32 $0x180, v26;
	v27 =	vmul.f32 v27, v33;
	v33 =	vld [tilespmem:s1+$0x100]  }
0x380: {  	v18 =	vadd.s32 $0x8, v18;
	v44 =	vld [tilespmem:s1+$0xFFFFFE00];
	v28 =	vmul.f32 v28, v34  }
0x381: {  	v45 =	vshll.u32 v18, $0x3;
	v34 =	vld.idx.msk [tilespmem:v26+s3+$0x0], $0xffff;
	[tilespmem:v31+s22+$0x0] =	vst.idx.msk $0xffff, v27;
	v27 =	vmul.f32 v29, v32  }
0x382: {  	s1 =	sadd.s32 $0x400, s1;
	v29 =	vand.u32 $0x78, v18;
	v31 =	vand.u32 $0xFFFFFC00, v45;
	v32 =	vld.idx.msk [tilespmem:v37+s3+$0x0], $0xffff;
	[tilespmem:v30+s22+$0x0] =	vst.idx.msk $0xffff, v28;
	v25 =	vmul.f32 v25, v38  }
0x383: {  	v28 =	vor.u32 v29, v31;
	v37 =	vld [tilespmem:s1+$0x180];
	[tilespmem:v21+s22+$0x0] =	vst.idx.msk $0xffff, v27;
	v23 =	vmul.f32 v23, v42  }
0x384: {  	v38 =	vadd.s32 v12, v28;
	v21 =	vadd.s32 v13, v28;
	v27 =	vld.idx.msk [tilespmem:v35+s3+$0x0], $0xffff;
	v24 =	vmul.f32 v24, v33  }
0x385: {  	v31 =	vor.u32 $0x1, v38;
	v35 =	vor.u32 $0x7, v38;
	v28 =	vld.idx.msk [tilespmem:v36+s3+$0x0], $0xffff;
	v33 =	vmul.f32 v16, v44;
	[tilespmem:v22+s22+$0x0] =	vst.idx.msk $0xffff, v25  }
0x386: {  	v30 =	vor.u32 $0x2, v38;
	v22 =	vor.u32 $0x4, v38;
	v29 =	vld.idx.msk [tilespmem:v39+s3+$0x0], $0xffff;
	[tilespmem:v19+s22+$0x0] =	vst.idx.msk $0xffff, v23;
	v19 =	vor.u32 $0x5, v38  }
0x387: {  	v16 =	vmov v34;
	v25 =	vld.idx.msk [tilespmem:v40+s3+$0x0], $0xffff;
	[tilespmem:v20+s22+$0x0] =	vst.idx.msk $0xffff, v24;
	v20 =	vor.u32 $0x6, v38  }
.Ltmp15:
0x388: {  	v23 =	vld.idx.msk [tilespmem:v41+s3+$0x0], $0xffff;
	v32 =	vmul.f32 v32, v37;
	[tilespmem:v17+s22+$0x0] =	vst.idx.msk $0xffff, v33;
	v17 =	vmov v38;
	(pc) =	sbr.rel @p0 .LBB2_32-.Ltmp15, $4  }
0x389: {  	v24 =	vld.idx.msk [tilespmem:v43+s3+$0x0], $0xffff  }
0x38a: {  	v33 =	vld [tilespmem:s1+$0xFFFFFE80];
	[tilespmem:v35+s22+$0x0] =	vst.idx.msk $0xffff, v32  }
0x38b: {  	v34 =	vld [tilespmem:s1+$0xFFFFFF00]  }
0x38c: {  	v26 =	vadd.s32 $0x200, v26;
	v32 =	vld [tilespmem:s1+$0xFFFFFF80]  }
0x38d: {  	v18 =	vld [tilespmem:s1+$0x0]  }
0x38e: {  	v35 =	vld [tilespmem:s1+$0xFFFFFE00]  }
0x38f: {  	v26 =	vld [tilespmem:s1+$0x80];
	v27 =	vmul.f32 v27, v33  }
0x390: {  	v61 =	vld [tilespmem:s1+$0x100];
	v28 =	vmul.f32 v28, v34  }
0x391: {  	[tilespmem:v31+s22+$0x0] =	vst.idx.msk $0xffff, v27;
	v27 =	vmul.f32 v29, v32  }
0x392: {  	[tilespmem:v30+s22+$0x0] =	vst.idx.msk $0xffff, v28;
	v18 =	vmul.f32 v25, v18  }
0x393: {  	v16 =	vmul.f32 v16, v35;
	[tilespmem:v21+s22+$0x0] =	vst.idx.msk $0xffff, v27  }
0x394: {  	v21 =	vmul.f32 v23, v26;
	[tilespmem:v22+s22+$0x0] =	vst.idx.msk $0xffff, v18  }
0x395: {  	v23 =	vmul.f32 v24, v61;
	[tilespmem:v17+s22+$0x0] =	vst.idx.msk $0xffff, v16  }
0x396: {  	[tilespmem:v19+s22+$0x0] =	vst.idx.msk $0xffff, v21  }
0x397: {  	[tilespmem:v20+s22+$0x0] =	vst.idx.msk $0xffff, v23  }
0x398: {  	v16 =	vld [tilespmem:$0x20F0];
	_ =	sdelay $0x4  }
0x399: {  	vm0 =	vgt.s32 v16, $0x0  }
0x39a: {  	v16 =	vnsel vm0, $0x0, v16  }
0x39b: {  	v26 =	vmin.u32 v16, $0x3F  }
0x39c: {  	v17 =	vadd.s32 $0x1C0, v26;
	_ =	sdelay $0x1  }
0x39d: {  	s1 =	simm.s32 $0x2470;
	v19 =	vadd.s32 $0x40, v26  }
0x39e: {  	v31 =	vld [tilespmem:s1+$0x180]  }
0x39f: {  	v18 =	vimm.s32 $0x0;
	v33 =	vld [tilespmem:s1+$0xFFFFFE80]  }
0x3a0: {  	v20 =	vadd.s32 $0x80, v26;
	v30 =	vld.idx.msk [tilespmem:v17+s3+$0x0], $0xffff;
	v17 =	vshll.u32 v18, $0x3  }
0x3a1: {  	v25 =	vand.u32 $0x78, v18;
	v34 =	vld [tilespmem:s1+$0xFFFFFF00];
	v21 =	vadd.s32 $0xC0, v26;
	v17 =	vand.u32 $0xFFFFFC00, v17  }
0x3a2: {  	v23 =	vadd.s32 $0x140, v26;
	v27 =	vld.idx.msk [tilespmem:v19+s3+$0x0], $0xffff;
	v19 =	vor.u32 v25, v17  }
0x3a3: {  	v32 =	vld [tilespmem:s1+$0xFFFFFF80];
	v22 =	vadd.s32 $0x100, v26;
	v17 =	vadd.s32 v14, v19  }
0x3a4: {  	v24 =	vadd.s32 $0x180, v26;
	v16 =	vld.idx.msk [tilespmem:v26+s3+$0x0], $0xffff;
	v62 =	vor.u32 $0x7, v17  }
0x3a5: {  	v28 =	vld.idx.msk [tilespmem:v20+s3+$0x0], $0xffff  }
0x3a6: {  	v29 =	vld.idx.msk [tilespmem:v21+s3+$0x0], $0xffff  }
0x3a7: {  	v26 =	vadd.s32 $0x200, v26;
	v23 =	vld.idx.msk [tilespmem:v23+s3+$0x0], $0xffff;
	v63 =	vmul.f32 v30, v31  }
0x3a8: {  	v25 =	vld.idx.msk [tilespmem:v22+s3+$0x0], $0xffff;
	v21 =	vadd.s32 v15, v19;
	v22 =	vor.u32 $0x4, v17;
	v19 =	vor.u32 $0x5, v17  }
0x3a9: {  	s0 =	simm.s32 $0x0;
	v24 =	vld.idx.msk [tilespmem:v24+s3+$0x0], $0xffff;
	v20 =	vor.u32 $0x6, v17;
	v31 =	vor.u32 $0x1, v17;
	v30 =	vor.u32 $0x2, v17;
	[tilespmem:v62+s22+$0x0] =	vst.idx.msk $0xffff, v63  }
.LBB2_34:
0x3aa: {  	v35 =	vadd.s32 $0x40, v26;
	v36 =	vadd.s32 $0x80, v26;
	v37 =	vadd.s32 $0x1C0, v26;
	s0 =	sadd.s32 $0x8, s0;
	v38 =	vld [tilespmem:s1+$0x0]  }
0x3ab: {  	v39 =	vadd.s32 $0xC0, v26;
	v40 =	vadd.s32 $0x100, v26;
	v41 =	vadd.s32 $0x140, v26;
	p0 =	slt.u32 s0, $0x78;
	v42 =	vld [tilespmem:s1+$0x80]  }
0x3ac: {  	v43 =	vadd.s32 $0x180, v26;
	v27 =	vmul.f32 v27, v33;
	v33 =	vld [tilespmem:s1+$0x100]  }
0x3ad: {  	v18 =	vadd.s32 $0x8, v18;
	v44 =	vld [tilespmem:s1+$0xFFFFFE00];
	v28 =	vmul.f32 v28, v34  }
0x3ae: {  	v45 =	vshll.u32 v18, $0x3;
	v34 =	vld.idx.msk [tilespmem:v26+s3+$0x0], $0xffff;
	[tilespmem:v31+s22+$0x0] =	vst.idx.msk $0xffff, v27;
	v27 =	vmul.f32 v29, v32  }
0x3af: {  	s1 =	sadd.s32 $0x400, s1;
	v29 =	vand.u32 $0x78, v18;
	v31 =	vand.u32 $0xFFFFFC00, v45;
	v32 =	vld.idx.msk [tilespmem:v37+s3+$0x0], $0xffff;
	[tilespmem:v30+s22+$0x0] =	vst.idx.msk $0xffff, v28;
	v25 =	vmul.f32 v25, v38  }
0x3b0: {  	v28 =	vor.u32 v29, v31;
	v37 =	vld [tilespmem:s1+$0x180];
	[tilespmem:v21+s22+$0x0] =	vst.idx.msk $0xffff, v27;
	v23 =	vmul.f32 v23, v42  }
0x3b1: {  	v38 =	vadd.s32 v14, v28;
	v21 =	vadd.s32 v15, v28;
	v27 =	vld.idx.msk [tilespmem:v35+s3+$0x0], $0xffff;
	v24 =	vmul.f32 v24, v33  }
0x3b2: {  	v31 =	vor.u32 $0x1, v38;
	v35 =	vor.u32 $0x7, v38;
	v28 =	vld.idx.msk [tilespmem:v36+s3+$0x0], $0xffff;
	v33 =	vmul.f32 v16, v44;
	[tilespmem:v22+s22+$0x0] =	vst.idx.msk $0xffff, v25  }
0x3b3: {  	v30 =	vor.u32 $0x2, v38;
	v22 =	vor.u32 $0x4, v38;
	v29 =	vld.idx.msk [tilespmem:v39+s3+$0x0], $0xffff;
	[tilespmem:v19+s22+$0x0] =	vst.idx.msk $0xffff, v23;
	v19 =	vor.u32 $0x5, v38  }
0x3b4: {  	v16 =	vmov v34;
	v25 =	vld.idx.msk [tilespmem:v40+s3+$0x0], $0xffff;
	[tilespmem:v20+s22+$0x0] =	vst.idx.msk $0xffff, v24;
	v20 =	vor.u32 $0x6, v38  }
.Ltmp16:
0x3b5: {  	v23 =	vld.idx.msk [tilespmem:v41+s3+$0x0], $0xffff;
	v32 =	vmul.f32 v32, v37;
	[tilespmem:v17+s22+$0x0] =	vst.idx.msk $0xffff, v33;
	v17 =	vmov v38;
	(pc) =	sbr.rel @p0 .LBB2_34-.Ltmp16, $4  }
0x3b6: {  	v24 =	vld.idx.msk [tilespmem:v43+s3+$0x0], $0xffff  }
0x3b7: {  	v33 =	vld [tilespmem:s1+$0xFFFFFE80];
	[tilespmem:v35+s22+$0x0] =	vst.idx.msk $0xffff, v32  }
0x3b8: {  	v34 =	vld [tilespmem:s1+$0xFFFFFF00]  }
0x3b9: {  	v26 =	vadd.s32 $0x200, v26;
	v32 =	vld [tilespmem:s1+$0xFFFFFF80]  }
0x3ba: {  	v18 =	vld [tilespmem:s1+$0x0]  }
0x3bb: {  	v35 =	vld [tilespmem:s1+$0xFFFFFE00]  }
0x3bc: {  	v26 =	vld [tilespmem:s1+$0x80];
	v27 =	vmul.f32 v27, v33  }
0x3bd: {  	v61 =	vld [tilespmem:s1+$0x100];
	v28 =	vmul.f32 v28, v34  }
0x3be: {  	[tilespmem:v31+s22+$0x0] =	vst.idx.msk $0xffff, v27;
	v27 =	vmul.f32 v29, v32  }
0x3bf: {  	[tilespmem:v30+s22+$0x0] =	vst.idx.msk $0xffff, v28;
	v18 =	vmul.f32 v25, v18  }
0x3c0: {  	v16 =	vmul.f32 v16, v35;
	[tilespmem:v21+s22+$0x0] =	vst.idx.msk $0xffff, v27  }
0x3c1: {  	v21 =	vmul.f32 v23, v26;
	[tilespmem:v22+s22+$0x0] =	vst.idx.msk $0xffff, v18  }
0x3c2: {  	v23 =	vmul.f32 v24, v61;
	[tilespmem:v17+s22+$0x0] =	vst.idx.msk $0xffff, v16  }
0x3c3: {  	[tilespmem:v19+s22+$0x0] =	vst.idx.msk $0xffff, v21  }
0x3c4: {  	[tilespmem:v20+s22+$0x0] =	vst.idx.msk $0xffff, v23  }
0x3c5: {  	[hbm4b:s10+s3] =	stream.linear.scatter [tilespmem:s22], [sflag:$0x3], $0x400, $0x38;
	[tilespmem:$0x1A200] =	vst v63  }
0x3c6: {  	s0 =	sadd.s32 $0x80, s10;
	s1 =	simm.s32 $0xAA00  }
0x3c7: {  	[hbm4b:s0+s3] =	stream.linear.scatter [tilespmem:s1], [sflag:$0x3], $0x400, $0x38;
	[tilespmem:$0x1A200] =	vst v63  }
0x3c8: {  	s6 =	sadd.s32 $0x100, s10;
	s5 =	simm.s32 $0xB200  }
0x3c9: {  	[hbm4b:s6+s3] =	stream.linear.scatter [tilespmem:s5], [sflag:$0x3], $0x400, $0x38;
	[tilespmem:$0x1A200] =	vst v63  }
0x3ca: {  	s9 =	sadd.s32 $0x180, s10;
	s17 =	simm.s32 $0xBA00  }
0x3cb: {  	[hbm4b:s9+s3] =	stream.linear.scatter [tilespmem:s17], [sflag:$0x3], $0x400, $0x38;
	[tilespmem:$0x1A200] =	vst v63  }
0x3cc: {  	s12 =	sadd.s32 $0x200, s10;
	s19 =	simm.s32 $0xC200  }
0x3cd: {  	[hbm4b:s12+s3] =	stream.linear.scatter [tilespmem:s19], [sflag:$0x3], $0x400, $0x38;
	[tilespmem:$0x1A200] =	vst v63  }
0x3ce: {  	s18 =	sadd.s32 $0x280, s10;
	s24 =	simm.s32 $0xCA00  }
0x3cf: {  	[hbm4b:s18+s3] =	stream.linear.scatter [tilespmem:s24], [sflag:$0x3], $0x400, $0x38;
	[tilespmem:$0x1A200] =	vst v63  }
0x3d0: {  	s20 =	sadd.s32 $0x300, s10;
	s31 =	simm.s32 $0xD200  }
0x3d1: {  	[hbm4b:s20+s3] =	stream.linear.scatter [tilespmem:s31], [sflag:$0x3], $0x400, $0x38;
	[tilespmem:$0x1A200] =	vst v63  }
0x3d2: {  	s23 =	sadd.s32 $0x380, s10;
	s30 =	simm.s32 $0xDA00  }
0x3d3: {  	[hbm4b:s23+s3] =	stream.linear.scatter [tilespmem:s30], [sflag:$0x3], $0x400, $0x38;
	[tilespmem:$0x1A200] =	vst v63  }
0x3d4: {  	s26 =	sadd.s32 $0x400, s10;
	s23 =	simm.s32 $0xE200  }
0x3d5: {  	[hbm4b:s26+s3] =	stream.linear.scatter [tilespmem:s23], [sflag:$0x3], $0x400, $0x38;
	[tilespmem:$0x1A200] =	vst v63  }
0x3d6: {  	s4 =	sadd.s32 $0x480, s10;
	s18 =	simm.s32 $0xEA00  }
0x3d7: {  	[hbm4b:s4+s3] =	stream.linear.scatter [tilespmem:s18], [sflag:$0x3], $0x400, $0x38;
	[tilespmem:$0x1A200] =	vst v63  }
0x3d8: {  	s6 =	sadd.s32 $0x500, s10;
	s20 =	simm.s32 $0xF200  }
0x3d9: {  	[hbm4b:s6+s3] =	stream.linear.scatter [tilespmem:s20], [sflag:$0x3], $0x400, $0x38;
	[tilespmem:$0x1A200] =	vst v63  }
0x3da: {  	s9 =	sadd.s32 $0x580, s10;
	s12 =	simm.s32 $0xFA00  }
0x3db: {  	[hbm4b:s9+s3] =	stream.linear.scatter [tilespmem:s12], [sflag:$0x3], $0x400, $0x38;
	[tilespmem:$0x1A200] =	vst v63  }
0x3dc: {  	s26 =	sadd.s32 $0x600, s10;
	s9 =	simm.s32 $0x10200  }
0x3dd: {  	[hbm4b:s26+s3] =	stream.linear.scatter [tilespmem:s9], [sflag:$0x3], $0x400, $0x38;
	[tilespmem:$0x1A200] =	vst v63  }
0x3de: {  	s4 =	sadd.s32 $0x680, s10;
	s6 =	simm.s32 $0x10A00  }
0x3df: {  	[hbm4b:s4+s3] =	stream.linear.scatter [tilespmem:s6], [sflag:$0x3], $0x400, $0x38;
	[tilespmem:$0x1A200] =	vst v63  }
0x3e0: {  	s26 =	sadd.s32 $0x700, s10;
	s4 =	simm.s32 $0x11200  }
0x3e1: {  	[hbm4b:s26+s3] =	stream.linear.scatter [tilespmem:s4], [sflag:$0x3], $0x400, $0x38;
	[tilespmem:$0x1A200] =	vst v63  }
0x3e2: {  	s0 =	sadd.s32 $0x780, s10;
	s26 =	simm.s32 $0x11A00  }
0x3e3: {  	[hbm4b:s0+s3] =	stream.linear.scatter [tilespmem:s26], [sflag:$0x3], $0x400, $0x38;
	[tilespmem:$0x1A200] =	vst v63  }
0x3e4: {  	_ = 	snop  }
0x3e5: {  	[hbm4b:s11+s3] =	stream.linear.scatter [tilespmem:s22], [sflag:$0x3], $0x400, $0x38;
	[tilespmem:$0x1A200] =	vst v63  }
0x3e6: {  	s0 =	sadd.s32 $0x80, s11  }
0x3e7: {  	[hbm4b:s0+s3] =	stream.linear.scatter [tilespmem:s1], [sflag:$0x3], $0x400, $0x38;
	[tilespmem:$0x1A200] =	vst v63  }
0x3e8: {  	s1 =	sadd.s32 $0x100, s11  }
0x3e9: {  	[hbm4b:s1+s3] =	stream.linear.scatter [tilespmem:s5], [sflag:$0x3], $0x400, $0x38;
	[tilespmem:$0x1A200] =	vst v63  }
0x3ea: {  	s1 =	sadd.s32 $0x180, s11  }
0x3eb: {  	[hbm4b:s1+s3] =	stream.linear.scatter [tilespmem:s17], [sflag:$0x3], $0x400, $0x38;
	[tilespmem:$0x1A200] =	vst v63  }
0x3ec: {  	s5 =	sadd.s32 $0x200, s11  }
0x3ed: {  	[hbm4b:s5+s3] =	stream.linear.scatter [tilespmem:s19], [sflag:$0x3], $0x400, $0x38;
	[tilespmem:$0x1A200] =	vst v63  }
0x3ee: {  	s17 =	sadd.s32 $0x280, s11  }
0x3ef: {  	[hbm4b:s17+s3] =	stream.linear.scatter [tilespmem:s24], [sflag:$0x3], $0x400, $0x38;
	[tilespmem:$0x1A200] =	vst v63  }
0x3f0: {  	s19 =	sadd.s32 $0x300, s11  }
0x3f1: {  	[hbm4b:s19+s3] =	stream.linear.scatter [tilespmem:s31], [sflag:$0x3], $0x400, $0x38;
	[tilespmem:$0x1A200] =	vst v63  }
0x3f2: {  	s24 =	sadd.s32 $0x380, s11  }
0x3f3: {  	[hbm4b:s24+s3] =	stream.linear.scatter [tilespmem:s30], [sflag:$0x3], $0x400, $0x38;
	[tilespmem:$0x1A200] =	vst v63  }
0x3f4: {  	s31 =	sadd.s32 $0x400, s11  }
0x3f5: {  	[hbm4b:s31+s3] =	stream.linear.scatter [tilespmem:s23], [sflag:$0x3], $0x400, $0x38;
	[tilespmem:$0x1A200] =	vst v63  }
0x3f6: {  	s1 =	sadd.s32 $0x480, s11  }
0x3f7: {  	[hbm4b:s1+s3] =	stream.linear.scatter [tilespmem:s18], [sflag:$0x3], $0x400, $0x38;
	[tilespmem:$0x1A200] =	vst v63  }
0x3f8: {  	s5 =	sadd.s32 $0x500, s11  }
0x3f9: {  	[hbm4b:s5+s3] =	stream.linear.scatter [tilespmem:s20], [sflag:$0x3], $0x400, $0x38;
	[tilespmem:$0x1A200] =	vst v63  }
0x3fa: {  	s17 =	sadd.s32 $0x580, s11  }
0x3fb: {  	[hbm4b:s17+s3] =	stream.linear.scatter [tilespmem:s12], [sflag:$0x3], $0x400, $0x38;
	[tilespmem:$0x1A200] =	vst v63  }
0x3fc: {  	s18 =	sadd.s32 $0x600, s11  }
0x3fd: {  	[hbm4b:s18+s3] =	stream.linear.scatter [tilespmem:s9], [sflag:$0x3], $0x400, $0x38;
	[tilespmem:$0x1A200] =	vst v63  }
0x3fe: {  	s19 =	sadd.s32 $0x680, s11  }
0x3ff: {  	[hbm4b:s19+s3] =	stream.linear.scatter [tilespmem:s6], [sflag:$0x3], $0x400, $0x38;
	[tilespmem:$0x1A200] =	vst v63  }
0x400: {  	s20 =	sadd.s32 $0x700, s11  }
0x401: {  	[hbm4b:s20+s3] =	stream.linear.scatter [tilespmem:s4], [sflag:$0x3], $0x400, $0x38;
	[tilespmem:$0x1A200] =	vst v63  }
0x402: {  	s24 =	simm.s32 $0x2;
	s23 =	sadd.s32 $0x780, s11  }
0x403: {  	[hbm4b:s23+s3] =	stream.linear.scatter [tilespmem:s26], [sflag:$0x3], $0x400, $0x38;
	[tilespmem:$0x1A200] =	vst v63  }
0x404: {  	_ =	swait.ge [sflag:s24], $0x4000  }
0x405: {  	s30 =	simm.s32 $0x2200;
	[sflag:s24] =	ssyncset.done $0x0  }
0x406: {  	s31 =	simm.s32 $0x4;
	s26 =	rddreg [dreg:$0x9];
	[sflag:s24] =	ssyncadd.s32 $0xFFFFC000  }
0x407: {  	[tilespmem:s30], [sflag:$0x1] =	stream.strided.gather [hbm4b:s26+s2], $0x4000, s21, s2, $0x38;
	[tilespmem:$0x1A200] =	vst v63  }
0x408: {  	_ =	swait.ge [sflag:s31], $0x4000  }
0x409: {  	[sflag:s31] =	ssyncset.done $0x0  }
0x40a: {  	[sflag:s31] =	ssyncadd.s32 $0xFFFFC000  }
0x40b: {  	_ =	swait.ge [sflag:s31], $0x4000  }
0x40c: {  	[sflag:s31] =	ssyncset.done $0x0  }
0x40d: {  	[sflag:s31] =	ssyncadd.s32 $0xFFFFC000  }
0x40e: {  	v16 =	vld [tilespmem:$0x2100];
	_ =	sdelay $0x4  }
0x40f: {  	vm0 =	vgt.s32 v16, $0x0  }
0x410: {  	v16 =	vnsel vm0, $0x0, v16  }
0x411: {  	v26 =	vmin.u32 v16, $0x3F  }
0x412: {  	v17 =	vadd.s32 $0x1C0, v26;
	_ =	sdelay $0x1  }
0x413: {  	s1 =	simm.s32 $0x6400;
	v19 =	vadd.s32 $0x40, v26  }
0x414: {  	v31 =	vld [tilespmem:s1+$0x180]  }
0x415: {  	v18 =	vimm.s32 $0x0;
	v33 =	vld [tilespmem:s1+$0xFFFFFE80]  }
0x416: {  	v20 =	vadd.s32 $0x80, v26;
	v30 =	vld.idx.msk [tilespmem:v17+s3+$0x0], $0xffff;
	v17 =	vshll.u32 v18, $0x3  }
0x417: {  	v25 =	vand.u32 $0x78, v18;
	v34 =	vld [tilespmem:s1+$0xFFFFFF00];
	v21 =	vadd.s32 $0xC0, v26;
	v17 =	vand.u32 $0xFFFFFC00, v17  }
0x418: {  	v23 =	vadd.s32 $0x140, v26;
	v27 =	vld.idx.msk [tilespmem:v19+s3+$0x0], $0xffff;
	v19 =	vor.u32 v25, v17  }
0x419: {  	v32 =	vld [tilespmem:s1+$0xFFFFFF80];
	v22 =	vadd.s32 $0x100, v26;
	v17 =	vadd.s32 v0, v19  }
0x41a: {  	v24 =	vadd.s32 $0x180, v26;
	v16 =	vld.idx.msk [tilespmem:v26+s3+$0x0], $0xffff;
	v62 =	vor.u32 $0x7, v17  }
0x41b: {  	v28 =	vld.idx.msk [tilespmem:v20+s3+$0x0], $0xffff  }
0x41c: {  	v29 =	vld.idx.msk [tilespmem:v21+s3+$0x0], $0xffff  }
0x41d: {  	v26 =	vadd.s32 $0x200, v26;
	v23 =	vld.idx.msk [tilespmem:v23+s3+$0x0], $0xffff;
	v63 =	vmul.f32 v30, v31  }
0x41e: {  	v25 =	vld.idx.msk [tilespmem:v22+s3+$0x0], $0xffff;
	v21 =	vadd.s32 v1, v19;
	v22 =	vor.u32 $0x4, v17;
	v19 =	vor.u32 $0x5, v17  }
0x41f: {  	s0 =	simm.s32 $0x0;
	v24 =	vld.idx.msk [tilespmem:v24+s3+$0x0], $0xffff;
	v20 =	vor.u32 $0x6, v17;
	v31 =	vor.u32 $0x1, v17;
	v30 =	vor.u32 $0x2, v17;
	[tilespmem:v62+s25+$0x0] =	vst.idx.msk $0xffff, v63  }
.LBB2_36:
0x420: {  	v35 =	vadd.s32 $0x40, v26;
	v36 =	vadd.s32 $0x80, v26;
	v37 =	vadd.s32 $0x1C0, v26;
	s0 =	sadd.s32 $0x8, s0;
	v38 =	vld [tilespmem:s1+$0x0]  }
0x421: {  	v39 =	vadd.s32 $0xC0, v26;
	v40 =	vadd.s32 $0x100, v26;
	v41 =	vadd.s32 $0x140, v26;
	p0 =	slt.u32 s0, $0x78;
	v42 =	vld [tilespmem:s1+$0x80]  }
0x422: {  	v43 =	vadd.s32 $0x180, v26;
	v27 =	vmul.f32 v27, v33;
	v33 =	vld [tilespmem:s1+$0x100]  }
0x423: {  	v18 =	vadd.s32 $0x8, v18;
	v44 =	vld [tilespmem:s1+$0xFFFFFE00];
	v28 =	vmul.f32 v28, v34  }
0x424: {  	v45 =	vshll.u32 v18, $0x3;
	v34 =	vld.idx.msk [tilespmem:v26+s3+$0x0], $0xffff;
	[tilespmem:v31+s25+$0x0] =	vst.idx.msk $0xffff, v27;
	v27 =	vmul.f32 v29, v32  }
0x425: {  	s1 =	sadd.s32 $0x400, s1;
	v29 =	vand.u32 $0x78, v18;
	v31 =	vand.u32 $0xFFFFFC00, v45;
	v32 =	vld.idx.msk [tilespmem:v37+s3+$0x0], $0xffff;
	[tilespmem:v30+s25+$0x0] =	vst.idx.msk $0xffff, v28;
	v25 =	vmul.f32 v25, v38  }
0x426: {  	v28 =	vor.u32 v29, v31;
	v37 =	vld [tilespmem:s1+$0x180];
	[tilespmem:v21+s25+$0x0] =	vst.idx.msk $0xffff, v27;
	v23 =	vmul.f32 v23, v42  }
0x427: {  	v38 =	vadd.s32 v0, v28;
	v21 =	vadd.s32 v1, v28;
	v27 =	vld.idx.msk [tilespmem:v35+s3+$0x0], $0xffff;
	v24 =	vmul.f32 v24, v33  }
0x428: {  	v31 =	vor.u32 $0x1, v38;
	v35 =	vor.u32 $0x7, v38;
	v28 =	vld.idx.msk [tilespmem:v36+s3+$0x0], $0xffff;
	v33 =	vmul.f32 v16, v44;
	[tilespmem:v22+s25+$0x0] =	vst.idx.msk $0xffff, v25  }
0x429: {  	v30 =	vor.u32 $0x2, v38;
	v22 =	vor.u32 $0x4, v38;
	v29 =	vld.idx.msk [tilespmem:v39+s3+$0x0], $0xffff;
	[tilespmem:v19+s25+$0x0] =	vst.idx.msk $0xffff, v23;
	v19 =	vor.u32 $0x5, v38  }
0x42a: {  	v16 =	vmov v34;
	v25 =	vld.idx.msk [tilespmem:v40+s3+$0x0], $0xffff;
	[tilespmem:v20+s25+$0x0] =	vst.idx.msk $0xffff, v24;
	v20 =	vor.u32 $0x6, v38  }
.Ltmp17:
0x42b: {  	v23 =	vld.idx.msk [tilespmem:v41+s3+$0x0], $0xffff;
	v32 =	vmul.f32 v32, v37;
	[tilespmem:v17+s25+$0x0] =	vst.idx.msk $0xffff, v33;
	v17 =	vmov v38;
	(pc) =	sbr.rel @p0 .LBB2_36-.Ltmp17, $4  }
0x42c: {  	v24 =	vld.idx.msk [tilespmem:v43+s3+$0x0], $0xffff  }
0x42d: {  	v33 =	vld [tilespmem:s1+$0xFFFFFE80];
	[tilespmem:v35+s25+$0x0] =	vst.idx.msk $0xffff, v32  }
0x42e: {  	v34 =	vld [tilespmem:s1+$0xFFFFFF00]  }
0x42f: {  	v26 =	vadd.s32 $0x200, v26;
	v32 =	vld [tilespmem:s1+$0xFFFFFF80]  }
0x430: {  	v18 =	vld [tilespmem:s1+$0x0]  }
0x431: {  	v35 =	vld [tilespmem:s1+$0xFFFFFE00]  }
0x432: {  	v26 =	vld [tilespmem:s1+$0x80];
	v27 =	vmul.f32 v27, v33  }
0x433: {  	v61 =	vld [tilespmem:s1+$0x100];
	v28 =	vmul.f32 v28, v34  }
0x434: {  	[tilespmem:v31+s25+$0x0] =	vst.idx.msk $0xffff, v27;
	v27 =	vmul.f32 v29, v32  }
0x435: {  	[tilespmem:v30+s25+$0x0] =	vst.idx.msk $0xffff, v28;
	v18 =	vmul.f32 v25, v18  }
0x436: {  	v16 =	vmul.f32 v16, v35;
	[tilespmem:v21+s25+$0x0] =	vst.idx.msk $0xffff, v27  }
0x437: {  	v21 =	vmul.f32 v23, v26;
	[tilespmem:v22+s25+$0x0] =	vst.idx.msk $0xffff, v18  }
0x438: {  	v23 =	vmul.f32 v24, v61;
	[tilespmem:v17+s25+$0x0] =	vst.idx.msk $0xffff, v16  }
0x439: {  	[tilespmem:v19+s25+$0x0] =	vst.idx.msk $0xffff, v21  }
0x43a: {  	[tilespmem:v20+s25+$0x0] =	vst.idx.msk $0xffff, v23  }
0x43b: {  	v16 =	vld [tilespmem:$0x2110];
	_ =	sdelay $0x4  }
0x43c: {  	vm0 =	vgt.s32 v16, $0x0  }
0x43d: {  	v16 =	vnsel vm0, $0x0, v16  }
0x43e: {  	v26 =	vmin.u32 v16, $0x3F  }
0x43f: {  	v17 =	vadd.s32 $0x1C0, v26;
	_ =	sdelay $0x1  }
0x440: {  	s1 =	simm.s32 $0x6410;
	v19 =	vadd.s32 $0x40, v26  }
0x441: {  	v31 =	vld [tilespmem:s1+$0x180]  }
0x442: {  	v18 =	vimm.s32 $0x0;
	v33 =	vld [tilespmem:s1+$0xFFFFFE80]  }
0x443: {  	v20 =	vadd.s32 $0x80, v26;
	v30 =	vld.idx.msk [tilespmem:v17+s3+$0x0], $0xffff;
	v17 =	vshll.u32 v18, $0x3  }
0x444: {  	v25 =	vand.u32 $0x78, v18;
	v34 =	vld [tilespmem:s1+$0xFFFFFF00];
	v21 =	vadd.s32 $0xC0, v26;
	v17 =	vand.u32 $0xFFFFFC00, v17  }
0x445: {  	v23 =	vadd.s32 $0x140, v26;
	v27 =	vld.idx.msk [tilespmem:v19+s3+$0x0], $0xffff;
	v19 =	vor.u32 v25, v17  }
0x446: {  	v32 =	vld [tilespmem:s1+$0xFFFFFF80];
	v22 =	vadd.s32 $0x100, v26;
	v17 =	vadd.s32 v2, v19  }
0x447: {  	v24 =	vadd.s32 $0x180, v26;
	v16 =	vld.idx.msk [tilespmem:v26+s3+$0x0], $0xffff;
	v62 =	vor.u32 $0x7, v17  }
0x448: {  	v28 =	vld.idx.msk [tilespmem:v20+s3+$0x0], $0xffff  }
0x449: {  	v29 =	vld.idx.msk [tilespmem:v21+s3+$0x0], $0xffff  }
0x44a: {  	s0 =	simm.s32 $0x0;
	s4 =	simm.s32 $0x16200;
	s6 =	simm.s32 $0x15A00;
	v26 =	vadd.s32 $0x200, v26;
	v23 =	vld.idx.msk [tilespmem:v23+s3+$0x0], $0xffff;
	v63 =	vmul.f32 v30, v31  }
0x44b: {  	s9 =	simm.s32 $0x15200;
	s12 =	simm.s32 $0x14200;
	s18 =	simm.s32 $0x14A00;
	v25 =	vld.idx.msk [tilespmem:v22+s3+$0x0], $0xffff;
	v21 =	vadd.s32 v3, v19;
	v22 =	vor.u32 $0x4, v17;
	v19 =	vor.u32 $0x5, v17  }
0x44c: {  	s20 =	simm.s32 $0x13A00;
	s23 =	simm.s32 $0x13200;
	s26 =	simm.s32 $0x12A00;
	v24 =	vld.idx.msk [tilespmem:v24+s3+$0x0], $0xffff;
	v20 =	vor.u32 $0x6, v17;
	v31 =	vor.u32 $0x1, v17;
	v30 =	vor.u32 $0x2, v17;
	[tilespmem:v62+s25+$0x0] =	vst.idx.msk $0xffff, v63  }
.LBB2_38:
0x44d: {  	v35 =	vadd.s32 $0x40, v26;
	v36 =	vadd.s32 $0x80, v26;
	v37 =	vadd.s32 $0x1C0, v26;
	s0 =	sadd.s32 $0x8, s0;
	v38 =	vld [tilespmem:s1+$0x0]  }
0x44e: {  	v39 =	vadd.s32 $0xC0, v26;
	v40 =	vadd.s32 $0x100, v26;
	v41 =	vadd.s32 $0x140, v26;
	p0 =	slt.u32 s0, $0x78;
	v42 =	vld [tilespmem:s1+$0x80]  }
0x44f: {  	v43 =	vadd.s32 $0x180, v26;
	v27 =	vmul.f32 v27, v33;
	v33 =	vld [tilespmem:s1+$0x100]  }
0x450: {  	v18 =	vadd.s32 $0x8, v18;
	v44 =	vld [tilespmem:s1+$0xFFFFFE00];
	v28 =	vmul.f32 v28, v34  }
0x451: {  	v45 =	vshll.u32 v18, $0x3;
	v34 =	vld.idx.msk [tilespmem:v26+s3+$0x0], $0xffff;
	[tilespmem:v31+s25+$0x0] =	vst.idx.msk $0xffff, v27;
	v27 =	vmul.f32 v29, v32  }
0x452: {  	s1 =	sadd.s32 $0x400, s1;
	v29 =	vand.u32 $0x78, v18;
	v31 =	vand.u32 $0xFFFFFC00, v45;
	v32 =	vld.idx.msk [tilespmem:v37+s3+$0x0], $0xffff;
	[tilespmem:v30+s25+$0x0] =	vst.idx.msk $0xffff, v28;
	v25 =	vmul.f32 v25, v38  }
0x453: {  	v28 =	vor.u32 v29, v31;
	v37 =	vld [tilespmem:s1+$0x180];
	[tilespmem:v21+s25+$0x0] =	vst.idx.msk $0xffff, v27;
	v23 =	vmul.f32 v23, v42  }
0x454: {  	v38 =	vadd.s32 v2, v28;
	v21 =	vadd.s32 v3, v28;
	v27 =	vld.idx.msk [tilespmem:v35+s3+$0x0], $0xffff;
	v24 =	vmul.f32 v24, v33  }
0x455: {  	v31 =	vor.u32 $0x1, v38;
	v35 =	vor.u32 $0x7, v38;
	v28 =	vld.idx.msk [tilespmem:v36+s3+$0x0], $0xffff;
	v33 =	vmul.f32 v16, v44;
	[tilespmem:v22+s25+$0x0] =	vst.idx.msk $0xffff, v25  }
0x456: {  	v30 =	vor.u32 $0x2, v38;
	v22 =	vor.u32 $0x4, v38;
	v29 =	vld.idx.msk [tilespmem:v39+s3+$0x0], $0xffff;
	[tilespmem:v19+s25+$0x0] =	vst.idx.msk $0xffff, v23;
	v19 =	vor.u32 $0x5, v38  }
0x457: {  	v16 =	vmov v34;
	v25 =	vld.idx.msk [tilespmem:v40+s3+$0x0], $0xffff;
	[tilespmem:v20+s25+$0x0] =	vst.idx.msk $0xffff, v24;
	v20 =	vor.u32 $0x6, v38  }
.Ltmp18:
0x458: {  	v23 =	vld.idx.msk [tilespmem:v41+s3+$0x0], $0xffff;
	v32 =	vmul.f32 v32, v37;
	[tilespmem:v17+s25+$0x0] =	vst.idx.msk $0xffff, v33;
	v17 =	vmov v38;
	(pc) =	sbr.rel @p0 .LBB2_38-.Ltmp18, $4  }
0x459: {  	v24 =	vld.idx.msk [tilespmem:v43+s3+$0x0], $0xffff  }
0x45a: {  	v33 =	vld [tilespmem:s1+$0xFFFFFE80];
	[tilespmem:v35+s25+$0x0] =	vst.idx.msk $0xffff, v32  }
0x45b: {  	v34 =	vld [tilespmem:s1+$0xFFFFFF00]  }
0x45c: {  	v26 =	vadd.s32 $0x200, v26;
	v32 =	vld [tilespmem:s1+$0xFFFFFF80]  }
0x45d: {  	v18 =	vld [tilespmem:s1+$0x0]  }
0x45e: {  	v35 =	vld [tilespmem:s1+$0xFFFFFE00]  }
0x45f: {  	v26 =	vld [tilespmem:s1+$0x80];
	v27 =	vmul.f32 v27, v33  }
0x460: {  	v61 =	vld [tilespmem:s1+$0x100];
	v28 =	vmul.f32 v28, v34  }
0x461: {  	[tilespmem:v31+s25+$0x0] =	vst.idx.msk $0xffff, v27;
	v27 =	vmul.f32 v29, v32  }
0x462: {  	[tilespmem:v30+s25+$0x0] =	vst.idx.msk $0xffff, v28;
	v18 =	vmul.f32 v25, v18  }
0x463: {  	v16 =	vmul.f32 v16, v35;
	[tilespmem:v21+s25+$0x0] =	vst.idx.msk $0xffff, v27  }
0x464: {  	v21 =	vmul.f32 v23, v26;
	[tilespmem:v22+s25+$0x0] =	vst.idx.msk $0xffff, v18  }
0x465: {  	v23 =	vmul.f32 v24, v61;
	[tilespmem:v17+s25+$0x0] =	vst.idx.msk $0xffff, v16  }
0x466: {  	[tilespmem:v19+s25+$0x0] =	vst.idx.msk $0xffff, v21  }
0x467: {  	[tilespmem:v20+s25+$0x0] =	vst.idx.msk $0xffff, v23  }
0x468: {  	v16 =	vld [tilespmem:$0x2120];
	_ =	sdelay $0x4  }
0x469: {  	vm0 =	vgt.s32 v16, $0x0  }
0x46a: {  	v16 =	vnsel vm0, $0x0, v16  }
0x46b: {  	v26 =	vmin.u32 v16, $0x3F  }
0x46c: {  	v17 =	vadd.s32 $0x1C0, v26;
	_ =	sdelay $0x1  }
0x46d: {  	s1 =	simm.s32 $0x6420;
	v19 =	vadd.s32 $0x40, v26  }
0x46e: {  	v31 =	vld [tilespmem:s1+$0x180]  }
0x46f: {  	v18 =	vimm.s32 $0x0;
	v33 =	vld [tilespmem:s1+$0xFFFFFE80]  }
0x470: {  	v20 =	vadd.s32 $0x80, v26;
	v30 =	vld.idx.msk [tilespmem:v17+s3+$0x0], $0xffff;
	v17 =	vshll.u32 v18, $0x3  }
0x471: {  	v25 =	vand.u32 $0x78, v18;
	v34 =	vld [tilespmem:s1+$0xFFFFFF00];
	v21 =	vadd.s32 $0xC0, v26;
	v17 =	vand.u32 $0xFFFFFC00, v17  }
0x472: {  	v23 =	vadd.s32 $0x140, v26;
	v27 =	vld.idx.msk [tilespmem:v19+s3+$0x0], $0xffff;
	v19 =	vor.u32 v25, v17  }
0x473: {  	v32 =	vld [tilespmem:s1+$0xFFFFFF80];
	v22 =	vadd.s32 $0x100, v26;
	v17 =	vadd.s32 v4, v19  }
0x474: {  	v24 =	vadd.s32 $0x180, v26;
	v16 =	vld.idx.msk [tilespmem:v26+s3+$0x0], $0xffff;
	v62 =	vor.u32 $0x7, v17  }
0x475: {  	v28 =	vld.idx.msk [tilespmem:v20+s3+$0x0], $0xffff  }
0x476: {  	v29 =	vld.idx.msk [tilespmem:v21+s3+$0x0], $0xffff  }
0x477: {  	v26 =	vadd.s32 $0x200, v26;
	v23 =	vld.idx.msk [tilespmem:v23+s3+$0x0], $0xffff;
	v63 =	vmul.f32 v30, v31  }
0x478: {  	v25 =	vld.idx.msk [tilespmem:v22+s3+$0x0], $0xffff;
	v21 =	vadd.s32 v5, v19;
	v22 =	vor.u32 $0x4, v17;
	v19 =	vor.u32 $0x5, v17  }
0x479: {  	s0 =	simm.s32 $0x0;
	v24 =	vld.idx.msk [tilespmem:v24+s3+$0x0], $0xffff;
	v20 =	vor.u32 $0x6, v17;
	v31 =	vor.u32 $0x1, v17;
	v30 =	vor.u32 $0x2, v17;
	[tilespmem:v62+s25+$0x0] =	vst.idx.msk $0xffff, v63  }
.LBB2_40:
0x47a: {  	v35 =	vadd.s32 $0x40, v26;
	v36 =	vadd.s32 $0x80, v26;
	v37 =	vadd.s32 $0x1C0, v26;
	s0 =	sadd.s32 $0x8, s0;
	v38 =	vld [tilespmem:s1+$0x0]  }
0x47b: {  	v39 =	vadd.s32 $0xC0, v26;
	v40 =	vadd.s32 $0x100, v26;
	v41 =	vadd.s32 $0x140, v26;
	p0 =	slt.u32 s0, $0x78;
	v42 =	vld [tilespmem:s1+$0x80]  }
0x47c: {  	v43 =	vadd.s32 $0x180, v26;
	v27 =	vmul.f32 v27, v33;
	v33 =	vld [tilespmem:s1+$0x100]  }
0x47d: {  	v18 =	vadd.s32 $0x8, v18;
	v44 =	vld [tilespmem:s1+$0xFFFFFE00];
	v28 =	vmul.f32 v28, v34  }
0x47e: {  	v45 =	vshll.u32 v18, $0x3;
	v34 =	vld.idx.msk [tilespmem:v26+s3+$0x0], $0xffff;
	[tilespmem:v31+s25+$0x0] =	vst.idx.msk $0xffff, v27;
	v27 =	vmul.f32 v29, v32  }
0x47f: {  	s1 =	sadd.s32 $0x400, s1;
	v29 =	vand.u32 $0x78, v18;
	v31 =	vand.u32 $0xFFFFFC00, v45;
	v32 =	vld.idx.msk [tilespmem:v37+s3+$0x0], $0xffff;
	[tilespmem:v30+s25+$0x0] =	vst.idx.msk $0xffff, v28;
	v25 =	vmul.f32 v25, v38  }
0x480: {  	v28 =	vor.u32 v29, v31;
	v37 =	vld [tilespmem:s1+$0x180];
	[tilespmem:v21+s25+$0x0] =	vst.idx.msk $0xffff, v27;
	v23 =	vmul.f32 v23, v42  }
0x481: {  	v38 =	vadd.s32 v4, v28;
	v21 =	vadd.s32 v5, v28;
	v27 =	vld.idx.msk [tilespmem:v35+s3+$0x0], $0xffff;
	v24 =	vmul.f32 v24, v33  }
0x482: {  	v31 =	vor.u32 $0x1, v38;
	v35 =	vor.u32 $0x7, v38;
	v28 =	vld.idx.msk [tilespmem:v36+s3+$0x0], $0xffff;
	v33 =	vmul.f32 v16, v44;
	[tilespmem:v22+s25+$0x0] =	vst.idx.msk $0xffff, v25  }
0x483: {  	v30 =	vor.u32 $0x2, v38;
	v22 =	vor.u32 $0x4, v38;
	v29 =	vld.idx.msk [tilespmem:v39+s3+$0x0], $0xffff;
	[tilespmem:v19+s25+$0x0] =	vst.idx.msk $0xffff, v23;
	v19 =	vor.u32 $0x5, v38  }
0x484: {  	v16 =	vmov v34;
	v25 =	vld.idx.msk [tilespmem:v40+s3+$0x0], $0xffff;
	[tilespmem:v20+s25+$0x0] =	vst.idx.msk $0xffff, v24;
	v20 =	vor.u32 $0x6, v38  }
.Ltmp19:
0x485: {  	v23 =	vld.idx.msk [tilespmem:v41+s3+$0x0], $0xffff;
	v32 =	vmul.f32 v32, v37;
	[tilespmem:v17+s25+$0x0] =	vst.idx.msk $0xffff, v33;
	v17 =	vmov v38;
	(pc) =	sbr.rel @p0 .LBB2_40-.Ltmp19, $4  }
0x486: {  	v24 =	vld.idx.msk [tilespmem:v43+s3+$0x0], $0xffff  }
0x487: {  	v33 =	vld [tilespmem:s1+$0xFFFFFE80];
	[tilespmem:v35+s25+$0x0] =	vst.idx.msk $0xffff, v32  }
0x488: {  	v34 =	vld [tilespmem:s1+$0xFFFFFF00]  }
0x489: {  	v26 =	vadd.s32 $0x200, v26;
	v32 =	vld [tilespmem:s1+$0xFFFFFF80]  }
0x48a: {  	v18 =	vld [tilespmem:s1+$0x0]  }
0x48b: {  	v35 =	vld [tilespmem:s1+$0xFFFFFE00]  }
0x48c: {  	v26 =	vld [tilespmem:s1+$0x80];
	v27 =	vmul.f32 v27, v33  }
0x48d: {  	v61 =	vld [tilespmem:s1+$0x100];
	v28 =	vmul.f32 v28, v34  }
0x48e: {  	[tilespmem:v31+s25+$0x0] =	vst.idx.msk $0xffff, v27;
	v27 =	vmul.f32 v29, v32  }
0x48f: {  	[tilespmem:v30+s25+$0x0] =	vst.idx.msk $0xffff, v28;
	v18 =	vmul.f32 v25, v18  }
0x490: {  	v16 =	vmul.f32 v16, v35;
	[tilespmem:v21+s25+$0x0] =	vst.idx.msk $0xffff, v27  }
0x491: {  	v21 =	vmul.f32 v23, v26;
	[tilespmem:v22+s25+$0x0] =	vst.idx.msk $0xffff, v18  }
0x492: {  	v23 =	vmul.f32 v24, v61;
	[tilespmem:v17+s25+$0x0] =	vst.idx.msk $0xffff, v16  }
0x493: {  	[tilespmem:v19+s25+$0x0] =	vst.idx.msk $0xffff, v21  }
0x494: {  	[tilespmem:v20+s25+$0x0] =	vst.idx.msk $0xffff, v23  }
0x495: {  	v16 =	vld [tilespmem:$0x2130];
	_ =	sdelay $0x4  }
0x496: {  	vm0 =	vgt.s32 v16, $0x0  }
0x497: {  	v16 =	vnsel vm0, $0x0, v16  }
0x498: {  	v26 =	vmin.u32 v16, $0x3F  }
0x499: {  	v17 =	vadd.s32 $0x1C0, v26;
	_ =	sdelay $0x1  }
0x49a: {  	s1 =	simm.s32 $0x6430;
	v19 =	vadd.s32 $0x40, v26  }
0x49b: {  	v31 =	vld [tilespmem:s1+$0x180]  }
0x49c: {  	v18 =	vimm.s32 $0x0;
	v33 =	vld [tilespmem:s1+$0xFFFFFE80]  }
0x49d: {  	v20 =	vadd.s32 $0x80, v26;
	v30 =	vld.idx.msk [tilespmem:v17+s3+$0x0], $0xffff;
	v17 =	vshll.u32 v18, $0x3  }
0x49e: {  	v25 =	vand.u32 $0x78, v18;
	v34 =	vld [tilespmem:s1+$0xFFFFFF00];
	v21 =	vadd.s32 $0xC0, v26;
	v17 =	vand.u32 $0xFFFFFC00, v17  }
0x49f: {  	v23 =	vadd.s32 $0x140, v26;
	v27 =	vld.idx.msk [tilespmem:v19+s3+$0x0], $0xffff;
	v19 =	vor.u32 v25, v17  }
0x4a0: {  	v32 =	vld [tilespmem:s1+$0xFFFFFF80];
	v22 =	vadd.s32 $0x100, v26;
	v17 =	vadd.s32 v6, v19  }
0x4a1: {  	v24 =	vadd.s32 $0x180, v26;
	v16 =	vld.idx.msk [tilespmem:v26+s3+$0x0], $0xffff;
	v62 =	vor.u32 $0x7, v17  }
0x4a2: {  	v28 =	vld.idx.msk [tilespmem:v20+s3+$0x0], $0xffff  }
0x4a3: {  	v29 =	vld.idx.msk [tilespmem:v21+s3+$0x0], $0xffff  }
0x4a4: {  	v26 =	vadd.s32 $0x200, v26;
	v23 =	vld.idx.msk [tilespmem:v23+s3+$0x0], $0xffff;
	v63 =	vmul.f32 v30, v31  }
0x4a5: {  	v25 =	vld.idx.msk [tilespmem:v22+s3+$0x0], $0xffff;
	v21 =	vadd.s32 v7, v19;
	v22 =	vor.u32 $0x4, v17;
	v19 =	vor.u32 $0x5, v17  }
0x4a6: {  	s0 =	simm.s32 $0x0;
	v24 =	vld.idx.msk [tilespmem:v24+s3+$0x0], $0xffff;
	v20 =	vor.u32 $0x6, v17;
	v31 =	vor.u32 $0x1, v17;
	v30 =	vor.u32 $0x2, v17;
	[tilespmem:v62+s25+$0x0] =	vst.idx.msk $0xffff, v63  }
.LBB2_42:
0x4a7: {  	v35 =	vadd.s32 $0x40, v26;
	v36 =	vadd.s32 $0x80, v26;
	v37 =	vadd.s32 $0x1C0, v26;
	s0 =	sadd.s32 $0x8, s0;
	v38 =	vld [tilespmem:s1+$0x0]  }
0x4a8: {  	v39 =	vadd.s32 $0xC0, v26;
	v40 =	vadd.s32 $0x100, v26;
	v41 =	vadd.s32 $0x140, v26;
	p0 =	slt.u32 s0, $0x78;
	v42 =	vld [tilespmem:s1+$0x80]  }
0x4a9: {  	v43 =	vadd.s32 $0x180, v26;
	v27 =	vmul.f32 v27, v33;
	v33 =	vld [tilespmem:s1+$0x100]  }
0x4aa: {  	v18 =	vadd.s32 $0x8, v18;
	v44 =	vld [tilespmem:s1+$0xFFFFFE00];
	v28 =	vmul.f32 v28, v34  }
0x4ab: {  	v45 =	vshll.u32 v18, $0x3;
	v34 =	vld.idx.msk [tilespmem:v26+s3+$0x0], $0xffff;
	[tilespmem:v31+s25+$0x0] =	vst.idx.msk $0xffff, v27;
	v27 =	vmul.f32 v29, v32  }
0x4ac: {  	s1 =	sadd.s32 $0x400, s1;
	v29 =	vand.u32 $0x78, v18;
	v31 =	vand.u32 $0xFFFFFC00, v45;
	v32 =	vld.idx.msk [tilespmem:v37+s3+$0x0], $0xffff;
	[tilespmem:v30+s25+$0x0] =	vst.idx.msk $0xffff, v28;
	v25 =	vmul.f32 v25, v38  }
0x4ad: {  	v28 =	vor.u32 v29, v31;
	v37 =	vld [tilespmem:s1+$0x180];
	[tilespmem:v21+s25+$0x0] =	vst.idx.msk $0xffff, v27;
	v23 =	vmul.f32 v23, v42  }
0x4ae: {  	v38 =	vadd.s32 v6, v28;
	v21 =	vadd.s32 v7, v28;
	v27 =	vld.idx.msk [tilespmem:v35+s3+$0x0], $0xffff;
	v24 =	vmul.f32 v24, v33  }
0x4af: {  	v31 =	vor.u32 $0x1, v38;
	v35 =	vor.u32 $0x7, v38;
	v28 =	vld.idx.msk [tilespmem:v36+s3+$0x0], $0xffff;
	v33 =	vmul.f32 v16, v44;
	[tilespmem:v22+s25+$0x0] =	vst.idx.msk $0xffff, v25  }
0x4b0: {  	v30 =	vor.u32 $0x2, v38;
	v22 =	vor.u32 $0x4, v38;
	v29 =	vld.idx.msk [tilespmem:v39+s3+$0x0], $0xffff;
	[tilespmem:v19+s25+$0x0] =	vst.idx.msk $0xffff, v23;
	v19 =	vor.u32 $0x5, v38  }
0x4b1: {  	v16 =	vmov v34;
	v25 =	vld.idx.msk [tilespmem:v40+s3+$0x0], $0xffff;
	[tilespmem:v20+s25+$0x0] =	vst.idx.msk $0xffff, v24;
	v20 =	vor.u32 $0x6, v38  }
.Ltmp20:
0x4b2: {  	v23 =	vld.idx.msk [tilespmem:v41+s3+$0x0], $0xffff;
	v32 =	vmul.f32 v32, v37;
	[tilespmem:v17+s25+$0x0] =	vst.idx.msk $0xffff, v33;
	v17 =	vmov v38;
	(pc) =	sbr.rel @p0 .LBB2_42-.Ltmp20, $4  }
0x4b3: {  	v24 =	vld.idx.msk [tilespmem:v43+s3+$0x0], $0xffff  }
0x4b4: {  	v33 =	vld [tilespmem:s1+$0xFFFFFE80];
	[tilespmem:v35+s25+$0x0] =	vst.idx.msk $0xffff, v32  }
0x4b5: {  	v34 =	vld [tilespmem:s1+$0xFFFFFF00]  }
0x4b6: {  	v26 =	vadd.s32 $0x200, v26;
	v32 =	vld [tilespmem:s1+$0xFFFFFF80]  }
0x4b7: {  	v18 =	vld [tilespmem:s1+$0x0]  }
0x4b8: {  	v35 =	vld [tilespmem:s1+$0xFFFFFE00]  }
0x4b9: {  	v26 =	vld [tilespmem:s1+$0x80];
	v27 =	vmul.f32 v27, v33  }
0x4ba: {  	v61 =	vld [tilespmem:s1+$0x100];
	v28 =	vmul.f32 v28, v34  }
0x4bb: {  	[tilespmem:v31+s25+$0x0] =	vst.idx.msk $0xffff, v27;
	v27 =	vmul.f32 v29, v32  }
0x4bc: {  	[tilespmem:v30+s25+$0x0] =	vst.idx.msk $0xffff, v28;
	v18 =	vmul.f32 v25, v18  }
0x4bd: {  	v16 =	vmul.f32 v16, v35;
	[tilespmem:v21+s25+$0x0] =	vst.idx.msk $0xffff, v27  }
0x4be: {  	v21 =	vmul.f32 v23, v26;
	[tilespmem:v22+s25+$0x0] =	vst.idx.msk $0xffff, v18  }
0x4bf: {  	v23 =	vmul.f32 v24, v61;
	[tilespmem:v17+s25+$0x0] =	vst.idx.msk $0xffff, v16  }
0x4c0: {  	[tilespmem:v19+s25+$0x0] =	vst.idx.msk $0xffff, v21  }
0x4c1: {  	[tilespmem:v20+s25+$0x0] =	vst.idx.msk $0xffff, v23  }
0x4c2: {  	v16 =	vld [tilespmem:$0x2140];
	_ =	sdelay $0x4  }
0x4c3: {  	vm0 =	vgt.s32 v16, $0x0  }
0x4c4: {  	v16 =	vnsel vm0, $0x0, v16  }
0x4c5: {  	v26 =	vmin.u32 v16, $0x3F  }
0x4c6: {  	v17 =	vadd.s32 $0x1C0, v26;
	_ =	sdelay $0x1  }
0x4c7: {  	s1 =	simm.s32 $0x6440;
	v19 =	vadd.s32 $0x40, v26  }
0x4c8: {  	v31 =	vld [tilespmem:s1+$0x180]  }
0x4c9: {  	v18 =	vimm.s32 $0x0;
	v33 =	vld [tilespmem:s1+$0xFFFFFE80]  }
0x4ca: {  	v20 =	vadd.s32 $0x80, v26;
	v30 =	vld.idx.msk [tilespmem:v17+s3+$0x0], $0xffff;
	v17 =	vshll.u32 v18, $0x3  }
0x4cb: {  	v25 =	vand.u32 $0x78, v18;
	v34 =	vld [tilespmem:s1+$0xFFFFFF00];
	v21 =	vadd.s32 $0xC0, v26;
	v17 =	vand.u32 $0xFFFFFC00, v17  }
0x4cc: {  	v23 =	vadd.s32 $0x140, v26;
	v27 =	vld.idx.msk [tilespmem:v19+s3+$0x0], $0xffff;
	v19 =	vor.u32 v25, v17  }
0x4cd: {  	v32 =	vld [tilespmem:s1+$0xFFFFFF80];
	v22 =	vadd.s32 $0x100, v26;
	v17 =	vadd.s32 v8, v19  }
0x4ce: {  	v24 =	vadd.s32 $0x180, v26;
	v16 =	vld.idx.msk [tilespmem:v26+s3+$0x0], $0xffff;
	v62 =	vor.u32 $0x7, v17  }
0x4cf: {  	v28 =	vld.idx.msk [tilespmem:v20+s3+$0x0], $0xffff  }
0x4d0: {  	v29 =	vld.idx.msk [tilespmem:v21+s3+$0x0], $0xffff  }
0x4d1: {  	v26 =	vadd.s32 $0x200, v26;
	v23 =	vld.idx.msk [tilespmem:v23+s3+$0x0], $0xffff;
	v63 =	vmul.f32 v30, v31  }
0x4d2: {  	v25 =	vld.idx.msk [tilespmem:v22+s3+$0x0], $0xffff;
	v21 =	vadd.s32 v9, v19;
	v22 =	vor.u32 $0x4, v17;
	v19 =	vor.u32 $0x5, v17  }
0x4d3: {  	s0 =	simm.s32 $0x0;
	v24 =	vld.idx.msk [tilespmem:v24+s3+$0x0], $0xffff;
	v20 =	vor.u32 $0x6, v17;
	v31 =	vor.u32 $0x1, v17;
	v30 =	vor.u32 $0x2, v17;
	[tilespmem:v62+s25+$0x0] =	vst.idx.msk $0xffff, v63  }
.LBB2_44:
0x4d4: {  	v35 =	vadd.s32 $0x40, v26;
	v36 =	vadd.s32 $0x80, v26;
	v37 =	vadd.s32 $0x1C0, v26;
	s0 =	sadd.s32 $0x8, s0;
	v38 =	vld [tilespmem:s1+$0x0]  }
0x4d5: {  	v39 =	vadd.s32 $0xC0, v26;
	v40 =	vadd.s32 $0x100, v26;
	v41 =	vadd.s32 $0x140, v26;
	p0 =	slt.u32 s0, $0x78;
	v42 =	vld [tilespmem:s1+$0x80]  }
0x4d6: {  	v43 =	vadd.s32 $0x180, v26;
	v27 =	vmul.f32 v27, v33;
	v33 =	vld [tilespmem:s1+$0x100]  }
0x4d7: {  	v18 =	vadd.s32 $0x8, v18;
	v44 =	vld [tilespmem:s1+$0xFFFFFE00];
	v28 =	vmul.f32 v28, v34  }
0x4d8: {  	v45 =	vshll.u32 v18, $0x3;
	v34 =	vld.idx.msk [tilespmem:v26+s3+$0x0], $0xffff;
	[tilespmem:v31+s25+$0x0] =	vst.idx.msk $0xffff, v27;
	v27 =	vmul.f32 v29, v32  }
0x4d9: {  	s1 =	sadd.s32 $0x400, s1;
	v29 =	vand.u32 $0x78, v18;
	v31 =	vand.u32 $0xFFFFFC00, v45;
	v32 =	vld.idx.msk [tilespmem:v37+s3+$0x0], $0xffff;
	[tilespmem:v30+s25+$0x0] =	vst.idx.msk $0xffff, v28;
	v25 =	vmul.f32 v25, v38  }
0x4da: {  	v28 =	vor.u32 v29, v31;
	v37 =	vld [tilespmem:s1+$0x180];
	[tilespmem:v21+s25+$0x0] =	vst.idx.msk $0xffff, v27;
	v23 =	vmul.f32 v23, v42  }
0x4db: {  	v38 =	vadd.s32 v8, v28;
	v21 =	vadd.s32 v9, v28;
	v27 =	vld.idx.msk [tilespmem:v35+s3+$0x0], $0xffff;
	v24 =	vmul.f32 v24, v33  }
0x4dc: {  	v31 =	vor.u32 $0x1, v38;
	v35 =	vor.u32 $0x7, v38;
	v28 =	vld.idx.msk [tilespmem:v36+s3+$0x0], $0xffff;
	v33 =	vmul.f32 v16, v44;
	[tilespmem:v22+s25+$0x0] =	vst.idx.msk $0xffff, v25  }
0x4dd: {  	v30 =	vor.u32 $0x2, v38;
	v22 =	vor.u32 $0x4, v38;
	v29 =	vld.idx.msk [tilespmem:v39+s3+$0x0], $0xffff;
	[tilespmem:v19+s25+$0x0] =	vst.idx.msk $0xffff, v23;
	v19 =	vor.u32 $0x5, v38  }
0x4de: {  	v16 =	vmov v34;
	v25 =	vld.idx.msk [tilespmem:v40+s3+$0x0], $0xffff;
	[tilespmem:v20+s25+$0x0] =	vst.idx.msk $0xffff, v24;
	v20 =	vor.u32 $0x6, v38  }
.Ltmp21:
0x4df: {  	v23 =	vld.idx.msk [tilespmem:v41+s3+$0x0], $0xffff;
	v32 =	vmul.f32 v32, v37;
	[tilespmem:v17+s25+$0x0] =	vst.idx.msk $0xffff, v33;
	v17 =	vmov v38;
	(pc) =	sbr.rel @p0 .LBB2_44-.Ltmp21, $4  }
0x4e0: {  	v24 =	vld.idx.msk [tilespmem:v43+s3+$0x0], $0xffff  }
0x4e1: {  	v33 =	vld [tilespmem:s1+$0xFFFFFE80];
	[tilespmem:v35+s25+$0x0] =	vst.idx.msk $0xffff, v32  }
0x4e2: {  	v34 =	vld [tilespmem:s1+$0xFFFFFF00]  }
0x4e3: {  	v26 =	vadd.s32 $0x200, v26;
	v32 =	vld [tilespmem:s1+$0xFFFFFF80]  }
0x4e4: {  	v18 =	vld [tilespmem:s1+$0x0]  }
0x4e5: {  	v35 =	vld [tilespmem:s1+$0xFFFFFE00]  }
0x4e6: {  	v26 =	vld [tilespmem:s1+$0x80];
	v27 =	vmul.f32 v27, v33  }
0x4e7: {  	v61 =	vld [tilespmem:s1+$0x100];
	v28 =	vmul.f32 v28, v34  }
0x4e8: {  	[tilespmem:v31+s25+$0x0] =	vst.idx.msk $0xffff, v27;
	v27 =	vmul.f32 v29, v32  }
0x4e9: {  	[tilespmem:v30+s25+$0x0] =	vst.idx.msk $0xffff, v28;
	v18 =	vmul.f32 v25, v18  }
0x4ea: {  	v16 =	vmul.f32 v16, v35;
	[tilespmem:v21+s25+$0x0] =	vst.idx.msk $0xffff, v27  }
0x4eb: {  	v21 =	vmul.f32 v23, v26;
	[tilespmem:v22+s25+$0x0] =	vst.idx.msk $0xffff, v18  }
0x4ec: {  	v23 =	vmul.f32 v24, v61;
	[tilespmem:v17+s25+$0x0] =	vst.idx.msk $0xffff, v16  }
0x4ed: {  	[tilespmem:v19+s25+$0x0] =	vst.idx.msk $0xffff, v21  }
0x4ee: {  	[tilespmem:v20+s25+$0x0] =	vst.idx.msk $0xffff, v23  }
0x4ef: {  	v16 =	vld [tilespmem:$0x2150];
	_ =	sdelay $0x4  }
0x4f0: {  	vm0 =	vgt.s32 v16, $0x0  }
0x4f1: {  	v16 =	vnsel vm0, $0x0, v16  }
0x4f2: {  	v26 =	vmin.u32 v16, $0x3F  }
0x4f3: {  	v17 =	vadd.s32 $0x1C0, v26;
	_ =	sdelay $0x1  }
0x4f4: {  	s1 =	simm.s32 $0x6450;
	v19 =	vadd.s32 $0x40, v26  }
0x4f5: {  	v31 =	vld [tilespmem:s1+$0x180]  }
0x4f6: {  	v18 =	vimm.s32 $0x0;
	v33 =	vld [tilespmem:s1+$0xFFFFFE80]  }
0x4f7: {  	v20 =	vadd.s32 $0x80, v26;
	v30 =	vld.idx.msk [tilespmem:v17+s3+$0x0], $0xffff;
	v17 =	vshll.u32 v18, $0x3  }
0x4f8: {  	v25 =	vand.u32 $0x78, v18;
	v34 =	vld [tilespmem:s1+$0xFFFFFF00];
	v21 =	vadd.s32 $0xC0, v26;
	v17 =	vand.u32 $0xFFFFFC00, v17  }
0x4f9: {  	v23 =	vadd.s32 $0x140, v26;
	v27 =	vld.idx.msk [tilespmem:v19+s3+$0x0], $0xffff;
	v19 =	vor.u32 v25, v17  }
0x4fa: {  	v32 =	vld [tilespmem:s1+$0xFFFFFF80];
	v22 =	vadd.s32 $0x100, v26;
	v17 =	vadd.s32 v10, v19  }
0x4fb: {  	v24 =	vadd.s32 $0x180, v26;
	v16 =	vld.idx.msk [tilespmem:v26+s3+$0x0], $0xffff;
	v62 =	vor.u32 $0x7, v17  }
0x4fc: {  	v28 =	vld.idx.msk [tilespmem:v20+s3+$0x0], $0xffff  }
0x4fd: {  	v29 =	vld.idx.msk [tilespmem:v21+s3+$0x0], $0xffff  }
0x4fe: {  	v26 =	vadd.s32 $0x200, v26;
	v23 =	vld.idx.msk [tilespmem:v23+s3+$0x0], $0xffff;
	v63 =	vmul.f32 v30, v31  }
0x4ff: {  	v25 =	vld.idx.msk [tilespmem:v22+s3+$0x0], $0xffff;
	v21 =	vadd.s32 v11, v19;
	v22 =	vor.u32 $0x4, v17;
	v19 =	vor.u32 $0x5, v17  }
0x500: {  	s0 =	simm.s32 $0x0;
	v24 =	vld.idx.msk [tilespmem:v24+s3+$0x0], $0xffff;
	v20 =	vor.u32 $0x6, v17;
	v31 =	vor.u32 $0x1, v17;
	v30 =	vor.u32 $0x2, v17;
	[tilespmem:v62+s25+$0x0] =	vst.idx.msk $0xffff, v63  }
.LBB2_46:
0x501: {  	v35 =	vadd.s32 $0x40, v26;
	v36 =	vadd.s32 $0x80, v26;
	v37 =	vadd.s32 $0x1C0, v26;
	s0 =	sadd.s32 $0x8, s0;
	v38 =	vld [tilespmem:s1+$0x0]  }
0x502: {  	v39 =	vadd.s32 $0xC0, v26;
	v40 =	vadd.s32 $0x100, v26;
	v41 =	vadd.s32 $0x140, v26;
	p0 =	slt.u32 s0, $0x78;
	v42 =	vld [tilespmem:s1+$0x80]  }
0x503: {  	v43 =	vadd.s32 $0x180, v26;
	v27 =	vmul.f32 v27, v33;
	v33 =	vld [tilespmem:s1+$0x100]  }
0x504: {  	v18 =	vadd.s32 $0x8, v18;
	v44 =	vld [tilespmem:s1+$0xFFFFFE00];
	v28 =	vmul.f32 v28, v34  }
0x505: {  	v45 =	vshll.u32 v18, $0x3;
	v34 =	vld.idx.msk [tilespmem:v26+s3+$0x0], $0xffff;
	[tilespmem:v31+s25+$0x0] =	vst.idx.msk $0xffff, v27;
	v27 =	vmul.f32 v29, v32  }
0x506: {  	s1 =	sadd.s32 $0x400, s1;
	v29 =	vand.u32 $0x78, v18;
	v31 =	vand.u32 $0xFFFFFC00, v45;
	v32 =	vld.idx.msk [tilespmem:v37+s3+$0x0], $0xffff;
	[tilespmem:v30+s25+$0x0] =	vst.idx.msk $0xffff, v28;
	v25 =	vmul.f32 v25, v38  }
0x507: {  	v28 =	vor.u32 v29, v31;
	v37 =	vld [tilespmem:s1+$0x180];
	[tilespmem:v21+s25+$0x0] =	vst.idx.msk $0xffff, v27;
	v23 =	vmul.f32 v23, v42  }
0x508: {  	v38 =	vadd.s32 v10, v28;
	v21 =	vadd.s32 v11, v28;
	v27 =	vld.idx.msk [tilespmem:v35+s3+$0x0], $0xffff;
	v24 =	vmul.f32 v24, v33  }
0x509: {  	v31 =	vor.u32 $0x1, v38;
	v35 =	vor.u32 $0x7, v38;
	v28 =	vld.idx.msk [tilespmem:v36+s3+$0x0], $0xffff;
	v33 =	vmul.f32 v16, v44;
	[tilespmem:v22+s25+$0x0] =	vst.idx.msk $0xffff, v25  }
0x50a: {  	v30 =	vor.u32 $0x2, v38;
	v22 =	vor.u32 $0x4, v38;
	v29 =	vld.idx.msk [tilespmem:v39+s3+$0x0], $0xffff;
	[tilespmem:v19+s25+$0x0] =	vst.idx.msk $0xffff, v23;
	v19 =	vor.u32 $0x5, v38  }
0x50b: {  	v16 =	vmov v34;
	v25 =	vld.idx.msk [tilespmem:v40+s3+$0x0], $0xffff;
	[tilespmem:v20+s25+$0x0] =	vst.idx.msk $0xffff, v24;
	v20 =	vor.u32 $0x6, v38  }
.Ltmp22:
0x50c: {  	v23 =	vld.idx.msk [tilespmem:v41+s3+$0x0], $0xffff;
	v32 =	vmul.f32 v32, v37;
	[tilespmem:v17+s25+$0x0] =	vst.idx.msk $0xffff, v33;
	v17 =	vmov v38;
	(pc) =	sbr.rel @p0 .LBB2_46-.Ltmp22, $4  }
0x50d: {  	v24 =	vld.idx.msk [tilespmem:v43+s3+$0x0], $0xffff  }
0x50e: {  	v33 =	vld [tilespmem:s1+$0xFFFFFE80];
	[tilespmem:v35+s25+$0x0] =	vst.idx.msk $0xffff, v32  }
0x50f: {  	v34 =	vld [tilespmem:s1+$0xFFFFFF00]  }
0x510: {  	v26 =	vadd.s32 $0x200, v26;
	v32 =	vld [tilespmem:s1+$0xFFFFFF80]  }
0x511: {  	v18 =	vld [tilespmem:s1+$0x0]  }
0x512: {  	v35 =	vld [tilespmem:s1+$0xFFFFFE00]  }
0x513: {  	v26 =	vld [tilespmem:s1+$0x80];
	v27 =	vmul.f32 v27, v33  }
0x514: {  	v61 =	vld [tilespmem:s1+$0x100];
	v28 =	vmul.f32 v28, v34  }
0x515: {  	[tilespmem:v31+s25+$0x0] =	vst.idx.msk $0xffff, v27;
	v27 =	vmul.f32 v29, v32  }
0x516: {  	[tilespmem:v30+s25+$0x0] =	vst.idx.msk $0xffff, v28;
	v18 =	vmul.f32 v25, v18  }
0x517: {  	v16 =	vmul.f32 v16, v35;
	[tilespmem:v21+s25+$0x0] =	vst.idx.msk $0xffff, v27  }
0x518: {  	v21 =	vmul.f32 v23, v26;
	[tilespmem:v22+s25+$0x0] =	vst.idx.msk $0xffff, v18  }
0x519: {  	v23 =	vmul.f32 v24, v61;
	[tilespmem:v17+s25+$0x0] =	vst.idx.msk $0xffff, v16  }
0x51a: {  	[tilespmem:v19+s25+$0x0] =	vst.idx.msk $0xffff, v21  }
0x51b: {  	[tilespmem:v20+s25+$0x0] =	vst.idx.msk $0xffff, v23  }
0x51c: {  	v16 =	vld [tilespmem:$0x2160];
	_ =	sdelay $0x4  }
0x51d: {  	vm0 =	vgt.s32 v16, $0x0  }
0x51e: {  	v16 =	vnsel vm0, $0x0, v16  }
0x51f: {  	v26 =	vmin.u32 v16, $0x3F  }
0x520: {  	v17 =	vadd.s32 $0x1C0, v26;
	_ =	sdelay $0x1  }
0x521: {  	s1 =	simm.s32 $0x6460;
	v19 =	vadd.s32 $0x40, v26  }
0x522: {  	v31 =	vld [tilespmem:s1+$0x180]  }
0x523: {  	v18 =	vimm.s32 $0x0;
	v33 =	vld [tilespmem:s1+$0xFFFFFE80]  }
0x524: {  	v20 =	vadd.s32 $0x80, v26;
	v30 =	vld.idx.msk [tilespmem:v17+s3+$0x0], $0xffff;
	v17 =	vshll.u32 v18, $0x3  }
0x525: {  	v25 =	vand.u32 $0x78, v18;
	v34 =	vld [tilespmem:s1+$0xFFFFFF00];
	v21 =	vadd.s32 $0xC0, v26;
	v17 =	vand.u32 $0xFFFFFC00, v17  }
0x526: {  	v23 =	vadd.s32 $0x140, v26;
	v27 =	vld.idx.msk [tilespmem:v19+s3+$0x0], $0xffff;
	v19 =	vor.u32 v25, v17  }
0x527: {  	v32 =	vld [tilespmem:s1+$0xFFFFFF80];
	v22 =	vadd.s32 $0x100, v26;
	v17 =	vadd.s32 v12, v19  }
0x528: {  	v24 =	vadd.s32 $0x180, v26;
	v16 =	vld.idx.msk [tilespmem:v26+s3+$0x0], $0xffff;
	v62 =	vor.u32 $0x7, v17  }
0x529: {  	v28 =	vld.idx.msk [tilespmem:v20+s3+$0x0], $0xffff  }
0x52a: {  	v29 =	vld.idx.msk [tilespmem:v21+s3+$0x0], $0xffff  }
0x52b: {  	v26 =	vadd.s32 $0x200, v26;
	v23 =	vld.idx.msk [tilespmem:v23+s3+$0x0], $0xffff;
	v63 =	vmul.f32 v30, v31  }
0x52c: {  	v25 =	vld.idx.msk [tilespmem:v22+s3+$0x0], $0xffff;
	v21 =	vadd.s32 v13, v19;
	v22 =	vor.u32 $0x4, v17;
	v19 =	vor.u32 $0x5, v17  }
0x52d: {  	s0 =	simm.s32 $0x0;
	v24 =	vld.idx.msk [tilespmem:v24+s3+$0x0], $0xffff;
	v20 =	vor.u32 $0x6, v17;
	v31 =	vor.u32 $0x1, v17;
	v30 =	vor.u32 $0x2, v17;
	[tilespmem:v62+s25+$0x0] =	vst.idx.msk $0xffff, v63  }
.LBB2_48:
0x52e: {  	v35 =	vadd.s32 $0x40, v26;
	v36 =	vadd.s32 $0x80, v26;
	v37 =	vadd.s32 $0x1C0, v26;
	s0 =	sadd.s32 $0x8, s0;
	v38 =	vld [tilespmem:s1+$0x0]  }
0x52f: {  	v39 =	vadd.s32 $0xC0, v26;
	v40 =	vadd.s32 $0x100, v26;
	v41 =	vadd.s32 $0x140, v26;
	p0 =	slt.u32 s0, $0x78;
	v42 =	vld [tilespmem:s1+$0x80]  }
0x530: {  	v43 =	vadd.s32 $0x180, v26;
	v27 =	vmul.f32 v27, v33;
	v33 =	vld [tilespmem:s1+$0x100]  }
0x531: {  	v18 =	vadd.s32 $0x8, v18;
	v44 =	vld [tilespmem:s1+$0xFFFFFE00];
	v28 =	vmul.f32 v28, v34  }
0x532: {  	v45 =	vshll.u32 v18, $0x3;
	v34 =	vld.idx.msk [tilespmem:v26+s3+$0x0], $0xffff;
	[tilespmem:v31+s25+$0x0] =	vst.idx.msk $0xffff, v27;
	v27 =	vmul.f32 v29, v32  }
0x533: {  	s1 =	sadd.s32 $0x400, s1;
	v29 =	vand.u32 $0x78, v18;
	v31 =	vand.u32 $0xFFFFFC00, v45;
	v32 =	vld.idx.msk [tilespmem:v37+s3+$0x0], $0xffff;
	[tilespmem:v30+s25+$0x0] =	vst.idx.msk $0xffff, v28;
	v25 =	vmul.f32 v25, v38  }
0x534: {  	v28 =	vor.u32 v29, v31;
	v37 =	vld [tilespmem:s1+$0x180];
	[tilespmem:v21+s25+$0x0] =	vst.idx.msk $0xffff, v27;
	v23 =	vmul.f32 v23, v42  }
0x535: {  	v38 =	vadd.s32 v12, v28;
	v21 =	vadd.s32 v13, v28;
	v27 =	vld.idx.msk [tilespmem:v35+s3+$0x0], $0xffff;
	v24 =	vmul.f32 v24, v33  }
0x536: {  	v31 =	vor.u32 $0x1, v38;
	v35 =	vor.u32 $0x7, v38;
	v28 =	vld.idx.msk [tilespmem:v36+s3+$0x0], $0xffff;
	v33 =	vmul.f32 v16, v44;
	[tilespmem:v22+s25+$0x0] =	vst.idx.msk $0xffff, v25  }
0x537: {  	v30 =	vor.u32 $0x2, v38;
	v22 =	vor.u32 $0x4, v38;
	v29 =	vld.idx.msk [tilespmem:v39+s3+$0x0], $0xffff;
	[tilespmem:v19+s25+$0x0] =	vst.idx.msk $0xffff, v23;
	v19 =	vor.u32 $0x5, v38  }
0x538: {  	v16 =	vmov v34;
	v25 =	vld.idx.msk [tilespmem:v40+s3+$0x0], $0xffff;
	[tilespmem:v20+s25+$0x0] =	vst.idx.msk $0xffff, v24;
	v20 =	vor.u32 $0x6, v38  }
.Ltmp23:
0x539: {  	v23 =	vld.idx.msk [tilespmem:v41+s3+$0x0], $0xffff;
	v32 =	vmul.f32 v32, v37;
	[tilespmem:v17+s25+$0x0] =	vst.idx.msk $0xffff, v33;
	v17 =	vmov v38;
	(pc) =	sbr.rel @p0 .LBB2_48-.Ltmp23, $4  }
0x53a: {  	v24 =	vld.idx.msk [tilespmem:v43+s3+$0x0], $0xffff  }
0x53b: {  	v33 =	vld [tilespmem:s1+$0xFFFFFE80];
	[tilespmem:v35+s25+$0x0] =	vst.idx.msk $0xffff, v32  }
0x53c: {  	v34 =	vld [tilespmem:s1+$0xFFFFFF00]  }
0x53d: {  	v26 =	vadd.s32 $0x200, v26;
	v32 =	vld [tilespmem:s1+$0xFFFFFF80]  }
0x53e: {  	v18 =	vld [tilespmem:s1+$0x0]  }
0x53f: {  	v35 =	vld [tilespmem:s1+$0xFFFFFE00]  }
0x540: {  	v26 =	vld [tilespmem:s1+$0x80];
	v27 =	vmul.f32 v27, v33  }
0x541: {  	v61 =	vld [tilespmem:s1+$0x100];
	v28 =	vmul.f32 v28, v34  }
0x542: {  	[tilespmem:v31+s25+$0x0] =	vst.idx.msk $0xffff, v27;
	v27 =	vmul.f32 v29, v32  }
0x543: {  	[tilespmem:v30+s25+$0x0] =	vst.idx.msk $0xffff, v28;
	v18 =	vmul.f32 v25, v18  }
0x544: {  	v16 =	vmul.f32 v16, v35;
	[tilespmem:v21+s25+$0x0] =	vst.idx.msk $0xffff, v27  }
0x545: {  	v21 =	vmul.f32 v23, v26;
	[tilespmem:v22+s25+$0x0] =	vst.idx.msk $0xffff, v18  }
0x546: {  	v23 =	vmul.f32 v24, v61;
	[tilespmem:v17+s25+$0x0] =	vst.idx.msk $0xffff, v16  }
0x547: {  	[tilespmem:v19+s25+$0x0] =	vst.idx.msk $0xffff, v21  }
0x548: {  	[tilespmem:v20+s25+$0x0] =	vst.idx.msk $0xffff, v23  }
0x549: {  	v16 =	vld [tilespmem:$0x2170];
	_ =	sdelay $0x4  }
0x54a: {  	vm0 =	vgt.s32 v16, $0x0  }
0x54b: {  	v16 =	vnsel vm0, $0x0, v16  }
0x54c: {  	v26 =	vmin.u32 v16, $0x3F  }
0x54d: {  	v17 =	vadd.s32 $0x1C0, v26;
	_ =	sdelay $0x1  }
0x54e: {  	s1 =	simm.s32 $0x6470;
	v19 =	vadd.s32 $0x40, v26  }
0x54f: {  	v31 =	vld [tilespmem:s1+$0x180]  }
0x550: {  	v18 =	vimm.s32 $0x0;
	v33 =	vld [tilespmem:s1+$0xFFFFFE80]  }
0x551: {  	v20 =	vadd.s32 $0x80, v26;
	v30 =	vld.idx.msk [tilespmem:v17+s3+$0x0], $0xffff;
	v17 =	vshll.u32 v18, $0x3  }
0x552: {  	v25 =	vand.u32 $0x78, v18;
	v34 =	vld [tilespmem:s1+$0xFFFFFF00];
	v21 =	vadd.s32 $0xC0, v26;
	v17 =	vand.u32 $0xFFFFFC00, v17  }
0x553: {  	v23 =	vadd.s32 $0x140, v26;
	v27 =	vld.idx.msk [tilespmem:v19+s3+$0x0], $0xffff;
	v19 =	vor.u32 v25, v17  }
0x554: {  	v32 =	vld [tilespmem:s1+$0xFFFFFF80];
	v22 =	vadd.s32 $0x100, v26;
	v17 =	vadd.s32 v14, v19  }
0x555: {  	v24 =	vadd.s32 $0x180, v26;
	v16 =	vld.idx.msk [tilespmem:v26+s3+$0x0], $0xffff;
	v62 =	vor.u32 $0x7, v17  }
0x556: {  	v28 =	vld.idx.msk [tilespmem:v20+s3+$0x0], $0xffff  }
0x557: {  	v29 =	vld.idx.msk [tilespmem:v21+s3+$0x0], $0xffff  }
0x558: {  	v26 =	vadd.s32 $0x200, v26;
	v23 =	vld.idx.msk [tilespmem:v23+s3+$0x0], $0xffff;
	v63 =	vmul.f32 v30, v31  }
0x559: {  	v25 =	vld.idx.msk [tilespmem:v22+s3+$0x0], $0xffff;
	v21 =	vadd.s32 v15, v19;
	v22 =	vor.u32 $0x4, v17;
	v19 =	vor.u32 $0x5, v17  }
0x55a: {  	s0 =	simm.s32 $0x0;
	v24 =	vld.idx.msk [tilespmem:v24+s3+$0x0], $0xffff;
	v20 =	vor.u32 $0x6, v17;
	v31 =	vor.u32 $0x1, v17;
	v30 =	vor.u32 $0x2, v17;
	[tilespmem:v62+s25+$0x0] =	vst.idx.msk $0xffff, v63  }
.LBB2_50:
0x55b: {  	v35 =	vadd.s32 $0x40, v26;
	v36 =	vadd.s32 $0x80, v26;
	v37 =	vadd.s32 $0x1C0, v26;
	s0 =	sadd.s32 $0x8, s0;
	v38 =	vld [tilespmem:s1+$0x0]  }
0x55c: {  	v39 =	vadd.s32 $0xC0, v26;
	v40 =	vadd.s32 $0x100, v26;
	v41 =	vadd.s32 $0x140, v26;
	p0 =	slt.u32 s0, $0x78;
	v42 =	vld [tilespmem:s1+$0x80]  }
0x55d: {  	v43 =	vadd.s32 $0x180, v26;
	v27 =	vmul.f32 v27, v33;
	v33 =	vld [tilespmem:s1+$0x100]  }
0x55e: {  	v18 =	vadd.s32 $0x8, v18;
	v44 =	vld [tilespmem:s1+$0xFFFFFE00];
	v28 =	vmul.f32 v28, v34  }
0x55f: {  	v45 =	vshll.u32 v18, $0x3;
	v34 =	vld.idx.msk [tilespmem:v26+s3+$0x0], $0xffff;
	[tilespmem:v31+s25+$0x0] =	vst.idx.msk $0xffff, v27;
	v27 =	vmul.f32 v29, v32  }
0x560: {  	s1 =	sadd.s32 $0x400, s1;
	v29 =	vand.u32 $0x78, v18;
	v31 =	vand.u32 $0xFFFFFC00, v45;
	v32 =	vld.idx.msk [tilespmem:v37+s3+$0x0], $0xffff;
	[tilespmem:v30+s25+$0x0] =	vst.idx.msk $0xffff, v28;
	v25 =	vmul.f32 v25, v38  }
0x561: {  	v28 =	vor.u32 v29, v31;
	v37 =	vld [tilespmem:s1+$0x180];
	[tilespmem:v21+s25+$0x0] =	vst.idx.msk $0xffff, v27;
	v23 =	vmul.f32 v23, v42  }
0x562: {  	v38 =	vadd.s32 v14, v28;
	v21 =	vadd.s32 v15, v28;
	v27 =	vld.idx.msk [tilespmem:v35+s3+$0x0], $0xffff;
	v24 =	vmul.f32 v24, v33  }
0x563: {  	v31 =	vor.u32 $0x1, v38;
	v35 =	vor.u32 $0x7, v38;
	v28 =	vld.idx.msk [tilespmem:v36+s3+$0x0], $0xffff;
	v33 =	vmul.f32 v16, v44;
	[tilespmem:v22+s25+$0x0] =	vst.idx.msk $0xffff, v25  }
0x564: {  	v30 =	vor.u32 $0x2, v38;
	v22 =	vor.u32 $0x4, v38;
	v29 =	vld.idx.msk [tilespmem:v39+s3+$0x0], $0xffff;
	[tilespmem:v19+s25+$0x0] =	vst.idx.msk $0xffff, v23;
	v19 =	vor.u32 $0x5, v38  }
0x565: {  	v16 =	vmov v34;
	v25 =	vld.idx.msk [tilespmem:v40+s3+$0x0], $0xffff;
	[tilespmem:v20+s25+$0x0] =	vst.idx.msk $0xffff, v24;
	v20 =	vor.u32 $0x6, v38  }
.Ltmp24:
0x566: {  	v23 =	vld.idx.msk [tilespmem:v41+s3+$0x0], $0xffff;
	v32 =	vmul.f32 v32, v37;
	[tilespmem:v17+s25+$0x0] =	vst.idx.msk $0xffff, v33;
	v17 =	vmov v38;
	(pc) =	sbr.rel @p0 .LBB2_50-.Ltmp24, $4  }
0x567: {  	v24 =	vld.idx.msk [tilespmem:v43+s3+$0x0], $0xffff  }
0x568: {  	v33 =	vld [tilespmem:s1+$0xFFFFFE80];
	[tilespmem:v35+s25+$0x0] =	vst.idx.msk $0xffff, v32  }
0x569: {  	v34 =	vld [tilespmem:s1+$0xFFFFFF00]  }
0x56a: {  	v26 =	vadd.s32 $0x200, v26;
	v32 =	vld [tilespmem:s1+$0xFFFFFF80]  }
0x56b: {  	v18 =	vld [tilespmem:s1+$0x0]  }
0x56c: {  	v35 =	vld [tilespmem:s1+$0xFFFFFE00]  }
0x56d: {  	v26 =	vld [tilespmem:s1+$0x80];
	v27 =	vmul.f32 v27, v33  }
0x56e: {  	v61 =	vld [tilespmem:s1+$0x100];
	v28 =	vmul.f32 v28, v34  }
0x56f: {  	[tilespmem:v31+s25+$0x0] =	vst.idx.msk $0xffff, v27;
	v27 =	vmul.f32 v29, v32  }
0x570: {  	[tilespmem:v30+s25+$0x0] =	vst.idx.msk $0xffff, v28;
	v18 =	vmul.f32 v25, v18  }
0x571: {  	v16 =	vmul.f32 v16, v35;
	[tilespmem:v21+s25+$0x0] =	vst.idx.msk $0xffff, v27  }
0x572: {  	v21 =	vmul.f32 v23, v26;
	[tilespmem:v22+s25+$0x0] =	vst.idx.msk $0xffff, v18  }
0x573: {  	v23 =	vmul.f32 v24, v61;
	[tilespmem:v17+s25+$0x0] =	vst.idx.msk $0xffff, v16  }
0x574: {  	[tilespmem:v19+s25+$0x0] =	vst.idx.msk $0xffff, v21  }
0x575: {  	[tilespmem:v20+s25+$0x0] =	vst.idx.msk $0xffff, v23  }
0x576: {  	[hbm4b:s13+s3] =	stream.linear.scatter [tilespmem:s25], [sflag:$0x4], $0x400, $0x38;
	[tilespmem:$0x1A200] =	vst v63  }
0x577: {  	s0 =	sadd.s32 $0x80, s13  }
0x578: {  	[hbm4b:s0+s3] =	stream.linear.scatter [tilespmem:s26], [sflag:$0x4], $0x400, $0x38;
	[tilespmem:$0x1A200] =	vst v63  }
0x579: {  	s31 =	sadd.s32 $0x100, s13  }
0x57a: {  	[hbm4b:s31+s3] =	stream.linear.scatter [tilespmem:s23], [sflag:$0x4], $0x400, $0x38;
	[tilespmem:$0x1A200] =	vst v63  }
0x57b: {  	s1 =	sadd.s32 $0x180, s13  }
0x57c: {  	[hbm4b:s1+s3] =	stream.linear.scatter [tilespmem:s20], [sflag:$0x4], $0x400, $0x38;
	[tilespmem:$0x1A200] =	vst v63  }
0x57d: {  	s5 =	sadd.s32 $0x200, s13  }
0x57e: {  	[hbm4b:s5+s3] =	stream.linear.scatter [tilespmem:s12], [sflag:$0x4], $0x400, $0x38;
	[tilespmem:$0x1A200] =	vst v63  }
0x57f: {  	s17 =	sadd.s32 $0x280, s13  }
0x580: {  	[hbm4b:s17+s3] =	stream.linear.scatter [tilespmem:s18], [sflag:$0x4], $0x400, $0x38;
	[tilespmem:$0x1A200] =	vst v63  }
0x581: {  	s19 =	sadd.s32 $0x300, s13  }
0x582: {  	[hbm4b:s19+s3] =	stream.linear.scatter [tilespmem:s9], [sflag:$0x4], $0x400, $0x38;
	[tilespmem:$0x1A200] =	vst v63  }
0x583: {  	s21 =	sadd.s32 $0x380, s13  }
0x584: {  	[hbm4b:s21+s3] =	stream.linear.scatter [tilespmem:s6], [sflag:$0x4], $0x400, $0x38;
	[tilespmem:$0x1A200] =	vst v63  }
0x585: {  	s24 =	sadd.s32 $0x400, s13  }
0x586: {  	[hbm4b:s24+s3] =	stream.linear.scatter [tilespmem:s4], [sflag:$0x4], $0x400, $0x38;
	[tilespmem:$0x1A200] =	vst v63  }
0x587: {  	s30 =	sadd.s32 $0x480, s13;
	s1 =	simm.s32 $0x16A00  }
0x588: {  	[hbm4b:s30+s3] =	stream.linear.scatter [tilespmem:s1], [sflag:$0x4], $0x400, $0x38;
	[tilespmem:$0x1A200] =	vst v63  }
0x589: {  	s31 =	sadd.s32 $0x500, s13;
	s21 =	simm.s32 $0x17200  }
0x58a: {  	[hbm4b:s31+s3] =	stream.linear.scatter [tilespmem:s21], [sflag:$0x4], $0x400, $0x38;
	[tilespmem:$0x1A200] =	vst v63  }
0x58b: {  	s5 =	sadd.s32 $0x580, s13;
	s19 =	simm.s32 $0x17A00  }
0x58c: {  	[hbm4b:s5+s3] =	stream.linear.scatter [tilespmem:s19], [sflag:$0x4], $0x400, $0x38;
	[tilespmem:$0x1A200] =	vst v63  }
0x58d: {  	s17 =	sadd.s32 $0x600, s13;
	s24 =	simm.s32 $0x18200  }
0x58e: {  	[hbm4b:s17+s3] =	stream.linear.scatter [tilespmem:s24], [sflag:$0x4], $0x400, $0x38;
	[tilespmem:$0x1A200] =	vst v63  }
0x58f: {  	s30 =	sadd.s32 $0x680, s13;
	s17 =	simm.s32 $0x18A00  }
0x590: {  	[hbm4b:s30+s3] =	stream.linear.scatter [tilespmem:s17], [sflag:$0x4], $0x400, $0x38;
	[tilespmem:$0x1A200] =	vst v63  }
0x591: {  	s31 =	sadd.s32 $0x700, s13;
	s5 =	simm.s32 $0x19200  }
0x592: {  	[hbm4b:s31+s3] =	stream.linear.scatter [tilespmem:s5], [sflag:$0x4], $0x400, $0x38;
	[tilespmem:$0x1A200] =	vst v63  }
0x593: {  	s30 =	sadd.s32 $0x780, s13;
	s31 =	simm.s32 $0x19A00  }
0x594: {  	[hbm4b:s30+s3] =	stream.linear.scatter [tilespmem:s31], [sflag:$0x4], $0x400, $0x38;
	[tilespmem:$0x1A200] =	vst v63  }
0x595: {  	_ = 	snop  }
0x596: {  	[hbm4b:s14+s3] =	stream.linear.scatter [tilespmem:s25], [sflag:$0x4], $0x400, $0x38;
	[tilespmem:$0x1A200] =	vst v63  }
0x597: {  	s30 =	sadd.s32 $0x80, s14  }
0x598: {  	[hbm4b:s30+s3] =	stream.linear.scatter [tilespmem:s26], [sflag:$0x4], $0x400, $0x38;
	[tilespmem:$0x1A200] =	vst v63  }
0x599: {  	s26 =	sadd.s32 $0x100, s14  }
0x59a: {  	[hbm4b:s26+s3] =	stream.linear.scatter [tilespmem:s23], [sflag:$0x4], $0x400, $0x38;
	[tilespmem:$0x1A200] =	vst v63  }
0x59b: {  	s30 =	sadd.s32 $0x180, s14  }
0x59c: {  	[hbm4b:s30+s3] =	stream.linear.scatter [tilespmem:s20], [sflag:$0x4], $0x400, $0x38;
	[tilespmem:$0x1A200] =	vst v63  }
0x59d: {  	s23 =	sadd.s32 $0x200, s14  }
0x59e: {  	[hbm4b:s23+s3] =	stream.linear.scatter [tilespmem:s12], [sflag:$0x4], $0x400, $0x38;
	[tilespmem:$0x1A200] =	vst v63  }
0x59f: {  	s26 =	sadd.s32 $0x280, s14  }
0x5a0: {  	[hbm4b:s26+s3] =	stream.linear.scatter [tilespmem:s18], [sflag:$0x4], $0x400, $0x38;
	[tilespmem:$0x1A200] =	vst v63  }
0x5a1: {  	s30 =	sadd.s32 $0x300, s14  }
0x5a2: {  	[hbm4b:s30+s3] =	stream.linear.scatter [tilespmem:s9], [sflag:$0x4], $0x400, $0x38;
	[tilespmem:$0x1A200] =	vst v63  }
0x5a3: {  	s9 =	sadd.s32 $0x380, s14  }
0x5a4: {  	[hbm4b:s9+s3] =	stream.linear.scatter [tilespmem:s6], [sflag:$0x4], $0x400, $0x38;
	[tilespmem:$0x1A200] =	vst v63  }
0x5a5: {  	s12 =	sadd.s32 $0x400, s14  }
0x5a6: {  	[hbm4b:s12+s3] =	stream.linear.scatter [tilespmem:s4], [sflag:$0x4], $0x400, $0x38;
	[tilespmem:$0x1A200] =	vst v63  }
0x5a7: {  	s18 =	sadd.s32 $0x480, s14  }
0x5a8: {  	[hbm4b:s18+s3] =	stream.linear.scatter [tilespmem:s1], [sflag:$0x4], $0x400, $0x38;
	[tilespmem:$0x1A200] =	vst v63  }
0x5a9: {  	s20 =	sadd.s32 $0x500, s14  }
0x5aa: {  	[hbm4b:s20+s3] =	stream.linear.scatter [tilespmem:s21], [sflag:$0x4], $0x400, $0x38;
	[tilespmem:$0x1A200] =	vst v63  }
0x5ab: {  	s21 =	sadd.s32 $0x580, s14  }
0x5ac: {  	[hbm4b:s21+s3] =	stream.linear.scatter [tilespmem:s19], [sflag:$0x4], $0x400, $0x38;
	[tilespmem:$0x1A200] =	vst v63  }
0x5ad: {  	s23 =	sadd.s32 $0x600, s14  }
0x5ae: {  	[hbm4b:s23+s3] =	stream.linear.scatter [tilespmem:s24], [sflag:$0x4], $0x400, $0x38;
	[tilespmem:$0x1A200] =	vst v63  }
0x5af: {  	s24 =	sadd.s32 $0x680, s14  }
0x5b0: {  	[hbm4b:s24+s3] =	stream.linear.scatter [tilespmem:s17], [sflag:$0x4], $0x400, $0x38;
	[tilespmem:$0x1A200] =	vst v63  }
0x5b1: {  	s26 =	sadd.s32 $0x700, s14  }
0x5b2: {  	[hbm4b:s26+s3] =	stream.linear.scatter [tilespmem:s5], [sflag:$0x4], $0x400, $0x38;
	[tilespmem:$0x1A200] =	vst v63  }
0x5b3: {  	s30 =	sadd.s32 $0x780, s14  }
0x5b4: {  	[hbm4b:s30+s3] =	stream.linear.scatter [tilespmem:s31], [sflag:$0x4], $0x400, $0x38;
	[tilespmem:$0x1A200] =	vst v63  }
0x5b5: {  	s31 =	simm.s32 $0x1  }
0x5b6: {  	_ =	swait.ge [sflag:s31], $0x4000  }
0x5b7: {  	[sflag:s31] =	ssyncset.done $0x0  }
0x5b8: {  	[sflag:s31] =	ssyncadd.s32 $0xFFFFC000  }
0x5b9: {  	_ =	swait.ge [sflag:s28], $0x4000  }
0x5ba: {  	[sflag:s28] =	ssyncset.done $0x0  }
0x5bb: {  	[sflag:s28] =	ssyncadd.s32 $0xFFFFC000  }
0x5bc: {  	_ =	swait.ge [sflag:s28], $0x4000  }
0x5bd: {  	[sflag:s28] =	ssyncset.done $0x0  }
0x5be: {  	[sflag:s28] =	ssyncadd.s32 $0xFFFFC000  }
0x5bf: {  	v16 =	vld [tilespmem:$0x2180];
	_ =	sdelay $0x4  }
0x5c0: {  	vm0 =	vgt.s32 v16, $0x0  }
0x5c1: {  	v16 =	vnsel vm0, $0x0, v16  }
0x5c2: {  	v26 =	vmin.u32 v16, $0x3F  }
0x5c3: {  	v17 =	vadd.s32 $0x1C0, v26;
	_ =	sdelay $0x1  }
0x5c4: {  	s1 =	simm.s32 $0x2400;
	v19 =	vadd.s32 $0x40, v26  }
0x5c5: {  	v31 =	vld [tilespmem:s1+$0x180]  }
0x5c6: {  	v18 =	vimm.s32 $0x0;
	v33 =	vld [tilespmem:s1+$0xFFFFFE80]  }
0x5c7: {  	v20 =	vadd.s32 $0x80, v26;
	v30 =	vld.idx.msk [tilespmem:v17+s3+$0x0], $0xffff;
	v17 =	vshll.u32 v18, $0x3  }
0x5c8: {  	v25 =	vand.u32 $0x78, v18;
	v34 =	vld [tilespmem:s1+$0xFFFFFF00];
	v21 =	vadd.s32 $0xC0, v26;
	v17 =	vand.u32 $0xFFFFFC00, v17  }
0x5c9: {  	v23 =	vadd.s32 $0x140, v26;
	v27 =	vld.idx.msk [tilespmem:v19+s3+$0x0], $0xffff;
	v19 =	vor.u32 v25, v17  }
0x5ca: {  	v32 =	vld [tilespmem:s1+$0xFFFFFF80];
	v22 =	vadd.s32 $0x100, v26;
	v17 =	vadd.s32 v0, v19  }
0x5cb: {  	v24 =	vadd.s32 $0x180, v26;
	v16 =	vld.idx.msk [tilespmem:v26+s3+$0x0], $0xffff;
	v62 =	vor.u32 $0x7, v17  }
0x5cc: {  	v28 =	vld.idx.msk [tilespmem:v20+s3+$0x0], $0xffff  }
0x5cd: {  	v29 =	vld.idx.msk [tilespmem:v21+s3+$0x0], $0xffff  }
0x5ce: {  	v26 =	vadd.s32 $0x200, v26;
	v23 =	vld.idx.msk [tilespmem:v23+s3+$0x0], $0xffff;
	v63 =	vmul.f32 v30, v31  }
0x5cf: {  	v25 =	vld.idx.msk [tilespmem:v22+s3+$0x0], $0xffff;
	v21 =	vadd.s32 v1, v19;
	v22 =	vor.u32 $0x4, v17;
	v19 =	vor.u32 $0x5, v17  }
0x5d0: {  	s0 =	simm.s32 $0x0;
	v24 =	vld.idx.msk [tilespmem:v24+s3+$0x0], $0xffff;
	v20 =	vor.u32 $0x6, v17;
	v31 =	vor.u32 $0x1, v17;
	v30 =	vor.u32 $0x2, v17;
	[tilespmem:v62+s22+$0x0] =	vst.idx.msk $0xffff, v63  }
.LBB2_52:
0x5d1: {  	v35 =	vadd.s32 $0x40, v26;
	v36 =	vadd.s32 $0x80, v26;
	v37 =	vadd.s32 $0x1C0, v26;
	s0 =	sadd.s32 $0x8, s0;
	v38 =	vld [tilespmem:s1+$0x0]  }
0x5d2: {  	v39 =	vadd.s32 $0xC0, v26;
	v40 =	vadd.s32 $0x100, v26;
	v41 =	vadd.s32 $0x140, v26;
	p0 =	slt.u32 s0, $0x78;
	v42 =	vld [tilespmem:s1+$0x80]  }
0x5d3: {  	v43 =	vadd.s32 $0x180, v26;
	v27 =	vmul.f32 v27, v33;
	v33 =	vld [tilespmem:s1+$0x100]  }
0x5d4: {  	v18 =	vadd.s32 $0x8, v18;
	v44 =	vld [tilespmem:s1+$0xFFFFFE00];
	v28 =	vmul.f32 v28, v34  }
0x5d5: {  	v45 =	vshll.u32 v18, $0x3;
	v34 =	vld.idx.msk [tilespmem:v26+s3+$0x0], $0xffff;
	[tilespmem:v31+s22+$0x0] =	vst.idx.msk $0xffff, v27;
	v27 =	vmul.f32 v29, v32  }
0x5d6: {  	s1 =	sadd.s32 $0x400, s1;
	v29 =	vand.u32 $0x78, v18;
	v31 =	vand.u32 $0xFFFFFC00, v45;
	v32 =	vld.idx.msk [tilespmem:v37+s3+$0x0], $0xffff;
	[tilespmem:v30+s22+$0x0] =	vst.idx.msk $0xffff, v28;
	v25 =	vmul.f32 v25, v38  }
0x5d7: {  	v28 =	vor.u32 v29, v31;
	v37 =	vld [tilespmem:s1+$0x180];
	[tilespmem:v21+s22+$0x0] =	vst.idx.msk $0xffff, v27;
	v23 =	vmul.f32 v23, v42  }
0x5d8: {  	v38 =	vadd.s32 v0, v28;
	v21 =	vadd.s32 v1, v28;
	v27 =	vld.idx.msk [tilespmem:v35+s3+$0x0], $0xffff;
	v24 =	vmul.f32 v24, v33  }
0x5d9: {  	v31 =	vor.u32 $0x1, v38;
	v35 =	vor.u32 $0x7, v38;
	v28 =	vld.idx.msk [tilespmem:v36+s3+$0x0], $0xffff;
	v33 =	vmul.f32 v16, v44;
	[tilespmem:v22+s22+$0x0] =	vst.idx.msk $0xffff, v25  }
0x5da: {  	v30 =	vor.u32 $0x2, v38;
	v22 =	vor.u32 $0x4, v38;
	v29 =	vld.idx.msk [tilespmem:v39+s3+$0x0], $0xffff;
	[tilespmem:v19+s22+$0x0] =	vst.idx.msk $0xffff, v23;
	v19 =	vor.u32 $0x5, v38  }
0x5db: {  	v16 =	vmov v34;
	v25 =	vld.idx.msk [tilespmem:v40+s3+$0x0], $0xffff;
	[tilespmem:v20+s22+$0x0] =	vst.idx.msk $0xffff, v24;
	v20 =	vor.u32 $0x6, v38  }
.Ltmp25:
0x5dc: {  	v23 =	vld.idx.msk [tilespmem:v41+s3+$0x0], $0xffff;
	v32 =	vmul.f32 v32, v37;
	[tilespmem:v17+s22+$0x0] =	vst.idx.msk $0xffff, v33;
	v17 =	vmov v38;
	(pc) =	sbr.rel @p0 .LBB2_52-.Ltmp25, $4  }
0x5dd: {  	v24 =	vld.idx.msk [tilespmem:v43+s3+$0x0], $0xffff  }
0x5de: {  	v33 =	vld [tilespmem:s1+$0xFFFFFE80];
	[tilespmem:v35+s22+$0x0] =	vst.idx.msk $0xffff, v32  }
0x5df: {  	v34 =	vld [tilespmem:s1+$0xFFFFFF00]  }
0x5e0: {  	v26 =	vadd.s32 $0x200, v26;
	v32 =	vld [tilespmem:s1+$0xFFFFFF80]  }
0x5e1: {  	v18 =	vld [tilespmem:s1+$0x0]  }
0x5e2: {  	v35 =	vld [tilespmem:s1+$0xFFFFFE00]  }
0x5e3: {  	v26 =	vld [tilespmem:s1+$0x80];
	v27 =	vmul.f32 v27, v33  }
0x5e4: {  	v61 =	vld [tilespmem:s1+$0x100];
	v28 =	vmul.f32 v28, v34  }
0x5e5: {  	[tilespmem:v31+s22+$0x0] =	vst.idx.msk $0xffff, v27;
	v27 =	vmul.f32 v29, v32  }
0x5e6: {  	[tilespmem:v30+s22+$0x0] =	vst.idx.msk $0xffff, v28;
	v18 =	vmul.f32 v25, v18  }
0x5e7: {  	v16 =	vmul.f32 v16, v35;
	[tilespmem:v21+s22+$0x0] =	vst.idx.msk $0xffff, v27  }
0x5e8: {  	v21 =	vmul.f32 v23, v26;
	[tilespmem:v22+s22+$0x0] =	vst.idx.msk $0xffff, v18  }
0x5e9: {  	v23 =	vmul.f32 v24, v61;
	[tilespmem:v17+s22+$0x0] =	vst.idx.msk $0xffff, v16  }
0x5ea: {  	[tilespmem:v19+s22+$0x0] =	vst.idx.msk $0xffff, v21  }
0x5eb: {  	[tilespmem:v20+s22+$0x0] =	vst.idx.msk $0xffff, v23  }
0x5ec: {  	v16 =	vld [tilespmem:$0x2190];
	_ =	sdelay $0x4  }
0x5ed: {  	vm0 =	vgt.s32 v16, $0x0  }
0x5ee: {  	v16 =	vnsel vm0, $0x0, v16  }
0x5ef: {  	v26 =	vmin.u32 v16, $0x3F  }
0x5f0: {  	v17 =	vadd.s32 $0x1C0, v26;
	_ =	sdelay $0x1  }
0x5f1: {  	s1 =	simm.s32 $0x2410;
	v19 =	vadd.s32 $0x40, v26  }
0x5f2: {  	v31 =	vld [tilespmem:s1+$0x180]  }
0x5f3: {  	v18 =	vimm.s32 $0x0;
	v33 =	vld [tilespmem:s1+$0xFFFFFE80]  }
0x5f4: {  	v20 =	vadd.s32 $0x80, v26;
	v30 =	vld.idx.msk [tilespmem:v17+s3+$0x0], $0xffff;
	v17 =	vshll.u32 v18, $0x3  }
0x5f5: {  	v25 =	vand.u32 $0x78, v18;
	v34 =	vld [tilespmem:s1+$0xFFFFFF00];
	v21 =	vadd.s32 $0xC0, v26;
	v17 =	vand.u32 $0xFFFFFC00, v17  }
0x5f6: {  	v23 =	vadd.s32 $0x140, v26;
	v27 =	vld.idx.msk [tilespmem:v19+s3+$0x0], $0xffff;
	v19 =	vor.u32 v25, v17  }
0x5f7: {  	v32 =	vld [tilespmem:s1+$0xFFFFFF80];
	v22 =	vadd.s32 $0x100, v26;
	v17 =	vadd.s32 v2, v19  }
0x5f8: {  	v24 =	vadd.s32 $0x180, v26;
	v16 =	vld.idx.msk [tilespmem:v26+s3+$0x0], $0xffff;
	v62 =	vor.u32 $0x7, v17  }
0x5f9: {  	v28 =	vld.idx.msk [tilespmem:v20+s3+$0x0], $0xffff  }
0x5fa: {  	v29 =	vld.idx.msk [tilespmem:v21+s3+$0x0], $0xffff  }
0x5fb: {  	v26 =	vadd.s32 $0x200, v26;
	v23 =	vld.idx.msk [tilespmem:v23+s3+$0x0], $0xffff;
	v63 =	vmul.f32 v30, v31  }
0x5fc: {  	v25 =	vld.idx.msk [tilespmem:v22+s3+$0x0], $0xffff;
	v21 =	vadd.s32 v3, v19;
	v22 =	vor.u32 $0x4, v17;
	v19 =	vor.u32 $0x5, v17  }
0x5fd: {  	s0 =	simm.s32 $0x0;
	s21 =	simm.s32 $0x20000;
	v24 =	vld.idx.msk [tilespmem:v24+s3+$0x0], $0xffff;
	v20 =	vor.u32 $0x6, v17;
	v31 =	vor.u32 $0x1, v17;
	v30 =	vor.u32 $0x2, v17;
	[tilespmem:v62+s22+$0x0] =	vst.idx.msk $0xffff, v63  }
.LBB2_54:
0x5fe: {  	v35 =	vadd.s32 $0x40, v26;
	v36 =	vadd.s32 $0x80, v26;
	v37 =	vadd.s32 $0x1C0, v26;
	s0 =	sadd.s32 $0x8, s0;
	v38 =	vld [tilespmem:s1+$0x0]  }
0x5ff: {  	v39 =	vadd.s32 $0xC0, v26;
	v40 =	vadd.s32 $0x100, v26;
	v41 =	vadd.s32 $0x140, v26;
	p0 =	slt.u32 s0, $0x78;
	v42 =	vld [tilespmem:s1+$0x80]  }
0x600: {  	v43 =	vadd.s32 $0x180, v26;
	v27 =	vmul.f32 v27, v33;
	v33 =	vld [tilespmem:s1+$0x100]  }
0x601: {  	v18 =	vadd.s32 $0x8, v18;
	v44 =	vld [tilespmem:s1+$0xFFFFFE00];
	v28 =	vmul.f32 v28, v34  }
0x602: {  	v45 =	vshll.u32 v18, $0x3;
	v34 =	vld.idx.msk [tilespmem:v26+s3+$0x0], $0xffff;
	[tilespmem:v31+s22+$0x0] =	vst.idx.msk $0xffff, v27;
	v27 =	vmul.f32 v29, v32  }
0x603: {  	s1 =	sadd.s32 $0x400, s1;
	v29 =	vand.u32 $0x78, v18;
	v31 =	vand.u32 $0xFFFFFC00, v45;
	v32 =	vld.idx.msk [tilespmem:v37+s3+$0x0], $0xffff;
	[tilespmem:v30+s22+$0x0] =	vst.idx.msk $0xffff, v28;
	v25 =	vmul.f32 v25, v38  }
0x604: {  	v28 =	vor.u32 v29, v31;
	v37 =	vld [tilespmem:s1+$0x180];
	[tilespmem:v21+s22+$0x0] =	vst.idx.msk $0xffff, v27;
	v23 =	vmul.f32 v23, v42  }
0x605: {  	v38 =	vadd.s32 v2, v28;
	v21 =	vadd.s32 v3, v28;
	v27 =	vld.idx.msk [tilespmem:v35+s3+$0x0], $0xffff;
	v24 =	vmul.f32 v24, v33  }
0x606: {  	v31 =	vor.u32 $0x1, v38;
	v35 =	vor.u32 $0x7, v38;
	v28 =	vld.idx.msk [tilespmem:v36+s3+$0x0], $0xffff;
	v33 =	vmul.f32 v16, v44;
	[tilespmem:v22+s22+$0x0] =	vst.idx.msk $0xffff, v25  }
0x607: {  	v30 =	vor.u32 $0x2, v38;
	v22 =	vor.u32 $0x4, v38;
	v29 =	vld.idx.msk [tilespmem:v39+s3+$0x0], $0xffff;
	[tilespmem:v19+s22+$0x0] =	vst.idx.msk $0xffff, v23;
	v19 =	vor.u32 $0x5, v38  }
0x608: {  	v16 =	vmov v34;
	v25 =	vld.idx.msk [tilespmem:v40+s3+$0x0], $0xffff;
	[tilespmem:v20+s22+$0x0] =	vst.idx.msk $0xffff, v24;
	v20 =	vor.u32 $0x6, v38  }
.Ltmp26:
0x609: {  	v23 =	vld.idx.msk [tilespmem:v41+s3+$0x0], $0xffff;
	v32 =	vmul.f32 v32, v37;
	[tilespmem:v17+s22+$0x0] =	vst.idx.msk $0xffff, v33;
	v17 =	vmov v38;
	(pc) =	sbr.rel @p0 .LBB2_54-.Ltmp26, $4  }
0x60a: {  	v24 =	vld.idx.msk [tilespmem:v43+s3+$0x0], $0xffff  }
0x60b: {  	v33 =	vld [tilespmem:s1+$0xFFFFFE80];
	[tilespmem:v35+s22+$0x0] =	vst.idx.msk $0xffff, v32  }
0x60c: {  	v34 =	vld [tilespmem:s1+$0xFFFFFF00]  }
0x60d: {  	v26 =	vadd.s32 $0x200, v26;
	v32 =	vld [tilespmem:s1+$0xFFFFFF80]  }
0x60e: {  	v18 =	vld [tilespmem:s1+$0x0]  }
0x60f: {  	v35 =	vld [tilespmem:s1+$0xFFFFFE00]  }
0x610: {  	v26 =	vld [tilespmem:s1+$0x80];
	v27 =	vmul.f32 v27, v33  }
0x611: {  	v61 =	vld [tilespmem:s1+$0x100];
	v28 =	vmul.f32 v28, v34  }
0x612: {  	[tilespmem:v31+s22+$0x0] =	vst.idx.msk $0xffff, v27;
	v27 =	vmul.f32 v29, v32  }
0x613: {  	[tilespmem:v30+s22+$0x0] =	vst.idx.msk $0xffff, v28;
	v18 =	vmul.f32 v25, v18  }
0x614: {  	v16 =	vmul.f32 v16, v35;
	[tilespmem:v21+s22+$0x0] =	vst.idx.msk $0xffff, v27  }
0x615: {  	v21 =	vmul.f32 v23, v26;
	[tilespmem:v22+s22+$0x0] =	vst.idx.msk $0xffff, v18  }
0x616: {  	v23 =	vmul.f32 v24, v61;
	[tilespmem:v17+s22+$0x0] =	vst.idx.msk $0xffff, v16  }
0x617: {  	[tilespmem:v19+s22+$0x0] =	vst.idx.msk $0xffff, v21  }
0x618: {  	[tilespmem:v20+s22+$0x0] =	vst.idx.msk $0xffff, v23  }
0x619: {  	v16 =	vld [tilespmem:$0x21A0];
	_ =	sdelay $0x4  }
0x61a: {  	vm0 =	vgt.s32 v16, $0x0  }
0x61b: {  	v16 =	vnsel vm0, $0x0, v16  }
0x61c: {  	v26 =	vmin.u32 v16, $0x3F  }
0x61d: {  	v17 =	vadd.s32 $0x1C0, v26;
	_ =	sdelay $0x1  }
0x61e: {  	s1 =	simm.s32 $0x2420;
	v19 =	vadd.s32 $0x40, v26  }
0x61f: {  	v31 =	vld [tilespmem:s1+$0x180]  }
0x620: {  	v18 =	vimm.s32 $0x0;
	v33 =	vld [tilespmem:s1+$0xFFFFFE80]  }
0x621: {  	v20 =	vadd.s32 $0x80, v26;
	v30 =	vld.idx.msk [tilespmem:v17+s3+$0x0], $0xffff;
	v17 =	vshll.u32 v18, $0x3  }
0x622: {  	v25 =	vand.u32 $0x78, v18;
	v34 =	vld [tilespmem:s1+$0xFFFFFF00];
	v21 =	vadd.s32 $0xC0, v26;
	v17 =	vand.u32 $0xFFFFFC00, v17  }
0x623: {  	v23 =	vadd.s32 $0x140, v26;
	v27 =	vld.idx.msk [tilespmem:v19+s3+$0x0], $0xffff;
	v19 =	vor.u32 v25, v17  }
0x624: {  	v32 =	vld [tilespmem:s1+$0xFFFFFF80];
	v22 =	vadd.s32 $0x100, v26;
	v17 =	vadd.s32 v4, v19  }
0x625: {  	v24 =	vadd.s32 $0x180, v26;
	v16 =	vld.idx.msk [tilespmem:v26+s3+$0x0], $0xffff;
	v62 =	vor.u32 $0x7, v17  }
0x626: {  	v28 =	vld.idx.msk [tilespmem:v20+s3+$0x0], $0xffff  }
0x627: {  	v29 =	vld.idx.msk [tilespmem:v21+s3+$0x0], $0xffff  }
0x628: {  	v26 =	vadd.s32 $0x200, v26;
	v23 =	vld.idx.msk [tilespmem:v23+s3+$0x0], $0xffff;
	v63 =	vmul.f32 v30, v31  }
0x629: {  	v25 =	vld.idx.msk [tilespmem:v22+s3+$0x0], $0xffff;
	v21 =	vadd.s32 v5, v19;
	v22 =	vor.u32 $0x4, v17;
	v19 =	vor.u32 $0x5, v17  }
0x62a: {  	s0 =	simm.s32 $0x0;
	v24 =	vld.idx.msk [tilespmem:v24+s3+$0x0], $0xffff;
	v20 =	vor.u32 $0x6, v17;
	v31 =	vor.u32 $0x1, v17;
	v30 =	vor.u32 $0x2, v17;
	[tilespmem:v62+s22+$0x0] =	vst.idx.msk $0xffff, v63  }
.LBB2_56:
0x62b: {  	v35 =	vadd.s32 $0x40, v26;
	v36 =	vadd.s32 $0x80, v26;
	v37 =	vadd.s32 $0x1C0, v26;
	s0 =	sadd.s32 $0x8, s0;
	v38 =	vld [tilespmem:s1+$0x0]  }
0x62c: {  	v39 =	vadd.s32 $0xC0, v26;
	v40 =	vadd.s32 $0x100, v26;
	v41 =	vadd.s32 $0x140, v26;
	p0 =	slt.u32 s0, $0x78;
	v42 =	vld [tilespmem:s1+$0x80]  }
0x62d: {  	v43 =	vadd.s32 $0x180, v26;
	v27 =	vmul.f32 v27, v33;
	v33 =	vld [tilespmem:s1+$0x100]  }
0x62e: {  	v18 =	vadd.s32 $0x8, v18;
	v44 =	vld [tilespmem:s1+$0xFFFFFE00];
	v28 =	vmul.f32 v28, v34  }
0x62f: {  	v45 =	vshll.u32 v18, $0x3;
	v34 =	vld.idx.msk [tilespmem:v26+s3+$0x0], $0xffff;
	[tilespmem:v31+s22+$0x0] =	vst.idx.msk $0xffff, v27;
	v27 =	vmul.f32 v29, v32  }
0x630: {  	s1 =	sadd.s32 $0x400, s1;
	v29 =	vand.u32 $0x78, v18;
	v31 =	vand.u32 $0xFFFFFC00, v45;
	v32 =	vld.idx.msk [tilespmem:v37+s3+$0x0], $0xffff;
	[tilespmem:v30+s22+$0x0] =	vst.idx.msk $0xffff, v28;
	v25 =	vmul.f32 v25, v38  }
0x631: {  	v28 =	vor.u32 v29, v31;
	v37 =	vld [tilespmem:s1+$0x180];
	[tilespmem:v21+s22+$0x0] =	vst.idx.msk $0xffff, v27;
	v23 =	vmul.f32 v23, v42  }
0x632: {  	v38 =	vadd.s32 v4, v28;
	v21 =	vadd.s32 v5, v28;
	v27 =	vld.idx.msk [tilespmem:v35+s3+$0x0], $0xffff;
	v24 =	vmul.f32 v24, v33  }
0x633: {  	v31 =	vor.u32 $0x1, v38;
	v35 =	vor.u32 $0x7, v38;
	v28 =	vld.idx.msk [tilespmem:v36+s3+$0x0], $0xffff;
	v33 =	vmul.f32 v16, v44;
	[tilespmem:v22+s22+$0x0] =	vst.idx.msk $0xffff, v25  }
0x634: {  	v30 =	vor.u32 $0x2, v38;
	v22 =	vor.u32 $0x4, v38;
	v29 =	vld.idx.msk [tilespmem:v39+s3+$0x0], $0xffff;
	[tilespmem:v19+s22+$0x0] =	vst.idx.msk $0xffff, v23;
	v19 =	vor.u32 $0x5, v38  }
0x635: {  	v16 =	vmov v34;
	v25 =	vld.idx.msk [tilespmem:v40+s3+$0x0], $0xffff;
	[tilespmem:v20+s22+$0x0] =	vst.idx.msk $0xffff, v24;
	v20 =	vor.u32 $0x6, v38  }
.Ltmp27:
0x636: {  	v23 =	vld.idx.msk [tilespmem:v41+s3+$0x0], $0xffff;
	v32 =	vmul.f32 v32, v37;
	[tilespmem:v17+s22+$0x0] =	vst.idx.msk $0xffff, v33;
	v17 =	vmov v38;
	(pc) =	sbr.rel @p0 .LBB2_56-.Ltmp27, $4  }
0x637: {  	v24 =	vld.idx.msk [tilespmem:v43+s3+$0x0], $0xffff  }
0x638: {  	v33 =	vld [tilespmem:s1+$0xFFFFFE80];
	[tilespmem:v35+s22+$0x0] =	vst.idx.msk $0xffff, v32  }
0x639: {  	v34 =	vld [tilespmem:s1+$0xFFFFFF00]  }
0x63a: {  	v26 =	vadd.s32 $0x200, v26;
	v32 =	vld [tilespmem:s1+$0xFFFFFF80]  }
0x63b: {  	v18 =	vld [tilespmem:s1+$0x0]  }
0x63c: {  	v35 =	vld [tilespmem:s1+$0xFFFFFE00]  }
0x63d: {  	v26 =	vld [tilespmem:s1+$0x80];
	v27 =	vmul.f32 v27, v33  }
0x63e: {  	v61 =	vld [tilespmem:s1+$0x100];
	v28 =	vmul.f32 v28, v34  }
0x63f: {  	[tilespmem:v31+s22+$0x0] =	vst.idx.msk $0xffff, v27;
	v27 =	vmul.f32 v29, v32  }
0x640: {  	[tilespmem:v30+s22+$0x0] =	vst.idx.msk $0xffff, v28;
	v18 =	vmul.f32 v25, v18  }
0x641: {  	v16 =	vmul.f32 v16, v35;
	[tilespmem:v21+s22+$0x0] =	vst.idx.msk $0xffff, v27  }
0x642: {  	v21 =	vmul.f32 v23, v26;
	[tilespmem:v22+s22+$0x0] =	vst.idx.msk $0xffff, v18  }
0x643: {  	v23 =	vmul.f32 v24, v61;
	[tilespmem:v17+s22+$0x0] =	vst.idx.msk $0xffff, v16  }
0x644: {  	[tilespmem:v19+s22+$0x0] =	vst.idx.msk $0xffff, v21  }
0x645: {  	[tilespmem:v20+s22+$0x0] =	vst.idx.msk $0xffff, v23  }
0x646: {  	v16 =	vld [tilespmem:$0x21B0];
	_ =	sdelay $0x4  }
0x647: {  	vm0 =	vgt.s32 v16, $0x0  }
0x648: {  	v16 =	vnsel vm0, $0x0, v16  }
0x649: {  	v26 =	vmin.u32 v16, $0x3F  }
0x64a: {  	v17 =	vadd.s32 $0x1C0, v26;
	_ =	sdelay $0x1  }
0x64b: {  	s1 =	simm.s32 $0x2430;
	v19 =	vadd.s32 $0x40, v26  }
0x64c: {  	v31 =	vld [tilespmem:s1+$0x180]  }
0x64d: {  	v18 =	vimm.s32 $0x0;
	v33 =	vld [tilespmem:s1+$0xFFFFFE80]  }
0x64e: {  	v20 =	vadd.s32 $0x80, v26;
	v30 =	vld.idx.msk [tilespmem:v17+s3+$0x0], $0xffff;
	v17 =	vshll.u32 v18, $0x3  }
0x64f: {  	v25 =	vand.u32 $0x78, v18;
	v34 =	vld [tilespmem:s1+$0xFFFFFF00];
	v21 =	vadd.s32 $0xC0, v26;
	v17 =	vand.u32 $0xFFFFFC00, v17  }
0x650: {  	v23 =	vadd.s32 $0x140, v26;
	v27 =	vld.idx.msk [tilespmem:v19+s3+$0x0], $0xffff;
	v19 =	vor.u32 v25, v17  }
0x651: {  	v32 =	vld [tilespmem:s1+$0xFFFFFF80];
	v22 =	vadd.s32 $0x100, v26;
	v17 =	vadd.s32 v6, v19  }
0x652: {  	v24 =	vadd.s32 $0x180, v26;
	v16 =	vld.idx.msk [tilespmem:v26+s3+$0x0], $0xffff;
	v62 =	vor.u32 $0x7, v17  }
0x653: {  	v28 =	vld.idx.msk [tilespmem:v20+s3+$0x0], $0xffff  }
0x654: {  	v29 =	vld.idx.msk [tilespmem:v21+s3+$0x0], $0xffff  }
0x655: {  	v26 =	vadd.s32 $0x200, v26;
	v23 =	vld.idx.msk [tilespmem:v23+s3+$0x0], $0xffff;
	v63 =	vmul.f32 v30, v31  }
0x656: {  	v25 =	vld.idx.msk [tilespmem:v22+s3+$0x0], $0xffff;
	v21 =	vadd.s32 v7, v19;
	v22 =	vor.u32 $0x4, v17;
	v19 =	vor.u32 $0x5, v17  }
0x657: {  	s0 =	simm.s32 $0x0;
	v24 =	vld.idx.msk [tilespmem:v24+s3+$0x0], $0xffff;
	v20 =	vor.u32 $0x6, v17;
	v31 =	vor.u32 $0x1, v17;
	v30 =	vor.u32 $0x2, v17;
	[tilespmem:v62+s22+$0x0] =	vst.idx.msk $0xffff, v63  }
.LBB2_58:
0x658: {  	v35 =	vadd.s32 $0x40, v26;
	v36 =	vadd.s32 $0x80, v26;
	v37 =	vadd.s32 $0x1C0, v26;
	s0 =	sadd.s32 $0x8, s0;
	v38 =	vld [tilespmem:s1+$0x0]  }
0x659: {  	v39 =	vadd.s32 $0xC0, v26;
	v40 =	vadd.s32 $0x100, v26;
	v41 =	vadd.s32 $0x140, v26;
	p0 =	slt.u32 s0, $0x78;
	v42 =	vld [tilespmem:s1+$0x80]  }
0x65a: {  	v43 =	vadd.s32 $0x180, v26;
	v27 =	vmul.f32 v27, v33;
	v33 =	vld [tilespmem:s1+$0x100]  }
0x65b: {  	v18 =	vadd.s32 $0x8, v18;
	v44 =	vld [tilespmem:s1+$0xFFFFFE00];
	v28 =	vmul.f32 v28, v34  }
0x65c: {  	v45 =	vshll.u32 v18, $0x3;
	v34 =	vld.idx.msk [tilespmem:v26+s3+$0x0], $0xffff;
	[tilespmem:v31+s22+$0x0] =	vst.idx.msk $0xffff, v27;
	v27 =	vmul.f32 v29, v32  }
0x65d: {  	s1 =	sadd.s32 $0x400, s1;
	v29 =	vand.u32 $0x78, v18;
	v31 =	vand.u32 $0xFFFFFC00, v45;
	v32 =	vld.idx.msk [tilespmem:v37+s3+$0x0], $0xffff;
	[tilespmem:v30+s22+$0x0] =	vst.idx.msk $0xffff, v28;
	v25 =	vmul.f32 v25, v38  }
0x65e: {  	v28 =	vor.u32 v29, v31;
	v37 =	vld [tilespmem:s1+$0x180];
	[tilespmem:v21+s22+$0x0] =	vst.idx.msk $0xffff, v27;
	v23 =	vmul.f32 v23, v42  }
0x65f: {  	v38 =	vadd.s32 v6, v28;
	v21 =	vadd.s32 v7, v28;
	v27 =	vld.idx.msk [tilespmem:v35+s3+$0x0], $0xffff;
	v24 =	vmul.f32 v24, v33  }
0x660: {  	v31 =	vor.u32 $0x1, v38;
	v35 =	vor.u32 $0x7, v38;
	v28 =	vld.idx.msk [tilespmem:v36+s3+$0x0], $0xffff;
	v33 =	vmul.f32 v16, v44;
	[tilespmem:v22+s22+$0x0] =	vst.idx.msk $0xffff, v25  }
0x661: {  	v30 =	vor.u32 $0x2, v38;
	v22 =	vor.u32 $0x4, v38;
	v29 =	vld.idx.msk [tilespmem:v39+s3+$0x0], $0xffff;
	[tilespmem:v19+s22+$0x0] =	vst.idx.msk $0xffff, v23;
	v19 =	vor.u32 $0x5, v38  }
0x662: {  	v16 =	vmov v34;
	v25 =	vld.idx.msk [tilespmem:v40+s3+$0x0], $0xffff;
	[tilespmem:v20+s22+$0x0] =	vst.idx.msk $0xffff, v24;
	v20 =	vor.u32 $0x6, v38  }
.Ltmp28:
0x663: {  	v23 =	vld.idx.msk [tilespmem:v41+s3+$0x0], $0xffff;
	v32 =	vmul.f32 v32, v37;
	[tilespmem:v17+s22+$0x0] =	vst.idx.msk $0xffff, v33;
	v17 =	vmov v38;
	(pc) =	sbr.rel @p0 .LBB2_58-.Ltmp28, $4  }
0x664: {  	v24 =	vld.idx.msk [tilespmem:v43+s3+$0x0], $0xffff  }
0x665: {  	v33 =	vld [tilespmem:s1+$0xFFFFFE80];
	[tilespmem:v35+s22+$0x0] =	vst.idx.msk $0xffff, v32  }
0x666: {  	v34 =	vld [tilespmem:s1+$0xFFFFFF00]  }
0x667: {  	v26 =	vadd.s32 $0x200, v26;
	v32 =	vld [tilespmem:s1+$0xFFFFFF80]  }
0x668: {  	v18 =	vld [tilespmem:s1+$0x0]  }
0x669: {  	v35 =	vld [tilespmem:s1+$0xFFFFFE00]  }
0x66a: {  	v26 =	vld [tilespmem:s1+$0x80];
	v27 =	vmul.f32 v27, v33  }
0x66b: {  	v61 =	vld [tilespmem:s1+$0x100];
	v28 =	vmul.f32 v28, v34  }
0x66c: {  	[tilespmem:v31+s22+$0x0] =	vst.idx.msk $0xffff, v27;
	v27 =	vmul.f32 v29, v32  }
0x66d: {  	[tilespmem:v30+s22+$0x0] =	vst.idx.msk $0xffff, v28;
	v18 =	vmul.f32 v25, v18  }
0x66e: {  	v16 =	vmul.f32 v16, v35;
	[tilespmem:v21+s22+$0x0] =	vst.idx.msk $0xffff, v27  }
0x66f: {  	v21 =	vmul.f32 v23, v26;
	[tilespmem:v22+s22+$0x0] =	vst.idx.msk $0xffff, v18  }
0x670: {  	v23 =	vmul.f32 v24, v61;
	[tilespmem:v17+s22+$0x0] =	vst.idx.msk $0xffff, v16  }
0x671: {  	[tilespmem:v19+s22+$0x0] =	vst.idx.msk $0xffff, v21  }
0x672: {  	[tilespmem:v20+s22+$0x0] =	vst.idx.msk $0xffff, v23  }
0x673: {  	v16 =	vld [tilespmem:$0x21C0];
	_ =	sdelay $0x4  }
0x674: {  	vm0 =	vgt.s32 v16, $0x0  }
0x675: {  	v16 =	vnsel vm0, $0x0, v16  }
0x676: {  	v26 =	vmin.u32 v16, $0x3F  }
0x677: {  	v17 =	vadd.s32 $0x1C0, v26;
	_ =	sdelay $0x1  }
0x678: {  	s1 =	simm.s32 $0x2440;
	v19 =	vadd.s32 $0x40, v26  }
0x679: {  	v31 =	vld [tilespmem:s1+$0x180]  }
0x67a: {  	v18 =	vimm.s32 $0x0;
	v33 =	vld [tilespmem:s1+$0xFFFFFE80]  }
0x67b: {  	v20 =	vadd.s32 $0x80, v26;
	v30 =	vld.idx.msk [tilespmem:v17+s3+$0x0], $0xffff;
	v17 =	vshll.u32 v18, $0x3  }
0x67c: {  	v25 =	vand.u32 $0x78, v18;
	v34 =	vld [tilespmem:s1+$0xFFFFFF00];
	v21 =	vadd.s32 $0xC0, v26;
	v17 =	vand.u32 $0xFFFFFC00, v17  }
0x67d: {  	v23 =	vadd.s32 $0x140, v26;
	v27 =	vld.idx.msk [tilespmem:v19+s3+$0x0], $0xffff;
	v19 =	vor.u32 v25, v17  }
0x67e: {  	v32 =	vld [tilespmem:s1+$0xFFFFFF80];
	v22 =	vadd.s32 $0x100, v26;
	v17 =	vadd.s32 v8, v19  }
0x67f: {  	v24 =	vadd.s32 $0x180, v26;
	v16 =	vld.idx.msk [tilespmem:v26+s3+$0x0], $0xffff;
	v62 =	vor.u32 $0x7, v17  }
0x680: {  	v28 =	vld.idx.msk [tilespmem:v20+s3+$0x0], $0xffff  }
0x681: {  	v29 =	vld.idx.msk [tilespmem:v21+s3+$0x0], $0xffff  }
0x682: {  	v26 =	vadd.s32 $0x200, v26;
	v23 =	vld.idx.msk [tilespmem:v23+s3+$0x0], $0xffff;
	v63 =	vmul.f32 v30, v31  }
0x683: {  	v25 =	vld.idx.msk [tilespmem:v22+s3+$0x0], $0xffff;
	v21 =	vadd.s32 v9, v19;
	v22 =	vor.u32 $0x4, v17;
	v19 =	vor.u32 $0x5, v17  }
0x684: {  	s0 =	simm.s32 $0x0;
	v24 =	vld.idx.msk [tilespmem:v24+s3+$0x0], $0xffff;
	v20 =	vor.u32 $0x6, v17;
	v31 =	vor.u32 $0x1, v17;
	v30 =	vor.u32 $0x2, v17;
	[tilespmem:v62+s22+$0x0] =	vst.idx.msk $0xffff, v63  }
.LBB2_60:
0x685: {  	v35 =	vadd.s32 $0x40, v26;
	v36 =	vadd.s32 $0x80, v26;
	v37 =	vadd.s32 $0x1C0, v26;
	s0 =	sadd.s32 $0x8, s0;
	v38 =	vld [tilespmem:s1+$0x0]  }
0x686: {  	v39 =	vadd.s32 $0xC0, v26;
	v40 =	vadd.s32 $0x100, v26;
	v41 =	vadd.s32 $0x140, v26;
	p0 =	slt.u32 s0, $0x78;
	v42 =	vld [tilespmem:s1+$0x80]  }
0x687: {  	v43 =	vadd.s32 $0x180, v26;
	v27 =	vmul.f32 v27, v33;
	v33 =	vld [tilespmem:s1+$0x100]  }
0x688: {  	v18 =	vadd.s32 $0x8, v18;
	v44 =	vld [tilespmem:s1+$0xFFFFFE00];
	v28 =	vmul.f32 v28, v34  }
0x689: {  	v45 =	vshll.u32 v18, $0x3;
	v34 =	vld.idx.msk [tilespmem:v26+s3+$0x0], $0xffff;
	[tilespmem:v31+s22+$0x0] =	vst.idx.msk $0xffff, v27;
	v27 =	vmul.f32 v29, v32  }
0x68a: {  	s1 =	sadd.s32 $0x400, s1;
	v29 =	vand.u32 $0x78, v18;
	v31 =	vand.u32 $0xFFFFFC00, v45;
	v32 =	vld.idx.msk [tilespmem:v37+s3+$0x0], $0xffff;
	[tilespmem:v30+s22+$0x0] =	vst.idx.msk $0xffff, v28;
	v25 =	vmul.f32 v25, v38  }
0x68b: {  	v28 =	vor.u32 v29, v31;
	v37 =	vld [tilespmem:s1+$0x180];
	[tilespmem:v21+s22+$0x0] =	vst.idx.msk $0xffff, v27;
	v23 =	vmul.f32 v23, v42  }
0x68c: {  	v38 =	vadd.s32 v8, v28;
	v21 =	vadd.s32 v9, v28;
	v27 =	vld.idx.msk [tilespmem:v35+s3+$0x0], $0xffff;
	v24 =	vmul.f32 v24, v33  }
0x68d: {  	v31 =	vor.u32 $0x1, v38;
	v35 =	vor.u32 $0x7, v38;
	v28 =	vld.idx.msk [tilespmem:v36+s3+$0x0], $0xffff;
	v33 =	vmul.f32 v16, v44;
	[tilespmem:v22+s22+$0x0] =	vst.idx.msk $0xffff, v25  }
0x68e: {  	v30 =	vor.u32 $0x2, v38;
	v22 =	vor.u32 $0x4, v38;
	v29 =	vld.idx.msk [tilespmem:v39+s3+$0x0], $0xffff;
	[tilespmem:v19+s22+$0x0] =	vst.idx.msk $0xffff, v23;
	v19 =	vor.u32 $0x5, v38  }
0x68f: {  	v16 =	vmov v34;
	v25 =	vld.idx.msk [tilespmem:v40+s3+$0x0], $0xffff;
	[tilespmem:v20+s22+$0x0] =	vst.idx.msk $0xffff, v24;
	v20 =	vor.u32 $0x6, v38  }
.Ltmp29:
0x690: {  	v23 =	vld.idx.msk [tilespmem:v41+s3+$0x0], $0xffff;
	v32 =	vmul.f32 v32, v37;
	[tilespmem:v17+s22+$0x0] =	vst.idx.msk $0xffff, v33;
	v17 =	vmov v38;
	(pc) =	sbr.rel @p0 .LBB2_60-.Ltmp29, $4  }
0x691: {  	v24 =	vld.idx.msk [tilespmem:v43+s3+$0x0], $0xffff  }
0x692: {  	v33 =	vld [tilespmem:s1+$0xFFFFFE80];
	[tilespmem:v35+s22+$0x0] =	vst.idx.msk $0xffff, v32  }
0x693: {  	v34 =	vld [tilespmem:s1+$0xFFFFFF00]  }
0x694: {  	v26 =	vadd.s32 $0x200, v26;
	v32 =	vld [tilespmem:s1+$0xFFFFFF80]  }
0x695: {  	v18 =	vld [tilespmem:s1+$0x0]  }
0x696: {  	v35 =	vld [tilespmem:s1+$0xFFFFFE00]  }
0x697: {  	v26 =	vld [tilespmem:s1+$0x80];
	v27 =	vmul.f32 v27, v33  }
0x698: {  	v61 =	vld [tilespmem:s1+$0x100];
	v28 =	vmul.f32 v28, v34  }
0x699: {  	[tilespmem:v31+s22+$0x0] =	vst.idx.msk $0xffff, v27;
	v27 =	vmul.f32 v29, v32  }
0x69a: {  	[tilespmem:v30+s22+$0x0] =	vst.idx.msk $0xffff, v28;
	v18 =	vmul.f32 v25, v18  }
0x69b: {  	v16 =	vmul.f32 v16, v35;
	[tilespmem:v21+s22+$0x0] =	vst.idx.msk $0xffff, v27  }
0x69c: {  	v21 =	vmul.f32 v23, v26;
	[tilespmem:v22+s22+$0x0] =	vst.idx.msk $0xffff, v18  }
0x69d: {  	v23 =	vmul.f32 v24, v61;
	[tilespmem:v17+s22+$0x0] =	vst.idx.msk $0xffff, v16  }
0x69e: {  	[tilespmem:v19+s22+$0x0] =	vst.idx.msk $0xffff, v21  }
0x69f: {  	[tilespmem:v20+s22+$0x0] =	vst.idx.msk $0xffff, v23  }
0x6a0: {  	v16 =	vld [tilespmem:$0x21D0];
	_ =	sdelay $0x4  }
0x6a1: {  	vm0 =	vgt.s32 v16, $0x0  }
0x6a2: {  	v16 =	vnsel vm0, $0x0, v16  }
0x6a3: {  	v26 =	vmin.u32 v16, $0x3F  }
0x6a4: {  	v17 =	vadd.s32 $0x1C0, v26;
	_ =	sdelay $0x1  }
0x6a5: {  	s1 =	simm.s32 $0x2450;
	v19 =	vadd.s32 $0x40, v26  }
0x6a6: {  	v31 =	vld [tilespmem:s1+$0x180]  }
0x6a7: {  	v18 =	vimm.s32 $0x0;
	v33 =	vld [tilespmem:s1+$0xFFFFFE80]  }
0x6a8: {  	v20 =	vadd.s32 $0x80, v26;
	v30 =	vld.idx.msk [tilespmem:v17+s3+$0x0], $0xffff;
	v17 =	vshll.u32 v18, $0x3  }
0x6a9: {  	v25 =	vand.u32 $0x78, v18;
	v34 =	vld [tilespmem:s1+$0xFFFFFF00];
	v21 =	vadd.s32 $0xC0, v26;
	v17 =	vand.u32 $0xFFFFFC00, v17  }
0x6aa: {  	v23 =	vadd.s32 $0x140, v26;
	v27 =	vld.idx.msk [tilespmem:v19+s3+$0x0], $0xffff;
	v19 =	vor.u32 v25, v17  }
0x6ab: {  	v32 =	vld [tilespmem:s1+$0xFFFFFF80];
	v22 =	vadd.s32 $0x100, v26;
	v17 =	vadd.s32 v10, v19  }
0x6ac: {  	v24 =	vadd.s32 $0x180, v26;
	v16 =	vld.idx.msk [tilespmem:v26+s3+$0x0], $0xffff;
	v62 =	vor.u32 $0x7, v17  }
0x6ad: {  	v28 =	vld.idx.msk [tilespmem:v20+s3+$0x0], $0xffff  }
0x6ae: {  	v29 =	vld.idx.msk [tilespmem:v21+s3+$0x0], $0xffff  }
0x6af: {  	v26 =	vadd.s32 $0x200, v26;
	v23 =	vld.idx.msk [tilespmem:v23+s3+$0x0], $0xffff;
	v63 =	vmul.f32 v30, v31  }
0x6b0: {  	v25 =	vld.idx.msk [tilespmem:v22+s3+$0x0], $0xffff;
	v21 =	vadd.s32 v11, v19;
	v22 =	vor.u32 $0x4, v17;
	v19 =	vor.u32 $0x5, v17  }
0x6b1: {  	s0 =	simm.s32 $0x0;
	v24 =	vld.idx.msk [tilespmem:v24+s3+$0x0], $0xffff;
	v20 =	vor.u32 $0x6, v17;
	v31 =	vor.u32 $0x1, v17;
	v30 =	vor.u32 $0x2, v17;
	[tilespmem:v62+s22+$0x0] =	vst.idx.msk $0xffff, v63  }
.LBB2_62:
0x6b2: {  	v35 =	vadd.s32 $0x40, v26;
	v36 =	vadd.s32 $0x80, v26;
	v37 =	vadd.s32 $0x1C0, v26;
	s0 =	sadd.s32 $0x8, s0;
	v38 =	vld [tilespmem:s1+$0x0]  }
0x6b3: {  	v39 =	vadd.s32 $0xC0, v26;
	v40 =	vadd.s32 $0x100, v26;
	v41 =	vadd.s32 $0x140, v26;
	p0 =	slt.u32 s0, $0x78;
	v42 =	vld [tilespmem:s1+$0x80]  }
0x6b4: {  	v43 =	vadd.s32 $0x180, v26;
	v27 =	vmul.f32 v27, v33;
	v33 =	vld [tilespmem:s1+$0x100]  }
0x6b5: {  	v18 =	vadd.s32 $0x8, v18;
	v44 =	vld [tilespmem:s1+$0xFFFFFE00];
	v28 =	vmul.f32 v28, v34  }
0x6b6: {  	v45 =	vshll.u32 v18, $0x3;
	v34 =	vld.idx.msk [tilespmem:v26+s3+$0x0], $0xffff;
	[tilespmem:v31+s22+$0x0] =	vst.idx.msk $0xffff, v27;
	v27 =	vmul.f32 v29, v32  }
0x6b7: {  	s1 =	sadd.s32 $0x400, s1;
	v29 =	vand.u32 $0x78, v18;
	v31 =	vand.u32 $0xFFFFFC00, v45;
	v32 =	vld.idx.msk [tilespmem:v37+s3+$0x0], $0xffff;
	[tilespmem:v30+s22+$0x0] =	vst.idx.msk $0xffff, v28;
	v25 =	vmul.f32 v25, v38  }
0x6b8: {  	v28 =	vor.u32 v29, v31;
	v37 =	vld [tilespmem:s1+$0x180];
	[tilespmem:v21+s22+$0x0] =	vst.idx.msk $0xffff, v27;
	v23 =	vmul.f32 v23, v42  }
0x6b9: {  	v38 =	vadd.s32 v10, v28;
	v21 =	vadd.s32 v11, v28;
	v27 =	vld.idx.msk [tilespmem:v35+s3+$0x0], $0xffff;
	v24 =	vmul.f32 v24, v33  }
0x6ba: {  	v31 =	vor.u32 $0x1, v38;
	v35 =	vor.u32 $0x7, v38;
	v28 =	vld.idx.msk [tilespmem:v36+s3+$0x0], $0xffff;
	v33 =	vmul.f32 v16, v44;
	[tilespmem:v22+s22+$0x0] =	vst.idx.msk $0xffff, v25  }
0x6bb: {  	v30 =	vor.u32 $0x2, v38;
	v22 =	vor.u32 $0x4, v38;
	v29 =	vld.idx.msk [tilespmem:v39+s3+$0x0], $0xffff;
	[tilespmem:v19+s22+$0x0] =	vst.idx.msk $0xffff, v23;
	v19 =	vor.u32 $0x5, v38  }
0x6bc: {  	v16 =	vmov v34;
	v25 =	vld.idx.msk [tilespmem:v40+s3+$0x0], $0xffff;
	[tilespmem:v20+s22+$0x0] =	vst.idx.msk $0xffff, v24;
	v20 =	vor.u32 $0x6, v38  }
.Ltmp30:
0x6bd: {  	v23 =	vld.idx.msk [tilespmem:v41+s3+$0x0], $0xffff;
	v32 =	vmul.f32 v32, v37;
	[tilespmem:v17+s22+$0x0] =	vst.idx.msk $0xffff, v33;
	v17 =	vmov v38;
	(pc) =	sbr.rel @p0 .LBB2_62-.Ltmp30, $4  }
0x6be: {  	v24 =	vld.idx.msk [tilespmem:v43+s3+$0x0], $0xffff  }
0x6bf: {  	v33 =	vld [tilespmem:s1+$0xFFFFFE80];
	[tilespmem:v35+s22+$0x0] =	vst.idx.msk $0xffff, v32  }
0x6c0: {  	v34 =	vld [tilespmem:s1+$0xFFFFFF00]  }
0x6c1: {  	v26 =	vadd.s32 $0x200, v26;
	v32 =	vld [tilespmem:s1+$0xFFFFFF80]  }
0x6c2: {  	v18 =	vld [tilespmem:s1+$0x0]  }
0x6c3: {  	v35 =	vld [tilespmem:s1+$0xFFFFFE00]  }
0x6c4: {  	v26 =	vld [tilespmem:s1+$0x80];
	v27 =	vmul.f32 v27, v33  }
0x6c5: {  	v61 =	vld [tilespmem:s1+$0x100];
	v28 =	vmul.f32 v28, v34  }
0x6c6: {  	[tilespmem:v31+s22+$0x0] =	vst.idx.msk $0xffff, v27;
	v27 =	vmul.f32 v29, v32  }
0x6c7: {  	[tilespmem:v30+s22+$0x0] =	vst.idx.msk $0xffff, v28;
	v18 =	vmul.f32 v25, v18  }
0x6c8: {  	v16 =	vmul.f32 v16, v35;
	[tilespmem:v21+s22+$0x0] =	vst.idx.msk $0xffff, v27  }
0x6c9: {  	v21 =	vmul.f32 v23, v26;
	[tilespmem:v22+s22+$0x0] =	vst.idx.msk $0xffff, v18  }
0x6ca: {  	v23 =	vmul.f32 v24, v61;
	[tilespmem:v17+s22+$0x0] =	vst.idx.msk $0xffff, v16  }
0x6cb: {  	[tilespmem:v19+s22+$0x0] =	vst.idx.msk $0xffff, v21  }
0x6cc: {  	[tilespmem:v20+s22+$0x0] =	vst.idx.msk $0xffff, v23  }
0x6cd: {  	v16 =	vld [tilespmem:$0x21E0];
	_ =	sdelay $0x4  }
0x6ce: {  	vm0 =	vgt.s32 v16, $0x0  }
0x6cf: {  	v16 =	vnsel vm0, $0x0, v16  }
0x6d0: {  	v26 =	vmin.u32 v16, $0x3F  }
0x6d1: {  	v17 =	vadd.s32 $0x1C0, v26;
	_ =	sdelay $0x1  }
0x6d2: {  	s1 =	simm.s32 $0x2460;
	v19 =	vadd.s32 $0x40, v26  }
0x6d3: {  	v31 =	vld [tilespmem:s1+$0x180]  }
0x6d4: {  	v18 =	vimm.s32 $0x0;
	v33 =	vld [tilespmem:s1+$0xFFFFFE80]  }
0x6d5: {  	v20 =	vadd.s32 $0x80, v26;
	v30 =	vld.idx.msk [tilespmem:v17+s3+$0x0], $0xffff;
	v17 =	vshll.u32 v18, $0x3  }
0x6d6: {  	v25 =	vand.u32 $0x78, v18;
	v34 =	vld [tilespmem:s1+$0xFFFFFF00];
	v21 =	vadd.s32 $0xC0, v26;
	v17 =	vand.u32 $0xFFFFFC00, v17  }
0x6d7: {  	v23 =	vadd.s32 $0x140, v26;
	v27 =	vld.idx.msk [tilespmem:v19+s3+$0x0], $0xffff;
	v19 =	vor.u32 v25, v17  }
0x6d8: {  	v32 =	vld [tilespmem:s1+$0xFFFFFF80];
	v22 =	vadd.s32 $0x100, v26;
	v17 =	vadd.s32 v12, v19  }
0x6d9: {  	v24 =	vadd.s32 $0x180, v26;
	v16 =	vld.idx.msk [tilespmem:v26+s3+$0x0], $0xffff;
	v62 =	vor.u32 $0x7, v17  }
0x6da: {  	v28 =	vld.idx.msk [tilespmem:v20+s3+$0x0], $0xffff  }
0x6db: {  	v29 =	vld.idx.msk [tilespmem:v21+s3+$0x0], $0xffff  }
0x6dc: {  	v26 =	vadd.s32 $0x200, v26;
	v23 =	vld.idx.msk [tilespmem:v23+s3+$0x0], $0xffff;
	v63 =	vmul.f32 v30, v31  }
0x6dd: {  	v25 =	vld.idx.msk [tilespmem:v22+s3+$0x0], $0xffff;
	v21 =	vadd.s32 v13, v19;
	v22 =	vor.u32 $0x4, v17;
	v19 =	vor.u32 $0x5, v17  }
0x6de: {  	s0 =	simm.s32 $0x0;
	v24 =	vld.idx.msk [tilespmem:v24+s3+$0x0], $0xffff;
	v20 =	vor.u32 $0x6, v17;
	v31 =	vor.u32 $0x1, v17;
	v30 =	vor.u32 $0x2, v17;
	[tilespmem:v62+s22+$0x0] =	vst.idx.msk $0xffff, v63  }
.LBB2_64:
0x6df: {  	v35 =	vadd.s32 $0x40, v26;
	v36 =	vadd.s32 $0x80, v26;
	v37 =	vadd.s32 $0x1C0, v26;
	s0 =	sadd.s32 $0x8, s0;
	v38 =	vld [tilespmem:s1+$0x0]  }
0x6e0: {  	v39 =	vadd.s32 $0xC0, v26;
	v40 =	vadd.s32 $0x100, v26;
	v41 =	vadd.s32 $0x140, v26;
	p0 =	slt.u32 s0, $0x78;
	v42 =	vld [tilespmem:s1+$0x80]  }
0x6e1: {  	v43 =	vadd.s32 $0x180, v26;
	v27 =	vmul.f32 v27, v33;
	v33 =	vld [tilespmem:s1+$0x100]  }
0x6e2: {  	v18 =	vadd.s32 $0x8, v18;
	v44 =	vld [tilespmem:s1+$0xFFFFFE00];
	v28 =	vmul.f32 v28, v34  }
0x6e3: {  	v45 =	vshll.u32 v18, $0x3;
	v34 =	vld.idx.msk [tilespmem:v26+s3+$0x0], $0xffff;
	[tilespmem:v31+s22+$0x0] =	vst.idx.msk $0xffff, v27;
	v27 =	vmul.f32 v29, v32  }
0x6e4: {  	s1 =	sadd.s32 $0x400, s1;
	v29 =	vand.u32 $0x78, v18;
	v31 =	vand.u32 $0xFFFFFC00, v45;
	v32 =	vld.idx.msk [tilespmem:v37+s3+$0x0], $0xffff;
	[tilespmem:v30+s22+$0x0] =	vst.idx.msk $0xffff, v28;
	v25 =	vmul.f32 v25, v38  }
0x6e5: {  	v28 =	vor.u32 v29, v31;
	v37 =	vld [tilespmem:s1+$0x180];
	[tilespmem:v21+s22+$0x0] =	vst.idx.msk $0xffff, v27;
	v23 =	vmul.f32 v23, v42  }
0x6e6: {  	v38 =	vadd.s32 v12, v28;
	v21 =	vadd.s32 v13, v28;
	v27 =	vld.idx.msk [tilespmem:v35+s3+$0x0], $0xffff;
	v24 =	vmul.f32 v24, v33  }
0x6e7: {  	v31 =	vor.u32 $0x1, v38;
	v35 =	vor.u32 $0x7, v38;
	v28 =	vld.idx.msk [tilespmem:v36+s3+$0x0], $0xffff;
	v33 =	vmul.f32 v16, v44;
	[tilespmem:v22+s22+$0x0] =	vst.idx.msk $0xffff, v25  }
0x6e8: {  	v30 =	vor.u32 $0x2, v38;
	v22 =	vor.u32 $0x4, v38;
	v29 =	vld.idx.msk [tilespmem:v39+s3+$0x0], $0xffff;
	[tilespmem:v19+s22+$0x0] =	vst.idx.msk $0xffff, v23;
	v19 =	vor.u32 $0x5, v38  }
0x6e9: {  	v16 =	vmov v34;
	v25 =	vld.idx.msk [tilespmem:v40+s3+$0x0], $0xffff;
	[tilespmem:v20+s22+$0x0] =	vst.idx.msk $0xffff, v24;
	v20 =	vor.u32 $0x6, v38  }
.Ltmp31:
0x6ea: {  	v23 =	vld.idx.msk [tilespmem:v41+s3+$0x0], $0xffff;
	v32 =	vmul.f32 v32, v37;
	[tilespmem:v17+s22+$0x0] =	vst.idx.msk $0xffff, v33;
	v17 =	vmov v38;
	(pc) =	sbr.rel @p0 .LBB2_64-.Ltmp31, $4  }
0x6eb: {  	v24 =	vld.idx.msk [tilespmem:v43+s3+$0x0], $0xffff  }
0x6ec: {  	v33 =	vld [tilespmem:s1+$0xFFFFFE80];
	[tilespmem:v35+s22+$0x0] =	vst.idx.msk $0xffff, v32  }
0x6ed: {  	v34 =	vld [tilespmem:s1+$0xFFFFFF00]  }
0x6ee: {  	v26 =	vadd.s32 $0x200, v26;
	v32 =	vld [tilespmem:s1+$0xFFFFFF80]  }
0x6ef: {  	v18 =	vld [tilespmem:s1+$0x0]  }
0x6f0: {  	v35 =	vld [tilespmem:s1+$0xFFFFFE00]  }
0x6f1: {  	v26 =	vld [tilespmem:s1+$0x80];
	v27 =	vmul.f32 v27, v33  }
0x6f2: {  	v61 =	vld [tilespmem:s1+$0x100];
	v28 =	vmul.f32 v28, v34  }
0x6f3: {  	[tilespmem:v31+s22+$0x0] =	vst.idx.msk $0xffff, v27;
	v27 =	vmul.f32 v29, v32  }
0x6f4: {  	[tilespmem:v30+s22+$0x0] =	vst.idx.msk $0xffff, v28;
	v18 =	vmul.f32 v25, v18  }
0x6f5: {  	v16 =	vmul.f32 v16, v35;
	[tilespmem:v21+s22+$0x0] =	vst.idx.msk $0xffff, v27  }
0x6f6: {  	v21 =	vmul.f32 v23, v26;
	[tilespmem:v22+s22+$0x0] =	vst.idx.msk $0xffff, v18  }
0x6f7: {  	v23 =	vmul.f32 v24, v61;
	[tilespmem:v17+s22+$0x0] =	vst.idx.msk $0xffff, v16  }
0x6f8: {  	[tilespmem:v19+s22+$0x0] =	vst.idx.msk $0xffff, v21  }
0x6f9: {  	[tilespmem:v20+s22+$0x0] =	vst.idx.msk $0xffff, v23  }
0x6fa: {  	v16 =	vld [tilespmem:$0x21F0];
	_ =	sdelay $0x4  }
0x6fb: {  	vm0 =	vgt.s32 v16, $0x0  }
0x6fc: {  	v16 =	vnsel vm0, $0x0, v16  }
0x6fd: {  	v26 =	vmin.u32 v16, $0x3F  }
0x6fe: {  	v17 =	vadd.s32 $0x1C0, v26;
	_ =	sdelay $0x1  }
0x6ff: {  	s1 =	simm.s32 $0x2470;
	v19 =	vadd.s32 $0x40, v26  }
0x700: {  	v31 =	vld [tilespmem:s1+$0x180]  }
0x701: {  	v18 =	vimm.s32 $0x0;
	v33 =	vld [tilespmem:s1+$0xFFFFFE80]  }
0x702: {  	v20 =	vadd.s32 $0x80, v26;
	v30 =	vld.idx.msk [tilespmem:v17+s3+$0x0], $0xffff;
	v17 =	vshll.u32 v18, $0x3  }
0x703: {  	v25 =	vand.u32 $0x78, v18;
	v34 =	vld [tilespmem:s1+$0xFFFFFF00];
	v21 =	vadd.s32 $0xC0, v26;
	v17 =	vand.u32 $0xFFFFFC00, v17  }
0x704: {  	v23 =	vadd.s32 $0x140, v26;
	v27 =	vld.idx.msk [tilespmem:v19+s3+$0x0], $0xffff;
	v19 =	vor.u32 v25, v17  }
0x705: {  	v32 =	vld [tilespmem:s1+$0xFFFFFF80];
	v22 =	vadd.s32 $0x100, v26;
	v17 =	vadd.s32 v14, v19  }
0x706: {  	v24 =	vadd.s32 $0x180, v26;
	v16 =	vld.idx.msk [tilespmem:v26+s3+$0x0], $0xffff;
	v62 =	vor.u32 $0x7, v17  }
0x707: {  	v28 =	vld.idx.msk [tilespmem:v20+s3+$0x0], $0xffff  }
0x708: {  	v29 =	vld.idx.msk [tilespmem:v21+s3+$0x0], $0xffff  }
0x709: {  	v26 =	vadd.s32 $0x200, v26;
	v23 =	vld.idx.msk [tilespmem:v23+s3+$0x0], $0xffff;
	v63 =	vmul.f32 v30, v31  }
0x70a: {  	v25 =	vld.idx.msk [tilespmem:v22+s3+$0x0], $0xffff;
	v21 =	vadd.s32 v15, v19;
	v22 =	vor.u32 $0x4, v17;
	v19 =	vor.u32 $0x5, v17  }
0x70b: {  	s0 =	simm.s32 $0x0;
	v24 =	vld.idx.msk [tilespmem:v24+s3+$0x0], $0xffff;
	v20 =	vor.u32 $0x6, v17;
	v31 =	vor.u32 $0x1, v17;
	v30 =	vor.u32 $0x2, v17;
	[tilespmem:v62+s22+$0x0] =	vst.idx.msk $0xffff, v63  }
.LBB2_66:
0x70c: {  	v35 =	vadd.s32 $0x40, v26;
	v36 =	vadd.s32 $0x80, v26;
	v37 =	vadd.s32 $0x1C0, v26;
	s0 =	sadd.s32 $0x8, s0;
	v38 =	vld [tilespmem:s1+$0x0]  }
0x70d: {  	v39 =	vadd.s32 $0xC0, v26;
	v40 =	vadd.s32 $0x100, v26;
	v41 =	vadd.s32 $0x140, v26;
	p0 =	slt.u32 s0, $0x78;
	v42 =	vld [tilespmem:s1+$0x80]  }
0x70e: {  	v43 =	vadd.s32 $0x180, v26;
	v27 =	vmul.f32 v27, v33;
	v33 =	vld [tilespmem:s1+$0x100]  }
0x70f: {  	v18 =	vadd.s32 $0x8, v18;
	v44 =	vld [tilespmem:s1+$0xFFFFFE00];
	v28 =	vmul.f32 v28, v34  }
0x710: {  	v45 =	vshll.u32 v18, $0x3;
	v34 =	vld.idx.msk [tilespmem:v26+s3+$0x0], $0xffff;
	[tilespmem:v31+s22+$0x0] =	vst.idx.msk $0xffff, v27;
	v27 =	vmul.f32 v29, v32  }
0x711: {  	s1 =	sadd.s32 $0x400, s1;
	v29 =	vand.u32 $0x78, v18;
	v31 =	vand.u32 $0xFFFFFC00, v45;
	v32 =	vld.idx.msk [tilespmem:v37+s3+$0x0], $0xffff;
	[tilespmem:v30+s22+$0x0] =	vst.idx.msk $0xffff, v28;
	v25 =	vmul.f32 v25, v38  }
0x712: {  	v28 =	vor.u32 v29, v31;
	v37 =	vld [tilespmem:s1+$0x180];
	[tilespmem:v21+s22+$0x0] =	vst.idx.msk $0xffff, v27;
	v23 =	vmul.f32 v23, v42  }
0x713: {  	v38 =	vadd.s32 v14, v28;
	v21 =	vadd.s32 v15, v28;
	v27 =	vld.idx.msk [tilespmem:v35+s3+$0x0], $0xffff;
	v24 =	vmul.f32 v24, v33  }
0x714: {  	v31 =	vor.u32 $0x1, v38;
	v35 =	vor.u32 $0x7, v38;
	v28 =	vld.idx.msk [tilespmem:v36+s3+$0x0], $0xffff;
	v33 =	vmul.f32 v16, v44;
	[tilespmem:v22+s22+$0x0] =	vst.idx.msk $0xffff, v25  }
0x715: {  	v30 =	vor.u32 $0x2, v38;
	v22 =	vor.u32 $0x4, v38;
	v29 =	vld.idx.msk [tilespmem:v39+s3+$0x0], $0xffff;
	[tilespmem:v19+s22+$0x0] =	vst.idx.msk $0xffff, v23;
	v19 =	vor.u32 $0x5, v38  }
0x716: {  	v16 =	vmov v34;
	v25 =	vld.idx.msk [tilespmem:v40+s3+$0x0], $0xffff;
	[tilespmem:v20+s22+$0x0] =	vst.idx.msk $0xffff, v24;
	v20 =	vor.u32 $0x6, v38  }
.Ltmp32:
0x717: {  	v23 =	vld.idx.msk [tilespmem:v41+s3+$0x0], $0xffff;
	v32 =	vmul.f32 v32, v37;
	[tilespmem:v17+s22+$0x0] =	vst.idx.msk $0xffff, v33;
	v17 =	vmov v38;
	(pc) =	sbr.rel @p0 .LBB2_66-.Ltmp32, $4  }
0x718: {  	v24 =	vld.idx.msk [tilespmem:v43+s3+$0x0], $0xffff  }
0x719: {  	v33 =	vld [tilespmem:s1+$0xFFFFFE80];
	[tilespmem:v35+s22+$0x0] =	vst.idx.msk $0xffff, v32  }
0x71a: {  	v34 =	vld [tilespmem:s1+$0xFFFFFF00]  }
0x71b: {  	v26 =	vadd.s32 $0x200, v26;
	v32 =	vld [tilespmem:s1+$0xFFFFFF80]  }
0x71c: {  	v18 =	vld [tilespmem:s1+$0x0]  }
0x71d: {  	v26 =	vld [tilespmem:s1+$0x80]  }
0x71e: {  	v60 =	vld [tilespmem:s1+$0x100];
	v27 =	vmul.f32 v27, v33  }
0x71f: {  	v35 =	vld [tilespmem:s1+$0xFFFFFE00];
	v28 =	vmul.f32 v28, v34  }
0x720: {  	[tilespmem:v31+s22+$0x0] =	vst.idx.msk $0xffff, v27;
	v61 =	vmul.f32 v29, v32  }
0x721: {  	[tilespmem:v30+s22+$0x0] =	vst.idx.msk $0xffff, v28;
	v18 =	vmul.f32 v25, v18  }
0x722: {  	v62 =	vmul.f32 v23, v26;
	[tilespmem:v21+s22+$0x0] =	vst.idx.msk $0xffff, v61  }
0x723: {  	v63 =	vmul.f32 v24, v60;
	[tilespmem:v22+s22+$0x0] =	vst.idx.msk $0xffff, v18  }
0x724: {  	v16 =	vmul.f32 v16, v35;
	[tilespmem:v19+s22+$0x0] =	vst.idx.msk $0xffff, v62  }
0x725: {  	[tilespmem:v20+s22+$0x0] =	vst.idx.msk $0xffff, v63  }
0x726: {  	[tilespmem:v17+s22+$0x0] =	vst.idx.msk $0xffff, v16  }
0x727: {  	[hbm4b:s15+s3] =	stream.linear.scatter [tilespmem:s22], [sflag:$0x3], $0x400, $0x38;
	[tilespmem:$0x1A200] =	vst v63  }
0x728: {  	s0 =	sadd.s32 $0x80, s15;
	s1 =	simm.s32 $0xAA00  }
0x729: {  	[hbm4b:s0+s3] =	stream.linear.scatter [tilespmem:s1], [sflag:$0x3], $0x400, $0x38;
	[tilespmem:$0x1A200] =	vst v63  }
0x72a: {  	s9 =	sadd.s32 $0x100, s15;
	s5 =	simm.s32 $0xB200  }
0x72b: {  	[hbm4b:s9+s3] =	stream.linear.scatter [tilespmem:s5], [sflag:$0x3], $0x400, $0x38;
	[tilespmem:$0x1A200] =	vst v63  }
0x72c: {  	s12 =	sadd.s32 $0x180, s15;
	s6 =	simm.s32 $0xBA00  }
0x72d: {  	[hbm4b:s12+s3] =	stream.linear.scatter [tilespmem:s6], [sflag:$0x3], $0x400, $0x38;
	[tilespmem:$0x1A200] =	vst v63  }
0x72e: {  	s17 =	sadd.s32 $0x200, s15;
	s9 =	simm.s32 $0xC200  }
0x72f: {  	[hbm4b:s17+s3] =	stream.linear.scatter [tilespmem:s9], [sflag:$0x3], $0x400, $0x38;
	[tilespmem:$0x1A200] =	vst v63  }
0x730: {  	s18 =	sadd.s32 $0x280, s15;
	s12 =	simm.s32 $0xCA00  }
0x731: {  	[hbm4b:s18+s3] =	stream.linear.scatter [tilespmem:s12], [sflag:$0x3], $0x400, $0x38;
	[tilespmem:$0x1A200] =	vst v63  }
0x732: {  	s19 =	sadd.s32 $0x300, s15;
	s17 =	simm.s32 $0xD200  }
0x733: {  	[hbm4b:s19+s3] =	stream.linear.scatter [tilespmem:s17], [sflag:$0x3], $0x400, $0x38;
	[tilespmem:$0x1A200] =	vst v63  }
0x734: {  	s20 =	sadd.s32 $0x380, s15;
	s18 =	simm.s32 $0xDA00  }
0x735: {  	[hbm4b:s20+s3] =	stream.linear.scatter [tilespmem:s18], [sflag:$0x3], $0x400, $0x38;
	[tilespmem:$0x1A200] =	vst v63  }
0x736: {  	s23 =	sadd.s32 $0x400, s15;
	s19 =	simm.s32 $0xE200  }
0x737: {  	[hbm4b:s23+s3] =	stream.linear.scatter [tilespmem:s19], [sflag:$0x3], $0x400, $0x38;
	[tilespmem:$0x1A200] =	vst v63  }
0x738: {  	s24 =	sadd.s32 $0x480, s15;
	s20 =	simm.s32 $0xEA00  }
0x739: {  	[hbm4b:s24+s3] =	stream.linear.scatter [tilespmem:s20], [sflag:$0x3], $0x400, $0x38;
	[tilespmem:$0x1A200] =	vst v63  }
0x73a: {  	s26 =	sadd.s32 $0x500, s15;
	s23 =	simm.s32 $0xF200  }
0x73b: {  	[hbm4b:s26+s3] =	stream.linear.scatter [tilespmem:s23], [sflag:$0x3], $0x400, $0x38;
	[tilespmem:$0x1A200] =	vst v63  }
0x73c: {  	s30 =	sadd.s32 $0x580, s15;
	s24 =	simm.s32 $0xFA00  }
0x73d: {  	[hbm4b:s30+s3] =	stream.linear.scatter [tilespmem:s24], [sflag:$0x3], $0x400, $0x38;
	[tilespmem:$0x1A200] =	vst v63  }
0x73e: {  	s31 =	sadd.s32 $0x600, s15;
	s30 =	simm.s32 $0x10200  }
0x73f: {  	[hbm4b:s31+s3] =	stream.linear.scatter [tilespmem:s30], [sflag:$0x3], $0x400, $0x38;
	[tilespmem:$0x1A200] =	vst v63  }
0x740: {  	s4 =	sadd.s32 $0x680, s15;
	s31 =	simm.s32 $0x10A00  }
0x741: {  	[hbm4b:s4+s3] =	stream.linear.scatter [tilespmem:s31], [sflag:$0x3], $0x400, $0x38;
	[tilespmem:$0x1A200] =	vst v63  }
0x742: {  	s26 =	sadd.s32 $0x700, s15;
	s4 =	simm.s32 $0x11200  }
0x743: {  	[hbm4b:s26+s3] =	stream.linear.scatter [tilespmem:s4], [sflag:$0x3], $0x400, $0x38;
	[tilespmem:$0x1A200] =	vst v63  }
0x744: {  	s0 =	sadd.s32 $0x780, s15;
	s26 =	simm.s32 $0x11A00  }
0x745: {  	[hbm4b:s0+s3] =	stream.linear.scatter [tilespmem:s26], [sflag:$0x3], $0x400, $0x38;
	[tilespmem:$0x1A200] =	vst v63  }
0x746: {  	_ = 	snop  }
0x747: {  	[hbm4b:s16+s3] =	stream.linear.scatter [tilespmem:s22], [sflag:$0x3], $0x400, $0x38;
	[tilespmem:$0x1A200] =	vst v63  }
0x748: {  	s0 =	sadd.s32 $0x80, s16  }
0x749: {  	[hbm4b:s0+s3] =	stream.linear.scatter [tilespmem:s1], [sflag:$0x3], $0x400, $0x38;
	[tilespmem:$0x1A200] =	vst v63  }
0x74a: {  	s1 =	sadd.s32 $0x100, s16  }
0x74b: {  	[hbm4b:s1+s3] =	stream.linear.scatter [tilespmem:s5], [sflag:$0x3], $0x400, $0x38;
	[tilespmem:$0x1A200] =	vst v63  }
0x74c: {  	s5 =	sadd.s32 $0x180, s16  }
0x74d: {  	[hbm4b:s5+s3] =	stream.linear.scatter [tilespmem:s6], [sflag:$0x3], $0x400, $0x38;
	[tilespmem:$0x1A200] =	vst v63  }
0x74e: {  	s6 =	sadd.s32 $0x200, s16  }
0x74f: {  	[hbm4b:s6+s3] =	stream.linear.scatter [tilespmem:s9], [sflag:$0x3], $0x400, $0x38;
	[tilespmem:$0x1A200] =	vst v63  }
0x750: {  	s1 =	sadd.s32 $0x280, s16  }
0x751: {  	[hbm4b:s1+s3] =	stream.linear.scatter [tilespmem:s12], [sflag:$0x3], $0x400, $0x38;
	[tilespmem:$0x1A200] =	vst v63  }
0x752: {  	s5 =	sadd.s32 $0x300, s16  }
0x753: {  	[hbm4b:s5+s3] =	stream.linear.scatter [tilespmem:s17], [sflag:$0x3], $0x400, $0x38;
	[tilespmem:$0x1A200] =	vst v63  }
0x754: {  	s6 =	sadd.s32 $0x380, s16  }
0x755: {  	[hbm4b:s6+s3] =	stream.linear.scatter [tilespmem:s18], [sflag:$0x3], $0x400, $0x38;
	[tilespmem:$0x1A200] =	vst v63  }
0x756: {  	s9 =	sadd.s32 $0x400, s16  }
0x757: {  	[hbm4b:s9+s3] =	stream.linear.scatter [tilespmem:s19], [sflag:$0x3], $0x400, $0x38;
	[tilespmem:$0x1A200] =	vst v63  }
0x758: {  	s12 =	sadd.s32 $0x480, s16  }
0x759: {  	[hbm4b:s12+s3] =	stream.linear.scatter [tilespmem:s20], [sflag:$0x3], $0x400, $0x38;
	[tilespmem:$0x1A200] =	vst v63  }
0x75a: {  	s17 =	sadd.s32 $0x500, s16  }
0x75b: {  	[hbm4b:s17+s3] =	stream.linear.scatter [tilespmem:s23], [sflag:$0x3], $0x400, $0x38;
	[tilespmem:$0x1A200] =	vst v63  }
0x75c: {  	s18 =	sadd.s32 $0x580, s16  }
0x75d: {  	[hbm4b:s18+s3] =	stream.linear.scatter [tilespmem:s24], [sflag:$0x3], $0x400, $0x38;
	[tilespmem:$0x1A200] =	vst v63  }
0x75e: {  	s19 =	sadd.s32 $0x600, s16  }
0x75f: {  	[hbm4b:s19+s3] =	stream.linear.scatter [tilespmem:s30], [sflag:$0x3], $0x400, $0x38;
	[tilespmem:$0x1A200] =	vst v63  }
0x760: {  	s20 =	sadd.s32 $0x680, s16  }
0x761: {  	[hbm4b:s20+s3] =	stream.linear.scatter [tilespmem:s31], [sflag:$0x3], $0x400, $0x38;
	[tilespmem:$0x1A200] =	vst v63  }
0x762: {  	s23 =	sadd.s32 $0x700, s16  }
0x763: {  	[hbm4b:s23+s3] =	stream.linear.scatter [tilespmem:s4], [sflag:$0x3], $0x400, $0x38;
	[tilespmem:$0x1A200] =	vst v63  }
0x764: {  	s24 =	sadd.s32 $0x780, s16;
	s30 =	simm.s32 $0x4  }
0x765: {  	[hbm4b:s24+s3] =	stream.linear.scatter [tilespmem:s26], [sflag:$0x3], $0x400, $0x38;
	[tilespmem:$0x1A200] =	vst v63  }
0x766: {  	_ =	swait.ge [sflag:s30], $0x4000  }
0x767: {  	[sflag:s30] =	ssyncset.done $0x0  }
0x768: {  	[sflag:s30] =	ssyncadd.s32 $0xFFFFC000  }
0x769: {  	_ =	swait.ge [sflag:s30], $0x4000  }
0x76a: {  	[sflag:s30] =	ssyncset.done $0x0  }
0x76b: {  	[sflag:s30] =	ssyncadd.s32 $0xFFFFC000  }
0x76c: {  	_ =	swait.ge [sflag:s28], $0x4000  }
0x76d: {  	[sflag:s28] =	ssyncset.done $0x0  }
0x76e: {  	[sflag:s28] =	ssyncadd.s32 $0xFFFFC000  }
0x76f: {  	_ =	swait.ge [sflag:s28], $0x4000  }
0x770: {  	s29 =	sadd.s32 $0x1, s29;
	s31 =	rddreg [dreg:$0xa]  }
0x771: {  	p0 =	sne.s32 s29, s31  }
.Ltmp33:
0x772: {  	_ = 	snop;
	(pc) =	sbr.rel @p0 .LBB2_1-.Ltmp33, $3  }
0x773: {  	_ =	sdelay $0x1  }
0x774: {  	[sflag:s28] =	ssyncset.done $0x0  }
0x775: {  	s5 =	simm.s32 $0x6200;
	[sflag:s28] =	ssyncadd.s32 $0xFFFFC000  }
0x776: {  	_ =	sfence.sel $0x180000  }
0x777: {  	[bflag:$0x0] =	sbarrier.arrive $0xFFFF  }
0x778: {  	_ =	strace $0x90000047  }
0x779: {  	s0 =	stileid.u32;
	[bflag:$0x2] =	sbarrier.arrive $0xFFFF  }
0x77a: {  	p0 =	sne.s32 s0, $0x0;
	s0 =	rddreg [dreg:$0x4]  }
0x77b: {  	s0 =	sadd.s32 @!p0 $0x100000, s0  }
0x77c: {  	[sflag:s0] =	ssyncadd.tile.s32 @!p0 $0x1;
	_ =	shalt  }
.Lfunc_end2:
_tile_overlayer_lowered:
.L_overlay_start_2:
0x77d: {  	(tag) =	ssettag $0x2  }
0x77e: {  	s0 =	rddreg [dreg:$0x0];
	s2 =	stileid.u32  }
0x77f: {  	s1 =	rddreg [dreg:$0x1];
	p0 =	sne.s32 s2, $0x0  }
0x780: {  	s3 =	rddreg [dreg:$0x2];
	[bflag:$0x3] =	sbarrier.arrive $0xFFFF;
	s2 =	simm.s32 @!p0 $0x1C05  }
0x781: {  	[timem:s3], [sflag:s2] =	dma.local @!p0 [hbm:s0], s1  }
0x782: {  	s0 =	simm.s32 @!p0 $0x5  }
0x783: {  	_ =	swait.ge @!p0 [sflag:s0], s1  }
0x784: {  	s1 =	ssub.s32 @!p0 $0x0, s1;
	[sflag:s0] =	ssyncset.done @!p0 $0x0  }
0x785: {  	[sflag:s0] =	ssyncadd.s32 @!p0 s1  }
0x786: {  	[bflag:$0x3] =	sbarrier.arrive $0xFFFF  }
0x787: {  	_ =	shalt  }

</sc_bundles>
